<compile_context>
chip_gen: v7x
topology: tpu7x:2x2x1
jax: 0.10.2.dev20260603
libtpu: 0.0.44.dev20260713+nightly
codegen_flags: <defaults>
</compile_context>

<pallas_src>
import functools

import jax
import jax.numpy as jnp
from jax import lax
from jax.experimental import pallas as pl
from jax.experimental.pallas import tpu as pltpu
from jax.experimental.pallas import tpu_sc as plsc

N = 4096
G = 4 * N
NNZ = 671088
DIN = 256
B = 32
T = 16

NC = 2
NS = 16
HB = B // NC
CH = 512
DEPTH = 5
NCHUNK = 85
NNZ_T = CH * NCHUNK
NSTR = 1
NSEG = N // NS
GSEG = G // NS
NNZ_PAD = NS * NNZ_T


def _xproj_body(x_ref, w_ref, b_ref, o_ref):
    o_ref[...] = (
        jnp.dot(x_ref[...], w_ref[...], preferred_element_type=jnp.float32)
        + b_ref[...][None, :]
    )


_xproj_call = pl.pallas_call(
    _xproj_body,
    grid=(G // 512,),
    in_specs=[
        pl.BlockSpec((B * T, DIN), lambda g: (0, 0)),
        pl.BlockSpec((DIN, 512), lambda g: (0, g)),
        pl.BlockSpec((512,), lambda g: (g,)),
    ],
    out_specs=pl.BlockSpec((B * T, 512), lambda g: (0, g)),
    out_shape=jax.ShapeDtypeStruct((B * T, G), jnp.float32),
)


def _splat(v, j):
    idx = jnp.full((16, 1), j, dtype=jnp.int32)
    dnums = lax.GatherDimensionNumbers(
        offset_dims=(), collapsed_slice_dims=(0,), start_index_map=(0,)
    )
    return lax.gather(
        v, idx, dnums, slice_sizes=(1,),
        mode=lax.GatherScatterMode.PROMISE_IN_BOUNDS,
    )


def _sigmoid(x):
    return 1.0 / (1.0 + jnp.exp(-x))


def _tanh(x):
    return 2.0 / (1.0 + jnp.exp(-2.0 * x)) - 1.0


def _sc_body(xp_hbm, idx_hbm, vals_hbm, out_hbm,
             ib0, ib1, ib2, ib3, ib4, vb0, vb1, vb2, vb3, vb4,
             gb0, gb1, gb2, gb3, gb4,
             ibuf, fbuf, g2buf, obuf, cbuf, hbuf,
             h_sh, gates_sh, semI, semG, semS):
    c = lax.axis_index("c")
    s = lax.axis_index("s")
    n0 = s * NSEG
    g0 = s * GSEG
    grp0 = s * (NNZ_T // 128)

    ib = (ib0, ib1, ib2, ib3, ib4)
    vb = (vb0, vb1, vb2, vb3, vb4)
    gb = (gb0, gb1, gb2, gb3, gb4)

    def _fire_idx(k, p):
        pltpu.async_copy(idx_hbm.at[s * NCHUNK + k], ib[p], semI)
        pltpu.async_copy(vals_hbm.at[pl.ds(s * NNZ_T + k * CH, CH)], vb[p], semI)

    def _wait_idx(p):
        pltpu.make_async_copy(idx_hbm.at[0], ib[p], semI).wait()
        pltpu.make_async_copy(vals_hbm.at[pl.ds(0, CH)], vb[p], semI).wait()

    def _fire_gather(p):
        pltpu.async_copy(h_sh.at[ib[p].at[0]], gb[p], semG)

    def _wait_gather(p):
        pltpu.make_async_copy(h_sh.at[ib[p].at[0]], gb[p], semG).wait()

    def _fire_scatter(p):
        pltpu.async_copy(gb[p], gates_sh.at[ib[p].at[1]], semS, add=True)

    def _wait_scatter(p):
        pltpu.make_async_copy(gb[p], gates_sh.at[ib[p].at[1]], semS).wait()

    def _mult(p):
        @plsc.parallel_loop(0, CH // 16, unroll=2)
        def _body(q):
            vv = vb[p][pl.ds(q * 16, 16)]
            base = q * 16
            for j in range(16):
                gb[p][base + j] = gb[p][base + j] * _splat(vv, j)

    def _zero(r, carry):
        hbuf[r] = jnp.zeros((HB,), jnp.float32)
        cbuf[r] = jnp.zeros((HB,), jnp.float32)
        return carry

    lax.fori_loop(0, NSEG, _zero, 0)
    pltpu.sync_copy(hbuf, h_sh.at[pl.ds(n0, NSEG)])
    plsc.subcore_barrier()

    def _step(t, carry):
        pltpu.sync_copy(xp_hbm.at[c, t, pl.ds(g0, GSEG)], gates_sh.at[pl.ds(g0, GSEG)])
        plsc.subcore_barrier()

        _fire_idx(0, 0)
        _fire_idx(1, 1)
        _wait_idx(0)
        _fire_gather(0)

        def _penta(i, carry2):
            for off in range(DEPTH):
                k = DEPTH * i + off
                p = off

                @pl.when(k >= 2)
                def _():
                    _wait_scatter((off - 2) % DEPTH)

                @pl.when(k + 2 < NCHUNK)
                def _():
                    _fire_idx(k + 2, (off + 2) % DEPTH)

                @pl.when(k + 1 < NCHUNK)
                def _():
                    _wait_idx((off + 1) % DEPTH)
                    _fire_gather((off + 1) % DEPTH)

                _wait_gather(p)
                _mult(p)
                _fire_scatter(p)
            return carry2

        lax.fori_loop(0, NCHUNK // DEPTH, _penta, 0)
        _wait_scatter((NCHUNK - 2) % DEPTH)
        _wait_scatter((NCHUNK - 1) % DEPTH)
        plsc.subcore_barrier()

        pltpu.sync_copy(gates_sh.at[pl.ds(n0, NSEG)], ibuf)
        pltpu.sync_copy(gates_sh.at[pl.ds(N + n0, NSEG)], fbuf)
        pltpu.sync_copy(gates_sh.at[pl.ds(2 * N + n0, NSEG)], g2buf)
        pltpu.sync_copy(gates_sh.at[pl.ds(3 * N + n0, NSEG)], obuf)

        def _ew(r, carry2):
            cn = _sigmoid(fbuf[r]) * cbuf[r] + _sigmoid(ibuf[r]) * _tanh(g2buf[r])
            cbuf[r] = cn
            hbuf[r] = _sigmoid(obuf[r]) * _tanh(cn)
            return carry2

        lax.fori_loop(0, NSEG, _ew, 0)
        pltpu.sync_copy(hbuf, h_sh.at[pl.ds(n0, NSEG)])
        pltpu.sync_copy(hbuf, out_hbm.at[c, t, pl.ds(n0, NSEG)])
        plsc.subcore_barrier()
        return carry

    lax.fori_loop(0, T, _step, 0)


_sc_call = pl.kernel(
    _sc_body,
    out_type=jax.ShapeDtypeStruct((NC, T, N, HB), jnp.float32),
    mesh=plsc.VectorSubcoreMesh(core_axis_name="c", subcore_axis_name="s"),
    scratch_types=[
        pltpu.VMEM((2, CH), jnp.int32),
        pltpu.VMEM((2, CH), jnp.int32),
        pltpu.VMEM((2, CH), jnp.int32),
        pltpu.VMEM((2, CH), jnp.int32),
        pltpu.VMEM((2, CH), jnp.int32),
        pltpu.VMEM((CH,), jnp.float32),
        pltpu.VMEM((CH,), jnp.float32),
        pltpu.VMEM((CH,), jnp.float32),
        pltpu.VMEM((CH,), jnp.float32),
        pltpu.VMEM((CH,), jnp.float32),
        pltpu.VMEM((CH, HB), jnp.float32),
        pltpu.VMEM((CH, HB), jnp.float32),
        pltpu.VMEM((CH, HB), jnp.float32),
        pltpu.VMEM((CH, HB), jnp.float32),
        pltpu.VMEM((CH, HB), jnp.float32),
        pltpu.VMEM((NSEG, HB), jnp.float32),
        pltpu.VMEM((NSEG, HB), jnp.float32),
        pltpu.VMEM((NSEG, HB), jnp.float32),
        pltpu.VMEM((NSEG, HB), jnp.float32),
        pltpu.VMEM((NSEG, HB), jnp.float32),
        pltpu.VMEM((NSEG, HB), jnp.float32),
        pltpu.VMEM_SHARED((N, HB), jnp.float32),
        pltpu.VMEM_SHARED((G, HB), jnp.float32),
        pltpu.SemaphoreType.DMA,
        pltpu.SemaphoreType.DMA,
        pltpu.SemaphoreType.DMA,
    ],
    compiler_params=pltpu.CompilerParams(use_tc_tiling_on_sc=False),
)


def kernel(inputs, W_in, rows, cols, vals, bias):
    xproj = _xproj_call(inputs.reshape(B * T, DIN), W_in, bias)
    xp4 = xproj.reshape(NC, HB, T, G).transpose(0, 2, 3, 1)

    npad = NNZ_PAD - NNZ
    pad_ar = jnp.arange(npad, dtype=jnp.int32)
    rows_p = jnp.concatenate([rows, pad_ar % N]).reshape(NNZ_PAD // CH, 1, CH)
    cols_p = jnp.concatenate([cols, pad_ar % G]).reshape(NNZ_PAD // CH, 1, CH)
    idx_p = jnp.concatenate([rows_p, cols_p], axis=1)
    vals_p = jnp.concatenate([vals, jnp.zeros((npad,), jnp.float32)])

    hs4 = _sc_call(xp4, idx_p, vals_p)
    return hs4.transpose(0, 3, 1, 2).reshape(B, T, N)

# --- scband reference (transcript-rebuilt; emitter-appended) ---
"""Pipeline reference for scband-lstmsparse-reservoir-1245540516183 (READ-ONLY COPY).

The authoritative reference and input builder live on the scoring server;
editing this copy changes nothing except your own understanding.
"""

import jax, jax.numpy as jnp
import numpy as np

N = 4096
GATE = 4 * N
NNZ = 671088
DIN = 256
B = 32
T = 16

def setup_inputs(seed: int = 0) -> dict:
    key = jax.random.key(seed)
    k1, k2, k3, k4, k5 = jax.random.split(key, 5)
    inputs = jax.random.normal(k1, (B, T, DIN), dtype=jnp.float32)
    W_in = jax.random.normal(k2, (DIN, GATE), dtype=jnp.float32) * 0.02
    rows = jax.random.randint(k3, (NNZ,), 0, N, dtype=jnp.int32)
    cols = jax.random.randint(k4, (NNZ,), 0, GATE, dtype=jnp.int32)
    vals = jax.random.normal(k5, (NNZ,), dtype=jnp.float32) * np.float32(1.0 / np.sqrt(N * 0.01))
    bias = jnp.zeros((GATE,), dtype=jnp.float32)
    return {"inputs": inputs, "W_in": W_in, "rows": rows, "cols": cols, "vals": vals, "bias": bias}

def _spmm(h, rows, cols, vals):
    # sparse recurrent matmul: h [B, N] x sparse kernel [N, GATE] (COO rows/cols/vals)
    gathered = h[:, rows] * vals  # gather (SparseCore-friendly)
    return jnp.zeros((h.shape[0], GATE), dtype=h.dtype).at[:, cols].add(gathered)  # scatter-add

def reference(inputs, W_in, rows, cols, vals, bias):
    # LSTM whose recurrent kernel is a fixed sparse reservoir (tf.sparse.sparse_dense_matmul analog)
    xproj = jnp.einsum('btd,dg->btg', inputs, W_in) + bias  # precomputed input projection + bias

    def step(carry, xt):
        h, c = carry
        gates = xt + _spmm(h, rows, cols, vals)
        i, f, g, o = jnp.split(gates, 4, axis=-1)
        c_new = jax.nn.sigmoid(f) * c + jax.nn.sigmoid(i) * jnp.tanh(g)
        h_new = jax.nn.sigmoid(o) * jnp.tanh(c_new)
        return (h_new, c_new), h_new

    h0 = jnp.zeros((B, N), dtype=jnp.float32)
    c0 = jnp.zeros((B, N), dtype=jnp.float32)
    (_, _), hs = jax.lax.scan(step, (h0, c0), jnp.swapaxes(xproj, 0, 1))
    return jnp.swapaxes(hs, 0, 1)  # [B, T, N]

if __name__ == "__main__":
    import jax
    _d = setup_inputs()
    print(jax.jit(kernel)(*tuple(_d.values())))

</pallas_src>

<mosaic_0001>
#map = affine_map<(d0, d1) -> (0, 0, 0, 0)>
#map1 = affine_map<(d0, d1) -> (0, 0, 0)>
#map2 = affine_map<(d0, d1) -> (0)>
module attributes {stable_mosaic.version = 14 : i64} {
  func.func @_sc_body(%arg0: i32, %arg1: i32, %arg2: memref<2x16x16384x16xf32, #tpu.memory_space<hbm>>, %arg3: memref<1360x2x512xi32, #tpu.memory_space<hbm>>, %arg4: memref<696320xf32, #tpu.memory_space<hbm>>, %arg5: memref<2x16x4096x16xf32, #tpu.memory_space<hbm>>, %arg6: memref<2x512xi32, #tpu.memory_space<vmem>>, %arg7: memref<2x512xi32, #tpu.memory_space<vmem>>, %arg8: memref<2x512xi32, #tpu.memory_space<vmem>>, %arg9: memref<2x512xi32, #tpu.memory_space<vmem>>, %arg10: memref<2x512xi32, #tpu.memory_space<vmem>>, %arg11: memref<512xf32, #tpu.memory_space<vmem>>, %arg12: memref<512xf32, #tpu.memory_space<vmem>>, %arg13: memref<512xf32, #tpu.memory_space<vmem>>, %arg14: memref<512xf32, #tpu.memory_space<vmem>>, %arg15: memref<512xf32, #tpu.memory_space<vmem>>, %arg16: memref<512x16xf32, #tpu.memory_space<vmem>>, %arg17: memref<512x16xf32, #tpu.memory_space<vmem>>, %arg18: memref<512x16xf32, #tpu.memory_space<vmem>>, %arg19: memref<512x16xf32, #tpu.memory_space<vmem>>, %arg20: memref<512x16xf32, #tpu.memory_space<vmem>>, %arg21: memref<256x16xf32, #tpu.memory_space<vmem>>, %arg22: memref<256x16xf32, #tpu.memory_space<vmem>>, %arg23: memref<256x16xf32, #tpu.memory_space<vmem>>, %arg24: memref<256x16xf32, #tpu.memory_space<vmem>>, %arg25: memref<256x16xf32, #tpu.memory_space<vmem>>, %arg26: memref<256x16xf32, #tpu.memory_space<vmem>>, %arg27: memref<4096x16xf32, #tpu.memory_space<vmem_shared>>, %arg28: memref<16384x16xf32, #tpu.memory_space<vmem_shared>>, %arg29: memref<!tpu.dma_semaphore, #tpu.memory_space<semaphore_mem>>, %arg30: memref<!tpu.dma_semaphore, #tpu.memory_space<semaphore_mem>>, %arg31: memref<!tpu.dma_semaphore, #tpu.memory_space<semaphore_mem>>) attributes {dimension_semantics = [#tpu.dimension_semantics<core_parallel>, #tpu.dimension_semantics<subcore_parallel>], iteration_bounds = array<i64: 2, 16>, scalar_prefetch = 0 : i64, scratch_operands = 26 : i64, tpu.core_type = #tpu.core_type<sc_vector_subcore>, window_params = [{transform_indices = #map}, {transform_indices = #map1}, {transform_indices = #map2}, {transform_indices = #map}]} {
    %mul3A = arith.constant 256 : i32
    %mul3A_0 = arith.muli %arg1, %mul3A : i32
    %mul3A_1 = arith.constant 1024 : i32
    %mul3A_2 = arith.muli %arg1, %mul3A_1 : i32
    %mul3A_3 = arith.constant 340 : i32
    %mul3A_4 = arith.muli %arg1, %mul3A_3 : i32
    %scan3A = arith.constant 0 : i32
    %scan3A_5 = arith.constant 0 : i32
    %scan3A_6 = arith.constant 256 : i32
    %scan3A_7 = arith.addi %scan3A_5, %scan3A_6 : i32
    %scan3A_8 = arith.constant 1 : i32
    scf.for %scan3A_16 = %scan3A_5 to %scan3A_7 step %scan3A_8  : i32 {
      %broadcast_in_dim3A = arith.constant 0.000000e+00 : f32
      %broadcast_in_dim3A_17 = vector.broadcast %broadcast_in_dim3A : f32 to vector<16xf32>
      %swap3A = arith.index_cast %scan3A_16 : i32 to index
      %swap3A_18 = arith.constant 0 : index
      %swap3A_19 = tpu.vector_load %arg26[%swap3A, %swap3A_18] {strides = array<i32>} : memref<256x16xf32, #tpu.memory_space<vmem>>, vector<1x16xf32>,
      %swap3A_20 = vector.shape_cast %swap3A_19 : vector<1x16xf32> to vector<16xf32>
      %swap3A_21 = vector.shape_cast %broadcast_in_dim3A_17 : vector<16xf32> to vector<1x16xf32>
      tpu.vector_store %arg26[%swap3A, %swap3A_18], %swap3A_21 {strides = array<i32>} : memref<256x16xf32, #tpu.memory_space<vmem>>, vector<1x16xf32>,
      %broadcast_in_dim3A_22 = arith.constant 0.000000e+00 : f32
      %broadcast_in_dim3A_23 = vector.broadcast %broadcast_in_dim3A_22 : f32 to vector<16xf32>
      %swap3A_24 = arith.index_cast %scan3A_16 : i32 to index
      %swap3A_25 = arith.constant 0 : index
      %swap3A_26 = tpu.vector_load %arg25[%swap3A_24, %swap3A_25] {strides = array<i32>} : memref<256x16xf32, #tpu.memory_space<vmem>>, vector<1x16xf32>,
      %swap3A_27 = vector.shape_cast %swap3A_26 : vector<1x16xf32> to vector<16xf32>
      %swap3A_28 = vector.shape_cast %broadcast_in_dim3A_23 : vector<16xf32> to vector<1x16xf32>
      tpu.vector_store %arg25[%swap3A_24, %swap3A_25], %swap3A_28 {strides = array<i32>} : memref<256x16xf32, #tpu.memory_space<vmem>>, vector<1x16xf32>,
    }
    %scan3A_9 = arith.constant 256 : i32
    "tpu.region"() ({
      %run_scoped3A = tpu.sem_alloc : memref<!tpu.dma_semaphore, #tpu.memory_space<semaphore_mem>>
      %dma_start3A = arith.constant 0 : i32
      %dma_start3A_16 = tpu.memref_slice %arg27[%mul3A_0, %dma_start3A] : memref<4096x16xf32, #tpu.memory_space<vmem_shared>> -> memref<256x16xf32, #tpu.memory_space<vmem_shared>>
      %dma_start3A_17 = arith.constant 0 : i32
      %dma_start3A_18 = tpu.memref_slice %arg27[%mul3A_0, %dma_start3A_17] : memref<4096x16xf32, #tpu.memory_space<vmem_shared>> -> memref<256x16xf32, #tpu.memory_space<vmem_shared>>
      tpu.enqueue_dma source(%arg26 : memref<256x16xf32, #tpu.memory_space<vmem>>) target(%dma_start3A_18 : memref<256x16xf32, #tpu.memory_space<vmem_shared>>) target_semaphore(%run_scoped3A : memref<!tpu.dma_semaphore, #tpu.memory_space<semaphore_mem>>)
      %dma_wait3A = arith.constant 0 : i32
      %dma_wait3A_19 = tpu.memref_slice %arg27[%mul3A_0, %dma_wait3A] : memref<4096x16xf32, #tpu.memory_space<vmem_shared>> -> memref<256x16xf32, #tpu.memory_space<vmem_shared>>
      %dma_wait3A_20 = arith.constant 0 : i32
      %dma_wait3A_21 = tpu.memref_slice %arg27[%mul3A_0, %dma_wait3A_20] : memref<4096x16xf32, #tpu.memory_space<vmem_shared>> -> memref<256x16xf32, #tpu.memory_space<vmem_shared>>
      tpu.wait_dma2 semaphore(%run_scoped3A : memref<!tpu.dma_semaphore, #tpu.memory_space<semaphore_mem>>) src(%arg26 : memref<256x16xf32, #tpu.memory_space<vmem>>) dst(%dma_wait3A_21 : memref<256x16xf32, #tpu.memory_space<vmem_shared>>)
      tpu.yield
    }) : () -> ()
    %barrier3A = arith.constant 0 : index
    tpu.barrier barrier_id(%barrier3A)
    %scan3A_10 = arith.constant 0 : i32
    %scan3A_11 = arith.constant 0 : i32
    %scan3A_12 = arith.constant 16 : i32
    %scan3A_13 = arith.addi %scan3A_11, %scan3A_12 : i32
    %scan3A_14 = arith.constant 1 : i32
    scf.for %scan3A_16 = %scan3A_11 to %scan3A_13 step %scan3A_14  : i32 {
      "tpu.region"() ({
        %run_scoped3A = tpu.sem_alloc : memref<!tpu.dma_semaphore, #tpu.memory_space<semaphore_mem>>
        %dma_start3A_105 = arith.constant 0 : i32
        %dma_start3A_106 = tpu.memref_slice %arg28[%mul3A_2, %dma_start3A_105] : memref<16384x16xf32, #tpu.memory_space<vmem_shared>> -> memref<1024x16xf32, #tpu.memory_space<vmem_shared>>
        %dma_start3A_107 = arith.constant 0 : i32
        %dma_start3A_108 = tpu.memref_slice %arg2[%arg0, %scan3A_16, %mul3A_2, %dma_start3A_107] : memref<2x16x16384x16xf32, #tpu.memory_space<hbm>> -> memref<1x1x1024x16xf32, #tpu.memory_space<hbm>>
        %dma_start3A_109 = tpu.memref_squeeze %dma_start3A_108 : memref<1x1x1024x16xf32, #tpu.memory_space<hbm>> -> memref<1024x16xf32, #tpu.memory_space<hbm>>
        tpu.enqueue_dma source(%dma_start3A_109 : memref<1024x16xf32, #tpu.memory_space<hbm>>) target(%dma_start3A_106 : memref<1024x16xf32, #tpu.memory_space<vmem_shared>>) target_semaphore(%run_scoped3A : memref<!tpu.dma_semaphore, #tpu.memory_space<semaphore_mem>>)
        %dma_wait3A_110 = arith.constant 0 : i32
        %dma_wait3A_111 = tpu.memref_slice %arg28[%mul3A_2, %dma_wait3A_110] : memref<16384x16xf32, #tpu.memory_space<vmem_shared>> -> memref<1024x16xf32, #tpu.memory_space<vmem_shared>>
        %dma_wait3A_112 = arith.constant 0 : i32
        %dma_wait3A_113 = tpu.memref_slice %arg2[%arg0, %scan3A_16, %mul3A_2, %dma_wait3A_112] : memref<2x16x16384x16xf32, #tpu.memory_space<hbm>> -> memref<1x1x1024x16xf32, #tpu.memory_space<hbm>>
        %dma_wait3A_114 = tpu.memref_squeeze %dma_wait3A_113 : memref<1x1x1024x16xf32, #tpu.memory_space<hbm>> -> memref<1024x16xf32, #tpu.memory_space<hbm>>
        tpu.wait_dma2 semaphore(%run_scoped3A : memref<!tpu.dma_semaphore, #tpu.memory_space<semaphore_mem>>) src(%dma_wait3A_114 : memref<1024x16xf32, #tpu.memory_space<hbm>>) dst(%dma_wait3A_111 : memref<1024x16xf32, #tpu.memory_space<vmem_shared>>)
        tpu.yield
      }) : () -> ()
      %barrier3A_17 = arith.constant 0 : index
      tpu.barrier barrier_id(%barrier3A_17)
      %mul3A_18 = arith.constant 85 : i32
      %mul3A_19 = arith.muli %arg1, %mul3A_18 : i32
      %add3A = arith.constant 0 : i32
      %add3A_20 = arith.addi %mul3A_19, %add3A : i32
      %dma_start3A = arith.constant 0 : i32
      %dma_start3A_21 = arith.constant 0 : i32
      %dma_start3A_22 = tpu.memref_slice %arg3[%add3A_20, %dma_start3A, %dma_start3A_21] : memref<1360x2x512xi32, #tpu.memory_space<hbm>> -> memref<1x2x512xi32, #tpu.memory_space<hbm>>
      %dma_start3A_23 = tpu.memref_squeeze %dma_start3A_22 : memref<1x2x512xi32, #tpu.memory_space<hbm>> -> memref<2x512xi32, #tpu.memory_space<hbm>>
      %dma_start3A_24 = arith.constant 0 : i32
      %dma_start3A_25 = arith.constant 0 : i32
      %dma_start3A_26 = tpu.memref_slice %arg3[%add3A_20, %dma_start3A_24, %dma_start3A_25] : memref<1360x2x512xi32, #tpu.memory_space<hbm>> -> memref<1x2x512xi32, #tpu.memory_space<hbm>>
      %dma_start3A_27 = tpu.memref_squeeze %dma_start3A_26 : memref<1x2x512xi32, #tpu.memory_space<hbm>> -> memref<2x512xi32, #tpu.memory_space<hbm>>
      tpu.enqueue_dma source(%dma_start3A_27 : memref<2x512xi32, #tpu.memory_space<hbm>>) target(%arg6 : memref<2x512xi32, #tpu.memory_space<vmem>>) target_semaphore(%arg29 : memref<!tpu.dma_semaphore, #tpu.memory_space<semaphore_mem>>)
      %mul3A_28 = arith.constant 43520 : i32
      %mul3A_29 = arith.muli %arg1, %mul3A_28 : i32
      %add3A_30 = arith.constant 0 : i32
      %add3A_31 = arith.addi %mul3A_29, %add3A_30 : i32
      %dma_start3A_32 = tpu.memref_slice %arg4[%add3A_31] : memref<696320xf32, #tpu.memory_space<hbm>> -> memref<512xf32, #tpu.memory_space<hbm>>
      %dma_start3A_33 = tpu.memref_slice %arg4[%add3A_31] : memref<696320xf32, #tpu.memory_space<hbm>> -> memref<512xf32, #tpu.memory_space<hbm>>
      tpu.enqueue_dma source(%dma_start3A_33 : memref<512xf32, #tpu.memory_space<hbm>>) target(%arg11 : memref<512xf32, #tpu.memory_space<vmem>>) target_semaphore(%arg29 : memref<!tpu.dma_semaphore, #tpu.memory_space<semaphore_mem>>)
      %mul3A_34 = arith.constant 85 : i32
      %mul3A_35 = arith.muli %arg1, %mul3A_34 : i32
      %add3A_36 = arith.constant 1 : i32
      %add3A_37 = arith.addi %mul3A_35, %add3A_36 : i32
      %dma_start3A_38 = arith.constant 0 : i32
      %dma_start3A_39 = arith.constant 0 : i32
      %dma_start3A_40 = tpu.memref_slice %arg3[%add3A_37, %dma_start3A_38, %dma_start3A_39] : memref<1360x2x512xi32, #tpu.memory_space<hbm>> -> memref<1x2x512xi32, #tpu.memory_space<hbm>>
      %dma_start3A_41 = tpu.memref_squeeze %dma_start3A_40 : memref<1x2x512xi32, #tpu.memory_space<hbm>> -> memref<2x512xi32, #tpu.memory_space<hbm>>
      %dma_start3A_42 = arith.constant 0 : i32
      %dma_start3A_43 = arith.constant 0 : i32
      %dma_start3A_44 = tpu.memref_slice %arg3[%add3A_37, %dma_start3A_42, %dma_start3A_43] : memref<1360x2x512xi32, #tpu.memory_space<hbm>> -> memref<1x2x512xi32, #tpu.memory_space<hbm>>
      %dma_start3A_45 = tpu.memref_squeeze %dma_start3A_44 : memref<1x2x512xi32, #tpu.memory_space<hbm>> -> memref<2x512xi32, #tpu.memory_space<hbm>>
      tpu.enqueue_dma source(%dma_start3A_45 : memref<2x512xi32, #tpu.memory_space<hbm>>) target(%arg7 : memref<2x512xi32, #tpu.memory_space<vmem>>) target_semaphore(%arg29 : memref<!tpu.dma_semaphore, #tpu.memory_space<semaphore_mem>>)
      %mul3A_46 = arith.constant 43520 : i32
      %mul3A_47 = arith.muli %arg1, %mul3A_46 : i32
      %add3A_48 = arith.constant 512 : i32
      %add3A_49 = arith.addi %mul3A_47, %add3A_48 : i32
      %dma_start3A_50 = tpu.memref_slice %arg4[%add3A_49] : memref<696320xf32, #tpu.memory_space<hbm>> -> memref<512xf32, #tpu.memory_space<hbm>>
      %dma_start3A_51 = tpu.memref_slice %arg4[%add3A_49] : memref<696320xf32, #tpu.memory_space<hbm>> -> memref<512xf32, #tpu.memory_space<hbm>>
      tpu.enqueue_dma source(%dma_start3A_51 : memref<512xf32, #tpu.memory_space<hbm>>) target(%arg12 : memref<512xf32, #tpu.memory_space<vmem>>) target_semaphore(%arg29 : memref<!tpu.dma_semaphore, #tpu.memory_space<semaphore_mem>>)
      %dma_wait3A = arith.constant 0 : i32
      %dma_wait3A_52 = arith.constant 0 : i32
      %dma_wait3A_53 = arith.constant 0 : i32
      %dma_wait3A_54 = tpu.memref_slice %arg3[%dma_wait3A, %dma_wait3A_52, %dma_wait3A_53] : memref<1360x2x512xi32, #tpu.memory_space<hbm>> -> memref<1x2x512xi32, #tpu.memory_space<hbm>>
      %dma_wait3A_55 = tpu.memref_squeeze %dma_wait3A_54 : memref<1x2x512xi32, #tpu.memory_space<hbm>> -> memref<2x512xi32, #tpu.memory_space<hbm>>
      %dma_wait3A_56 = arith.constant 0 : i32
      %dma_wait3A_57 = arith.constant 0 : i32
      %dma_wait3A_58 = tpu.memref_slice %arg3[%dma_wait3A, %dma_wait3A_56, %dma_wait3A_57] : memref<1360x2x512xi32, #tpu.memory_space<hbm>> -> memref<1x2x512xi32, #tpu.memory_space<hbm>>
      %dma_wait3A_59 = tpu.memref_squeeze %dma_wait3A_58 : memref<1x2x512xi32, #tpu.memory_space<hbm>> -> memref<2x512xi32, #tpu.memory_space<hbm>>
      tpu.wait_dma2 semaphore(%arg29 : memref<!tpu.dma_semaphore, #tpu.memory_space<semaphore_mem>>) src(%dma_wait3A_59 : memref<2x512xi32, #tpu.memory_space<hbm>>) dst(%arg6 : memref<2x512xi32, #tpu.memory_space<vmem>>)
      %dma_wait3A_60 = arith.constant 0 : i32
      %dma_wait3A_61 = tpu.memref_slice %arg4[%dma_wait3A_60] : memref<696320xf32, #tpu.memory_space<hbm>> -> memref<512xf32, #tpu.memory_space<hbm>>
      %dma_wait3A_62 = arith.constant 0 : i32
      %dma_wait3A_63 = tpu.memref_slice %arg4[%dma_wait3A_62] : memref<696320xf32, #tpu.memory_space<hbm>> -> memref<512xf32, #tpu.memory_space<hbm>>
      tpu.wait_dma2 semaphore(%arg29 : memref<!tpu.dma_semaphore, #tpu.memory_space<semaphore_mem>>) src(%dma_wait3A_63 : memref<512xf32, #tpu.memory_space<hbm>>) dst(%arg11 : memref<512xf32, #tpu.memory_space<vmem>>)
      %dma_start3A_64 = arith.constant 0 : i32
      %dma_start3A_65 = arith.constant 0 : i32
      %dma_start3A_66 = tpu.memref_slice %arg6[%dma_start3A_64, %dma_start3A_65] : memref<2x512xi32, #tpu.memory_space<vmem>> -> memref<1x512xi32, #tpu.memory_space<vmem>>
      %dma_start3A_67 = tpu.memref_squeeze %dma_start3A_66 : memref<1x512xi32, #tpu.memory_space<vmem>> -> memref<512xi32, #tpu.memory_space<vmem>>
      %dma_start3A_68 = arith.constant 0 : i32
      %dma_start3A_69 = arith.constant 0 : i32
      %dma_start3A_70 = tpu.memref_slice %arg27[%dma_start3A_68, %dma_start3A_69] : memref<4096x16xf32, #tpu.memory_space<vmem_shared>> -> memref<4096x16xf32, #tpu.memory_space<vmem_shared>>
      tpu.enqueue_indirect_dma source(%dma_start3A_70 : memref<4096x16xf32, #tpu.memory_space<vmem_shared>>) target(%arg16 : memref<512x16xf32, #tpu.memory_space<vmem>>) offsets(%dma_start3A_67 : memref<512xi32, #tpu.memory_space<vmem>>) semaphore(%arg30 : memref<!tpu.dma_semaphore, #tpu.memory_space<semaphore_mem>>)
      %scan3A_71 = arith.constant 0 : i32
      %scan3A_72 = arith.constant 0 : i32
      %scan3A_73 = arith.constant 17 : i32
      %scan3A_74 = arith.addi %scan3A_72, %scan3A_73 : i32
      %scan3A_75 = arith.constant 1 : i32
      scf.for %scan3A_105 = %scan3A_72 to %scan3A_74 step %scan3A_75  : i32 {
        %mul3A_106 = arith.constant 5 : i32
        %mul3A_107 = arith.muli %mul3A_106, %scan3A_105 : i32
        %add3A_108 = arith.constant 0 : i32
        %add3A_109 = arith.addi %mul3A_107, %add3A_108 : i32
        %ge3A = arith.constant 2 : i32
        %ge3A_110 = arith.cmpi sge, %add3A_109, %ge3A : i32
        %convert_element_type3A = arith.extui %ge3A_110 : i1 to i32
        %cond3A = arith.constant 0 : i32
        %cond3A_111 = arith.cmpi ne, %convert_element_type3A, %cond3A : i32
        scf.if %cond3A_111 {
          %dma_wait3A_301 = arith.constant 1 : i32
          %dma_wait3A_302 = arith.constant 0 : i32
          %dma_wait3A_303 = tpu.memref_slice %arg9[%dma_wait3A_301, %dma_wait3A_302] : memref<2x512xi32, #tpu.memory_space<vmem>> -> memref<1x512xi32, #tpu.memory_space<vmem>>
          %dma_wait3A_304 = tpu.memref_squeeze %dma_wait3A_303 : memref<1x512xi32, #tpu.memory_space<vmem>> -> memref<512xi32, #tpu.memory_space<vmem>>
          %dma_wait3A_305 = arith.constant 0 : i32
          %dma_wait3A_306 = arith.constant 0 : i32
          %dma_wait3A_307 = tpu.memref_slice %arg28[%dma_wait3A_305, %dma_wait3A_306] : memref<16384x16xf32, #tpu.memory_space<vmem_shared>> -> memref<16384x16xf32, #tpu.memory_space<vmem_shared>>
          tpu.wait_indirect_dma semaphore(%arg31 : memref<!tpu.dma_semaphore, #tpu.memory_space<semaphore_mem>>) src(%arg19 : memref<512x16xf32, #tpu.memory_space<vmem>>) dst(%dma_wait3A_307 : memref<16384x16xf32, #tpu.memory_space<vmem_shared>>)
        } else {
        }
        %add3A_112 = arith.constant 2 : i32
        %add3A_113 = arith.addi %add3A_109, %add3A_112 : i32
        %lt3A = arith.constant 85 : i32
        %lt3A_114 = arith.cmpi slt, %add3A_113, %lt3A : i32
        %convert_element_type3A_115 = arith.extui %lt3A_114 : i1 to i32
        %cond3A_116 = arith.constant 0 : i32
        %cond3A_117 = arith.cmpi ne, %convert_element_type3A_115, %cond3A_116 : i32
        scf.if %cond3A_117 {
          %add3A_301 = arith.constant 2 : i32
          %add3A_302 = arith.addi %add3A_109, %add3A_301 : i32
          %mul3A_303 = arith.constant 85 : i32
          %mul3A_304 = arith.muli %arg1, %mul3A_303 : i32
          %add3A_305 = arith.addi %mul3A_304, %add3A_302 : i32
          %dma_start3A_306 = arith.constant 0 : i32
          %dma_start3A_307 = arith.constant 0 : i32
          %dma_start3A_308 = tpu.memref_slice %arg3[%add3A_305, %dma_start3A_306, %dma_start3A_307] : memref<1360x2x512xi32, #tpu.memory_space<hbm>> -> memref<1x2x512xi32, #tpu.memory_space<hbm>>
          %dma_start3A_309 = tpu.memref_squeeze %dma_start3A_308 : memref<1x2x512xi32, #tpu.memory_space<hbm>> -> memref<2x512xi32, #tpu.memory_space<hbm>>
          %dma_start3A_310 = arith.constant 0 : i32
          %dma_start3A_311 = arith.constant 0 : i32
          %dma_start3A_312 = tpu.memref_slice %arg3[%add3A_305, %dma_start3A_310, %dma_start3A_311] : memref<1360x2x512xi32, #tpu.memory_space<hbm>> -> memref<1x2x512xi32, #tpu.memory_space<hbm>>
          %dma_start3A_313 = tpu.memref_squeeze %dma_start3A_312 : memref<1x2x512xi32, #tpu.memory_space<hbm>> -> memref<2x512xi32, #tpu.memory_space<hbm>>
          tpu.enqueue_dma source(%dma_start3A_313 : memref<2x512xi32, #tpu.memory_space<hbm>>) target(%arg8 : memref<2x512xi32, #tpu.memory_space<vmem>>) target_semaphore(%arg29 : memref<!tpu.dma_semaphore, #tpu.memory_space<semaphore_mem>>)
          %mul3A_314 = arith.constant 43520 : i32
          %mul3A_315 = arith.muli %arg1, %mul3A_314 : i32
          %mul3A_316 = arith.constant 512 : i32
          %mul3A_317 = arith.muli %add3A_302, %mul3A_316 : i32
          %add3A_318 = arith.addi %mul3A_315, %mul3A_317 : i32
          %dma_start3A_319 = tpu.memref_slice %arg4[%add3A_318] : memref<696320xf32, #tpu.memory_space<hbm>> -> memref<512xf32, #tpu.memory_space<hbm>>
          %dma_start3A_320 = tpu.memref_slice %arg4[%add3A_318] : memref<696320xf32, #tpu.memory_space<hbm>> -> memref<512xf32, #tpu.memory_space<hbm>>
          tpu.enqueue_dma source(%dma_start3A_320 : memref<512xf32, #tpu.memory_space<hbm>>) target(%arg13 : memref<512xf32, #tpu.memory_space<vmem>>) target_semaphore(%arg29 : memref<!tpu.dma_semaphore, #tpu.memory_space<semaphore_mem>>)
        } else {
        }
        %add3A_118 = arith.constant 1 : i32
        %add3A_119 = arith.addi %add3A_109, %add3A_118 : i32
        %lt3A_120 = arith.constant 85 : i32
        %lt3A_121 = arith.cmpi slt, %add3A_119, %lt3A_120 : i32
        %convert_element_type3A_122 = arith.extui %lt3A_121 : i1 to i32
        %cond3A_123 = arith.constant 0 : i32
        %cond3A_124 = arith.cmpi ne, %convert_element_type3A_122, %cond3A_123 : i32
        scf.if %cond3A_124 {
          %dma_wait3A_301 = arith.constant 0 : i32
          %dma_wait3A_302 = arith.constant 0 : i32
          %dma_wait3A_303 = arith.constant 0 : i32
          %dma_wait3A_304 = tpu.memref_slice %arg3[%dma_wait3A_301, %dma_wait3A_302, %dma_wait3A_303] : memref<1360x2x512xi32, #tpu.memory_space<hbm>> -> memref<1x2x512xi32, #tpu.memory_space<hbm>>
          %dma_wait3A_305 = tpu.memref_squeeze %dma_wait3A_304 : memref<1x2x512xi32, #tpu.memory_space<hbm>> -> memref<2x512xi32, #tpu.memory_space<hbm>>
          %dma_wait3A_306 = arith.constant 0 : i32
          %dma_wait3A_307 = arith.constant 0 : i32
          %dma_wait3A_308 = tpu.memref_slice %arg3[%dma_wait3A_301, %dma_wait3A_306, %dma_wait3A_307] : memref<1360x2x512xi32, #tpu.memory_space<hbm>> -> memref<1x2x512xi32, #tpu.memory_space<hbm>>
          %dma_wait3A_309 = tpu.memref_squeeze %dma_wait3A_308 : memref<1x2x512xi32, #tpu.memory_space<hbm>> -> memref<2x512xi32, #tpu.memory_space<hbm>>
          tpu.wait_dma2 semaphore(%arg29 : memref<!tpu.dma_semaphore, #tpu.memory_space<semaphore_mem>>) src(%dma_wait3A_309 : memref<2x512xi32, #tpu.memory_space<hbm>>) dst(%arg7 : memref<2x512xi32, #tpu.memory_space<vmem>>)
          %dma_wait3A_310 = arith.constant 0 : i32
          %dma_wait3A_311 = tpu.memref_slice %arg4[%dma_wait3A_310] : memref<696320xf32, #tpu.memory_space<hbm>> -> memref<512xf32, #tpu.memory_space<hbm>>
          %dma_wait3A_312 = arith.constant 0 : i32
          %dma_wait3A_313 = tpu.memref_slice %arg4[%dma_wait3A_312] : memref<696320xf32, #tpu.memory_space<hbm>> -> memref<512xf32, #tpu.memory_space<hbm>>
          tpu.wait_dma2 semaphore(%arg29 : memref<!tpu.dma_semaphore, #tpu.memory_space<semaphore_mem>>) src(%dma_wait3A_313 : memref<512xf32, #tpu.memory_space<hbm>>) dst(%arg12 : memref<512xf32, #tpu.memory_space<vmem>>)
          %dma_start3A_314 = arith.constant 0 : i32
          %dma_start3A_315 = arith.constant 0 : i32
          %dma_start3A_316 = tpu.memref_slice %arg7[%dma_start3A_314, %dma_start3A_315] : memref<2x512xi32, #tpu.memory_space<vmem>> -> memref<1x512xi32, #tpu.memory_space<vmem>>
          %dma_start3A_317 = tpu.memref_squeeze %dma_start3A_316 : memref<1x512xi32, #tpu.memory_space<vmem>> -> memref<512xi32, #tpu.memory_space<vmem>>
          %dma_start3A_318 = arith.constant 0 : i32
          %dma_start3A_319 = arith.constant 0 : i32
          %dma_start3A_320 = tpu.memref_slice %arg27[%dma_start3A_318, %dma_start3A_319] : memref<4096x16xf32, #tpu.memory_space<vmem_shared>> -> memref<4096x16xf32, #tpu.memory_space<vmem_shared>>
          tpu.enqueue_indirect_dma source(%dma_start3A_320 : memref<4096x16xf32, #tpu.memory_space<vmem_shared>>) target(%arg17 : memref<512x16xf32, #tpu.memory_space<vmem>>) offsets(%dma_start3A_317 : memref<512xi32, #tpu.memory_space<vmem>>) semaphore(%arg30 : memref<!tpu.dma_semaphore, #tpu.memory_space<semaphore_mem>>)
        } else {
        }
        %dma_wait3A_125 = arith.constant 0 : i32
        %dma_wait3A_126 = arith.constant 0 : i32
        %dma_wait3A_127 = tpu.memref_slice %arg6[%dma_wait3A_125, %dma_wait3A_126] : memref<2x512xi32, #tpu.memory_space<vmem>> -> memref<1x512xi32, #tpu.memory_space<vmem>>
        %dma_wait3A_128 = tpu.memref_squeeze %dma_wait3A_127 : memref<1x512xi32, #tpu.memory_space<vmem>> -> memref<512xi32, #tpu.memory_space<vmem>>
        %dma_wait3A_129 = arith.constant 0 : i32
        %dma_wait3A_130 = arith.constant 0 : i32
        %dma_wait3A_131 = tpu.memref_slice %arg27[%dma_wait3A_129, %dma_wait3A_130] : memref<4096x16xf32, #tpu.memory_space<vmem_shared>> -> memref<4096x16xf32, #tpu.memory_space<vmem_shared>>
        tpu.wait_indirect_dma semaphore(%arg30 : memref<!tpu.dma_semaphore, #tpu.memory_space<semaphore_mem>>) src(%dma_wait3A_131 : memref<4096x16xf32, #tpu.memory_space<vmem_shared>>) dst(%arg16 : memref<512x16xf32, #tpu.memory_space<vmem>>)
        %parallel_loop3A = arith.constant 0 : i32
        %parallel_loop3A_132 = arith.constant 32 : i32
        %parallel_loop3A_133 = arith.constant 1 : i32
        scf.for %parallel_loop3A_301 = %parallel_loop3A to %parallel_loop3A_132 step %parallel_loop3A_133  : i32 {
          %parallel_loop3A_302 = arith.constant 16 : i32
          %parallel_loop3A_303 = arith.muli %parallel_loop3A_301, %parallel_loop3A_302 : i32
          %parallel_loop3A_304 = arith.index_cast %parallel_loop3A_303 : i32 to index
          %parallel_loop3A_305 = tpu.vector_load %arg11[%parallel_loop3A_304] {strides = array<i32>} : memref<512xf32, #tpu.memory_space<vmem>>, vector<16xf32>,
          %parallel_loop3A_306 = vector.shape_cast %parallel_loop3A_305 : vector<16xf32> to vector<16xf32>
          %parallel_loop3A_307 = arith.constant 16 : i32
          %parallel_loop3A_308 = arith.muli %parallel_loop3A_301, %parallel_loop3A_307 : i32
          %parallel_loop3A_309 = arith.constant 0 : i32
          %parallel_loop3A_310 = arith.addi %parallel_loop3A_308, %parallel_loop3A_309 : i32
          %parallel_loop3A_311 = arith.index_cast %parallel_loop3A_310 : i32 to index
          %parallel_loop3A_312 = arith.constant 0 : index
          %parallel_loop3A_313 = tpu.vector_load %arg16[%parallel_loop3A_311, %parallel_loop3A_312] {strides = array<i32>} : memref<512x16xf32, #tpu.memory_space<vmem>>, vector<1x16xf32>,
          %parallel_loop3A_314 = vector.shape_cast %parallel_loop3A_313 : vector<1x16xf32> to vector<16xf32>
          %parallel_loop3A_315 = arith.constant 0 : i32
          %parallel_loop3A_316 = vector.broadcast %parallel_loop3A_315 : i32 to vector<16x1xi32>
          %parallel_loop3A_317 = vector.shape_cast %parallel_loop3A_316 : vector<16x1xi32> to vector<16xi32>
          %parallel_loop3A_318 = tpu.dynamic_gather %parallel_loop3A_306[%parallel_loop3A_317] in [0] : vector<16xf32>, vector<16xi32> -> vector<16xf32>
          %parallel_loop3A_319 = arith.mulf %parallel_loop3A_314, %parallel_loop3A_318 : vector<16xf32>
          %parallel_loop3A_320 = arith.constant 0 : i32
          %parallel_loop3A_321 = arith.addi %parallel_loop3A_308, %parallel_loop3A_320 : i32
          %parallel_loop3A_322 = arith.index_cast %parallel_loop3A_321 : i32 to index
          %parallel_loop3A_323 = arith.constant 0 : index
          %parallel_loop3A_324 = tpu.vector_load %arg16[%parallel_loop3A_322, %parallel_loop3A_323] {strides = array<i32>} : memref<512x16xf32, #tpu.memory_space<vmem>>, vector<1x16xf32>,
          %parallel_loop3A_325 = vector.shape_cast %parallel_loop3A_324 : vector<1x16xf32> to vector<16xf32>
          %parallel_loop3A_326 = vector.shape_cast %parallel_loop3A_319 : vector<16xf32> to vector<1x16xf32>
          tpu.vector_store %arg16[%parallel_loop3A_322, %parallel_loop3A_323], %parallel_loop3A_326 {strides = array<i32>} : memref<512x16xf32, #tpu.memory_space<vmem>>, vector<1x16xf32>,
          %parallel_loop3A_327 = arith.constant 1 : i32
          %parallel_loop3A_328 = arith.addi %parallel_loop3A_308, %parallel_loop3A_327 : i32
          %parallel_loop3A_329 = arith.index_cast %parallel_loop3A_328 : i32 to index
          %parallel_loop3A_330 = arith.constant 0 : index
          %parallel_loop3A_331 = tpu.vector_load %arg16[%parallel_loop3A_329, %parallel_loop3A_330] {strides = array<i32>} : memref<512x16xf32, #tpu.memory_space<vmem>>, vector<1x16xf32>,
          %parallel_loop3A_332 = vector.shape_cast %parallel_loop3A_331 : vector<1x16xf32> to vector<16xf32>
          %parallel_loop3A_333 = arith.constant 1 : i32
          %parallel_loop3A_334 = vector.broadcast %parallel_loop3A_333 : i32 to vector<16x1xi32>
          %parallel_loop3A_335 = vector.shape_cast %parallel_loop3A_334 : vector<16x1xi32> to vector<16xi32>
          %parallel_loop3A_336 = tpu.dynamic_gather %parallel_loop3A_306[%parallel_loop3A_335] in [0] : vector<16xf32>, vector<16xi32> -> vector<16xf32>
          %parallel_loop3A_337 = arith.mulf %parallel_loop3A_332, %parallel_loop3A_336 : vector<16xf32>
          %parallel_loop3A_338 = arith.constant 1 : i32
          %parallel_loop3A_339 = arith.addi %parallel_loop3A_308, %parallel_loop3A_338 : i32
          %parallel_loop3A_340 = arith.index_cast %parallel_loop3A_339 : i32 to index
          %parallel_loop3A_341 = arith.constant 0 : index
          %parallel_loop3A_342 = tpu.vector_load %arg16[%parallel_loop3A_340, %parallel_loop3A_341] {strides = array<i32>} : memref<512x16xf32, #tpu.memory_space<vmem>>, vector<1x16xf32>,
          %parallel_loop3A_343 = vector.shape_cast %parallel_loop3A_342 : vector<1x16xf32> to vector<16xf32>
          %parallel_loop3A_344 = vector.shape_cast %parallel_loop3A_337 : vector<16xf32> to vector<1x16xf32>
          tpu.vector_store %arg16[%parallel_loop3A_340, %parallel_loop3A_341], %parallel_loop3A_344 {strides = array<i32>} : memref<512x16xf32, #tpu.memory_space<vmem>>, vector<1x16xf32>,
          %parallel_loop3A_345 = arith.constant 2 : i32
          %parallel_loop3A_346 = arith.addi %parallel_loop3A_308, %parallel_loop3A_345 : i32
          %parallel_loop3A_347 = arith.index_cast %parallel_loop3A_346 : i32 to index
          %parallel_loop3A_348 = arith.constant 0 : index
          %parallel_loop3A_349 = tpu.vector_load %arg16[%parallel_loop3A_347, %parallel_loop3A_348] {strides = array<i32>} : memref<512x16xf32, #tpu.memory_space<vmem>>, vector<1x16xf32>,
          %parallel_loop3A_350 = vector.shape_cast %parallel_loop3A_349 : vector<1x16xf32> to vector<16xf32>
          %parallel_loop3A_351 = arith.constant 2 : i32
          %parallel_loop3A_352 = vector.broadcast %parallel_loop3A_351 : i32 to vector<16x1xi32>
          %parallel_loop3A_353 = vector.shape_cast %parallel_loop3A_352 : vector<16x1xi32> to vector<16xi32>
          %parallel_loop3A_354 = tpu.dynamic_gather %parallel_loop3A_306[%parallel_loop3A_353] in [0] : vector<16xf32>, vector<16xi32> -> vector<16xf32>
          %parallel_loop3A_355 = arith.mulf %parallel_loop3A_350, %parallel_loop3A_354 : vector<16xf32>
          %parallel_loop3A_356 = arith.constant 2 : i32
          %parallel_loop3A_357 = arith.addi %parallel_loop3A_308, %parallel_loop3A_356 : i32
          %parallel_loop3A_358 = arith.index_cast %parallel_loop3A_357 : i32 to index
          %parallel_loop3A_359 = arith.constant 0 : index
          %parallel_loop3A_360 = tpu.vector_load %arg16[%parallel_loop3A_358, %parallel_loop3A_359] {strides = array<i32>} : memref<512x16xf32, #tpu.memory_space<vmem>>, vector<1x16xf32>,
          %parallel_loop3A_361 = vector.shape_cast %parallel_loop3A_360 : vector<1x16xf32> to vector<16xf32>
          %parallel_loop3A_362 = vector.shape_cast %parallel_loop3A_355 : vector<16xf32> to vector<1x16xf32>
          tpu.vector_store %arg16[%parallel_loop3A_358, %parallel_loop3A_359], %parallel_loop3A_362 {strides = array<i32>} : memref<512x16xf32, #tpu.memory_space<vmem>>, vector<1x16xf32>,
          %parallel_loop3A_363 = arith.constant 3 : i32
          %parallel_loop3A_364 = arith.addi %parallel_loop3A_308, %parallel_loop3A_363 : i32
          %parallel_loop3A_365 = arith.index_cast %parallel_loop3A_364 : i32 to index
          %parallel_loop3A_366 = arith.constant 0 : index
          %parallel_loop3A_367 = tpu.vector_load %arg16[%parallel_loop3A_365, %parallel_loop3A_366] {strides = array<i32>} : memref<512x16xf32, #tpu.memory_space<vmem>>, vector<1x16xf32>,
          %parallel_loop3A_368 = vector.shape_cast %parallel_loop3A_367 : vector<1x16xf32> to vector<16xf32>
          %parallel_loop3A_369 = arith.constant 3 : i32
          %parallel_loop3A_370 = vector.broadcast %parallel_loop3A_369 : i32 to vector<16x1xi32>
          %parallel_loop3A_371 = vector.shape_cast %parallel_loop3A_370 : vector<16x1xi32> to vector<16xi32>
          %parallel_loop3A_372 = tpu.dynamic_gather %parallel_loop3A_306[%parallel_loop3A_371] in [0] : vector<16xf32>, vector<16xi32> -> vector<16xf32>
          %parallel_loop3A_373 = arith.mulf %parallel_loop3A_368, %parallel_loop3A_372 : vector<16xf32>
          %parallel_loop3A_374 = arith.constant 3 : i32
          %parallel_loop3A_375 = arith.addi %parallel_loop3A_308, %parallel_loop3A_374 : i32
          %parallel_loop3A_376 = arith.index_cast %parallel_loop3A_375 : i32 to index
          %parallel_loop3A_377 = arith.constant 0 : index
          %parallel_loop3A_378 = tpu.vector_load %arg16[%parallel_loop3A_376, %parallel_loop3A_377] {strides = array<i32>} : memref<512x16xf32, #tpu.memory_space<vmem>>, vector<1x16xf32>,
          %parallel_loop3A_379 = vector.shape_cast %parallel_loop3A_378 : vector<1x16xf32> to vector<16xf32>
          %parallel_loop3A_380 = vector.shape_cast %parallel_loop3A_373 : vector<16xf32> to vector<1x16xf32>
          tpu.vector_store %arg16[%parallel_loop3A_376, %parallel_loop3A_377], %parallel_loop3A_380 {strides = array<i32>} : memref<512x16xf32, #tpu.memory_space<vmem>>, vector<1x16xf32>,
          %parallel_loop3A_381 = arith.constant 4 : i32
          %parallel_loop3A_382 = arith.addi %parallel_loop3A_308, %parallel_loop3A_381 : i32
          %parallel_loop3A_383 = arith.index_cast %parallel_loop3A_382 : i32 to index
          %parallel_loop3A_384 = arith.constant 0 : index
          %parallel_loop3A_385 = tpu.vector_load %arg16[%parallel_loop3A_383, %parallel_loop3A_384] {strides = array<i32>} : memref<512x16xf32, #tpu.memory_space<vmem>>, vector<1x16xf32>,
          %parallel_loop3A_386 = vector.shape_cast %parallel_loop3A_385 : vector<1x16xf32> to vector<16xf32>
          %parallel_loop3A_387 = arith.constant 4 : i32
          %parallel_loop3A_388 = vector.broadcast %parallel_loop3A_387 : i32 to vector<16x1xi32>
          %parallel_loop3A_389 = vector.shape_cast %parallel_loop3A_388 : vector<16x1xi32> to vector<16xi32>
          %parallel_loop3A_390 = tpu.dynamic_gather %parallel_loop3A_306[%parallel_loop3A_389] in [0] : vector<16xf32>, vector<16xi32> -> vector<16xf32>
          %parallel_loop3A_391 = arith.mulf %parallel_loop3A_386, %parallel_loop3A_390 : vector<16xf32>
          %parallel_loop3A_392 = arith.constant 4 : i32
          %parallel_loop3A_393 = arith.addi %parallel_loop3A_308, %parallel_loop3A_392 : i32
          %parallel_loop3A_394 = arith.index_cast %parallel_loop3A_393 : i32 to index
          %parallel_loop3A_395 = arith.constant 0 : index
          %parallel_loop3A_396 = tpu.vector_load %arg16[%parallel_loop3A_394, %parallel_loop3A_395] {strides = array<i32>} : memref<512x16xf32, #tpu.memory_space<vmem>>, vector<1x16xf32>,
          %parallel_loop3A_397 = vector.shape_cast %parallel_loop3A_396 : vector<1x16xf32> to vector<16xf32>
          %parallel_loop3A_398 = vector.shape_cast %parallel_loop3A_391 : vector<16xf32> to vector<1x16xf32>
          tpu.vector_store %arg16[%parallel_loop3A_394, %parallel_loop3A_395], %parallel_loop3A_398 {strides = array<i32>} : memref<512x16xf32, #tpu.memory_space<vmem>>, vector<1x16xf32>,
          %parallel_loop3A_399 = arith.constant 5 : i32
          %parallel_loop3A_400 = arith.addi %parallel_loop3A_308, %parallel_loop3A_399 : i32
          %parallel_loop3A_401 = arith.index_cast %parallel_loop3A_400 : i32 to index
          %parallel_loop3A_402 = arith.constant 0 : index
          %parallel_loop3A_403 = tpu.vector_load %arg16[%parallel_loop3A_401, %parallel_loop3A_402] {strides = array<i32>} : memref<512x16xf32, #tpu.memory_space<vmem>>, vector<1x16xf32>,
          %parallel_loop3A_404 = vector.shape_cast %parallel_loop3A_403 : vector<1x16xf32> to vector<16xf32>
          %parallel_loop3A_405 = arith.constant 5 : i32
          %parallel_loop3A_406 = vector.broadcast %parallel_loop3A_405 : i32 to vector<16x1xi32>
          %parallel_loop3A_407 = vector.shape_cast %parallel_loop3A_406 : vector<16x1xi32> to vector<16xi32>
          %parallel_loop3A_408 = tpu.dynamic_gather %parallel_loop3A_306[%parallel_loop3A_407] in [0] : vector<16xf32>, vector<16xi32> -> vector<16xf32>
          %parallel_loop3A_409 = arith.mulf %parallel_loop3A_404, %parallel_loop3A_408 : vector<16xf32>
          %parallel_loop3A_410 = arith.constant 5 : i32
          %parallel_loop3A_411 = arith.addi %parallel_loop3A_308, %parallel_loop3A_410 : i32
          %parallel_loop3A_412 = arith.index_cast %parallel_loop3A_411 : i32 to index
          %parallel_loop3A_413 = arith.constant 0 : index
          %parallel_loop3A_414 = tpu.vector_load %arg16[%parallel_loop3A_412, %parallel_loop3A_413] {strides = array<i32>} : memref<512x16xf32, #tpu.memory_space<vmem>>, vector<1x16xf32>,
          %parallel_loop3A_415 = vector.shape_cast %parallel_loop3A_414 : vector<1x16xf32> to vector<16xf32>
          %parallel_loop3A_416 = vector.shape_cast %parallel_loop3A_409 : vector<16xf32> to vector<1x16xf32>
          tpu.vector_store %arg16[%parallel_loop3A_412, %parallel_loop3A_413], %parallel_loop3A_416 {strides = array<i32>} : memref<512x16xf32, #tpu.memory_space<vmem>>, vector<1x16xf32>,
          %parallel_loop3A_417 = arith.constant 6 : i32
          %parallel_loop3A_418 = arith.addi %parallel_loop3A_308, %parallel_loop3A_417 : i32
          %parallel_loop3A_419 = arith.index_cast %parallel_loop3A_418 : i32 to index
          %parallel_loop3A_420 = arith.constant 0 : index
          %parallel_loop3A_421 = tpu.vector_load %arg16[%parallel_loop3A_419, %parallel_loop3A_420] {strides = array<i32>} : memref<512x16xf32, #tpu.memory_space<vmem>>, vector<1x16xf32>,
          %parallel_loop3A_422 = vector.shape_cast %parallel_loop3A_421 : vector<1x16xf32> to vector<16xf32>
          %parallel_loop3A_423 = arith.constant 6 : i32
          %parallel_loop3A_424 = vector.broadcast %parallel_loop3A_423 : i32 to vector<16x1xi32>
          %parallel_loop3A_425 = vector.shape_cast %parallel_loop3A_424 : vector<16x1xi32> to vector<16xi32>
          %parallel_loop3A_426 = tpu.dynamic_gather %parallel_loop3A_306[%parallel_loop3A_425] in [0] : vector<16xf32>, vector<16xi32> -> vector<16xf32>
          %parallel_loop3A_427 = arith.mulf %parallel_loop3A_422, %parallel_loop3A_426 : vector<16xf32>
          %parallel_loop3A_428 = arith.constant 6 : i32
          %parallel_loop3A_429 = arith.addi %parallel_loop3A_308, %parallel_loop3A_428 : i32
          %parallel_loop3A_430 = arith.index_cast %parallel_loop3A_429 : i32 to index
          %parallel_loop3A_431 = arith.constant 0 : index
          %parallel_loop3A_432 = tpu.vector_load %arg16[%parallel_loop3A_430, %parallel_loop3A_431] {strides = array<i32>} : memref<512x16xf32, #tpu.memory_space<vmem>>, vector<1x16xf32>,
          %parallel_loop3A_433 = vector.shape_cast %parallel_loop3A_432 : vector<1x16xf32> to vector<16xf32>
          %parallel_loop3A_434 = vector.shape_cast %parallel_loop3A_427 : vector<16xf32> to vector<1x16xf32>
          tpu.vector_store %arg16[%parallel_loop3A_430, %parallel_loop3A_431], %parallel_loop3A_434 {strides = array<i32>} : memref<512x16xf32, #tpu.memory_space<vmem>>, vector<1x16xf32>,
          %parallel_loop3A_435 = arith.constant 7 : i32
          %parallel_loop3A_436 = arith.addi %parallel_loop3A_308, %parallel_loop3A_435 : i32
          %parallel_loop3A_437 = arith.index_cast %parallel_loop3A_436 : i32 to index
          %parallel_loop3A_438 = arith.constant 0 : index
          %parallel_loop3A_439 = tpu.vector_load %arg16[%parallel_loop3A_437, %parallel_loop3A_438] {strides = array<i32>} : memref<512x16xf32, #tpu.memory_space<vmem>>, vector<1x16xf32>,
          %parallel_loop3A_440 = vector.shape_cast %parallel_loop3A_439 : vector<1x16xf32> to vector<16xf32>
          %parallel_loop3A_441 = arith.constant 7 : i32
          %parallel_loop3A_442 = vector.broadcast %parallel_loop3A_441 : i32 to vector<16x1xi32>
          %parallel_loop3A_443 = vector.shape_cast %parallel_loop3A_442 : vector<16x1xi32> to vector<16xi32>
          %parallel_loop3A_444 = tpu.dynamic_gather %parallel_loop3A_306[%parallel_loop3A_443] in [0] : vector<16xf32>, vector<16xi32> -> vector<16xf32>
          %parallel_loop3A_445 = arith.mulf %parallel_loop3A_440, %parallel_loop3A_444 : vector<16xf32>
          %parallel_loop3A_446 = arith.constant 7 : i32
          %parallel_loop3A_447 = arith.addi %parallel_loop3A_308, %parallel_loop3A_446 : i32
          %parallel_loop3A_448 = arith.index_cast %parallel_loop3A_447 : i32 to index
          %parallel_loop3A_449 = arith.constant 0 : index
          %parallel_loop3A_450 = tpu.vector_load %arg16[%parallel_loop3A_448, %parallel_loop3A_449] {strides = array<i32>} : memref<512x16xf32, #tpu.memory_space<vmem>>, vector<1x16xf32>,
          %parallel_loop3A_451 = vector.shape_cast %parallel_loop3A_450 : vector<1x16xf32> to vector<16xf32>
          %parallel_loop3A_452 = vector.shape_cast %parallel_loop3A_445 : vector<16xf32> to vector<1x16xf32>
          tpu.vector_store %arg16[%parallel_loop3A_448, %parallel_loop3A_449], %parallel_loop3A_452 {strides = array<i32>} : memref<512x16xf32, #tpu.memory_space<vmem>>, vector<1x16xf32>,
          %parallel_loop3A_453 = arith.constant 8 : i32
          %parallel_loop3A_454 = arith.addi %parallel_loop3A_308, %parallel_loop3A_453 : i32
          %parallel_loop3A_455 = arith.index_cast %parallel_loop3A_454 : i32 to index
          %parallel_loop3A_456 = arith.constant 0 : index
          %parallel_loop3A_457 = tpu.vector_load %arg16[%parallel_loop3A_455, %parallel_loop3A_456] {strides = array<i32>} : memref<512x16xf32, #tpu.memory_space<vmem>>, vector<1x16xf32>,
          %parallel_loop3A_458 = vector.shape_cast %parallel_loop3A_457 : vector<1x16xf32> to vector<16xf32>
          %parallel_loop3A_459 = arith.constant 8 : i32
          %parallel_loop3A_460 = vector.broadcast %parallel_loop3A_459 : i32 to vector<16x1xi32>
          %parallel_loop3A_461 = vector.shape_cast %parallel_loop3A_460 : vector<16x1xi32> to vector<16xi32>
          %parallel_loop3A_462 = tpu.dynamic_gather %parallel_loop3A_306[%parallel_loop3A_461] in [0] : vector<16xf32>, vector<16xi32> -> vector<16xf32>
          %parallel_loop3A_463 = arith.mulf %parallel_loop3A_458, %parallel_loop3A_462 : vector<16xf32>
          %parallel_loop3A_464 = arith.constant 8 : i32
          %parallel_loop3A_465 = arith.addi %parallel_loop3A_308, %parallel_loop3A_464 : i32
          %parallel_loop3A_466 = arith.index_cast %parallel_loop3A_465 : i32 to index
          %parallel_loop3A_467 = arith.constant 0 : index
          %parallel_loop3A_468 = tpu.vector_load %arg16[%parallel_loop3A_466, %parallel_loop3A_467] {strides = array<i32>} : memref<512x16xf32, #tpu.memory_space<vmem>>, vector<1x16xf32>,
          %parallel_loop3A_469 = vector.shape_cast %parallel_loop3A_468 : vector<1x16xf32> to vector<16xf32>
          %parallel_loop3A_470 = vector.shape_cast %parallel_loop3A_463 : vector<16xf32> to vector<1x16xf32>
          tpu.vector_store %arg16[%parallel_loop3A_466, %parallel_loop3A_467], %parallel_loop3A_470 {strides = array<i32>} : memref<512x16xf32, #tpu.memory_space<vmem>>, vector<1x16xf32>,
          %parallel_loop3A_471 = arith.constant 9 : i32
          %parallel_loop3A_472 = arith.addi %parallel_loop3A_308, %parallel_loop3A_471 : i32
          %parallel_loop3A_473 = arith.index_cast %parallel_loop3A_472 : i32 to index
          %parallel_loop3A_474 = arith.constant 0 : index
          %parallel_loop3A_475 = tpu.vector_load %arg16[%parallel_loop3A_473, %parallel_loop3A_474] {strides = array<i32>} : memref<512x16xf32, #tpu.memory_space<vmem>>, vector<1x16xf32>,
          %parallel_loop3A_476 = vector.shape_cast %parallel_loop3A_475 : vector<1x16xf32> to vector<16xf32>
          %parallel_loop3A_477 = arith.constant 9 : i32
          %parallel_loop3A_478 = vector.broadcast %parallel_loop3A_477 : i32 to vector<16x1xi32>
          %parallel_loop3A_479 = vector.shape_cast %parallel_loop3A_478 : vector<16x1xi32> to vector<16xi32>
          %parallel_loop3A_480 = tpu.dynamic_gather %parallel_loop3A_306[%parallel_loop3A_479] in [0] : vector<16xf32>, vector<16xi32> -> vector<16xf32>
          %parallel_loop3A_481 = arith.mulf %parallel_loop3A_476, %parallel_loop3A_480 : vector<16xf32>
          %parallel_loop3A_482 = arith.constant 9 : i32
          %parallel_loop3A_483 = arith.addi %parallel_loop3A_308, %parallel_loop3A_482 : i32
          %parallel_loop3A_484 = arith.index_cast %parallel_loop3A_483 : i32 to index
          %parallel_loop3A_485 = arith.constant 0 : index
          %parallel_loop3A_486 = tpu.vector_load %arg16[%parallel_loop3A_484, %parallel_loop3A_485] {strides = array<i32>} : memref<512x16xf32, #tpu.memory_space<vmem>>, vector<1x16xf32>,
          %parallel_loop3A_487 = vector.shape_cast %parallel_loop3A_486 : vector<1x16xf32> to vector<16xf32>
          %parallel_loop3A_488 = vector.shape_cast %parallel_loop3A_481 : vector<16xf32> to vector<1x16xf32>
          tpu.vector_store %arg16[%parallel_loop3A_484, %parallel_loop3A_485], %parallel_loop3A_488 {strides = array<i32>} : memref<512x16xf32, #tpu.memory_space<vmem>>, vector<1x16xf32>,
          %parallel_loop3A_489 = arith.constant 10 : i32
          %parallel_loop3A_490 = arith.addi %parallel_loop3A_308, %parallel_loop3A_489 : i32
          %parallel_loop3A_491 = arith.index_cast %parallel_loop3A_490 : i32 to index
          %parallel_loop3A_492 = arith.constant 0 : index
          %parallel_loop3A_493 = tpu.vector_load %arg16[%parallel_loop3A_491, %parallel_loop3A_492] {strides = array<i32>} : memref<512x16xf32, #tpu.memory_space<vmem>>, vector<1x16xf32>,
          %parallel_loop3A_494 = vector.shape_cast %parallel_loop3A_493 : vector<1x16xf32> to vector<16xf32>
          %parallel_loop3A_495 = arith.constant 10 : i32
          %parallel_loop3A_496 = vector.broadcast %parallel_loop3A_495 : i32 to vector<16x1xi32>
          %parallel_loop3A_497 = vector.shape_cast %parallel_loop3A_496 : vector<16x1xi32> to vector<16xi32>
          %parallel_loop3A_498 = tpu.dynamic_gather %parallel_loop3A_306[%parallel_loop3A_497] in [0] : vector<16xf32>, vector<16xi32> -> vector<16xf32>
          %parallel_loop3A_499 = arith.mulf %parallel_loop3A_494, %parallel_loop3A_498 : vector<16xf32>
          %parallel_loop3A_500 = arith.constant 10 : i32
          %parallel_loop3A_501 = arith.addi %parallel_loop3A_308, %parallel_loop3A_500 : i32
          %parallel_loop3A_502 = arith.index_cast %parallel_loop3A_501 : i32 to index
          %parallel_loop3A_503 = arith.constant 0 : index
          %parallel_loop3A_504 = tpu.vector_load %arg16[%parallel_loop3A_502, %parallel_loop3A_503] {strides = array<i32>} : memref<512x16xf32, #tpu.memory_space<vmem>>, vector<1x16xf32>,
          %parallel_loop3A_505 = vector.shape_cast %parallel_loop3A_504 : vector<1x16xf32> to vector<16xf32>
          %parallel_loop3A_506 = vector.shape_cast %parallel_loop3A_499 : vector<16xf32> to vector<1x16xf32>
          tpu.vector_store %arg16[%parallel_loop3A_502, %parallel_loop3A_503], %parallel_loop3A_506 {strides = array<i32>} : memref<512x16xf32, #tpu.memory_space<vmem>>, vector<1x16xf32>,
          %parallel_loop3A_507 = arith.constant 11 : i32
          %parallel_loop3A_508 = arith.addi %parallel_loop3A_308, %parallel_loop3A_507 : i32
          %parallel_loop3A_509 = arith.index_cast %parallel_loop3A_508 : i32 to index
          %parallel_loop3A_510 = arith.constant 0 : index
          %parallel_loop3A_511 = tpu.vector_load %arg16[%parallel_loop3A_509, %parallel_loop3A_510] {strides = array<i32>} : memref<512x16xf32, #tpu.memory_space<vmem>>, vector<1x16xf32>,
          %parallel_loop3A_512 = vector.shape_cast %parallel_loop3A_511 : vector<1x16xf32> to vector<16xf32>
          %parallel_loop3A_513 = arith.constant 11 : i32
          %parallel_loop3A_514 = vector.broadcast %parallel_loop3A_513 : i32 to vector<16x1xi32>
          %parallel_loop3A_515 = vector.shape_cast %parallel_loop3A_514 : vector<16x1xi32> to vector<16xi32>
          %parallel_loop3A_516 = tpu.dynamic_gather %parallel_loop3A_306[%parallel_loop3A_515] in [0] : vector<16xf32>, vector<16xi32> -> vector<16xf32>
          %parallel_loop3A_517 = arith.mulf %parallel_loop3A_512, %parallel_loop3A_516 : vector<16xf32>
          %parallel_loop3A_518 = arith.constant 11 : i32
          %parallel_loop3A_519 = arith.addi %parallel_loop3A_308, %parallel_loop3A_518 : i32
          %parallel_loop3A_520 = arith.index_cast %parallel_loop3A_519 : i32 to index
          %parallel_loop3A_521 = arith.constant 0 : index
          %parallel_loop3A_522 = tpu.vector_load %arg16[%parallel_loop3A_520, %parallel_loop3A_521] {strides = array<i32>} : memref<512x16xf32, #tpu.memory_space<vmem>>, vector<1x16xf32>,
          %parallel_loop3A_523 = vector.shape_cast %parallel_loop3A_522 : vector<1x16xf32> to vector<16xf32>
          %parallel_loop3A_524 = vector.shape_cast %parallel_loop3A_517 : vector<16xf32> to vector<1x16xf32>
          tpu.vector_store %arg16[%parallel_loop3A_520, %parallel_loop3A_521], %parallel_loop3A_524 {strides = array<i32>} : memref<512x16xf32, #tpu.memory_space<vmem>>, vector<1x16xf32>,
          %parallel_loop3A_525 = arith.constant 12 : i32
          %parallel_loop3A_526 = arith.addi %parallel_loop3A_308, %parallel_loop3A_525 : i32
          %parallel_loop3A_527 = arith.index_cast %parallel_loop3A_526 : i32 to index
          %parallel_loop3A_528 = arith.constant 0 : index
          %parallel_loop3A_529 = tpu.vector_load %arg16[%parallel_loop3A_527, %parallel_loop3A_528] {strides = array<i32>} : memref<512x16xf32, #tpu.memory_space<vmem>>, vector<1x16xf32>,
          %parallel_loop3A_530 = vector.shape_cast %parallel_loop3A_529 : vector<1x16xf32> to vector<16xf32>
          %parallel_loop3A_531 = arith.constant 12 : i32
          %parallel_loop3A_532 = vector.broadcast %parallel_loop3A_531 : i32 to vector<16x1xi32>
          %parallel_loop3A_533 = vector.shape_cast %parallel_loop3A_532 : vector<16x1xi32> to vector<16xi32>
          %parallel_loop3A_534 = tpu.dynamic_gather %parallel_loop3A_306[%parallel_loop3A_533] in [0] : vector<16xf32>, vector<16xi32> -> vector<16xf32>
          %parallel_loop3A_535 = arith.mulf %parallel_loop3A_530, %parallel_loop3A_534 : vector<16xf32>
          %parallel_loop3A_536 = arith.constant 12 : i32
          %parallel_loop3A_537 = arith.addi %parallel_loop3A_308, %parallel_loop3A_536 : i32
          %parallel_loop3A_538 = arith.index_cast %parallel_loop3A_537 : i32 to index
          %parallel_loop3A_539 = arith.constant 0 : index
          %parallel_loop3A_540 = tpu.vector_load %arg16[%parallel_loop3A_538, %parallel_loop3A_539] {strides = array<i32>} : memref<512x16xf32, #tpu.memory_space<vmem>>, vector<1x16xf32>,
          %parallel_loop3A_541 = vector.shape_cast %parallel_loop3A_540 : vector<1x16xf32> to vector<16xf32>
          %parallel_loop3A_542 = vector.shape_cast %parallel_loop3A_535 : vector<16xf32> to vector<1x16xf32>
          tpu.vector_store %arg16[%parallel_loop3A_538, %parallel_loop3A_539], %parallel_loop3A_542 {strides = array<i32>} : memref<512x16xf32, #tpu.memory_space<vmem>>, vector<1x16xf32>,
          %parallel_loop3A_543 = arith.constant 13 : i32
          %parallel_loop3A_544 = arith.addi %parallel_loop3A_308, %parallel_loop3A_543 : i32
          %parallel_loop3A_545 = arith.index_cast %parallel_loop3A_544 : i32 to index
          %parallel_loop3A_546 = arith.constant 0 : index
          %parallel_loop3A_547 = tpu.vector_load %arg16[%parallel_loop3A_545, %parallel_loop3A_546] {strides = array<i32>} : memref<512x16xf32, #tpu.memory_space<vmem>>, vector<1x16xf32>,
          %parallel_loop3A_548 = vector.shape_cast %parallel_loop3A_547 : vector<1x16xf32> to vector<16xf32>
          %parallel_loop3A_549 = arith.constant 13 : i32
          %parallel_loop3A_550 = vector.broadcast %parallel_loop3A_549 : i32 to vector<16x1xi32>
          %parallel_loop3A_551 = vector.shape_cast %parallel_loop3A_550 : vector<16x1xi32> to vector<16xi32>
          %parallel_loop3A_552 = tpu.dynamic_gather %parallel_loop3A_306[%parallel_loop3A_551] in [0] : vector<16xf32>, vector<16xi32> -> vector<16xf32>
          %parallel_loop3A_553 = arith.mulf %parallel_loop3A_548, %parallel_loop3A_552 : vector<16xf32>
          %parallel_loop3A_554 = arith.constant 13 : i32
          %parallel_loop3A_555 = arith.addi %parallel_loop3A_308, %parallel_loop3A_554 : i32
          %parallel_loop3A_556 = arith.index_cast %parallel_loop3A_555 : i32 to index
          %parallel_loop3A_557 = arith.constant 0 : index
          %parallel_loop3A_558 = tpu.vector_load %arg16[%parallel_loop3A_556, %parallel_loop3A_557] {strides = array<i32>} : memref<512x16xf32, #tpu.memory_space<vmem>>, vector<1x16xf32>,
          %parallel_loop3A_559 = vector.shape_cast %parallel_loop3A_558 : vector<1x16xf32> to vector<16xf32>
          %parallel_loop3A_560 = vector.shape_cast %parallel_loop3A_553 : vector<16xf32> to vector<1x16xf32>
          tpu.vector_store %arg16[%parallel_loop3A_556, %parallel_loop3A_557], %parallel_loop3A_560 {strides = array<i32>} : memref<512x16xf32, #tpu.memory_space<vmem>>, vector<1x16xf32>,
          %parallel_loop3A_561 = arith.constant 14 : i32
          %parallel_loop3A_562 = arith.addi %parallel_loop3A_308, %parallel_loop3A_561 : i32
          %parallel_loop3A_563 = arith.index_cast %parallel_loop3A_562 : i32 to index
          %parallel_loop3A_564 = arith.constant 0 : index
          %parallel_loop3A_565 = tpu.vector_load %arg16[%parallel_loop3A_563, %parallel_loop3A_564] {strides = array<i32>} : memref<512x16xf32, #tpu.memory_space<vmem>>, vector<1x16xf32>,
          %parallel_loop3A_566 = vector.shape_cast %parallel_loop3A_565 : vector<1x16xf32> to vector<16xf32>
          %parallel_loop3A_567 = arith.constant 14 : i32
          %parallel_loop3A_568 = vector.broadcast %parallel_loop3A_567 : i32 to vector<16x1xi32>
          %parallel_loop3A_569 = vector.shape_cast %parallel_loop3A_568 : vector<16x1xi32> to vector<16xi32>
          %parallel_loop3A_570 = tpu.dynamic_gather %parallel_loop3A_306[%parallel_loop3A_569] in [0] : vector<16xf32>, vector<16xi32> -> vector<16xf32>
          %parallel_loop3A_571 = arith.mulf %parallel_loop3A_566, %parallel_loop3A_570 : vector<16xf32>
          %parallel_loop3A_572 = arith.constant 14 : i32
          %parallel_loop3A_573 = arith.addi %parallel_loop3A_308, %parallel_loop3A_572 : i32
          %parallel_loop3A_574 = arith.index_cast %parallel_loop3A_573 : i32 to index
          %parallel_loop3A_575 = arith.constant 0 : index
          %parallel_loop3A_576 = tpu.vector_load %arg16[%parallel_loop3A_574, %parallel_loop3A_575] {strides = array<i32>} : memref<512x16xf32, #tpu.memory_space<vmem>>, vector<1x16xf32>,
          %parallel_loop3A_577 = vector.shape_cast %parallel_loop3A_576 : vector<1x16xf32> to vector<16xf32>
          %parallel_loop3A_578 = vector.shape_cast %parallel_loop3A_571 : vector<16xf32> to vector<1x16xf32>
          tpu.vector_store %arg16[%parallel_loop3A_574, %parallel_loop3A_575], %parallel_loop3A_578 {strides = array<i32>} : memref<512x16xf32, #tpu.memory_space<vmem>>, vector<1x16xf32>,
          %parallel_loop3A_579 = arith.constant 15 : i32
          %parallel_loop3A_580 = arith.addi %parallel_loop3A_308, %parallel_loop3A_579 : i32
          %parallel_loop3A_581 = arith.index_cast %parallel_loop3A_580 : i32 to index
          %parallel_loop3A_582 = arith.constant 0 : index
          %parallel_loop3A_583 = tpu.vector_load %arg16[%parallel_loop3A_581, %parallel_loop3A_582] {strides = array<i32>} : memref<512x16xf32, #tpu.memory_space<vmem>>, vector<1x16xf32>,
          %parallel_loop3A_584 = vector.shape_cast %parallel_loop3A_583 : vector<1x16xf32> to vector<16xf32>
          %parallel_loop3A_585 = arith.constant 15 : i32
          %parallel_loop3A_586 = vector.broadcast %parallel_loop3A_585 : i32 to vector<16x1xi32>
          %parallel_loop3A_587 = vector.shape_cast %parallel_loop3A_586 : vector<16x1xi32> to vector<16xi32>
          %parallel_loop3A_588 = tpu.dynamic_gather %parallel_loop3A_306[%parallel_loop3A_587] in [0] : vector<16xf32>, vector<16xi32> -> vector<16xf32>
          %parallel_loop3A_589 = arith.mulf %parallel_loop3A_584, %parallel_loop3A_588 : vector<16xf32>
          %parallel_loop3A_590 = arith.constant 15 : i32
          %parallel_loop3A_591 = arith.addi %parallel_loop3A_308, %parallel_loop3A_590 : i32
          %parallel_loop3A_592 = arith.index_cast %parallel_loop3A_591 : i32 to index
          %parallel_loop3A_593 = arith.constant 0 : index
          %parallel_loop3A_594 = tpu.vector_load %arg16[%parallel_loop3A_592, %parallel_loop3A_593] {strides = array<i32>} : memref<512x16xf32, #tpu.memory_space<vmem>>, vector<1x16xf32>,
          %parallel_loop3A_595 = vector.shape_cast %parallel_loop3A_594 : vector<1x16xf32> to vector<16xf32>
          %parallel_loop3A_596 = vector.shape_cast %parallel_loop3A_589 : vector<16xf32> to vector<1x16xf32>
          tpu.vector_store %arg16[%parallel_loop3A_592, %parallel_loop3A_593], %parallel_loop3A_596 {strides = array<i32>} : memref<512x16xf32, #tpu.memory_space<vmem>>, vector<1x16xf32>,
        } {sc.loop_unroll_factor = 2 : i64, sc.parallel_access}
        %dma_start3A_134 = arith.constant 1 : i32
        %dma_start3A_135 = arith.constant 0 : i32
        %dma_start3A_136 = tpu.memref_slice %arg6[%dma_start3A_134, %dma_start3A_135] : memref<2x512xi32, #tpu.memory_space<vmem>> -> memref<1x512xi32, #tpu.memory_space<vmem>>
        %dma_start3A_137 = tpu.memref_squeeze %dma_start3A_136 : memref<1x512xi32, #tpu.memory_space<vmem>> -> memref<512xi32, #tpu.memory_space<vmem>>
        %dma_start3A_138 = arith.constant 0 : i32
        %dma_start3A_139 = arith.constant 0 : i32
        %dma_start3A_140 = tpu.memref_slice %arg28[%dma_start3A_138, %dma_start3A_139] : memref<16384x16xf32, #tpu.memory_space<vmem_shared>> -> memref<16384x16xf32, #tpu.memory_space<vmem_shared>>
        tpu.enqueue_indirect_dma source(%arg16 : memref<512x16xf32, #tpu.memory_space<vmem>>) target(%dma_start3A_140 : memref<16384x16xf32, #tpu.memory_space<vmem_shared>>) offsets(%dma_start3A_137 : memref<512xi32, #tpu.memory_space<vmem>>) semaphore(%arg31 : memref<!tpu.dma_semaphore, #tpu.memory_space<semaphore_mem>>) {add = true}
        %mul3A_141 = arith.constant 5 : i32
        %mul3A_142 = arith.muli %mul3A_141, %scan3A_105 : i32
        %add3A_143 = arith.constant 1 : i32
        %add3A_144 = arith.addi %mul3A_142, %add3A_143 : i32
        %ge3A_145 = arith.constant 2 : i32
        %ge3A_146 = arith.cmpi sge, %add3A_144, %ge3A_145 : i32
        %convert_element_type3A_147 = arith.extui %ge3A_146 : i1 to i32
        %cond3A_148 = arith.constant 0 : i32
        %cond3A_149 = arith.cmpi ne, %convert_element_type3A_147, %cond3A_148 : i32
        scf.if %cond3A_149 {
          %dma_wait3A_301 = arith.constant 1 : i32
          %dma_wait3A_302 = arith.constant 0 : i32
          %dma_wait3A_303 = tpu.memref_slice %arg10[%dma_wait3A_301, %dma_wait3A_302] : memref<2x512xi32, #tpu.memory_space<vmem>> -> memref<1x512xi32, #tpu.memory_space<vmem>>
          %dma_wait3A_304 = tpu.memref_squeeze %dma_wait3A_303 : memref<1x512xi32, #tpu.memory_space<vmem>> -> memref<512xi32, #tpu.memory_space<vmem>>
          %dma_wait3A_305 = arith.constant 0 : i32
          %dma_wait3A_306 = arith.constant 0 : i32
          %dma_wait3A_307 = tpu.memref_slice %arg28[%dma_wait3A_305, %dma_wait3A_306] : memref<16384x16xf32, #tpu.memory_space<vmem_shared>> -> memref<16384x16xf32, #tpu.memory_space<vmem_shared>>
          tpu.wait_indirect_dma semaphore(%arg31 : memref<!tpu.dma_semaphore, #tpu.memory_space<semaphore_mem>>) src(%arg20 : memref<512x16xf32, #tpu.memory_space<vmem>>) dst(%dma_wait3A_307 : memref<16384x16xf32, #tpu.memory_space<vmem_shared>>)
        } else {
        }
        %add3A_150 = arith.constant 2 : i32
        %add3A_151 = arith.addi %add3A_144, %add3A_150 : i32
        %lt3A_152 = arith.constant 85 : i32
        %lt3A_153 = arith.cmpi slt, %add3A_151, %lt3A_152 : i32
        %convert_element_type3A_154 = arith.extui %lt3A_153 : i1 to i32
        %cond3A_155 = arith.constant 0 : i32
        %cond3A_156 = arith.cmpi ne, %convert_element_type3A_154, %cond3A_155 : i32
        scf.if %cond3A_156 {
          %add3A_301 = arith.constant 2 : i32
          %add3A_302 = arith.addi %add3A_144, %add3A_301 : i32
          %mul3A_303 = arith.constant 85 : i32
          %mul3A_304 = arith.muli %arg1, %mul3A_303 : i32
          %add3A_305 = arith.addi %mul3A_304, %add3A_302 : i32
          %dma_start3A_306 = arith.constant 0 : i32
          %dma_start3A_307 = arith.constant 0 : i32
          %dma_start3A_308 = tpu.memref_slice %arg3[%add3A_305, %dma_start3A_306, %dma_start3A_307] : memref<1360x2x512xi32, #tpu.memory_space<hbm>> -> memref<1x2x512xi32, #tpu.memory_space<hbm>>
          %dma_start3A_309 = tpu.memref_squeeze %dma_start3A_308 : memref<1x2x512xi32, #tpu.memory_space<hbm>> -> memref<2x512xi32, #tpu.memory_space<hbm>>
          %dma_start3A_310 = arith.constant 0 : i32
          %dma_start3A_311 = arith.constant 0 : i32
          %dma_start3A_312 = tpu.memref_slice %arg3[%add3A_305, %dma_start3A_310, %dma_start3A_311] : memref<1360x2x512xi32, #tpu.memory_space<hbm>> -> memref<1x2x512xi32, #tpu.memory_space<hbm>>
          %dma_start3A_313 = tpu.memref_squeeze %dma_start3A_312 : memref<1x2x512xi32, #tpu.memory_space<hbm>> -> memref<2x512xi32, #tpu.memory_space<hbm>>
          tpu.enqueue_dma source(%dma_start3A_313 : memref<2x512xi32, #tpu.memory_space<hbm>>) target(%arg9 : memref<2x512xi32, #tpu.memory_space<vmem>>) target_semaphore(%arg29 : memref<!tpu.dma_semaphore, #tpu.memory_space<semaphore_mem>>)
          %mul3A_314 = arith.constant 43520 : i32
          %mul3A_315 = arith.muli %arg1, %mul3A_314 : i32
          %mul3A_316 = arith.constant 512 : i32
          %mul3A_317 = arith.muli %add3A_302, %mul3A_316 : i32
          %add3A_318 = arith.addi %mul3A_315, %mul3A_317 : i32
          %dma_start3A_319 = tpu.memref_slice %arg4[%add3A_318] : memref<696320xf32, #tpu.memory_space<hbm>> -> memref<512xf32, #tpu.memory_space<hbm>>
          %dma_start3A_320 = tpu.memref_slice %arg4[%add3A_318] : memref<696320xf32, #tpu.memory_space<hbm>> -> memref<512xf32, #tpu.memory_space<hbm>>
          tpu.enqueue_dma source(%dma_start3A_320 : memref<512xf32, #tpu.memory_space<hbm>>) target(%arg14 : memref<512xf32, #tpu.memory_space<vmem>>) target_semaphore(%arg29 : memref<!tpu.dma_semaphore, #tpu.memory_space<semaphore_mem>>)
        } else {
        }
        %add3A_157 = arith.constant 1 : i32
        %add3A_158 = arith.addi %add3A_144, %add3A_157 : i32
        %lt3A_159 = arith.constant 85 : i32
        %lt3A_160 = arith.cmpi slt, %add3A_158, %lt3A_159 : i32
        %convert_element_type3A_161 = arith.extui %lt3A_160 : i1 to i32
        %cond3A_162 = arith.constant 0 : i32
        %cond3A_163 = arith.cmpi ne, %convert_element_type3A_161, %cond3A_162 : i32
        scf.if %cond3A_163 {
          %dma_wait3A_301 = arith.constant 0 : i32
          %dma_wait3A_302 = arith.constant 0 : i32
          %dma_wait3A_303 = arith.constant 0 : i32
          %dma_wait3A_304 = tpu.memref_slice %arg3[%dma_wait3A_301, %dma_wait3A_302, %dma_wait3A_303] : memref<1360x2x512xi32, #tpu.memory_space<hbm>> -> memref<1x2x512xi32, #tpu.memory_space<hbm>>
          %dma_wait3A_305 = tpu.memref_squeeze %dma_wait3A_304 : memref<1x2x512xi32, #tpu.memory_space<hbm>> -> memref<2x512xi32, #tpu.memory_space<hbm>>
          %dma_wait3A_306 = arith.constant 0 : i32
          %dma_wait3A_307 = arith.constant 0 : i32
          %dma_wait3A_308 = tpu.memref_slice %arg3[%dma_wait3A_301, %dma_wait3A_306, %dma_wait3A_307] : memref<1360x2x512xi32, #tpu.memory_space<hbm>> -> memref<1x2x512xi32, #tpu.memory_space<hbm>>
          %dma_wait3A_309 = tpu.memref_squeeze %dma_wait3A_308 : memref<1x2x512xi32, #tpu.memory_space<hbm>> -> memref<2x512xi32, #tpu.memory_space<hbm>>
          tpu.wait_dma2 semaphore(%arg29 : memref<!tpu.dma_semaphore, #tpu.memory_space<semaphore_mem>>) src(%dma_wait3A_309 : memref<2x512xi32, #tpu.memory_space<hbm>>) dst(%arg8 : memref<2x512xi32, #tpu.memory_space<vmem>>)
          %dma_wait3A_310 = arith.constant 0 : i32
          %dma_wait3A_311 = tpu.memref_slice %arg4[%dma_wait3A_310] : memref<696320xf32, #tpu.memory_space<hbm>> -> memref<512xf32, #tpu.memory_space<hbm>>
          %dma_wait3A_312 = arith.constant 0 : i32
          %dma_wait3A_313 = tpu.memref_slice %arg4[%dma_wait3A_312] : memref<696320xf32, #tpu.memory_space<hbm>> -> memref<512xf32, #tpu.memory_space<hbm>>
          tpu.wait_dma2 semaphore(%arg29 : memref<!tpu.dma_semaphore, #tpu.memory_space<semaphore_mem>>) src(%dma_wait3A_313 : memref<512xf32, #tpu.memory_space<hbm>>) dst(%arg13 : memref<512xf32, #tpu.memory_space<vmem>>)
          %dma_start3A_314 = arith.constant 0 : i32
          %dma_start3A_315 = arith.constant 0 : i32
          %dma_start3A_316 = tpu.memref_slice %arg8[%dma_start3A_314, %dma_start3A_315] : memref<2x512xi32, #tpu.memory_space<vmem>> -> memref<1x512xi32, #tpu.memory_space<vmem>>
          %dma_start3A_317 = tpu.memref_squeeze %dma_start3A_316 : memref<1x512xi32, #tpu.memory_space<vmem>> -> memref<512xi32, #tpu.memory_space<vmem>>
          %dma_start3A_318 = arith.constant 0 : i32
          %dma_start3A_319 = arith.constant 0 : i32
          %dma_start3A_320 = tpu.memref_slice %arg27[%dma_start3A_318, %dma_start3A_319] : memref<4096x16xf32, #tpu.memory_space<vmem_shared>> -> memref<4096x16xf32, #tpu.memory_space<vmem_shared>>
          tpu.enqueue_indirect_dma source(%dma_start3A_320 : memref<4096x16xf32, #tpu.memory_space<vmem_shared>>) target(%arg18 : memref<512x16xf32, #tpu.memory_space<vmem>>) offsets(%dma_start3A_317 : memref<512xi32, #tpu.memory_space<vmem>>) semaphore(%arg30 : memref<!tpu.dma_semaphore, #tpu.memory_space<semaphore_mem>>)
        } else {
        }
        %dma_wait3A_164 = arith.constant 0 : i32
        %dma_wait3A_165 = arith.constant 0 : i32
        %dma_wait3A_166 = tpu.memref_slice %arg7[%dma_wait3A_164, %dma_wait3A_165] : memref<2x512xi32, #tpu.memory_space<vmem>> -> memref<1x512xi32, #tpu.memory_space<vmem>>
        %dma_wait3A_167 = tpu.memref_squeeze %dma_wait3A_166 : memref<1x512xi32, #tpu.memory_space<vmem>> -> memref<512xi32, #tpu.memory_space<vmem>>
        %dma_wait3A_168 = arith.constant 0 : i32
        %dma_wait3A_169 = arith.constant 0 : i32
        %dma_wait3A_170 = tpu.memref_slice %arg27[%dma_wait3A_168, %dma_wait3A_169] : memref<4096x16xf32, #tpu.memory_space<vmem_shared>> -> memref<4096x16xf32, #tpu.memory_space<vmem_shared>>
        tpu.wait_indirect_dma semaphore(%arg30 : memref<!tpu.dma_semaphore, #tpu.memory_space<semaphore_mem>>) src(%dma_wait3A_170 : memref<4096x16xf32, #tpu.memory_space<vmem_shared>>) dst(%arg17 : memref<512x16xf32, #tpu.memory_space<vmem>>)
        %parallel_loop3A_171 = arith.constant 0 : i32
        %parallel_loop3A_172 = arith.constant 32 : i32
        %parallel_loop3A_173 = arith.constant 1 : i32
        scf.for %parallel_loop3A_301 = %parallel_loop3A_171 to %parallel_loop3A_172 step %parallel_loop3A_173  : i32 {
          %parallel_loop3A_302 = arith.constant 16 : i32
          %parallel_loop3A_303 = arith.muli %parallel_loop3A_301, %parallel_loop3A_302 : i32
          %parallel_loop3A_304 = arith.index_cast %parallel_loop3A_303 : i32 to index
          %parallel_loop3A_305 = tpu.vector_load %arg12[%parallel_loop3A_304] {strides = array<i32>} : memref<512xf32, #tpu.memory_space<vmem>>, vector<16xf32>,
          %parallel_loop3A_306 = vector.shape_cast %parallel_loop3A_305 : vector<16xf32> to vector<16xf32>
          %parallel_loop3A_307 = arith.constant 16 : i32
          %parallel_loop3A_308 = arith.muli %parallel_loop3A_301, %parallel_loop3A_307 : i32
          %parallel_loop3A_309 = arith.constant 0 : i32
          %parallel_loop3A_310 = arith.addi %parallel_loop3A_308, %parallel_loop3A_309 : i32
          %parallel_loop3A_311 = arith.index_cast %parallel_loop3A_310 : i32 to index
          %parallel_loop3A_312 = arith.constant 0 : index
          %parallel_loop3A_313 = tpu.vector_load %arg17[%parallel_loop3A_311, %parallel_loop3A_312] {strides = array<i32>} : memref<512x16xf32, #tpu.memory_space<vmem>>, vector<1x16xf32>,
          %parallel_loop3A_314 = vector.shape_cast %parallel_loop3A_313 : vector<1x16xf32> to vector<16xf32>
          %parallel_loop3A_315 = arith.constant 0 : i32
          %parallel_loop3A_316 = vector.broadcast %parallel_loop3A_315 : i32 to vector<16x1xi32>
          %parallel_loop3A_317 = vector.shape_cast %parallel_loop3A_316 : vector<16x1xi32> to vector<16xi32>
          %parallel_loop3A_318 = tpu.dynamic_gather %parallel_loop3A_306[%parallel_loop3A_317] in [0] : vector<16xf32>, vector<16xi32> -> vector<16xf32>
          %parallel_loop3A_319 = arith.mulf %parallel_loop3A_314, %parallel_loop3A_318 : vector<16xf32>
          %parallel_loop3A_320 = arith.constant 0 : i32
          %parallel_loop3A_321 = arith.addi %parallel_loop3A_308, %parallel_loop3A_320 : i32
          %parallel_loop3A_322 = arith.index_cast %parallel_loop3A_321 : i32 to index
          %parallel_loop3A_323 = arith.constant 0 : index
          %parallel_loop3A_324 = tpu.vector_load %arg17[%parallel_loop3A_322, %parallel_loop3A_323] {strides = array<i32>} : memref<512x16xf32, #tpu.memory_space<vmem>>, vector<1x16xf32>,
          %parallel_loop3A_325 = vector.shape_cast %parallel_loop3A_324 : vector<1x16xf32> to vector<16xf32>
          %parallel_loop3A_326 = vector.shape_cast %parallel_loop3A_319 : vector<16xf32> to vector<1x16xf32>
          tpu.vector_store %arg17[%parallel_loop3A_322, %parallel_loop3A_323], %parallel_loop3A_326 {strides = array<i32>} : memref<512x16xf32, #tpu.memory_space<vmem>>, vector<1x16xf32>,
          %parallel_loop3A_327 = arith.constant 1 : i32
          %parallel_loop3A_328 = arith.addi %parallel_loop3A_308, %parallel_loop3A_327 : i32
          %parallel_loop3A_329 = arith.index_cast %parallel_loop3A_328 : i32 to index
          %parallel_loop3A_330 = arith.constant 0 : index
          %parallel_loop3A_331 = tpu.vector_load %arg17[%parallel_loop3A_329, %parallel_loop3A_330] {strides = array<i32>} : memref<512x16xf32, #tpu.memory_space<vmem>>, vector<1x16xf32>,
          %parallel_loop3A_332 = vector.shape_cast %parallel_loop3A_331 : vector<1x16xf32> to vector<16xf32>
          %parallel_loop3A_333 = arith.constant 1 : i32
          %parallel_loop3A_334 = vector.broadcast %parallel_loop3A_333 : i32 to vector<16x1xi32>
          %parallel_loop3A_335 = vector.shape_cast %parallel_loop3A_334 : vector<16x1xi32> to vector<16xi32>
          %parallel_loop3A_336 = tpu.dynamic_gather %parallel_loop3A_306[%parallel_loop3A_335] in [0] : vector<16xf32>, vector<16xi32> -> vector<16xf32>
          %parallel_loop3A_337 = arith.mulf %parallel_loop3A_332, %parallel_loop3A_336 : vector<16xf32>
          %parallel_loop3A_338 = arith.constant 1 : i32
          %parallel_loop3A_339 = arith.addi %parallel_loop3A_308, %parallel_loop3A_338 : i32
          %parallel_loop3A_340 = arith.index_cast %parallel_loop3A_339 : i32 to index
          %parallel_loop3A_341 = arith.constant 0 : index
          %parallel_loop3A_342 = tpu.vector_load %arg17[%parallel_loop3A_340, %parallel_loop3A_341] {strides = array<i32>} : memref<512x16xf32, #tpu.memory_space<vmem>>, vector<1x16xf32>,
          %parallel_loop3A_343 = vector.shape_cast %parallel_loop3A_342 : vector<1x16xf32> to vector<16xf32>
          %parallel_loop3A_344 = vector.shape_cast %parallel_loop3A_337 : vector<16xf32> to vector<1x16xf32>
          tpu.vector_store %arg17[%parallel_loop3A_340, %parallel_loop3A_341], %parallel_loop3A_344 {strides = array<i32>} : memref<512x16xf32, #tpu.memory_space<vmem>>, vector<1x16xf32>,
          %parallel_loop3A_345 = arith.constant 2 : i32
          %parallel_loop3A_346 = arith.addi %parallel_loop3A_308, %parallel_loop3A_345 : i32
          %parallel_loop3A_347 = arith.index_cast %parallel_loop3A_346 : i32 to index
          %parallel_loop3A_348 = arith.constant 0 : index
          %parallel_loop3A_349 = tpu.vector_load %arg17[%parallel_loop3A_347, %parallel_loop3A_348] {strides = array<i32>} : memref<512x16xf32, #tpu.memory_space<vmem>>, vector<1x16xf32>,
          %parallel_loop3A_350 = vector.shape_cast %parallel_loop3A_349 : vector<1x16xf32> to vector<16xf32>
          %parallel_loop3A_351 = arith.constant 2 : i32
          %parallel_loop3A_352 = vector.broadcast %parallel_loop3A_351 : i32 to vector<16x1xi32>
          %parallel_loop3A_353 = vector.shape_cast %parallel_loop3A_352 : vector<16x1xi32> to vector<16xi32>
          %parallel_loop3A_354 = tpu.dynamic_gather %parallel_loop3A_306[%parallel_loop3A_353] in [0] : vector<16xf32>, vector<16xi32> -> vector<16xf32>
          %parallel_loop3A_355 = arith.mulf %parallel_loop3A_350, %parallel_loop3A_354 : vector<16xf32>
          %parallel_loop3A_356 = arith.constant 2 : i32
          %parallel_loop3A_357 = arith.addi %parallel_loop3A_308, %parallel_loop3A_356 : i32
          %parallel_loop3A_358 = arith.index_cast %parallel_loop3A_357 : i32 to index
          %parallel_loop3A_359 = arith.constant 0 : index
          %parallel_loop3A_360 = tpu.vector_load %arg17[%parallel_loop3A_358, %parallel_loop3A_359] {strides = array<i32>} : memref<512x16xf32, #tpu.memory_space<vmem>>, vector<1x16xf32>,
          %parallel_loop3A_361 = vector.shape_cast %parallel_loop3A_360 : vector<1x16xf32> to vector<16xf32>
          %parallel_loop3A_362 = vector.shape_cast %parallel_loop3A_355 : vector<16xf32> to vector<1x16xf32>
          tpu.vector_store %arg17[%parallel_loop3A_358, %parallel_loop3A_359], %parallel_loop3A_362 {strides = array<i32>} : memref<512x16xf32, #tpu.memory_space<vmem>>, vector<1x16xf32>,
          %parallel_loop3A_363 = arith.constant 3 : i32
          %parallel_loop3A_364 = arith.addi %parallel_loop3A_308, %parallel_loop3A_363 : i32
          %parallel_loop3A_365 = arith.index_cast %parallel_loop3A_364 : i32 to index
          %parallel_loop3A_366 = arith.constant 0 : index
          %parallel_loop3A_367 = tpu.vector_load %arg17[%parallel_loop3A_365, %parallel_loop3A_366] {strides = array<i32>} : memref<512x16xf32, #tpu.memory_space<vmem>>, vector<1x16xf32>,
          %parallel_loop3A_368 = vector.shape_cast %parallel_loop3A_367 : vector<1x16xf32> to vector<16xf32>
          %parallel_loop3A_369 = arith.constant 3 : i32
          %parallel_loop3A_370 = vector.broadcast %parallel_loop3A_369 : i32 to vector<16x1xi32>
          %parallel_loop3A_371 = vector.shape_cast %parallel_loop3A_370 : vector<16x1xi32> to vector<16xi32>
          %parallel_loop3A_372 = tpu.dynamic_gather %parallel_loop3A_306[%parallel_loop3A_371] in [0] : vector<16xf32>, vector<16xi32> -> vector<16xf32>
          %parallel_loop3A_373 = arith.mulf %parallel_loop3A_368, %parallel_loop3A_372 : vector<16xf32>
          %parallel_loop3A_374 = arith.constant 3 : i32
          %parallel_loop3A_375 = arith.addi %parallel_loop3A_308, %parallel_loop3A_374 : i32
          %parallel_loop3A_376 = arith.index_cast %parallel_loop3A_375 : i32 to index
          %parallel_loop3A_377 = arith.constant 0 : index
          %parallel_loop3A_378 = tpu.vector_load %arg17[%parallel_loop3A_376, %parallel_loop3A_377] {strides = array<i32>} : memref<512x16xf32, #tpu.memory_space<vmem>>, vector<1x16xf32>,
          %parallel_loop3A_379 = vector.shape_cast %parallel_loop3A_378 : vector<1x16xf32> to vector<16xf32>
          %parallel_loop3A_380 = vector.shape_cast %parallel_loop3A_373 : vector<16xf32> to vector<1x16xf32>
          tpu.vector_store %arg17[%parallel_loop3A_376, %parallel_loop3A_377], %parallel_loop3A_380 {strides = array<i32>} : memref<512x16xf32, #tpu.memory_space<vmem>>, vector<1x16xf32>,
          %parallel_loop3A_381 = arith.constant 4 : i32
          %parallel_loop3A_382 = arith.addi %parallel_loop3A_308, %parallel_loop3A_381 : i32
          %parallel_loop3A_383 = arith.index_cast %parallel_loop3A_382 : i32 to index
          %parallel_loop3A_384 = arith.constant 0 : index
          %parallel_loop3A_385 = tpu.vector_load %arg17[%parallel_loop3A_383, %parallel_loop3A_384] {strides = array<i32>} : memref<512x16xf32, #tpu.memory_space<vmem>>, vector<1x16xf32>,
          %parallel_loop3A_386 = vector.shape_cast %parallel_loop3A_385 : vector<1x16xf32> to vector<16xf32>
          %parallel_loop3A_387 = arith.constant 4 : i32
          %parallel_loop3A_388 = vector.broadcast %parallel_loop3A_387 : i32 to vector<16x1xi32>
          %parallel_loop3A_389 = vector.shape_cast %parallel_loop3A_388 : vector<16x1xi32> to vector<16xi32>
          %parallel_loop3A_390 = tpu.dynamic_gather %parallel_loop3A_306[%parallel_loop3A_389] in [0] : vector<16xf32>, vector<16xi32> -> vector<16xf32>
          %parallel_loop3A_391 = arith.mulf %parallel_loop3A_386, %parallel_loop3A_390 : vector<16xf32>
          %parallel_loop3A_392 = arith.constant 4 : i32
          %parallel_loop3A_393 = arith.addi %parallel_loop3A_308, %parallel_loop3A_392 : i32
          %parallel_loop3A_394 = arith.index_cast %parallel_loop3A_393 : i32 to index
          %parallel_loop3A_395 = arith.constant 0 : index
          %parallel_loop3A_396 = tpu.vector_load %arg17[%parallel_loop3A_394, %parallel_loop3A_395] {strides = array<i32>} : memref<512x16xf32, #tpu.memory_space<vmem>>, vector<1x16xf32>,
          %parallel_loop3A_397 = vector.shape_cast %parallel_loop3A_396 : vector<1x16xf32> to vector<16xf32>
          %parallel_loop3A_398 = vector.shape_cast %parallel_loop3A_391 : vector<16xf32> to vector<1x16xf32>
          tpu.vector_store %arg17[%parallel_loop3A_394, %parallel_loop3A_395], %parallel_loop3A_398 {strides = array<i32>} : memref<512x16xf32, #tpu.memory_space<vmem>>, vector<1x16xf32>,
          %parallel_loop3A_399 = arith.constant 5 : i32
          %parallel_loop3A_400 = arith.addi %parallel_loop3A_308, %parallel_loop3A_399 : i32
          %parallel_loop3A_401 = arith.index_cast %parallel_loop3A_400 : i32 to index
          %parallel_loop3A_402 = arith.constant 0 : index
          %parallel_loop3A_403 = tpu.vector_load %arg17[%parallel_loop3A_401, %parallel_loop3A_402] {strides = array<i32>} : memref<512x16xf32, #tpu.memory_space<vmem>>, vector<1x16xf32>,
          %parallel_loop3A_404 = vector.shape_cast %parallel_loop3A_403 : vector<1x16xf32> to vector<16xf32>
          %parallel_loop3A_405 = arith.constant 5 : i32
          %parallel_loop3A_406 = vector.broadcast %parallel_loop3A_405 : i32 to vector<16x1xi32>
          %parallel_loop3A_407 = vector.shape_cast %parallel_loop3A_406 : vector<16x1xi32> to vector<16xi32>
          %parallel_loop3A_408 = tpu.dynamic_gather %parallel_loop3A_306[%parallel_loop3A_407] in [0] : vector<16xf32>, vector<16xi32> -> vector<16xf32>
          %parallel_loop3A_409 = arith.mulf %parallel_loop3A_404, %parallel_loop3A_408 : vector<16xf32>
          %parallel_loop3A_410 = arith.constant 5 : i32
          %parallel_loop3A_411 = arith.addi %parallel_loop3A_308, %parallel_loop3A_410 : i32
          %parallel_loop3A_412 = arith.index_cast %parallel_loop3A_411 : i32 to index
          %parallel_loop3A_413 = arith.constant 0 : index
          %parallel_loop3A_414 = tpu.vector_load %arg17[%parallel_loop3A_412, %parallel_loop3A_413] {strides = array<i32>} : memref<512x16xf32, #tpu.memory_space<vmem>>, vector<1x16xf32>,
          %parallel_loop3A_415 = vector.shape_cast %parallel_loop3A_414 : vector<1x16xf32> to vector<16xf32>
          %parallel_loop3A_416 = vector.shape_cast %parallel_loop3A_409 : vector<16xf32> to vector<1x16xf32>
          tpu.vector_store %arg17[%parallel_loop3A_412, %parallel_loop3A_413], %parallel_loop3A_416 {strides = array<i32>} : memref<512x16xf32, #tpu.memory_space<vmem>>, vector<1x16xf32>,
          %parallel_loop3A_417 = arith.constant 6 : i32
          %parallel_loop3A_418 = arith.addi %parallel_loop3A_308, %parallel_loop3A_417 : i32
          %parallel_loop3A_419 = arith.index_cast %parallel_loop3A_418 : i32 to index
          %parallel_loop3A_420 = arith.constant 0 : index
          %parallel_loop3A_421 = tpu.vector_load %arg17[%parallel_loop3A_419, %parallel_loop3A_420] {strides = array<i32>} : memref<512x16xf32, #tpu.memory_space<vmem>>, vector<1x16xf32>,
          %parallel_loop3A_422 = vector.shape_cast %parallel_loop3A_421 : vector<1x16xf32> to vector<16xf32>
          %parallel_loop3A_423 = arith.constant 6 : i32
          %parallel_loop3A_424 = vector.broadcast %parallel_loop3A_423 : i32 to vector<16x1xi32>
          %parallel_loop3A_425 = vector.shape_cast %parallel_loop3A_424 : vector<16x1xi32> to vector<16xi32>
          %parallel_loop3A_426 = tpu.dynamic_gather %parallel_loop3A_306[%parallel_loop3A_425] in [0] : vector<16xf32>, vector<16xi32> -> vector<16xf32>
          %parallel_loop3A_427 = arith.mulf %parallel_loop3A_422, %parallel_loop3A_426 : vector<16xf32>
          %parallel_loop3A_428 = arith.constant 6 : i32
          %parallel_loop3A_429 = arith.addi %parallel_loop3A_308, %parallel_loop3A_428 : i32
          %parallel_loop3A_430 = arith.index_cast %parallel_loop3A_429 : i32 to index
          %parallel_loop3A_431 = arith.constant 0 : index
          %parallel_loop3A_432 = tpu.vector_load %arg17[%parallel_loop3A_430, %parallel_loop3A_431] {strides = array<i32>} : memref<512x16xf32, #tpu.memory_space<vmem>>, vector<1x16xf32>,
          %parallel_loop3A_433 = vector.shape_cast %parallel_loop3A_432 : vector<1x16xf32> to vector<16xf32>
          %parallel_loop3A_434 = vector.shape_cast %parallel_loop3A_427 : vector<16xf32> to vector<1x16xf32>
          tpu.vector_store %arg17[%parallel_loop3A_430, %parallel_loop3A_431], %parallel_loop3A_434 {strides = array<i32>} : memref<512x16xf32, #tpu.memory_space<vmem>>, vector<1x16xf32>,
          %parallel_loop3A_435 = arith.constant 7 : i32
          %parallel_loop3A_436 = arith.addi %parallel_loop3A_308, %parallel_loop3A_435 : i32
          %parallel_loop3A_437 = arith.index_cast %parallel_loop3A_436 : i32 to index
          %parallel_loop3A_438 = arith.constant 0 : index
          %parallel_loop3A_439 = tpu.vector_load %arg17[%parallel_loop3A_437, %parallel_loop3A_438] {strides = array<i32>} : memref<512x16xf32, #tpu.memory_space<vmem>>, vector<1x16xf32>,
          %parallel_loop3A_440 = vector.shape_cast %parallel_loop3A_439 : vector<1x16xf32> to vector<16xf32>
          %parallel_loop3A_441 = arith.constant 7 : i32
          %parallel_loop3A_442 = vector.broadcast %parallel_loop3A_441 : i32 to vector<16x1xi32>
          %parallel_loop3A_443 = vector.shape_cast %parallel_loop3A_442 : vector<16x1xi32> to vector<16xi32>
          %parallel_loop3A_444 = tpu.dynamic_gather %parallel_loop3A_306[%parallel_loop3A_443] in [0] : vector<16xf32>, vector<16xi32> -> vector<16xf32>
          %parallel_loop3A_445 = arith.mulf %parallel_loop3A_440, %parallel_loop3A_444 : vector<16xf32>
          %parallel_loop3A_446 = arith.constant 7 : i32
          %parallel_loop3A_447 = arith.addi %parallel_loop3A_308, %parallel_loop3A_446 : i32
          %parallel_loop3A_448 = arith.index_cast %parallel_loop3A_447 : i32 to index
          %parallel_loop3A_449 = arith.constant 0 : index
          %parallel_loop3A_450 = tpu.vector_load %arg17[%parallel_loop3A_448, %parallel_loop3A_449] {strides = array<i32>} : memref<512x16xf32, #tpu.memory_space<vmem>>, vector<1x16xf32>,
          %parallel_loop3A_451 = vector.shape_cast %parallel_loop3A_450 : vector<1x16xf32> to vector<16xf32>
          %parallel_loop3A_452 = vector.shape_cast %parallel_loop3A_445 : vector<16xf32> to vector<1x16xf32>
          tpu.vector_store %arg17[%parallel_loop3A_448, %parallel_loop3A_449], %parallel_loop3A_452 {strides = array<i32>} : memref<512x16xf32, #tpu.memory_space<vmem>>, vector<1x16xf32>,
          %parallel_loop3A_453 = arith.constant 8 : i32
          %parallel_loop3A_454 = arith.addi %parallel_loop3A_308, %parallel_loop3A_453 : i32
          %parallel_loop3A_455 = arith.index_cast %parallel_loop3A_454 : i32 to index
          %parallel_loop3A_456 = arith.constant 0 : index
          %parallel_loop3A_457 = tpu.vector_load %arg17[%parallel_loop3A_455, %parallel_loop3A_456] {strides = array<i32>} : memref<512x16xf32, #tpu.memory_space<vmem>>, vector<1x16xf32>,
          %parallel_loop3A_458 = vector.shape_cast %parallel_loop3A_457 : vector<1x16xf32> to vector<16xf32>
          %parallel_loop3A_459 = arith.constant 8 : i32
          %parallel_loop3A_460 = vector.broadcast %parallel_loop3A_459 : i32 to vector<16x1xi32>
          %parallel_loop3A_461 = vector.shape_cast %parallel_loop3A_460 : vector<16x1xi32> to vector<16xi32>
          %parallel_loop3A_462 = tpu.dynamic_gather %parallel_loop3A_306[%parallel_loop3A_461] in [0] : vector<16xf32>, vector<16xi32> -> vector<16xf32>
          %parallel_loop3A_463 = arith.mulf %parallel_loop3A_458, %parallel_loop3A_462 : vector<16xf32>
          %parallel_loop3A_464 = arith.constant 8 : i32
          %parallel_loop3A_465 = arith.addi %parallel_loop3A_308, %parallel_loop3A_464 : i32
          %parallel_loop3A_466 = arith.index_cast %parallel_loop3A_465 : i32 to index
          %parallel_loop3A_467 = arith.constant 0 : index
          %parallel_loop3A_468 = tpu.vector_load %arg17[%parallel_loop3A_466, %parallel_loop3A_467] {strides = array<i32>} : memref<512x16xf32, #tpu.memory_space<vmem>>, vector<1x16xf32>,
          %parallel_loop3A_469 = vector.shape_cast %parallel_loop3A_468 : vector<1x16xf32> to vector<16xf32>
          %parallel_loop3A_470 = vector.shape_cast %parallel_loop3A_463 : vector<16xf32> to vector<1x16xf32>
          tpu.vector_store %arg17[%parallel_loop3A_466, %parallel_loop3A_467], %parallel_loop3A_470 {strides = array<i32>} : memref<512x16xf32, #tpu.memory_space<vmem>>, vector<1x16xf32>,
          %parallel_loop3A_471 = arith.constant 9 : i32
          %parallel_loop3A_472 = arith.addi %parallel_loop3A_308, %parallel_loop3A_471 : i32
          %parallel_loop3A_473 = arith.index_cast %parallel_loop3A_472 : i32 to index
          %parallel_loop3A_474 = arith.constant 0 : index
          %parallel_loop3A_475 = tpu.vector_load %arg17[%parallel_loop3A_473, %parallel_loop3A_474] {strides = array<i32>} : memref<512x16xf32, #tpu.memory_space<vmem>>, vector<1x16xf32>,
          %parallel_loop3A_476 = vector.shape_cast %parallel_loop3A_475 : vector<1x16xf32> to vector<16xf32>
          %parallel_loop3A_477 = arith.constant 9 : i32
          %parallel_loop3A_478 = vector.broadcast %parallel_loop3A_477 : i32 to vector<16x1xi32>
          %parallel_loop3A_479 = vector.shape_cast %parallel_loop3A_478 : vector<16x1xi32> to vector<16xi32>
          %parallel_loop3A_480 = tpu.dynamic_gather %parallel_loop3A_306[%parallel_loop3A_479] in [0] : vector<16xf32>, vector<16xi32> -> vector<16xf32>
          %parallel_loop3A_481 = arith.mulf %parallel_loop3A_476, %parallel_loop3A_480 : vector<16xf32>
          %parallel_loop3A_482 = arith.constant 9 : i32
          %parallel_loop3A_483 = arith.addi %parallel_loop3A_308, %parallel_loop3A_482 : i32
          %parallel_loop3A_484 = arith.index_cast %parallel_loop3A_483 : i32 to index
          %parallel_loop3A_485 = arith.constant 0 : index
          %parallel_loop3A_486 = tpu.vector_load %arg17[%parallel_loop3A_484, %parallel_loop3A_485] {strides = array<i32>} : memref<512x16xf32, #tpu.memory_space<vmem>>, vector<1x16xf32>,
          %parallel_loop3A_487 = vector.shape_cast %parallel_loop3A_486 : vector<1x16xf32> to vector<16xf32>
          %parallel_loop3A_488 = vector.shape_cast %parallel_loop3A_481 : vector<16xf32> to vector<1x16xf32>
          tpu.vector_store %arg17[%parallel_loop3A_484, %parallel_loop3A_485], %parallel_loop3A_488 {strides = array<i32>} : memref<512x16xf32, #tpu.memory_space<vmem>>, vector<1x16xf32>,
          %parallel_loop3A_489 = arith.constant 10 : i32
          %parallel_loop3A_490 = arith.addi %parallel_loop3A_308, %parallel_loop3A_489 : i32
          %parallel_loop3A_491 = arith.index_cast %parallel_loop3A_490 : i32 to index
          %parallel_loop3A_492 = arith.constant 0 : index
          %parallel_loop3A_493 = tpu.vector_load %arg17[%parallel_loop3A_491, %parallel_loop3A_492] {strides = array<i32>} : memref<512x16xf32, #tpu.memory_space<vmem>>, vector<1x16xf32>,
          %parallel_loop3A_494 = vector.shape_cast %parallel_loop3A_493 : vector<1x16xf32> to vector<16xf32>
          %parallel_loop3A_495 = arith.constant 10 : i32
          %parallel_loop3A_496 = vector.broadcast %parallel_loop3A_495 : i32 to vector<16x1xi32>
          %parallel_loop3A_497 = vector.shape_cast %parallel_loop3A_496 : vector<16x1xi32> to vector<16xi32>
          %parallel_loop3A_498 = tpu.dynamic_gather %parallel_loop3A_306[%parallel_loop3A_497] in [0] : vector<16xf32>, vector<16xi32> -> vector<16xf32>
          %parallel_loop3A_499 = arith.mulf %parallel_loop3A_494, %parallel_loop3A_498 : vector<16xf32>
          %parallel_loop3A_500 = arith.constant 10 : i32
          %parallel_loop3A_501 = arith.addi %parallel_loop3A_308, %parallel_loop3A_500 : i32
          %parallel_loop3A_502 = arith.index_cast %parallel_loop3A_501 : i32 to index
          %parallel_loop3A_503 = arith.constant 0 : index
          %parallel_loop3A_504 = tpu.vector_load %arg17[%parallel_loop3A_502, %parallel_loop3A_503] {strides = array<i32>} : memref<512x16xf32, #tpu.memory_space<vmem>>, vector<1x16xf32>,
          %parallel_loop3A_505 = vector.shape_cast %parallel_loop3A_504 : vector<1x16xf32> to vector<16xf32>
          %parallel_loop3A_506 = vector.shape_cast %parallel_loop3A_499 : vector<16xf32> to vector<1x16xf32>
          tpu.vector_store %arg17[%parallel_loop3A_502, %parallel_loop3A_503], %parallel_loop3A_506 {strides = array<i32>} : memref<512x16xf32, #tpu.memory_space<vmem>>, vector<1x16xf32>,
          %parallel_loop3A_507 = arith.constant 11 : i32
          %parallel_loop3A_508 = arith.addi %parallel_loop3A_308, %parallel_loop3A_507 : i32
          %parallel_loop3A_509 = arith.index_cast %parallel_loop3A_508 : i32 to index
          %parallel_loop3A_510 = arith.constant 0 : index
          %parallel_loop3A_511 = tpu.vector_load %arg17[%parallel_loop3A_509, %parallel_loop3A_510] {strides = array<i32>} : memref<512x16xf32, #tpu.memory_space<vmem>>, vector<1x16xf32>,
          %parallel_loop3A_512 = vector.shape_cast %parallel_loop3A_511 : vector<1x16xf32> to vector<16xf32>
          %parallel_loop3A_513 = arith.constant 11 : i32
          %parallel_loop3A_514 = vector.broadcast %parallel_loop3A_513 : i32 to vector<16x1xi32>
          %parallel_loop3A_515 = vector.shape_cast %parallel_loop3A_514 : vector<16x1xi32> to vector<16xi32>
          %parallel_loop3A_516 = tpu.dynamic_gather %parallel_loop3A_306[%parallel_loop3A_515] in [0] : vector<16xf32>, vector<16xi32> -> vector<16xf32>
          %parallel_loop3A_517 = arith.mulf %parallel_loop3A_512, %parallel_loop3A_516 : vector<16xf32>
          %parallel_loop3A_518 = arith.constant 11 : i32
          %parallel_loop3A_519 = arith.addi %parallel_loop3A_308, %parallel_loop3A_518 : i32
          %parallel_loop3A_520 = arith.index_cast %parallel_loop3A_519 : i32 to index
          %parallel_loop3A_521 = arith.constant 0 : index
          %parallel_loop3A_522 = tpu.vector_load %arg17[%parallel_loop3A_520, %parallel_loop3A_521] {strides = array<i32>} : memref<512x16xf32, #tpu.memory_space<vmem>>, vector<1x16xf32>,
          %parallel_loop3A_523 = vector.shape_cast %parallel_loop3A_522 : vector<1x16xf32> to vector<16xf32>
          %parallel_loop3A_524 = vector.shape_cast %parallel_loop3A_517 : vector<16xf32> to vector<1x16xf32>
          tpu.vector_store %arg17[%parallel_loop3A_520, %parallel_loop3A_521], %parallel_loop3A_524 {strides = array<i32>} : memref<512x16xf32, #tpu.memory_space<vmem>>, vector<1x16xf32>,
          %parallel_loop3A_525 = arith.constant 12 : i32
          %parallel_loop3A_526 = arith.addi %parallel_loop3A_308, %parallel_loop3A_525 : i32
          %parallel_loop3A_527 = arith.index_cast %parallel_loop3A_526 : i32 to index
          %parallel_loop3A_528 = arith.constant 0 : index
          %parallel_loop3A_529 = tpu.vector_load %arg17[%parallel_loop3A_527, %parallel_loop3A_528] {strides = array<i32>} : memref<512x16xf32, #tpu.memory_space<vmem>>, vector<1x16xf32>,
          %parallel_loop3A_530 = vector.shape_cast %parallel_loop3A_529 : vector<1x16xf32> to vector<16xf32>
          %parallel_loop3A_531 = arith.constant 12 : i32
          %parallel_loop3A_532 = vector.broadcast %parallel_loop3A_531 : i32 to vector<16x1xi32>
          %parallel_loop3A_533 = vector.shape_cast %parallel_loop3A_532 : vector<16x1xi32> to vector<16xi32>
          %parallel_loop3A_534 = tpu.dynamic_gather %parallel_loop3A_306[%parallel_loop3A_533] in [0] : vector<16xf32>, vector<16xi32> -> vector<16xf32>
          %parallel_loop3A_535 = arith.mulf %parallel_loop3A_530, %parallel_loop3A_534 : vector<16xf32>
          %parallel_loop3A_536 = arith.constant 12 : i32
          %parallel_loop3A_537 = arith.addi %parallel_loop3A_308, %parallel_loop3A_536 : i32
          %parallel_loop3A_538 = arith.index_cast %parallel_loop3A_537 : i32 to index
          %parallel_loop3A_539 = arith.constant 0 : index
          %parallel_loop3A_540 = tpu.vector_load %arg17[%parallel_loop3A_538, %parallel_loop3A_539] {strides = array<i32>} : memref<512x16xf32, #tpu.memory_space<vmem>>, vector<1x16xf32>,
          %parallel_loop3A_541 = vector.shape_cast %parallel_loop3A_540 : vector<1x16xf32> to vector<16xf32>
          %parallel_loop3A_542 = vector.shape_cast %parallel_loop3A_535 : vector<16xf32> to vector<1x16xf32>
          tpu.vector_store %arg17[%parallel_loop3A_538, %parallel_loop3A_539], %parallel_loop3A_542 {strides = array<i32>} : memref<512x16xf32, #tpu.memory_space<vmem>>, vector<1x16xf32>,
          %parallel_loop3A_543 = arith.constant 13 : i32
          %parallel_loop3A_544 = arith.addi %parallel_loop3A_308, %parallel_loop3A_543 : i32
          %parallel_loop3A_545 = arith.index_cast %parallel_loop3A_544 : i32 to index
          %parallel_loop3A_546 = arith.constant 0 : index
          %parallel_loop3A_547 = tpu.vector_load %arg17[%parallel_loop3A_545, %parallel_loop3A_546] {strides = array<i32>} : memref<512x16xf32, #tpu.memory_space<vmem>>, vector<1x16xf32>,
          %parallel_loop3A_548 = vector.shape_cast %parallel_loop3A_547 : vector<1x16xf32> to vector<16xf32>
          %parallel_loop3A_549 = arith.constant 13 : i32
          %parallel_loop3A_550 = vector.broadcast %parallel_loop3A_549 : i32 to vector<16x1xi32>
          %parallel_loop3A_551 = vector.shape_cast %parallel_loop3A_550 : vector<16x1xi32> to vector<16xi32>
          %parallel_loop3A_552 = tpu.dynamic_gather %parallel_loop3A_306[%parallel_loop3A_551] in [0] : vector<16xf32>, vector<16xi32> -> vector<16xf32>
          %parallel_loop3A_553 = arith.mulf %parallel_loop3A_548, %parallel_loop3A_552 : vector<16xf32>
          %parallel_loop3A_554 = arith.constant 13 : i32
          %parallel_loop3A_555 = arith.addi %parallel_loop3A_308, %parallel_loop3A_554 : i32
          %parallel_loop3A_556 = arith.index_cast %parallel_loop3A_555 : i32 to index
          %parallel_loop3A_557 = arith.constant 0 : index
          %parallel_loop3A_558 = tpu.vector_load %arg17[%parallel_loop3A_556, %parallel_loop3A_557] {strides = array<i32>} : memref<512x16xf32, #tpu.memory_space<vmem>>, vector<1x16xf32>,
          %parallel_loop3A_559 = vector.shape_cast %parallel_loop3A_558 : vector<1x16xf32> to vector<16xf32>
          %parallel_loop3A_560 = vector.shape_cast %parallel_loop3A_553 : vector<16xf32> to vector<1x16xf32>
          tpu.vector_store %arg17[%parallel_loop3A_556, %parallel_loop3A_557], %parallel_loop3A_560 {strides = array<i32>} : memref<512x16xf32, #tpu.memory_space<vmem>>, vector<1x16xf32>,
          %parallel_loop3A_561 = arith.constant 14 : i32
          %parallel_loop3A_562 = arith.addi %parallel_loop3A_308, %parallel_loop3A_561 : i32
          %parallel_loop3A_563 = arith.index_cast %parallel_loop3A_562 : i32 to index
          %parallel_loop3A_564 = arith.constant 0 : index
          %parallel_loop3A_565 = tpu.vector_load %arg17[%parallel_loop3A_563, %parallel_loop3A_564] {strides = array<i32>} : memref<512x16xf32, #tpu.memory_space<vmem>>, vector<1x16xf32>,
          %parallel_loop3A_566 = vector.shape_cast %parallel_loop3A_565 : vector<1x16xf32> to vector<16xf32>
          %parallel_loop3A_567 = arith.constant 14 : i32
          %parallel_loop3A_568 = vector.broadcast %parallel_loop3A_567 : i32 to vector<16x1xi32>
          %parallel_loop3A_569 = vector.shape_cast %parallel_loop3A_568 : vector<16x1xi32> to vector<16xi32>
          %parallel_loop3A_570 = tpu.dynamic_gather %parallel_loop3A_306[%parallel_loop3A_569] in [0] : vector<16xf32>, vector<16xi32> -> vector<16xf32>
          %parallel_loop3A_571 = arith.mulf %parallel_loop3A_566, %parallel_loop3A_570 : vector<16xf32>
          %parallel_loop3A_572 = arith.constant 14 : i32
          %parallel_loop3A_573 = arith.addi %parallel_loop3A_308, %parallel_loop3A_572 : i32
          %parallel_loop3A_574 = arith.index_cast %parallel_loop3A_573 : i32 to index
          %parallel_loop3A_575 = arith.constant 0 : index
          %parallel_loop3A_576 = tpu.vector_load %arg17[%parallel_loop3A_574, %parallel_loop3A_575] {strides = array<i32>} : memref<512x16xf32, #tpu.memory_space<vmem>>, vector<1x16xf32>,
          %parallel_loop3A_577 = vector.shape_cast %parallel_loop3A_576 : vector<1x16xf32> to vector<16xf32>
          %parallel_loop3A_578 = vector.shape_cast %parallel_loop3A_571 : vector<16xf32> to vector<1x16xf32>
          tpu.vector_store %arg17[%parallel_loop3A_574, %parallel_loop3A_575], %parallel_loop3A_578 {strides = array<i32>} : memref<512x16xf32, #tpu.memory_space<vmem>>, vector<1x16xf32>,
          %parallel_loop3A_579 = arith.constant 15 : i32
          %parallel_loop3A_580 = arith.addi %parallel_loop3A_308, %parallel_loop3A_579 : i32
          %parallel_loop3A_581 = arith.index_cast %parallel_loop3A_580 : i32 to index
          %parallel_loop3A_582 = arith.constant 0 : index
          %parallel_loop3A_583 = tpu.vector_load %arg17[%parallel_loop3A_581, %parallel_loop3A_582] {strides = array<i32>} : memref<512x16xf32, #tpu.memory_space<vmem>>, vector<1x16xf32>,
          %parallel_loop3A_584 = vector.shape_cast %parallel_loop3A_583 : vector<1x16xf32> to vector<16xf32>
          %parallel_loop3A_585 = arith.constant 15 : i32
          %parallel_loop3A_586 = vector.broadcast %parallel_loop3A_585 : i32 to vector<16x1xi32>
          %parallel_loop3A_587 = vector.shape_cast %parallel_loop3A_586 : vector<16x1xi32> to vector<16xi32>
          %parallel_loop3A_588 = tpu.dynamic_gather %parallel_loop3A_306[%parallel_loop3A_587] in [0] : vector<16xf32>, vector<16xi32> -> vector<16xf32>
          %parallel_loop3A_589 = arith.mulf %parallel_loop3A_584, %parallel_loop3A_588 : vector<16xf32>
          %parallel_loop3A_590 = arith.constant 15 : i32
          %parallel_loop3A_591 = arith.addi %parallel_loop3A_308, %parallel_loop3A_590 : i32
          %parallel_loop3A_592 = arith.index_cast %parallel_loop3A_591 : i32 to index
          %parallel_loop3A_593 = arith.constant 0 : index
          %parallel_loop3A_594 = tpu.vector_load %arg17[%parallel_loop3A_592, %parallel_loop3A_593] {strides = array<i32>} : memref<512x16xf32, #tpu.memory_space<vmem>>, vector<1x16xf32>,
          %parallel_loop3A_595 = vector.shape_cast %parallel_loop3A_594 : vector<1x16xf32> to vector<16xf32>
          %parallel_loop3A_596 = vector.shape_cast %parallel_loop3A_589 : vector<16xf32> to vector<1x16xf32>
          tpu.vector_store %arg17[%parallel_loop3A_592, %parallel_loop3A_593], %parallel_loop3A_596 {strides = array<i32>} : memref<512x16xf32, #tpu.memory_space<vmem>>, vector<1x16xf32>,
        } {sc.loop_unroll_factor = 2 : i64, sc.parallel_access}
        %dma_start3A_174 = arith.constant 1 : i32
        %dma_start3A_175 = arith.constant 0 : i32
        %dma_start3A_176 = tpu.memref_slice %arg7[%dma_start3A_174, %dma_start3A_175] : memref<2x512xi32, #tpu.memory_space<vmem>> -> memref<1x512xi32, #tpu.memory_space<vmem>>
        %dma_start3A_177 = tpu.memref_squeeze %dma_start3A_176 : memref<1x512xi32, #tpu.memory_space<vmem>> -> memref<512xi32, #tpu.memory_space<vmem>>
        %dma_start3A_178 = arith.constant 0 : i32
        %dma_start3A_179 = arith.constant 0 : i32
        %dma_start3A_180 = tpu.memref_slice %arg28[%dma_start3A_178, %dma_start3A_179] : memref<16384x16xf32, #tpu.memory_space<vmem_shared>> -> memref<16384x16xf32, #tpu.memory_space<vmem_shared>>
        tpu.enqueue_indirect_dma source(%arg17 : memref<512x16xf32, #tpu.memory_space<vmem>>) target(%dma_start3A_180 : memref<16384x16xf32, #tpu.memory_space<vmem_shared>>) offsets(%dma_start3A_177 : memref<512xi32, #tpu.memory_space<vmem>>) semaphore(%arg31 : memref<!tpu.dma_semaphore, #tpu.memory_space<semaphore_mem>>) {add = true}
        %mul3A_181 = arith.constant 5 : i32
        %mul3A_182 = arith.muli %mul3A_181, %scan3A_105 : i32
        %add3A_183 = arith.constant 2 : i32
        %add3A_184 = arith.addi %mul3A_182, %add3A_183 : i32
        %ge3A_185 = arith.constant 2 : i32
        %ge3A_186 = arith.cmpi sge, %add3A_184, %ge3A_185 : i32
        %convert_element_type3A_187 = arith.extui %ge3A_186 : i1 to i32
        %cond3A_188 = arith.constant 0 : i32
        %cond3A_189 = arith.cmpi ne, %convert_element_type3A_187, %cond3A_188 : i32
        scf.if %cond3A_189 {
          %dma_wait3A_301 = arith.constant 1 : i32
          %dma_wait3A_302 = arith.constant 0 : i32
          %dma_wait3A_303 = tpu.memref_slice %arg6[%dma_wait3A_301, %dma_wait3A_302] : memref<2x512xi32, #tpu.memory_space<vmem>> -> memref<1x512xi32, #tpu.memory_space<vmem>>
          %dma_wait3A_304 = tpu.memref_squeeze %dma_wait3A_303 : memref<1x512xi32, #tpu.memory_space<vmem>> -> memref<512xi32, #tpu.memory_space<vmem>>
          %dma_wait3A_305 = arith.constant 0 : i32
          %dma_wait3A_306 = arith.constant 0 : i32
          %dma_wait3A_307 = tpu.memref_slice %arg28[%dma_wait3A_305, %dma_wait3A_306] : memref<16384x16xf32, #tpu.memory_space<vmem_shared>> -> memref<16384x16xf32, #tpu.memory_space<vmem_shared>>
          tpu.wait_indirect_dma semaphore(%arg31 : memref<!tpu.dma_semaphore, #tpu.memory_space<semaphore_mem>>) src(%arg16 : memref<512x16xf32, #tpu.memory_space<vmem>>) dst(%dma_wait3A_307 : memref<16384x16xf32, #tpu.memory_space<vmem_shared>>)
        } else {
        }
        %add3A_190 = arith.constant 2 : i32
        %add3A_191 = arith.addi %add3A_184, %add3A_190 : i32
        %lt3A_192 = arith.constant 85 : i32
        %lt3A_193 = arith.cmpi slt, %add3A_191, %lt3A_192 : i32
        %convert_element_type3A_194 = arith.extui %lt3A_193 : i1 to i32
        %cond3A_195 = arith.constant 0 : i32
        %cond3A_196 = arith.cmpi ne, %convert_element_type3A_194, %cond3A_195 : i32
        scf.if %cond3A_196 {
          %add3A_301 = arith.constant 2 : i32
          %add3A_302 = arith.addi %add3A_184, %add3A_301 : i32
          %mul3A_303 = arith.constant 85 : i32
          %mul3A_304 = arith.muli %arg1, %mul3A_303 : i32
          %add3A_305 = arith.addi %mul3A_304, %add3A_302 : i32
          %dma_start3A_306 = arith.constant 0 : i32
          %dma_start3A_307 = arith.constant 0 : i32
          %dma_start3A_308 = tpu.memref_slice %arg3[%add3A_305, %dma_start3A_306, %dma_start3A_307] : memref<1360x2x512xi32, #tpu.memory_space<hbm>> -> memref<1x2x512xi32, #tpu.memory_space<hbm>>
          %dma_start3A_309 = tpu.memref_squeeze %dma_start3A_308 : memref<1x2x512xi32, #tpu.memory_space<hbm>> -> memref<2x512xi32, #tpu.memory_space<hbm>>
          %dma_start3A_310 = arith.constant 0 : i32
          %dma_start3A_311 = arith.constant 0 : i32
          %dma_start3A_312 = tpu.memref_slice %arg3[%add3A_305, %dma_start3A_310, %dma_start3A_311] : memref<1360x2x512xi32, #tpu.memory_space<hbm>> -> memref<1x2x512xi32, #tpu.memory_space<hbm>>
          %dma_start3A_313 = tpu.memref_squeeze %dma_start3A_312 : memref<1x2x512xi32, #tpu.memory_space<hbm>> -> memref<2x512xi32, #tpu.memory_space<hbm>>
          tpu.enqueue_dma source(%dma_start3A_313 : memref<2x512xi32, #tpu.memory_space<hbm>>) target(%arg10 : memref<2x512xi32, #tpu.memory_space<vmem>>) target_semaphore(%arg29 : memref<!tpu.dma_semaphore, #tpu.memory_space<semaphore_mem>>)
          %mul3A_314 = arith.constant 43520 : i32
          %mul3A_315 = arith.muli %arg1, %mul3A_314 : i32
          %mul3A_316 = arith.constant 512 : i32
          %mul3A_317 = arith.muli %add3A_302, %mul3A_316 : i32
          %add3A_318 = arith.addi %mul3A_315, %mul3A_317 : i32
          %dma_start3A_319 = tpu.memref_slice %arg4[%add3A_318] : memref<696320xf32, #tpu.memory_space<hbm>> -> memref<512xf32, #tpu.memory_space<hbm>>
          %dma_start3A_320 = tpu.memref_slice %arg4[%add3A_318] : memref<696320xf32, #tpu.memory_space<hbm>> -> memref<512xf32, #tpu.memory_space<hbm>>
          tpu.enqueue_dma source(%dma_start3A_320 : memref<512xf32, #tpu.memory_space<hbm>>) target(%arg15 : memref<512xf32, #tpu.memory_space<vmem>>) target_semaphore(%arg29 : memref<!tpu.dma_semaphore, #tpu.memory_space<semaphore_mem>>)
        } else {
        }
        %add3A_197 = arith.constant 1 : i32
        %add3A_198 = arith.addi %add3A_184, %add3A_197 : i32
        %lt3A_199 = arith.constant 85 : i32
        %lt3A_200 = arith.cmpi slt, %add3A_198, %lt3A_199 : i32
        %convert_element_type3A_201 = arith.extui %lt3A_200 : i1 to i32
        %cond3A_202 = arith.constant 0 : i32
        %cond3A_203 = arith.cmpi ne, %convert_element_type3A_201, %cond3A_202 : i32
        scf.if %cond3A_203 {
          %dma_wait3A_301 = arith.constant 0 : i32
          %dma_wait3A_302 = arith.constant 0 : i32
          %dma_wait3A_303 = arith.constant 0 : i32
          %dma_wait3A_304 = tpu.memref_slice %arg3[%dma_wait3A_301, %dma_wait3A_302, %dma_wait3A_303] : memref<1360x2x512xi32, #tpu.memory_space<hbm>> -> memref<1x2x512xi32, #tpu.memory_space<hbm>>
          %dma_wait3A_305 = tpu.memref_squeeze %dma_wait3A_304 : memref<1x2x512xi32, #tpu.memory_space<hbm>> -> memref<2x512xi32, #tpu.memory_space<hbm>>
          %dma_wait3A_306 = arith.constant 0 : i32
          %dma_wait3A_307 = arith.constant 0 : i32
          %dma_wait3A_308 = tpu.memref_slice %arg3[%dma_wait3A_301, %dma_wait3A_306, %dma_wait3A_307] : memref<1360x2x512xi32, #tpu.memory_space<hbm>> -> memref<1x2x512xi32, #tpu.memory_space<hbm>>
          %dma_wait3A_309 = tpu.memref_squeeze %dma_wait3A_308 : memref<1x2x512xi32, #tpu.memory_space<hbm>> -> memref<2x512xi32, #tpu.memory_space<hbm>>
          tpu.wait_dma2 semaphore(%arg29 : memref<!tpu.dma_semaphore, #tpu.memory_space<semaphore_mem>>) src(%dma_wait3A_309 : memref<2x512xi32, #tpu.memory_space<hbm>>) dst(%arg9 : memref<2x512xi32, #tpu.memory_space<vmem>>)
          %dma_wait3A_310 = arith.constant 0 : i32
          %dma_wait3A_311 = tpu.memref_slice %arg4[%dma_wait3A_310] : memref<696320xf32, #tpu.memory_space<hbm>> -> memref<512xf32, #tpu.memory_space<hbm>>
          %dma_wait3A_312 = arith.constant 0 : i32
          %dma_wait3A_313 = tpu.memref_slice %arg4[%dma_wait3A_312] : memref<696320xf32, #tpu.memory_space<hbm>> -> memref<512xf32, #tpu.memory_space<hbm>>
          tpu.wait_dma2 semaphore(%arg29 : memref<!tpu.dma_semaphore, #tpu.memory_space<semaphore_mem>>) src(%dma_wait3A_313 : memref<512xf32, #tpu.memory_space<hbm>>) dst(%arg14 : memref<512xf32, #tpu.memory_space<vmem>>)
          %dma_start3A_314 = arith.constant 0 : i32
          %dma_start3A_315 = arith.constant 0 : i32
          %dma_start3A_316 = tpu.memref_slice %arg9[%dma_start3A_314, %dma_start3A_315] : memref<2x512xi32, #tpu.memory_space<vmem>> -> memref<1x512xi32, #tpu.memory_space<vmem>>
          %dma_start3A_317 = tpu.memref_squeeze %dma_start3A_316 : memref<1x512xi32, #tpu.memory_space<vmem>> -> memref<512xi32, #tpu.memory_space<vmem>>
          %dma_start3A_318 = arith.constant 0 : i32
          %dma_start3A_319 = arith.constant 0 : i32
          %dma_start3A_320 = tpu.memref_slice %arg27[%dma_start3A_318, %dma_start3A_319] : memref<4096x16xf32, #tpu.memory_space<vmem_shared>> -> memref<4096x16xf32, #tpu.memory_space<vmem_shared>>
          tpu.enqueue_indirect_dma source(%dma_start3A_320 : memref<4096x16xf32, #tpu.memory_space<vmem_shared>>) target(%arg19 : memref<512x16xf32, #tpu.memory_space<vmem>>) offsets(%dma_start3A_317 : memref<512xi32, #tpu.memory_space<vmem>>) semaphore(%arg30 : memref<!tpu.dma_semaphore, #tpu.memory_space<semaphore_mem>>)
        } else {
        }
        %dma_wait3A_204 = arith.constant 0 : i32
        %dma_wait3A_205 = arith.constant 0 : i32
        %dma_wait3A_206 = tpu.memref_slice %arg8[%dma_wait3A_204, %dma_wait3A_205] : memref<2x512xi32, #tpu.memory_space<vmem>> -> memref<1x512xi32, #tpu.memory_space<vmem>>
        %dma_wait3A_207 = tpu.memref_squeeze %dma_wait3A_206 : memref<1x512xi32, #tpu.memory_space<vmem>> -> memref<512xi32, #tpu.memory_space<vmem>>
        %dma_wait3A_208 = arith.constant 0 : i32
        %dma_wait3A_209 = arith.constant 0 : i32
        %dma_wait3A_210 = tpu.memref_slice %arg27[%dma_wait3A_208, %dma_wait3A_209] : memref<4096x16xf32, #tpu.memory_space<vmem_shared>> -> memref<4096x16xf32, #tpu.memory_space<vmem_shared>>
        tpu.wait_indirect_dma semaphore(%arg30 : memref<!tpu.dma_semaphore, #tpu.memory_space<semaphore_mem>>) src(%dma_wait3A_210 : memref<4096x16xf32, #tpu.memory_space<vmem_shared>>) dst(%arg18 : memref<512x16xf32, #tpu.memory_space<vmem>>)
        %parallel_loop3A_211 = arith.constant 0 : i32
        %parallel_loop3A_212 = arith.constant 32 : i32
        %parallel_loop3A_213 = arith.constant 1 : i32
        scf.for %parallel_loop3A_301 = %parallel_loop3A_211 to %parallel_loop3A_212 step %parallel_loop3A_213  : i32 {
          %parallel_loop3A_302 = arith.constant 16 : i32
          %parallel_loop3A_303 = arith.muli %parallel_loop3A_301, %parallel_loop3A_302 : i32
          %parallel_loop3A_304 = arith.index_cast %parallel_loop3A_303 : i32 to index
          %parallel_loop3A_305 = tpu.vector_load %arg13[%parallel_loop3A_304] {strides = array<i32>} : memref<512xf32, #tpu.memory_space<vmem>>, vector<16xf32>,
          %parallel_loop3A_306 = vector.shape_cast %parallel_loop3A_305 : vector<16xf32> to vector<16xf32>
          %parallel_loop3A_307 = arith.constant 16 : i32
          %parallel_loop3A_308 = arith.muli %parallel_loop3A_301, %parallel_loop3A_307 : i32
          %parallel_loop3A_309 = arith.constant 0 : i32
          %parallel_loop3A_310 = arith.addi %parallel_loop3A_308, %parallel_loop3A_309 : i32
          %parallel_loop3A_311 = arith.index_cast %parallel_loop3A_310 : i32 to index
          %parallel_loop3A_312 = arith.constant 0 : index
          %parallel_loop3A_313 = tpu.vector_load %arg18[%parallel_loop3A_311, %parallel_loop3A_312] {strides = array<i32>} : memref<512x16xf32, #tpu.memory_space<vmem>>, vector<1x16xf32>,
          %parallel_loop3A_314 = vector.shape_cast %parallel_loop3A_313 : vector<1x16xf32> to vector<16xf32>
          %parallel_loop3A_315 = arith.constant 0 : i32
          %parallel_loop3A_316 = vector.broadcast %parallel_loop3A_315 : i32 to vector<16x1xi32>
          %parallel_loop3A_317 = vector.shape_cast %parallel_loop3A_316 : vector<16x1xi32> to vector<16xi32>
          %parallel_loop3A_318 = tpu.dynamic_gather %parallel_loop3A_306[%parallel_loop3A_317] in [0] : vector<16xf32>, vector<16xi32> -> vector<16xf32>
          %parallel_loop3A_319 = arith.mulf %parallel_loop3A_314, %parallel_loop3A_318 : vector<16xf32>
          %parallel_loop3A_320 = arith.constant 0 : i32
          %parallel_loop3A_321 = arith.addi %parallel_loop3A_308, %parallel_loop3A_320 : i32
          %parallel_loop3A_322 = arith.index_cast %parallel_loop3A_321 : i32 to index
          %parallel_loop3A_323 = arith.constant 0 : index
          %parallel_loop3A_324 = tpu.vector_load %arg18[%parallel_loop3A_322, %parallel_loop3A_323] {strides = array<i32>} : memref<512x16xf32, #tpu.memory_space<vmem>>, vector<1x16xf32>,
          %parallel_loop3A_325 = vector.shape_cast %parallel_loop3A_324 : vector<1x16xf32> to vector<16xf32>
          %parallel_loop3A_326 = vector.shape_cast %parallel_loop3A_319 : vector<16xf32> to vector<1x16xf32>
          tpu.vector_store %arg18[%parallel_loop3A_322, %parallel_loop3A_323], %parallel_loop3A_326 {strides = array<i32>} : memref<512x16xf32, #tpu.memory_space<vmem>>, vector<1x16xf32>,
          %parallel_loop3A_327 = arith.constant 1 : i32
          %parallel_loop3A_328 = arith.addi %parallel_loop3A_308, %parallel_loop3A_327 : i32
          %parallel_loop3A_329 = arith.index_cast %parallel_loop3A_328 : i32 to index
          %parallel_loop3A_330 = arith.constant 0 : index
          %parallel_loop3A_331 = tpu.vector_load %arg18[%parallel_loop3A_329, %parallel_loop3A_330] {strides = array<i32>} : memref<512x16xf32, #tpu.memory_space<vmem>>, vector<1x16xf32>,
          %parallel_loop3A_332 = vector.shape_cast %parallel_loop3A_331 : vector<1x16xf32> to vector<16xf32>
          %parallel_loop3A_333 = arith.constant 1 : i32
          %parallel_loop3A_334 = vector.broadcast %parallel_loop3A_333 : i32 to vector<16x1xi32>
          %parallel_loop3A_335 = vector.shape_cast %parallel_loop3A_334 : vector<16x1xi32> to vector<16xi32>
          %parallel_loop3A_336 = tpu.dynamic_gather %parallel_loop3A_306[%parallel_loop3A_335] in [0] : vector<16xf32>, vector<16xi32> -> vector<16xf32>
          %parallel_loop3A_337 = arith.mulf %parallel_loop3A_332, %parallel_loop3A_336 : vector<16xf32>
          %parallel_loop3A_338 = arith.constant 1 : i32
          %parallel_loop3A_339 = arith.addi %parallel_loop3A_308, %parallel_loop3A_338 : i32
          %parallel_loop3A_340 = arith.index_cast %parallel_loop3A_339 : i32 to index
          %parallel_loop3A_341 = arith.constant 0 : index
          %parallel_loop3A_342 = tpu.vector_load %arg18[%parallel_loop3A_340, %parallel_loop3A_341] {strides = array<i32>} : memref<512x16xf32, #tpu.memory_space<vmem>>, vector<1x16xf32>,
          %parallel_loop3A_343 = vector.shape_cast %parallel_loop3A_342 : vector<1x16xf32> to vector<16xf32>
          %parallel_loop3A_344 = vector.shape_cast %parallel_loop3A_337 : vector<16xf32> to vector<1x16xf32>
          tpu.vector_store %arg18[%parallel_loop3A_340, %parallel_loop3A_341], %parallel_loop3A_344 {strides = array<i32>} : memref<512x16xf32, #tpu.memory_space<vmem>>, vector<1x16xf32>,
          %parallel_loop3A_345 = arith.constant 2 : i32
          %parallel_loop3A_346 = arith.addi %parallel_loop3A_308, %parallel_loop3A_345 : i32
          %parallel_loop3A_347 = arith.index_cast %parallel_loop3A_346 : i32 to index
          %parallel_loop3A_348 = arith.constant 0 : index
          %parallel_loop3A_349 = tpu.vector_load %arg18[%parallel_loop3A_347, %parallel_loop3A_348] {strides = array<i32>} : memref<512x16xf32, #tpu.memory_space<vmem>>, vector<1x16xf32>,
          %parallel_loop3A_350 = vector.shape_cast %parallel_loop3A_349 : vector<1x16xf32> to vector<16xf32>
          %parallel_loop3A_351 = arith.constant 2 : i32
          %parallel_loop3A_352 = vector.broadcast %parallel_loop3A_351 : i32 to vector<16x1xi32>
          %parallel_loop3A_353 = vector.shape_cast %parallel_loop3A_352 : vector<16x1xi32> to vector<16xi32>
          %parallel_loop3A_354 = tpu.dynamic_gather %parallel_loop3A_306[%parallel_loop3A_353] in [0] : vector<16xf32>, vector<16xi32> -> vector<16xf32>
          %parallel_loop3A_355 = arith.mulf %parallel_loop3A_350, %parallel_loop3A_354 : vector<16xf32>
          %parallel_loop3A_356 = arith.constant 2 : i32
          %parallel_loop3A_357 = arith.addi %parallel_loop3A_308, %parallel_loop3A_356 : i32
          %parallel_loop3A_358 = arith.index_cast %parallel_loop3A_357 : i32 to index
          %parallel_loop3A_359 = arith.constant 0 : index
          %parallel_loop3A_360 = tpu.vector_load %arg18[%parallel_loop3A_358, %parallel_loop3A_359] {strides = array<i32>} : memref<512x16xf32, #tpu.memory_space<vmem>>, vector<1x16xf32>,
          %parallel_loop3A_361 = vector.shape_cast %parallel_loop3A_360 : vector<1x16xf32> to vector<16xf32>
          %parallel_loop3A_362 = vector.shape_cast %parallel_loop3A_355 : vector<16xf32> to vector<1x16xf32>
          tpu.vector_store %arg18[%parallel_loop3A_358, %parallel_loop3A_359], %parallel_loop3A_362 {strides = array<i32>} : memref<512x16xf32, #tpu.memory_space<vmem>>, vector<1x16xf32>,
          %parallel_loop3A_363 = arith.constant 3 : i32
          %parallel_loop3A_364 = arith.addi %parallel_loop3A_308, %parallel_loop3A_363 : i32
          %parallel_loop3A_365 = arith.index_cast %parallel_loop3A_364 : i32 to index
          %parallel_loop3A_366 = arith.constant 0 : index
          %parallel_loop3A_367 = tpu.vector_load %arg18[%parallel_loop3A_365, %parallel_loop3A_366] {strides = array<i32>} : memref<512x16xf32, #tpu.memory_space<vmem>>, vector<1x16xf32>,
          %parallel_loop3A_368 = vector.shape_cast %parallel_loop3A_367 : vector<1x16xf32> to vector<16xf32>
          %parallel_loop3A_369 = arith.constant 3 : i32
          %parallel_loop3A_370 = vector.broadcast %parallel_loop3A_369 : i32 to vector<16x1xi32>
          %parallel_loop3A_371 = vector.shape_cast %parallel_loop3A_370 : vector<16x1xi32> to vector<16xi32>
          %parallel_loop3A_372 = tpu.dynamic_gather %parallel_loop3A_306[%parallel_loop3A_371] in [0] : vector<16xf32>, vector<16xi32> -> vector<16xf32>
          %parallel_loop3A_373 = arith.mulf %parallel_loop3A_368, %parallel_loop3A_372 : vector<16xf32>
          %parallel_loop3A_374 = arith.constant 3 : i32
          %parallel_loop3A_375 = arith.addi %parallel_loop3A_308, %parallel_loop3A_374 : i32
          %parallel_loop3A_376 = arith.index_cast %parallel_loop3A_375 : i32 to index
          %parallel_loop3A_377 = arith.constant 0 : index
          %parallel_loop3A_378 = tpu.vector_load %arg18[%parallel_loop3A_376, %parallel_loop3A_377] {strides = array<i32>} : memref<512x16xf32, #tpu.memory_space<vmem>>, vector<1x16xf32>,
          %parallel_loop3A_379 = vector.shape_cast %parallel_loop3A_378 : vector<1x16xf32> to vector<16xf32>
          %parallel_loop3A_380 = vector.shape_cast %parallel_loop3A_373 : vector<16xf32> to vector<1x16xf32>
          tpu.vector_store %arg18[%parallel_loop3A_376, %parallel_loop3A_377], %parallel_loop3A_380 {strides = array<i32>} : memref<512x16xf32, #tpu.memory_space<vmem>>, vector<1x16xf32>,
          %parallel_loop3A_381 = arith.constant 4 : i32
          %parallel_loop3A_382 = arith.addi %parallel_loop3A_308, %parallel_loop3A_381 : i32
          %parallel_loop3A_383 = arith.index_cast %parallel_loop3A_382 : i32 to index
          %parallel_loop3A_384 = arith.constant 0 : index
          %parallel_loop3A_385 = tpu.vector_load %arg18[%parallel_loop3A_383, %parallel_loop3A_384] {strides = array<i32>} : memref<512x16xf32, #tpu.memory_space<vmem>>, vector<1x16xf32>,
          %parallel_loop3A_386 = vector.shape_cast %parallel_loop3A_385 : vector<1x16xf32> to vector<16xf32>
          %parallel_loop3A_387 = arith.constant 4 : i32
          %parallel_loop3A_388 = vector.broadcast %parallel_loop3A_387 : i32 to vector<16x1xi32>
          %parallel_loop3A_389 = vector.shape_cast %parallel_loop3A_388 : vector<16x1xi32> to vector<16xi32>
          %parallel_loop3A_390 = tpu.dynamic_gather %parallel_loop3A_306[%parallel_loop3A_389] in [0] : vector<16xf32>, vector<16xi32> -> vector<16xf32>
          %parallel_loop3A_391 = arith.mulf %parallel_loop3A_386, %parallel_loop3A_390 : vector<16xf32>
          %parallel_loop3A_392 = arith.constant 4 : i32
          %parallel_loop3A_393 = arith.addi %parallel_loop3A_308, %parallel_loop3A_392 : i32
          %parallel_loop3A_394 = arith.index_cast %parallel_loop3A_393 : i32 to index
          %parallel_loop3A_395 = arith.constant 0 : index
          %parallel_loop3A_396 = tpu.vector_load %arg18[%parallel_loop3A_394, %parallel_loop3A_395] {strides = array<i32>} : memref<512x16xf32, #tpu.memory_space<vmem>>, vector<1x16xf32>,
          %parallel_loop3A_397 = vector.shape_cast %parallel_loop3A_396 : vector<1x16xf32> to vector<16xf32>
          %parallel_loop3A_398 = vector.shape_cast %parallel_loop3A_391 : vector<16xf32> to vector<1x16xf32>
          tpu.vector_store %arg18[%parallel_loop3A_394, %parallel_loop3A_395], %parallel_loop3A_398 {strides = array<i32>} : memref<512x16xf32, #tpu.memory_space<vmem>>, vector<1x16xf32>,
          %parallel_loop3A_399 = arith.constant 5 : i32
          %parallel_loop3A_400 = arith.addi %parallel_loop3A_308, %parallel_loop3A_399 : i32
          %parallel_loop3A_401 = arith.index_cast %parallel_loop3A_400 : i32 to index
          %parallel_loop3A_402 = arith.constant 0 : index
          %parallel_loop3A_403 = tpu.vector_load %arg18[%parallel_loop3A_401, %parallel_loop3A_402] {strides = array<i32>} : memref<512x16xf32, #tpu.memory_space<vmem>>, vector<1x16xf32>,
          %parallel_loop3A_404 = vector.shape_cast %parallel_loop3A_403 : vector<1x16xf32> to vector<16xf32>
          %parallel_loop3A_405 = arith.constant 5 : i32
          %parallel_loop3A_406 = vector.broadcast %parallel_loop3A_405 : i32 to vector<16x1xi32>
          %parallel_loop3A_407 = vector.shape_cast %parallel_loop3A_406 : vector<16x1xi32> to vector<16xi32>
          %parallel_loop3A_408 = tpu.dynamic_gather %parallel_loop3A_306[%parallel_loop3A_407] in [0] : vector<16xf32>, vector<16xi32> -> vector<16xf32>
          %parallel_loop3A_409 = arith.mulf %parallel_loop3A_404, %parallel_loop3A_408 : vector<16xf32>
          %parallel_loop3A_410 = arith.constant 5 : i32
          %parallel_loop3A_411 = arith.addi %parallel_loop3A_308, %parallel_loop3A_410 : i32
          %parallel_loop3A_412 = arith.index_cast %parallel_loop3A_411 : i32 to index
          %parallel_loop3A_413 = arith.constant 0 : index
          %parallel_loop3A_414 = tpu.vector_load %arg18[%parallel_loop3A_412, %parallel_loop3A_413] {strides = array<i32>} : memref<512x16xf32, #tpu.memory_space<vmem>>, vector<1x16xf32>,
          %parallel_loop3A_415 = vector.shape_cast %parallel_loop3A_414 : vector<1x16xf32> to vector<16xf32>
          %parallel_loop3A_416 = vector.shape_cast %parallel_loop3A_409 : vector<16xf32> to vector<1x16xf32>
          tpu.vector_store %arg18[%parallel_loop3A_412, %parallel_loop3A_413], %parallel_loop3A_416 {strides = array<i32>} : memref<512x16xf32, #tpu.memory_space<vmem>>, vector<1x16xf32>,
          %parallel_loop3A_417 = arith.constant 6 : i32
          %parallel_loop3A_418 = arith.addi %parallel_loop3A_308, %parallel_loop3A_417 : i32
          %parallel_loop3A_419 = arith.index_cast %parallel_loop3A_418 : i32 to index
          %parallel_loop3A_420 = arith.constant 0 : index
          %parallel_loop3A_421 = tpu.vector_load %arg18[%parallel_loop3A_419, %parallel_loop3A_420] {strides = array<i32>} : memref<512x16xf32, #tpu.memory_space<vmem>>, vector<1x16xf32>,
          %parallel_loop3A_422 = vector.shape_cast %parallel_loop3A_421 : vector<1x16xf32> to vector<16xf32>
          %parallel_loop3A_423 = arith.constant 6 : i32
          %parallel_loop3A_424 = vector.broadcast %parallel_loop3A_423 : i32 to vector<16x1xi32>
          %parallel_loop3A_425 = vector.shape_cast %parallel_loop3A_424 : vector<16x1xi32> to vector<16xi32>
          %parallel_loop3A_426 = tpu.dynamic_gather %parallel_loop3A_306[%parallel_loop3A_425] in [0] : vector<16xf32>, vector<16xi32> -> vector<16xf32>
          %parallel_loop3A_427 = arith.mulf %parallel_loop3A_422, %parallel_loop3A_426 : vector<16xf32>
          %parallel_loop3A_428 = arith.constant 6 : i32
          %parallel_loop3A_429 = arith.addi %parallel_loop3A_308, %parallel_loop3A_428 : i32
          %parallel_loop3A_430 = arith.index_cast %parallel_loop3A_429 : i32 to index
          %parallel_loop3A_431 = arith.constant 0 : index
          %parallel_loop3A_432 = tpu.vector_load %arg18[%parallel_loop3A_430, %parallel_loop3A_431] {strides = array<i32>} : memref<512x16xf32, #tpu.memory_space<vmem>>, vector<1x16xf32>,
          %parallel_loop3A_433 = vector.shape_cast %parallel_loop3A_432 : vector<1x16xf32> to vector<16xf32>
          %parallel_loop3A_434 = vector.shape_cast %parallel_loop3A_427 : vector<16xf32> to vector<1x16xf32>
          tpu.vector_store %arg18[%parallel_loop3A_430, %parallel_loop3A_431], %parallel_loop3A_434 {strides = array<i32>} : memref<512x16xf32, #tpu.memory_space<vmem>>, vector<1x16xf32>,
          %parallel_loop3A_435 = arith.constant 7 : i32
          %parallel_loop3A_436 = arith.addi %parallel_loop3A_308, %parallel_loop3A_435 : i32
          %parallel_loop3A_437 = arith.index_cast %parallel_loop3A_436 : i32 to index
          %parallel_loop3A_438 = arith.constant 0 : index
          %parallel_loop3A_439 = tpu.vector_load %arg18[%parallel_loop3A_437, %parallel_loop3A_438] {strides = array<i32>} : memref<512x16xf32, #tpu.memory_space<vmem>>, vector<1x16xf32>,
          %parallel_loop3A_440 = vector.shape_cast %parallel_loop3A_439 : vector<1x16xf32> to vector<16xf32>
          %parallel_loop3A_441 = arith.constant 7 : i32
          %parallel_loop3A_442 = vector.broadcast %parallel_loop3A_441 : i32 to vector<16x1xi32>
          %parallel_loop3A_443 = vector.shape_cast %parallel_loop3A_442 : vector<16x1xi32> to vector<16xi32>
          %parallel_loop3A_444 = tpu.dynamic_gather %parallel_loop3A_306[%parallel_loop3A_443] in [0] : vector<16xf32>, vector<16xi32> -> vector<16xf32>
          %parallel_loop3A_445 = arith.mulf %parallel_loop3A_440, %parallel_loop3A_444 : vector<16xf32>
          %parallel_loop3A_446 = arith.constant 7 : i32
          %parallel_loop3A_447 = arith.addi %parallel_loop3A_308, %parallel_loop3A_446 : i32
          %parallel_loop3A_448 = arith.index_cast %parallel_loop3A_447 : i32 to index
          %parallel_loop3A_449 = arith.constant 0 : index
          %parallel_loop3A_450 = tpu.vector_load %arg18[%parallel_loop3A_448, %parallel_loop3A_449] {strides = array<i32>} : memref<512x16xf32, #tpu.memory_space<vmem>>, vector<1x16xf32>,
          %parallel_loop3A_451 = vector.shape_cast %parallel_loop3A_450 : vector<1x16xf32> to vector<16xf32>
          %parallel_loop3A_452 = vector.shape_cast %parallel_loop3A_445 : vector<16xf32> to vector<1x16xf32>
          tpu.vector_store %arg18[%parallel_loop3A_448, %parallel_loop3A_449], %parallel_loop3A_452 {strides = array<i32>} : memref<512x16xf32, #tpu.memory_space<vmem>>, vector<1x16xf32>,
          %parallel_loop3A_453 = arith.constant 8 : i32
          %parallel_loop3A_454 = arith.addi %parallel_loop3A_308, %parallel_loop3A_453 : i32
          %parallel_loop3A_455 = arith.index_cast %parallel_loop3A_454 : i32 to index
          %parallel_loop3A_456 = arith.constant 0 : index
          %parallel_loop3A_457 = tpu.vector_load %arg18[%parallel_loop3A_455, %parallel_loop3A_456] {strides = array<i32>} : memref<512x16xf32, #tpu.memory_space<vmem>>, vector<1x16xf32>,
          %parallel_loop3A_458 = vector.shape_cast %parallel_loop3A_457 : vector<1x16xf32> to vector<16xf32>
          %parallel_loop3A_459 = arith.constant 8 : i32
          %parallel_loop3A_460 = vector.broadcast %parallel_loop3A_459 : i32 to vector<16x1xi32>
          %parallel_loop3A_461 = vector.shape_cast %parallel_loop3A_460 : vector<16x1xi32> to vector<16xi32>
          %parallel_loop3A_462 = tpu.dynamic_gather %parallel_loop3A_306[%parallel_loop3A_461] in [0] : vector<16xf32>, vector<16xi32> -> vector<16xf32>
          %parallel_loop3A_463 = arith.mulf %parallel_loop3A_458, %parallel_loop3A_462 : vector<16xf32>
          %parallel_loop3A_464 = arith.constant 8 : i32
          %parallel_loop3A_465 = arith.addi %parallel_loop3A_308, %parallel_loop3A_464 : i32
          %parallel_loop3A_466 = arith.index_cast %parallel_loop3A_465 : i32 to index
          %parallel_loop3A_467 = arith.constant 0 : index
          %parallel_loop3A_468 = tpu.vector_load %arg18[%parallel_loop3A_466, %parallel_loop3A_467] {strides = array<i32>} : memref<512x16xf32, #tpu.memory_space<vmem>>, vector<1x16xf32>,
          %parallel_loop3A_469 = vector.shape_cast %parallel_loop3A_468 : vector<1x16xf32> to vector<16xf32>
          %parallel_loop3A_470 = vector.shape_cast %parallel_loop3A_463 : vector<16xf32> to vector<1x16xf32>
          tpu.vector_store %arg18[%parallel_loop3A_466, %parallel_loop3A_467], %parallel_loop3A_470 {strides = array<i32>} : memref<512x16xf32, #tpu.memory_space<vmem>>, vector<1x16xf32>,
          %parallel_loop3A_471 = arith.constant 9 : i32
          %parallel_loop3A_472 = arith.addi %parallel_loop3A_308, %parallel_loop3A_471 : i32
          %parallel_loop3A_473 = arith.index_cast %parallel_loop3A_472 : i32 to index
          %parallel_loop3A_474 = arith.constant 0 : index
          %parallel_loop3A_475 = tpu.vector_load %arg18[%parallel_loop3A_473, %parallel_loop3A_474] {strides = array<i32>} : memref<512x16xf32, #tpu.memory_space<vmem>>, vector<1x16xf32>,
          %parallel_loop3A_476 = vector.shape_cast %parallel_loop3A_475 : vector<1x16xf32> to vector<16xf32>
          %parallel_loop3A_477 = arith.constant 9 : i32
          %parallel_loop3A_478 = vector.broadcast %parallel_loop3A_477 : i32 to vector<16x1xi32>
          %parallel_loop3A_479 = vector.shape_cast %parallel_loop3A_478 : vector<16x1xi32> to vector<16xi32>
          %parallel_loop3A_480 = tpu.dynamic_gather %parallel_loop3A_306[%parallel_loop3A_479] in [0] : vector<16xf32>, vector<16xi32> -> vector<16xf32>
          %parallel_loop3A_481 = arith.mulf %parallel_loop3A_476, %parallel_loop3A_480 : vector<16xf32>
          %parallel_loop3A_482 = arith.constant 9 : i32
          %parallel_loop3A_483 = arith.addi %parallel_loop3A_308, %parallel_loop3A_482 : i32
          %parallel_loop3A_484 = arith.index_cast %parallel_loop3A_483 : i32 to index
          %parallel_loop3A_485 = arith.constant 0 : index
          %parallel_loop3A_486 = tpu.vector_load %arg18[%parallel_loop3A_484, %parallel_loop3A_485] {strides = array<i32>} : memref<512x16xf32, #tpu.memory_space<vmem>>, vector<1x16xf32>,
          %parallel_loop3A_487 = vector.shape_cast %parallel_loop3A_486 : vector<1x16xf32> to vector<16xf32>
          %parallel_loop3A_488 = vector.shape_cast %parallel_loop3A_481 : vector<16xf32> to vector<1x16xf32>
          tpu.vector_store %arg18[%parallel_loop3A_484, %parallel_loop3A_485], %parallel_loop3A_488 {strides = array<i32>} : memref<512x16xf32, #tpu.memory_space<vmem>>, vector<1x16xf32>,
          %parallel_loop3A_489 = arith.constant 10 : i32
          %parallel_loop3A_490 = arith.addi %parallel_loop3A_308, %parallel_loop3A_489 : i32
          %parallel_loop3A_491 = arith.index_cast %parallel_loop3A_490 : i32 to index
          %parallel_loop3A_492 = arith.constant 0 : index
          %parallel_loop3A_493 = tpu.vector_load %arg18[%parallel_loop3A_491, %parallel_loop3A_492] {strides = array<i32>} : memref<512x16xf32, #tpu.memory_space<vmem>>, vector<1x16xf32>,
          %parallel_loop3A_494 = vector.shape_cast %parallel_loop3A_493 : vector<1x16xf32> to vector<16xf32>
          %parallel_loop3A_495 = arith.constant 10 : i32
          %parallel_loop3A_496 = vector.broadcast %parallel_loop3A_495 : i32 to vector<16x1xi32>
          %parallel_loop3A_497 = vector.shape_cast %parallel_loop3A_496 : vector<16x1xi32> to vector<16xi32>
          %parallel_loop3A_498 = tpu.dynamic_gather %parallel_loop3A_306[%parallel_loop3A_497] in [0] : vector<16xf32>, vector<16xi32> -> vector<16xf32>
          %parallel_loop3A_499 = arith.mulf %parallel_loop3A_494, %parallel_loop3A_498 : vector<16xf32>
          %parallel_loop3A_500 = arith.constant 10 : i32
          %parallel_loop3A_501 = arith.addi %parallel_loop3A_308, %parallel_loop3A_500 : i32
          %parallel_loop3A_502 = arith.index_cast %parallel_loop3A_501 : i32 to index
          %parallel_loop3A_503 = arith.constant 0 : index
          %parallel_loop3A_504 = tpu.vector_load %arg18[%parallel_loop3A_502, %parallel_loop3A_503] {strides = array<i32>} : memref<512x16xf32, #tpu.memory_space<vmem>>, vector<1x16xf32>,
          %parallel_loop3A_505 = vector.shape_cast %parallel_loop3A_504 : vector<1x16xf32> to vector<16xf32>
          %parallel_loop3A_506 = vector.shape_cast %parallel_loop3A_499 : vector<16xf32> to vector<1x16xf32>
          tpu.vector_store %arg18[%parallel_loop3A_502, %parallel_loop3A_503], %parallel_loop3A_506 {strides = array<i32>} : memref<512x16xf32, #tpu.memory_space<vmem>>, vector<1x16xf32>,
          %parallel_loop3A_507 = arith.constant 11 : i32
          %parallel_loop3A_508 = arith.addi %parallel_loop3A_308, %parallel_loop3A_507 : i32
          %parallel_loop3A_509 = arith.index_cast %parallel_loop3A_508 : i32 to index
          %parallel_loop3A_510 = arith.constant 0 : index
          %parallel_loop3A_511 = tpu.vector_load %arg18[%parallel_loop3A_509, %parallel_loop3A_510] {strides = array<i32>} : memref<512x16xf32, #tpu.memory_space<vmem>>, vector<1x16xf32>,
          %parallel_loop3A_512 = vector.shape_cast %parallel_loop3A_511 : vector<1x16xf32> to vector<16xf32>
          %parallel_loop3A_513 = arith.constant 11 : i32
          %parallel_loop3A_514 = vector.broadcast %parallel_loop3A_513 : i32 to vector<16x1xi32>
          %parallel_loop3A_515 = vector.shape_cast %parallel_loop3A_514 : vector<16x1xi32> to vector<16xi32>
          %parallel_loop3A_516 = tpu.dynamic_gather %parallel_loop3A_306[%parallel_loop3A_515] in [0] : vector<16xf32>, vector<16xi32> -> vector<16xf32>
          %parallel_loop3A_517 = arith.mulf %parallel_loop3A_512, %parallel_loop3A_516 : vector<16xf32>
          %parallel_loop3A_518 = arith.constant 11 : i32
          %parallel_loop3A_519 = arith.addi %parallel_loop3A_308, %parallel_loop3A_518 : i32
          %parallel_loop3A_520 = arith.index_cast %parallel_loop3A_519 : i32 to index
          %parallel_loop3A_521 = arith.constant 0 : index
          %parallel_loop3A_522 = tpu.vector_load %arg18[%parallel_loop3A_520, %parallel_loop3A_521] {strides = array<i32>} : memref<512x16xf32, #tpu.memory_space<vmem>>, vector<1x16xf32>,
          %parallel_loop3A_523 = vector.shape_cast %parallel_loop3A_522 : vector<1x16xf32> to vector<16xf32>
          %parallel_loop3A_524 = vector.shape_cast %parallel_loop3A_517 : vector<16xf32> to vector<1x16xf32>
          tpu.vector_store %arg18[%parallel_loop3A_520, %parallel_loop3A_521], %parallel_loop3A_524 {strides = array<i32>} : memref<512x16xf32, #tpu.memory_space<vmem>>, vector<1x16xf32>,
          %parallel_loop3A_525 = arith.constant 12 : i32
          %parallel_loop3A_526 = arith.addi %parallel_loop3A_308, %parallel_loop3A_525 : i32
          %parallel_loop3A_527 = arith.index_cast %parallel_loop3A_526 : i32 to index
          %parallel_loop3A_528 = arith.constant 0 : index
          %parallel_loop3A_529 = tpu.vector_load %arg18[%parallel_loop3A_527, %parallel_loop3A_528] {strides = array<i32>} : memref<512x16xf32, #tpu.memory_space<vmem>>, vector<1x16xf32>,
          %parallel_loop3A_530 = vector.shape_cast %parallel_loop3A_529 : vector<1x16xf32> to vector<16xf32>
          %parallel_loop3A_531 = arith.constant 12 : i32
          %parallel_loop3A_532 = vector.broadcast %parallel_loop3A_531 : i32 to vector<16x1xi32>
          %parallel_loop3A_533 = vector.shape_cast %parallel_loop3A_532 : vector<16x1xi32> to vector<16xi32>
          %parallel_loop3A_534 = tpu.dynamic_gather %parallel_loop3A_306[%parallel_loop3A_533] in [0] : vector<16xf32>, vector<16xi32> -> vector<16xf32>
          %parallel_loop3A_535 = arith.mulf %parallel_loop3A_530, %parallel_loop3A_534 : vector<16xf32>
          %parallel_loop3A_536 = arith.constant 12 : i32
          %parallel_loop3A_537 = arith.addi %parallel_loop3A_308, %parallel_loop3A_536 : i32
          %parallel_loop3A_538 = arith.index_cast %parallel_loop3A_537 : i32 to index
          %parallel_loop3A_539 = arith.constant 0 : index
          %parallel_loop3A_540 = tpu.vector_load %arg18[%parallel_loop3A_538, %parallel_loop3A_539] {strides = array<i32>} : memref<512x16xf32, #tpu.memory_space<vmem>>, vector<1x16xf32>,
          %parallel_loop3A_541 = vector.shape_cast %parallel_loop3A_540 : vector<1x16xf32> to vector<16xf32>
          %parallel_loop3A_542 = vector.shape_cast %parallel_loop3A_535 : vector<16xf32> to vector<1x16xf32>
          tpu.vector_store %arg18[%parallel_loop3A_538, %parallel_loop3A_539], %parallel_loop3A_542 {strides = array<i32>} : memref<512x16xf32, #tpu.memory_space<vmem>>, vector<1x16xf32>,
          %parallel_loop3A_543 = arith.constant 13 : i32
          %parallel_loop3A_544 = arith.addi %parallel_loop3A_308, %parallel_loop3A_543 : i32
          %parallel_loop3A_545 = arith.index_cast %parallel_loop3A_544 : i32 to index
          %parallel_loop3A_546 = arith.constant 0 : index
          %parallel_loop3A_547 = tpu.vector_load %arg18[%parallel_loop3A_545, %parallel_loop3A_546] {strides = array<i32>} : memref<512x16xf32, #tpu.memory_space<vmem>>, vector<1x16xf32>,
          %parallel_loop3A_548 = vector.shape_cast %parallel_loop3A_547 : vector<1x16xf32> to vector<16xf32>
          %parallel_loop3A_549 = arith.constant 13 : i32
          %parallel_loop3A_550 = vector.broadcast %parallel_loop3A_549 : i32 to vector<16x1xi32>
          %parallel_loop3A_551 = vector.shape_cast %parallel_loop3A_550 : vector<16x1xi32> to vector<16xi32>
          %parallel_loop3A_552 = tpu.dynamic_gather %parallel_loop3A_306[%parallel_loop3A_551] in [0] : vector<16xf32>, vector<16xi32> -> vector<16xf32>
          %parallel_loop3A_553 = arith.mulf %parallel_loop3A_548, %parallel_loop3A_552 : vector<16xf32>
          %parallel_loop3A_554 = arith.constant 13 : i32
          %parallel_loop3A_555 = arith.addi %parallel_loop3A_308, %parallel_loop3A_554 : i32
          %parallel_loop3A_556 = arith.index_cast %parallel_loop3A_555 : i32 to index
          %parallel_loop3A_557 = arith.constant 0 : index
          %parallel_loop3A_558 = tpu.vector_load %arg18[%parallel_loop3A_556, %parallel_loop3A_557] {strides = array<i32>} : memref<512x16xf32, #tpu.memory_space<vmem>>, vector<1x16xf32>,
          %parallel_loop3A_559 = vector.shape_cast %parallel_loop3A_558 : vector<1x16xf32> to vector<16xf32>
          %parallel_loop3A_560 = vector.shape_cast %parallel_loop3A_553 : vector<16xf32> to vector<1x16xf32>
          tpu.vector_store %arg18[%parallel_loop3A_556, %parallel_loop3A_557], %parallel_loop3A_560 {strides = array<i32>} : memref<512x16xf32, #tpu.memory_space<vmem>>, vector<1x16xf32>,
          %parallel_loop3A_561 = arith.constant 14 : i32
          %parallel_loop3A_562 = arith.addi %parallel_loop3A_308, %parallel_loop3A_561 : i32
          %parallel_loop3A_563 = arith.index_cast %parallel_loop3A_562 : i32 to index
          %parallel_loop3A_564 = arith.constant 0 : index
          %parallel_loop3A_565 = tpu.vector_load %arg18[%parallel_loop3A_563, %parallel_loop3A_564] {strides = array<i32>} : memref<512x16xf32, #tpu.memory_space<vmem>>, vector<1x16xf32>,
          %parallel_loop3A_566 = vector.shape_cast %parallel_loop3A_565 : vector<1x16xf32> to vector<16xf32>
          %parallel_loop3A_567 = arith.constant 14 : i32
          %parallel_loop3A_568 = vector.broadcast %parallel_loop3A_567 : i32 to vector<16x1xi32>
          %parallel_loop3A_569 = vector.shape_cast %parallel_loop3A_568 : vector<16x1xi32> to vector<16xi32>
          %parallel_loop3A_570 = tpu.dynamic_gather %parallel_loop3A_306[%parallel_loop3A_569] in [0] : vector<16xf32>, vector<16xi32> -> vector<16xf32>
          %parallel_loop3A_571 = arith.mulf %parallel_loop3A_566, %parallel_loop3A_570 : vector<16xf32>
          %parallel_loop3A_572 = arith.constant 14 : i32
          %parallel_loop3A_573 = arith.addi %parallel_loop3A_308, %parallel_loop3A_572 : i32
          %parallel_loop3A_574 = arith.index_cast %parallel_loop3A_573 : i32 to index
          %parallel_loop3A_575 = arith.constant 0 : index
          %parallel_loop3A_576 = tpu.vector_load %arg18[%parallel_loop3A_574, %parallel_loop3A_575] {strides = array<i32>} : memref<512x16xf32, #tpu.memory_space<vmem>>, vector<1x16xf32>,
          %parallel_loop3A_577 = vector.shape_cast %parallel_loop3A_576 : vector<1x16xf32> to vector<16xf32>
          %parallel_loop3A_578 = vector.shape_cast %parallel_loop3A_571 : vector<16xf32> to vector<1x16xf32>
          tpu.vector_store %arg18[%parallel_loop3A_574, %parallel_loop3A_575], %parallel_loop3A_578 {strides = array<i32>} : memref<512x16xf32, #tpu.memory_space<vmem>>, vector<1x16xf32>,
          %parallel_loop3A_579 = arith.constant 15 : i32
          %parallel_loop3A_580 = arith.addi %parallel_loop3A_308, %parallel_loop3A_579 : i32
          %parallel_loop3A_581 = arith.index_cast %parallel_loop3A_580 : i32 to index
          %parallel_loop3A_582 = arith.constant 0 : index
          %parallel_loop3A_583 = tpu.vector_load %arg18[%parallel_loop3A_581, %parallel_loop3A_582] {strides = array<i32>} : memref<512x16xf32, #tpu.memory_space<vmem>>, vector<1x16xf32>,
          %parallel_loop3A_584 = vector.shape_cast %parallel_loop3A_583 : vector<1x16xf32> to vector<16xf32>
          %parallel_loop3A_585 = arith.constant 15 : i32
          %parallel_loop3A_586 = vector.broadcast %parallel_loop3A_585 : i32 to vector<16x1xi32>
          %parallel_loop3A_587 = vector.shape_cast %parallel_loop3A_586 : vector<16x1xi32> to vector<16xi32>
          %parallel_loop3A_588 = tpu.dynamic_gather %parallel_loop3A_306[%parallel_loop3A_587] in [0] : vector<16xf32>, vector<16xi32> -> vector<16xf32>
          %parallel_loop3A_589 = arith.mulf %parallel_loop3A_584, %parallel_loop3A_588 : vector<16xf32>
          %parallel_loop3A_590 = arith.constant 15 : i32
          %parallel_loop3A_591 = arith.addi %parallel_loop3A_308, %parallel_loop3A_590 : i32
          %parallel_loop3A_592 = arith.index_cast %parallel_loop3A_591 : i32 to index
          %parallel_loop3A_593 = arith.constant 0 : index
          %parallel_loop3A_594 = tpu.vector_load %arg18[%parallel_loop3A_592, %parallel_loop3A_593] {strides = array<i32>} : memref<512x16xf32, #tpu.memory_space<vmem>>, vector<1x16xf32>,
          %parallel_loop3A_595 = vector.shape_cast %parallel_loop3A_594 : vector<1x16xf32> to vector<16xf32>
          %parallel_loop3A_596 = vector.shape_cast %parallel_loop3A_589 : vector<16xf32> to vector<1x16xf32>
          tpu.vector_store %arg18[%parallel_loop3A_592, %parallel_loop3A_593], %parallel_loop3A_596 {strides = array<i32>} : memref<512x16xf32, #tpu.memory_space<vmem>>, vector<1x16xf32>,
        } {sc.loop_unroll_factor = 2 : i64, sc.parallel_access}
        %dma_start3A_214 = arith.constant 1 : i32
        %dma_start3A_215 = arith.constant 0 : i32
        %dma_start3A_216 = tpu.memref_slice %arg8[%dma_start3A_214, %dma_start3A_215] : memref<2x512xi32, #tpu.memory_space<vmem>> -> memref<1x512xi32, #tpu.memory_space<vmem>>
        %dma_start3A_217 = tpu.memref_squeeze %dma_start3A_216 : memref<1x512xi32, #tpu.memory_space<vmem>> -> memref<512xi32, #tpu.memory_space<vmem>>
        %dma_start3A_218 = arith.constant 0 : i32
        %dma_start3A_219 = arith.constant 0 : i32
        %dma_start3A_220 = tpu.memref_slice %arg28[%dma_start3A_218, %dma_start3A_219] : memref<16384x16xf32, #tpu.memory_space<vmem_shared>> -> memref<16384x16xf32, #tpu.memory_space<vmem_shared>>
        tpu.enqueue_indirect_dma source(%arg18 : memref<512x16xf32, #tpu.memory_space<vmem>>) target(%dma_start3A_220 : memref<16384x16xf32, #tpu.memory_space<vmem_shared>>) offsets(%dma_start3A_217 : memref<512xi32, #tpu.memory_space<vmem>>) semaphore(%arg31 : memref<!tpu.dma_semaphore, #tpu.memory_space<semaphore_mem>>) {add = true}
        %mul3A_221 = arith.constant 5 : i32
        %mul3A_222 = arith.muli %mul3A_221, %scan3A_105 : i32
        %add3A_223 = arith.constant 3 : i32
        %add3A_224 = arith.addi %mul3A_222, %add3A_223 : i32
        %ge3A_225 = arith.constant 2 : i32
        %ge3A_226 = arith.cmpi sge, %add3A_224, %ge3A_225 : i32
        %convert_element_type3A_227 = arith.extui %ge3A_226 : i1 to i32
        %cond3A_228 = arith.constant 0 : i32
        %cond3A_229 = arith.cmpi ne, %convert_element_type3A_227, %cond3A_228 : i32
        scf.if %cond3A_229 {
          %dma_wait3A_301 = arith.constant 1 : i32
          %dma_wait3A_302 = arith.constant 0 : i32
          %dma_wait3A_303 = tpu.memref_slice %arg7[%dma_wait3A_301, %dma_wait3A_302] : memref<2x512xi32, #tpu.memory_space<vmem>> -> memref<1x512xi32, #tpu.memory_space<vmem>>
          %dma_wait3A_304 = tpu.memref_squeeze %dma_wait3A_303 : memref<1x512xi32, #tpu.memory_space<vmem>> -> memref<512xi32, #tpu.memory_space<vmem>>
          %dma_wait3A_305 = arith.constant 0 : i32
          %dma_wait3A_306 = arith.constant 0 : i32
          %dma_wait3A_307 = tpu.memref_slice %arg28[%dma_wait3A_305, %dma_wait3A_306] : memref<16384x16xf32, #tpu.memory_space<vmem_shared>> -> memref<16384x16xf32, #tpu.memory_space<vmem_shared>>
          tpu.wait_indirect_dma semaphore(%arg31 : memref<!tpu.dma_semaphore, #tpu.memory_space<semaphore_mem>>) src(%arg17 : memref<512x16xf32, #tpu.memory_space<vmem>>) dst(%dma_wait3A_307 : memref<16384x16xf32, #tpu.memory_space<vmem_shared>>)
        } else {
        }
        %add3A_230 = arith.constant 2 : i32
        %add3A_231 = arith.addi %add3A_224, %add3A_230 : i32
        %lt3A_232 = arith.constant 85 : i32
        %lt3A_233 = arith.cmpi slt, %add3A_231, %lt3A_232 : i32
        %convert_element_type3A_234 = arith.extui %lt3A_233 : i1 to i32
        %cond3A_235 = arith.constant 0 : i32
        %cond3A_236 = arith.cmpi ne, %convert_element_type3A_234, %cond3A_235 : i32
        scf.if %cond3A_236 {
          %add3A_301 = arith.constant 2 : i32
          %add3A_302 = arith.addi %add3A_224, %add3A_301 : i32
          %mul3A_303 = arith.constant 85 : i32
          %mul3A_304 = arith.muli %arg1, %mul3A_303 : i32
          %add3A_305 = arith.addi %mul3A_304, %add3A_302 : i32
          %dma_start3A_306 = arith.constant 0 : i32
          %dma_start3A_307 = arith.constant 0 : i32
          %dma_start3A_308 = tpu.memref_slice %arg3[%add3A_305, %dma_start3A_306, %dma_start3A_307] : memref<1360x2x512xi32, #tpu.memory_space<hbm>> -> memref<1x2x512xi32, #tpu.memory_space<hbm>>
          %dma_start3A_309 = tpu.memref_squeeze %dma_start3A_308 : memref<1x2x512xi32, #tpu.memory_space<hbm>> -> memref<2x512xi32, #tpu.memory_space<hbm>>
          %dma_start3A_310 = arith.constant 0 : i32
          %dma_start3A_311 = arith.constant 0 : i32
          %dma_start3A_312 = tpu.memref_slice %arg3[%add3A_305, %dma_start3A_310, %dma_start3A_311] : memref<1360x2x512xi32, #tpu.memory_space<hbm>> -> memref<1x2x512xi32, #tpu.memory_space<hbm>>
          %dma_start3A_313 = tpu.memref_squeeze %dma_start3A_312 : memref<1x2x512xi32, #tpu.memory_space<hbm>> -> memref<2x512xi32, #tpu.memory_space<hbm>>
          tpu.enqueue_dma source(%dma_start3A_313 : memref<2x512xi32, #tpu.memory_space<hbm>>) target(%arg6 : memref<2x512xi32, #tpu.memory_space<vmem>>) target_semaphore(%arg29 : memref<!tpu.dma_semaphore, #tpu.memory_space<semaphore_mem>>)
          %mul3A_314 = arith.constant 43520 : i32
          %mul3A_315 = arith.muli %arg1, %mul3A_314 : i32
          %mul3A_316 = arith.constant 512 : i32
          %mul3A_317 = arith.muli %add3A_302, %mul3A_316 : i32
          %add3A_318 = arith.addi %mul3A_315, %mul3A_317 : i32
          %dma_start3A_319 = tpu.memref_slice %arg4[%add3A_318] : memref<696320xf32, #tpu.memory_space<hbm>> -> memref<512xf32, #tpu.memory_space<hbm>>
          %dma_start3A_320 = tpu.memref_slice %arg4[%add3A_318] : memref<696320xf32, #tpu.memory_space<hbm>> -> memref<512xf32, #tpu.memory_space<hbm>>
          tpu.enqueue_dma source(%dma_start3A_320 : memref<512xf32, #tpu.memory_space<hbm>>) target(%arg11 : memref<512xf32, #tpu.memory_space<vmem>>) target_semaphore(%arg29 : memref<!tpu.dma_semaphore, #tpu.memory_space<semaphore_mem>>)
        } else {
        }
        %add3A_237 = arith.constant 1 : i32
        %add3A_238 = arith.addi %add3A_224, %add3A_237 : i32
        %lt3A_239 = arith.constant 85 : i32
        %lt3A_240 = arith.cmpi slt, %add3A_238, %lt3A_239 : i32
        %convert_element_type3A_241 = arith.extui %lt3A_240 : i1 to i32
        %cond3A_242 = arith.constant 0 : i32
        %cond3A_243 = arith.cmpi ne, %convert_element_type3A_241, %cond3A_242 : i32
        scf.if %cond3A_243 {
          %dma_wait3A_301 = arith.constant 0 : i32
          %dma_wait3A_302 = arith.constant 0 : i32
          %dma_wait3A_303 = arith.constant 0 : i32
          %dma_wait3A_304 = tpu.memref_slice %arg3[%dma_wait3A_301, %dma_wait3A_302, %dma_wait3A_303] : memref<1360x2x512xi32, #tpu.memory_space<hbm>> -> memref<1x2x512xi32, #tpu.memory_space<hbm>>
          %dma_wait3A_305 = tpu.memref_squeeze %dma_wait3A_304 : memref<1x2x512xi32, #tpu.memory_space<hbm>> -> memref<2x512xi32, #tpu.memory_space<hbm>>
          %dma_wait3A_306 = arith.constant 0 : i32
          %dma_wait3A_307 = arith.constant 0 : i32
          %dma_wait3A_308 = tpu.memref_slice %arg3[%dma_wait3A_301, %dma_wait3A_306, %dma_wait3A_307] : memref<1360x2x512xi32, #tpu.memory_space<hbm>> -> memref<1x2x512xi32, #tpu.memory_space<hbm>>
          %dma_wait3A_309 = tpu.memref_squeeze %dma_wait3A_308 : memref<1x2x512xi32, #tpu.memory_space<hbm>> -> memref<2x512xi32, #tpu.memory_space<hbm>>
          tpu.wait_dma2 semaphore(%arg29 : memref<!tpu.dma_semaphore, #tpu.memory_space<semaphore_mem>>) src(%dma_wait3A_309 : memref<2x512xi32, #tpu.memory_space<hbm>>) dst(%arg10 : memref<2x512xi32, #tpu.memory_space<vmem>>)
          %dma_wait3A_310 = arith.constant 0 : i32
          %dma_wait3A_311 = tpu.memref_slice %arg4[%dma_wait3A_310] : memref<696320xf32, #tpu.memory_space<hbm>> -> memref<512xf32, #tpu.memory_space<hbm>>
          %dma_wait3A_312 = arith.constant 0 : i32
          %dma_wait3A_313 = tpu.memref_slice %arg4[%dma_wait3A_312] : memref<696320xf32, #tpu.memory_space<hbm>> -> memref<512xf32, #tpu.memory_space<hbm>>
          tpu.wait_dma2 semaphore(%arg29 : memref<!tpu.dma_semaphore, #tpu.memory_space<semaphore_mem>>) src(%dma_wait3A_313 : memref<512xf32, #tpu.memory_space<hbm>>) dst(%arg15 : memref<512xf32, #tpu.memory_space<vmem>>)
          %dma_start3A_314 = arith.constant 0 : i32
          %dma_start3A_315 = arith.constant 0 : i32
          %dma_start3A_316 = tpu.memref_slice %arg10[%dma_start3A_314, %dma_start3A_315] : memref<2x512xi32, #tpu.memory_space<vmem>> -> memref<1x512xi32, #tpu.memory_space<vmem>>
          %dma_start3A_317 = tpu.memref_squeeze %dma_start3A_316 : memref<1x512xi32, #tpu.memory_space<vmem>> -> memref<512xi32, #tpu.memory_space<vmem>>
          %dma_start3A_318 = arith.constant 0 : i32
          %dma_start3A_319 = arith.constant 0 : i32
          %dma_start3A_320 = tpu.memref_slice %arg27[%dma_start3A_318, %dma_start3A_319] : memref<4096x16xf32, #tpu.memory_space<vmem_shared>> -> memref<4096x16xf32, #tpu.memory_space<vmem_shared>>
          tpu.enqueue_indirect_dma source(%dma_start3A_320 : memref<4096x16xf32, #tpu.memory_space<vmem_shared>>) target(%arg20 : memref<512x16xf32, #tpu.memory_space<vmem>>) offsets(%dma_start3A_317 : memref<512xi32, #tpu.memory_space<vmem>>) semaphore(%arg30 : memref<!tpu.dma_semaphore, #tpu.memory_space<semaphore_mem>>)
        } else {
        }
        %dma_wait3A_244 = arith.constant 0 : i32
        %dma_wait3A_245 = arith.constant 0 : i32
        %dma_wait3A_246 = tpu.memref_slice %arg9[%dma_wait3A_244, %dma_wait3A_245] : memref<2x512xi32, #tpu.memory_space<vmem>> -> memref<1x512xi32, #tpu.memory_space<vmem>>
        %dma_wait3A_247 = tpu.memref_squeeze %dma_wait3A_246 : memref<1x512xi32, #tpu.memory_space<vmem>> -> memref<512xi32, #tpu.memory_space<vmem>>
        %dma_wait3A_248 = arith.constant 0 : i32
        %dma_wait3A_249 = arith.constant 0 : i32
        %dma_wait3A_250 = tpu.memref_slice %arg27[%dma_wait3A_248, %dma_wait3A_249] : memref<4096x16xf32, #tpu.memory_space<vmem_shared>> -> memref<4096x16xf32, #tpu.memory_space<vmem_shared>>
        tpu.wait_indirect_dma semaphore(%arg30 : memref<!tpu.dma_semaphore, #tpu.memory_space<semaphore_mem>>) src(%dma_wait3A_250 : memref<4096x16xf32, #tpu.memory_space<vmem_shared>>) dst(%arg19 : memref<512x16xf32, #tpu.memory_space<vmem>>)
        %parallel_loop3A_251 = arith.constant 0 : i32
        %parallel_loop3A_252 = arith.constant 32 : i32
        %parallel_loop3A_253 = arith.constant 1 : i32
        scf.for %parallel_loop3A_301 = %parallel_loop3A_251 to %parallel_loop3A_252 step %parallel_loop3A_253  : i32 {
          %parallel_loop3A_302 = arith.constant 16 : i32
          %parallel_loop3A_303 = arith.muli %parallel_loop3A_301, %parallel_loop3A_302 : i32
          %parallel_loop3A_304 = arith.index_cast %parallel_loop3A_303 : i32 to index
          %parallel_loop3A_305 = tpu.vector_load %arg14[%parallel_loop3A_304] {strides = array<i32>} : memref<512xf32, #tpu.memory_space<vmem>>, vector<16xf32>,
          %parallel_loop3A_306 = vector.shape_cast %parallel_loop3A_305 : vector<16xf32> to vector<16xf32>
          %parallel_loop3A_307 = arith.constant 16 : i32
          %parallel_loop3A_308 = arith.muli %parallel_loop3A_301, %parallel_loop3A_307 : i32
          %parallel_loop3A_309 = arith.constant 0 : i32
          %parallel_loop3A_310 = arith.addi %parallel_loop3A_308, %parallel_loop3A_309 : i32
          %parallel_loop3A_311 = arith.index_cast %parallel_loop3A_310 : i32 to index
          %parallel_loop3A_312 = arith.constant 0 : index
          %parallel_loop3A_313 = tpu.vector_load %arg19[%parallel_loop3A_311, %parallel_loop3A_312] {strides = array<i32>} : memref<512x16xf32, #tpu.memory_space<vmem>>, vector<1x16xf32>,
          %parallel_loop3A_314 = vector.shape_cast %parallel_loop3A_313 : vector<1x16xf32> to vector<16xf32>
          %parallel_loop3A_315 = arith.constant 0 : i32
          %parallel_loop3A_316 = vector.broadcast %parallel_loop3A_315 : i32 to vector<16x1xi32>
          %parallel_loop3A_317 = vector.shape_cast %parallel_loop3A_316 : vector<16x1xi32> to vector<16xi32>
          %parallel_loop3A_318 = tpu.dynamic_gather %parallel_loop3A_306[%parallel_loop3A_317] in [0] : vector<16xf32>, vector<16xi32> -> vector<16xf32>
          %parallel_loop3A_319 = arith.mulf %parallel_loop3A_314, %parallel_loop3A_318 : vector<16xf32>
          %parallel_loop3A_320 = arith.constant 0 : i32
          %parallel_loop3A_321 = arith.addi %parallel_loop3A_308, %parallel_loop3A_320 : i32
          %parallel_loop3A_322 = arith.index_cast %parallel_loop3A_321 : i32 to index
          %parallel_loop3A_323 = arith.constant 0 : index
          %parallel_loop3A_324 = tpu.vector_load %arg19[%parallel_loop3A_322, %parallel_loop3A_323] {strides = array<i32>} : memref<512x16xf32, #tpu.memory_space<vmem>>, vector<1x16xf32>,
          %parallel_loop3A_325 = vector.shape_cast %parallel_loop3A_324 : vector<1x16xf32> to vector<16xf32>
          %parallel_loop3A_326 = vector.shape_cast %parallel_loop3A_319 : vector<16xf32> to vector<1x16xf32>
          tpu.vector_store %arg19[%parallel_loop3A_322, %parallel_loop3A_323], %parallel_loop3A_326 {strides = array<i32>} : memref<512x16xf32, #tpu.memory_space<vmem>>, vector<1x16xf32>,
          %parallel_loop3A_327 = arith.constant 1 : i32
          %parallel_loop3A_328 = arith.addi %parallel_loop3A_308, %parallel_loop3A_327 : i32
          %parallel_loop3A_329 = arith.index_cast %parallel_loop3A_328 : i32 to index
          %parallel_loop3A_330 = arith.constant 0 : index
          %parallel_loop3A_331 = tpu.vector_load %arg19[%parallel_loop3A_329, %parallel_loop3A_330] {strides = array<i32>} : memref<512x16xf32, #tpu.memory_space<vmem>>, vector<1x16xf32>,
          %parallel_loop3A_332 = vector.shape_cast %parallel_loop3A_331 : vector<1x16xf32> to vector<16xf32>
          %parallel_loop3A_333 = arith.constant 1 : i32
          %parallel_loop3A_334 = vector.broadcast %parallel_loop3A_333 : i32 to vector<16x1xi32>
          %parallel_loop3A_335 = vector.shape_cast %parallel_loop3A_334 : vector<16x1xi32> to vector<16xi32>
          %parallel_loop3A_336 = tpu.dynamic_gather %parallel_loop3A_306[%parallel_loop3A_335] in [0] : vector<16xf32>, vector<16xi32> -> vector<16xf32>
          %parallel_loop3A_337 = arith.mulf %parallel_loop3A_332, %parallel_loop3A_336 : vector<16xf32>
          %parallel_loop3A_338 = arith.constant 1 : i32
          %parallel_loop3A_339 = arith.addi %parallel_loop3A_308, %parallel_loop3A_338 : i32
          %parallel_loop3A_340 = arith.index_cast %parallel_loop3A_339 : i32 to index
          %parallel_loop3A_341 = arith.constant 0 : index
          %parallel_loop3A_342 = tpu.vector_load %arg19[%parallel_loop3A_340, %parallel_loop3A_341] {strides = array<i32>} : memref<512x16xf32, #tpu.memory_space<vmem>>, vector<1x16xf32>,
          %parallel_loop3A_343 = vector.shape_cast %parallel_loop3A_342 : vector<1x16xf32> to vector<16xf32>
          %parallel_loop3A_344 = vector.shape_cast %parallel_loop3A_337 : vector<16xf32> to vector<1x16xf32>
          tpu.vector_store %arg19[%parallel_loop3A_340, %parallel_loop3A_341], %parallel_loop3A_344 {strides = array<i32>} : memref<512x16xf32, #tpu.memory_space<vmem>>, vector<1x16xf32>,
          %parallel_loop3A_345 = arith.constant 2 : i32
          %parallel_loop3A_346 = arith.addi %parallel_loop3A_308, %parallel_loop3A_345 : i32
          %parallel_loop3A_347 = arith.index_cast %parallel_loop3A_346 : i32 to index
          %parallel_loop3A_348 = arith.constant 0 : index
          %parallel_loop3A_349 = tpu.vector_load %arg19[%parallel_loop3A_347, %parallel_loop3A_348] {strides = array<i32>} : memref<512x16xf32, #tpu.memory_space<vmem>>, vector<1x16xf32>,
          %parallel_loop3A_350 = vector.shape_cast %parallel_loop3A_349 : vector<1x16xf32> to vector<16xf32>
          %parallel_loop3A_351 = arith.constant 2 : i32
          %parallel_loop3A_352 = vector.broadcast %parallel_loop3A_351 : i32 to vector<16x1xi32>
          %parallel_loop3A_353 = vector.shape_cast %parallel_loop3A_352 : vector<16x1xi32> to vector<16xi32>
          %parallel_loop3A_354 = tpu.dynamic_gather %parallel_loop3A_306[%parallel_loop3A_353] in [0] : vector<16xf32>, vector<16xi32> -> vector<16xf32>
          %parallel_loop3A_355 = arith.mulf %parallel_loop3A_350, %parallel_loop3A_354 : vector<16xf32>
          %parallel_loop3A_356 = arith.constant 2 : i32
          %parallel_loop3A_357 = arith.addi %parallel_loop3A_308, %parallel_loop3A_356 : i32
          %parallel_loop3A_358 = arith.index_cast %parallel_loop3A_357 : i32 to index
          %parallel_loop3A_359 = arith.constant 0 : index
          %parallel_loop3A_360 = tpu.vector_load %arg19[%parallel_loop3A_358, %parallel_loop3A_359] {strides = array<i32>} : memref<512x16xf32, #tpu.memory_space<vmem>>, vector<1x16xf32>,
          %parallel_loop3A_361 = vector.shape_cast %parallel_loop3A_360 : vector<1x16xf32> to vector<16xf32>
          %parallel_loop3A_362 = vector.shape_cast %parallel_loop3A_355 : vector<16xf32> to vector<1x16xf32>
          tpu.vector_store %arg19[%parallel_loop3A_358, %parallel_loop3A_359], %parallel_loop3A_362 {strides = array<i32>} : memref<512x16xf32, #tpu.memory_space<vmem>>, vector<1x16xf32>,
          %parallel_loop3A_363 = arith.constant 3 : i32
          %parallel_loop3A_364 = arith.addi %parallel_loop3A_308, %parallel_loop3A_363 : i32
          %parallel_loop3A_365 = arith.index_cast %parallel_loop3A_364 : i32 to index
          %parallel_loop3A_366 = arith.constant 0 : index
          %parallel_loop3A_367 = tpu.vector_load %arg19[%parallel_loop3A_365, %parallel_loop3A_366] {strides = array<i32>} : memref<512x16xf32, #tpu.memory_space<vmem>>, vector<1x16xf32>,
          %parallel_loop3A_368 = vector.shape_cast %parallel_loop3A_367 : vector<1x16xf32> to vector<16xf32>
          %parallel_loop3A_369 = arith.constant 3 : i32
          %parallel_loop3A_370 = vector.broadcast %parallel_loop3A_369 : i32 to vector<16x1xi32>
          %parallel_loop3A_371 = vector.shape_cast %parallel_loop3A_370 : vector<16x1xi32> to vector<16xi32>
          %parallel_loop3A_372 = tpu.dynamic_gather %parallel_loop3A_306[%parallel_loop3A_371] in [0] : vector<16xf32>, vector<16xi32> -> vector<16xf32>
          %parallel_loop3A_373 = arith.mulf %parallel_loop3A_368, %parallel_loop3A_372 : vector<16xf32>
          %parallel_loop3A_374 = arith.constant 3 : i32
          %parallel_loop3A_375 = arith.addi %parallel_loop3A_308, %parallel_loop3A_374 : i32
          %parallel_loop3A_376 = arith.index_cast %parallel_loop3A_375 : i32 to index
          %parallel_loop3A_377 = arith.constant 0 : index
          %parallel_loop3A_378 = tpu.vector_load %arg19[%parallel_loop3A_376, %parallel_loop3A_377] {strides = array<i32>} : memref<512x16xf32, #tpu.memory_space<vmem>>, vector<1x16xf32>,
          %parallel_loop3A_379 = vector.shape_cast %parallel_loop3A_378 : vector<1x16xf32> to vector<16xf32>
          %parallel_loop3A_380 = vector.shape_cast %parallel_loop3A_373 : vector<16xf32> to vector<1x16xf32>
          tpu.vector_store %arg19[%parallel_loop3A_376, %parallel_loop3A_377], %parallel_loop3A_380 {strides = array<i32>} : memref<512x16xf32, #tpu.memory_space<vmem>>, vector<1x16xf32>,
          %parallel_loop3A_381 = arith.constant 4 : i32
          %parallel_loop3A_382 = arith.addi %parallel_loop3A_308, %parallel_loop3A_381 : i32
          %parallel_loop3A_383 = arith.index_cast %parallel_loop3A_382 : i32 to index
          %parallel_loop3A_384 = arith.constant 0 : index
          %parallel_loop3A_385 = tpu.vector_load %arg19[%parallel_loop3A_383, %parallel_loop3A_384] {strides = array<i32>} : memref<512x16xf32, #tpu.memory_space<vmem>>, vector<1x16xf32>,
          %parallel_loop3A_386 = vector.shape_cast %parallel_loop3A_385 : vector<1x16xf32> to vector<16xf32>
          %parallel_loop3A_387 = arith.constant 4 : i32
          %parallel_loop3A_388 = vector.broadcast %parallel_loop3A_387 : i32 to vector<16x1xi32>
          %parallel_loop3A_389 = vector.shape_cast %parallel_loop3A_388 : vector<16x1xi32> to vector<16xi32>
          %parallel_loop3A_390 = tpu.dynamic_gather %parallel_loop3A_306[%parallel_loop3A_389] in [0] : vector<16xf32>, vector<16xi32> -> vector<16xf32>
          %parallel_loop3A_391 = arith.mulf %parallel_loop3A_386, %parallel_loop3A_390 : vector<16xf32>
          %parallel_loop3A_392 = arith.constant 4 : i32
          %parallel_loop3A_393 = arith.addi %parallel_loop3A_308, %parallel_loop3A_392 : i32
          %parallel_loop3A_394 = arith.index_cast %parallel_loop3A_393 : i32 to index
          %parallel_loop3A_395 = arith.constant 0 : index
          %parallel_loop3A_396 = tpu.vector_load %arg19[%parallel_loop3A_394, %parallel_loop3A_395] {strides = array<i32>} : memref<512x16xf32, #tpu.memory_space<vmem>>, vector<1x16xf32>,
          %parallel_loop3A_397 = vector.shape_cast %parallel_loop3A_396 : vector<1x16xf32> to vector<16xf32>
          %parallel_loop3A_398 = vector.shape_cast %parallel_loop3A_391 : vector<16xf32> to vector<1x16xf32>
          tpu.vector_store %arg19[%parallel_loop3A_394, %parallel_loop3A_395], %parallel_loop3A_398 {strides = array<i32>} : memref<512x16xf32, #tpu.memory_space<vmem>>, vector<1x16xf32>,
          %parallel_loop3A_399 = arith.constant 5 : i32
          %parallel_loop3A_400 = arith.addi %parallel_loop3A_308, %parallel_loop3A_399 : i32
          %parallel_loop3A_401 = arith.index_cast %parallel_loop3A_400 : i32 to index
          %parallel_loop3A_402 = arith.constant 0 : index
          %parallel_loop3A_403 = tpu.vector_load %arg19[%parallel_loop3A_401, %parallel_loop3A_402] {strides = array<i32>} : memref<512x16xf32, #tpu.memory_space<vmem>>, vector<1x16xf32>,
          %parallel_loop3A_404 = vector.shape_cast %parallel_loop3A_403 : vector<1x16xf32> to vector<16xf32>
          %parallel_loop3A_405 = arith.constant 5 : i32
          %parallel_loop3A_406 = vector.broadcast %parallel_loop3A_405 : i32 to vector<16x1xi32>
          %parallel_loop3A_407 = vector.shape_cast %parallel_loop3A_406 : vector<16x1xi32> to vector<16xi32>
          %parallel_loop3A_408 = tpu.dynamic_gather %parallel_loop3A_306[%parallel_loop3A_407] in [0] : vector<16xf32>, vector<16xi32> -> vector<16xf32>
          %parallel_loop3A_409 = arith.mulf %parallel_loop3A_404, %parallel_loop3A_408 : vector<16xf32>
          %parallel_loop3A_410 = arith.constant 5 : i32
          %parallel_loop3A_411 = arith.addi %parallel_loop3A_308, %parallel_loop3A_410 : i32
          %parallel_loop3A_412 = arith.index_cast %parallel_loop3A_411 : i32 to index
          %parallel_loop3A_413 = arith.constant 0 : index
          %parallel_loop3A_414 = tpu.vector_load %arg19[%parallel_loop3A_412, %parallel_loop3A_413] {strides = array<i32>} : memref<512x16xf32, #tpu.memory_space<vmem>>, vector<1x16xf32>,
          %parallel_loop3A_415 = vector.shape_cast %parallel_loop3A_414 : vector<1x16xf32> to vector<16xf32>
          %parallel_loop3A_416 = vector.shape_cast %parallel_loop3A_409 : vector<16xf32> to vector<1x16xf32>
          tpu.vector_store %arg19[%parallel_loop3A_412, %parallel_loop3A_413], %parallel_loop3A_416 {strides = array<i32>} : memref<512x16xf32, #tpu.memory_space<vmem>>, vector<1x16xf32>,
          %parallel_loop3A_417 = arith.constant 6 : i32
          %parallel_loop3A_418 = arith.addi %parallel_loop3A_308, %parallel_loop3A_417 : i32
          %parallel_loop3A_419 = arith.index_cast %parallel_loop3A_418 : i32 to index
          %parallel_loop3A_420 = arith.constant 0 : index
          %parallel_loop3A_421 = tpu.vector_load %arg19[%parallel_loop3A_419, %parallel_loop3A_420] {strides = array<i32>} : memref<512x16xf32, #tpu.memory_space<vmem>>, vector<1x16xf32>,
          %parallel_loop3A_422 = vector.shape_cast %parallel_loop3A_421 : vector<1x16xf32> to vector<16xf32>
          %parallel_loop3A_423 = arith.constant 6 : i32
          %parallel_loop3A_424 = vector.broadcast %parallel_loop3A_423 : i32 to vector<16x1xi32>
          %parallel_loop3A_425 = vector.shape_cast %parallel_loop3A_424 : vector<16x1xi32> to vector<16xi32>
          %parallel_loop3A_426 = tpu.dynamic_gather %parallel_loop3A_306[%parallel_loop3A_425] in [0] : vector<16xf32>, vector<16xi32> -> vector<16xf32>
          %parallel_loop3A_427 = arith.mulf %parallel_loop3A_422, %parallel_loop3A_426 : vector<16xf32>
          %parallel_loop3A_428 = arith.constant 6 : i32
          %parallel_loop3A_429 = arith.addi %parallel_loop3A_308, %parallel_loop3A_428 : i32
          %parallel_loop3A_430 = arith.index_cast %parallel_loop3A_429 : i32 to index
          %parallel_loop3A_431 = arith.constant 0 : index
          %parallel_loop3A_432 = tpu.vector_load %arg19[%parallel_loop3A_430, %parallel_loop3A_431] {strides = array<i32>} : memref<512x16xf32, #tpu.memory_space<vmem>>, vector<1x16xf32>,
          %parallel_loop3A_433 = vector.shape_cast %parallel_loop3A_432 : vector<1x16xf32> to vector<16xf32>
          %parallel_loop3A_434 = vector.shape_cast %parallel_loop3A_427 : vector<16xf32> to vector<1x16xf32>
          tpu.vector_store %arg19[%parallel_loop3A_430, %parallel_loop3A_431], %parallel_loop3A_434 {strides = array<i32>} : memref<512x16xf32, #tpu.memory_space<vmem>>, vector<1x16xf32>,
          %parallel_loop3A_435 = arith.constant 7 : i32
          %parallel_loop3A_436 = arith.addi %parallel_loop3A_308, %parallel_loop3A_435 : i32
          %parallel_loop3A_437 = arith.index_cast %parallel_loop3A_436 : i32 to index
          %parallel_loop3A_438 = arith.constant 0 : index
          %parallel_loop3A_439 = tpu.vector_load %arg19[%parallel_loop3A_437, %parallel_loop3A_438] {strides = array<i32>} : memref<512x16xf32, #tpu.memory_space<vmem>>, vector<1x16xf32>,
          %parallel_loop3A_440 = vector.shape_cast %parallel_loop3A_439 : vector<1x16xf32> to vector<16xf32>
          %parallel_loop3A_441 = arith.constant 7 : i32
          %parallel_loop3A_442 = vector.broadcast %parallel_loop3A_441 : i32 to vector<16x1xi32>
          %parallel_loop3A_443 = vector.shape_cast %parallel_loop3A_442 : vector<16x1xi32> to vector<16xi32>
          %parallel_loop3A_444 = tpu.dynamic_gather %parallel_loop3A_306[%parallel_loop3A_443] in [0] : vector<16xf32>, vector<16xi32> -> vector<16xf32>
          %parallel_loop3A_445 = arith.mulf %parallel_loop3A_440, %parallel_loop3A_444 : vector<16xf32>
          %parallel_loop3A_446 = arith.constant 7 : i32
          %parallel_loop3A_447 = arith.addi %parallel_loop3A_308, %parallel_loop3A_446 : i32
          %parallel_loop3A_448 = arith.index_cast %parallel_loop3A_447 : i32 to index
          %parallel_loop3A_449 = arith.constant 0 : index
          %parallel_loop3A_450 = tpu.vector_load %arg19[%parallel_loop3A_448, %parallel_loop3A_449] {strides = array<i32>} : memref<512x16xf32, #tpu.memory_space<vmem>>, vector<1x16xf32>,
          %parallel_loop3A_451 = vector.shape_cast %parallel_loop3A_450 : vector<1x16xf32> to vector<16xf32>
          %parallel_loop3A_452 = vector.shape_cast %parallel_loop3A_445 : vector<16xf32> to vector<1x16xf32>
          tpu.vector_store %arg19[%parallel_loop3A_448, %parallel_loop3A_449], %parallel_loop3A_452 {strides = array<i32>} : memref<512x16xf32, #tpu.memory_space<vmem>>, vector<1x16xf32>,
          %parallel_loop3A_453 = arith.constant 8 : i32
          %parallel_loop3A_454 = arith.addi %parallel_loop3A_308, %parallel_loop3A_453 : i32
          %parallel_loop3A_455 = arith.index_cast %parallel_loop3A_454 : i32 to index
          %parallel_loop3A_456 = arith.constant 0 : index
          %parallel_loop3A_457 = tpu.vector_load %arg19[%parallel_loop3A_455, %parallel_loop3A_456] {strides = array<i32>} : memref<512x16xf32, #tpu.memory_space<vmem>>, vector<1x16xf32>,
          %parallel_loop3A_458 = vector.shape_cast %parallel_loop3A_457 : vector<1x16xf32> to vector<16xf32>
          %parallel_loop3A_459 = arith.constant 8 : i32
          %parallel_loop3A_460 = vector.broadcast %parallel_loop3A_459 : i32 to vector<16x1xi32>
          %parallel_loop3A_461 = vector.shape_cast %parallel_loop3A_460 : vector<16x1xi32> to vector<16xi32>
          %parallel_loop3A_462 = tpu.dynamic_gather %parallel_loop3A_306[%parallel_loop3A_461] in [0] : vector<16xf32>, vector<16xi32> -> vector<16xf32>
          %parallel_loop3A_463 = arith.mulf %parallel_loop3A_458, %parallel_loop3A_462 : vector<16xf32>
          %parallel_loop3A_464 = arith.constant 8 : i32
          %parallel_loop3A_465 = arith.addi %parallel_loop3A_308, %parallel_loop3A_464 : i32
          %parallel_loop3A_466 = arith.index_cast %parallel_loop3A_465 : i32 to index
          %parallel_loop3A_467 = arith.constant 0 : index
          %parallel_loop3A_468 = tpu.vector_load %arg19[%parallel_loop3A_466, %parallel_loop3A_467] {strides = array<i32>} : memref<512x16xf32, #tpu.memory_space<vmem>>, vector<1x16xf32>,
          %parallel_loop3A_469 = vector.shape_cast %parallel_loop3A_468 : vector<1x16xf32> to vector<16xf32>
          %parallel_loop3A_470 = vector.shape_cast %parallel_loop3A_463 : vector<16xf32> to vector<1x16xf32>
          tpu.vector_store %arg19[%parallel_loop3A_466, %parallel_loop3A_467], %parallel_loop3A_470 {strides = array<i32>} : memref<512x16xf32, #tpu.memory_space<vmem>>, vector<1x16xf32>,
          %parallel_loop3A_471 = arith.constant 9 : i32
          %parallel_loop3A_472 = arith.addi %parallel_loop3A_308, %parallel_loop3A_471 : i32
          %parallel_loop3A_473 = arith.index_cast %parallel_loop3A_472 : i32 to index
          %parallel_loop3A_474 = arith.constant 0 : index
          %parallel_loop3A_475 = tpu.vector_load %arg19[%parallel_loop3A_473, %parallel_loop3A_474] {strides = array<i32>} : memref<512x16xf32, #tpu.memory_space<vmem>>, vector<1x16xf32>,
          %parallel_loop3A_476 = vector.shape_cast %parallel_loop3A_475 : vector<1x16xf32> to vector<16xf32>
          %parallel_loop3A_477 = arith.constant 9 : i32
          %parallel_loop3A_478 = vector.broadcast %parallel_loop3A_477 : i32 to vector<16x1xi32>
          %parallel_loop3A_479 = vector.shape_cast %parallel_loop3A_478 : vector<16x1xi32> to vector<16xi32>
          %parallel_loop3A_480 = tpu.dynamic_gather %parallel_loop3A_306[%parallel_loop3A_479] in [0] : vector<16xf32>, vector<16xi32> -> vector<16xf32>
          %parallel_loop3A_481 = arith.mulf %parallel_loop3A_476, %parallel_loop3A_480 : vector<16xf32>
          %parallel_loop3A_482 = arith.constant 9 : i32
          %parallel_loop3A_483 = arith.addi %parallel_loop3A_308, %parallel_loop3A_482 : i32
          %parallel_loop3A_484 = arith.index_cast %parallel_loop3A_483 : i32 to index
          %parallel_loop3A_485 = arith.constant 0 : index
          %parallel_loop3A_486 = tpu.vector_load %arg19[%parallel_loop3A_484, %parallel_loop3A_485] {strides = array<i32>} : memref<512x16xf32, #tpu.memory_space<vmem>>, vector<1x16xf32>,
          %parallel_loop3A_487 = vector.shape_cast %parallel_loop3A_486 : vector<1x16xf32> to vector<16xf32>
          %parallel_loop3A_488 = vector.shape_cast %parallel_loop3A_481 : vector<16xf32> to vector<1x16xf32>
          tpu.vector_store %arg19[%parallel_loop3A_484, %parallel_loop3A_485], %parallel_loop3A_488 {strides = array<i32>} : memref<512x16xf32, #tpu.memory_space<vmem>>, vector<1x16xf32>,
          %parallel_loop3A_489 = arith.constant 10 : i32
          %parallel_loop3A_490 = arith.addi %parallel_loop3A_308, %parallel_loop3A_489 : i32
          %parallel_loop3A_491 = arith.index_cast %parallel_loop3A_490 : i32 to index
          %parallel_loop3A_492 = arith.constant 0 : index
          %parallel_loop3A_493 = tpu.vector_load %arg19[%parallel_loop3A_491, %parallel_loop3A_492] {strides = array<i32>} : memref<512x16xf32, #tpu.memory_space<vmem>>, vector<1x16xf32>,
          %parallel_loop3A_494 = vector.shape_cast %parallel_loop3A_493 : vector<1x16xf32> to vector<16xf32>
          %parallel_loop3A_495 = arith.constant 10 : i32
          %parallel_loop3A_496 = vector.broadcast %parallel_loop3A_495 : i32 to vector<16x1xi32>
          %parallel_loop3A_497 = vector.shape_cast %parallel_loop3A_496 : vector<16x1xi32> to vector<16xi32>
          %parallel_loop3A_498 = tpu.dynamic_gather %parallel_loop3A_306[%parallel_loop3A_497] in [0] : vector<16xf32>, vector<16xi32> -> vector<16xf32>
          %parallel_loop3A_499 = arith.mulf %parallel_loop3A_494, %parallel_loop3A_498 : vector<16xf32>
          %parallel_loop3A_500 = arith.constant 10 : i32
          %parallel_loop3A_501 = arith.addi %parallel_loop3A_308, %parallel_loop3A_500 : i32
          %parallel_loop3A_502 = arith.index_cast %parallel_loop3A_501 : i32 to index
          %parallel_loop3A_503 = arith.constant 0 : index
          %parallel_loop3A_504 = tpu.vector_load %arg19[%parallel_loop3A_502, %parallel_loop3A_503] {strides = array<i32>} : memref<512x16xf32, #tpu.memory_space<vmem>>, vector<1x16xf32>,
          %parallel_loop3A_505 = vector.shape_cast %parallel_loop3A_504 : vector<1x16xf32> to vector<16xf32>
          %parallel_loop3A_506 = vector.shape_cast %parallel_loop3A_499 : vector<16xf32> to vector<1x16xf32>
          tpu.vector_store %arg19[%parallel_loop3A_502, %parallel_loop3A_503], %parallel_loop3A_506 {strides = array<i32>} : memref<512x16xf32, #tpu.memory_space<vmem>>, vector<1x16xf32>,
          %parallel_loop3A_507 = arith.constant 11 : i32
          %parallel_loop3A_508 = arith.addi %parallel_loop3A_308, %parallel_loop3A_507 : i32
          %parallel_loop3A_509 = arith.index_cast %parallel_loop3A_508 : i32 to index
          %parallel_loop3A_510 = arith.constant 0 : index
          %parallel_loop3A_511 = tpu.vector_load %arg19[%parallel_loop3A_509, %parallel_loop3A_510] {strides = array<i32>} : memref<512x16xf32, #tpu.memory_space<vmem>>, vector<1x16xf32>,
          %parallel_loop3A_512 = vector.shape_cast %parallel_loop3A_511 : vector<1x16xf32> to vector<16xf32>
          %parallel_loop3A_513 = arith.constant 11 : i32
          %parallel_loop3A_514 = vector.broadcast %parallel_loop3A_513 : i32 to vector<16x1xi32>
          %parallel_loop3A_515 = vector.shape_cast %parallel_loop3A_514 : vector<16x1xi32> to vector<16xi32>
          %parallel_loop3A_516 = tpu.dynamic_gather %parallel_loop3A_306[%parallel_loop3A_515] in [0] : vector<16xf32>, vector<16xi32> -> vector<16xf32>
          %parallel_loop3A_517 = arith.mulf %parallel_loop3A_512, %parallel_loop3A_516 : vector<16xf32>
          %parallel_loop3A_518 = arith.constant 11 : i32
          %parallel_loop3A_519 = arith.addi %parallel_loop3A_308, %parallel_loop3A_518 : i32
          %parallel_loop3A_520 = arith.index_cast %parallel_loop3A_519 : i32 to index
          %parallel_loop3A_521 = arith.constant 0 : index
          %parallel_loop3A_522 = tpu.vector_load %arg19[%parallel_loop3A_520, %parallel_loop3A_521] {strides = array<i32>} : memref<512x16xf32, #tpu.memory_space<vmem>>, vector<1x16xf32>,
          %parallel_loop3A_523 = vector.shape_cast %parallel_loop3A_522 : vector<1x16xf32> to vector<16xf32>
          %parallel_loop3A_524 = vector.shape_cast %parallel_loop3A_517 : vector<16xf32> to vector<1x16xf32>
          tpu.vector_store %arg19[%parallel_loop3A_520, %parallel_loop3A_521], %parallel_loop3A_524 {strides = array<i32>} : memref<512x16xf32, #tpu.memory_space<vmem>>, vector<1x16xf32>,
          %parallel_loop3A_525 = arith.constant 12 : i32
          %parallel_loop3A_526 = arith.addi %parallel_loop3A_308, %parallel_loop3A_525 : i32
          %parallel_loop3A_527 = arith.index_cast %parallel_loop3A_526 : i32 to index
          %parallel_loop3A_528 = arith.constant 0 : index
          %parallel_loop3A_529 = tpu.vector_load %arg19[%parallel_loop3A_527, %parallel_loop3A_528] {strides = array<i32>} : memref<512x16xf32, #tpu.memory_space<vmem>>, vector<1x16xf32>,
          %parallel_loop3A_530 = vector.shape_cast %parallel_loop3A_529 : vector<1x16xf32> to vector<16xf32>
          %parallel_loop3A_531 = arith.constant 12 : i32
          %parallel_loop3A_532 = vector.broadcast %parallel_loop3A_531 : i32 to vector<16x1xi32>
          %parallel_loop3A_533 = vector.shape_cast %parallel_loop3A_532 : vector<16x1xi32> to vector<16xi32>
          %parallel_loop3A_534 = tpu.dynamic_gather %parallel_loop3A_306[%parallel_loop3A_533] in [0] : vector<16xf32>, vector<16xi32> -> vector<16xf32>
          %parallel_loop3A_535 = arith.mulf %parallel_loop3A_530, %parallel_loop3A_534 : vector<16xf32>
          %parallel_loop3A_536 = arith.constant 12 : i32
          %parallel_loop3A_537 = arith.addi %parallel_loop3A_308, %parallel_loop3A_536 : i32
          %parallel_loop3A_538 = arith.index_cast %parallel_loop3A_537 : i32 to index
          %parallel_loop3A_539 = arith.constant 0 : index
          %parallel_loop3A_540 = tpu.vector_load %arg19[%parallel_loop3A_538, %parallel_loop3A_539] {strides = array<i32>} : memref<512x16xf32, #tpu.memory_space<vmem>>, vector<1x16xf32>,
          %parallel_loop3A_541 = vector.shape_cast %parallel_loop3A_540 : vector<1x16xf32> to vector<16xf32>
          %parallel_loop3A_542 = vector.shape_cast %parallel_loop3A_535 : vector<16xf32> to vector<1x16xf32>
          tpu.vector_store %arg19[%parallel_loop3A_538, %parallel_loop3A_539], %parallel_loop3A_542 {strides = array<i32>} : memref<512x16xf32, #tpu.memory_space<vmem>>, vector<1x16xf32>,
          %parallel_loop3A_543 = arith.constant 13 : i32
          %parallel_loop3A_544 = arith.addi %parallel_loop3A_308, %parallel_loop3A_543 : i32
          %parallel_loop3A_545 = arith.index_cast %parallel_loop3A_544 : i32 to index
          %parallel_loop3A_546 = arith.constant 0 : index
          %parallel_loop3A_547 = tpu.vector_load %arg19[%parallel_loop3A_545, %parallel_loop3A_546] {strides = array<i32>} : memref<512x16xf32, #tpu.memory_space<vmem>>, vector<1x16xf32>,
          %parallel_loop3A_548 = vector.shape_cast %parallel_loop3A_547 : vector<1x16xf32> to vector<16xf32>
          %parallel_loop3A_549 = arith.constant 13 : i32
          %parallel_loop3A_550 = vector.broadcast %parallel_loop3A_549 : i32 to vector<16x1xi32>
          %parallel_loop3A_551 = vector.shape_cast %parallel_loop3A_550 : vector<16x1xi32> to vector<16xi32>
          %parallel_loop3A_552 = tpu.dynamic_gather %parallel_loop3A_306[%parallel_loop3A_551] in [0] : vector<16xf32>, vector<16xi32> -> vector<16xf32>
          %parallel_loop3A_553 = arith.mulf %parallel_loop3A_548, %parallel_loop3A_552 : vector<16xf32>
          %parallel_loop3A_554 = arith.constant 13 : i32
          %parallel_loop3A_555 = arith.addi %parallel_loop3A_308, %parallel_loop3A_554 : i32
          %parallel_loop3A_556 = arith.index_cast %parallel_loop3A_555 : i32 to index
          %parallel_loop3A_557 = arith.constant 0 : index
          %parallel_loop3A_558 = tpu.vector_load %arg19[%parallel_loop3A_556, %parallel_loop3A_557] {strides = array<i32>} : memref<512x16xf32, #tpu.memory_space<vmem>>, vector<1x16xf32>,
          %parallel_loop3A_559 = vector.shape_cast %parallel_loop3A_558 : vector<1x16xf32> to vector<16xf32>
          %parallel_loop3A_560 = vector.shape_cast %parallel_loop3A_553 : vector<16xf32> to vector<1x16xf32>
          tpu.vector_store %arg19[%parallel_loop3A_556, %parallel_loop3A_557], %parallel_loop3A_560 {strides = array<i32>} : memref<512x16xf32, #tpu.memory_space<vmem>>, vector<1x16xf32>,
          %parallel_loop3A_561 = arith.constant 14 : i32
          %parallel_loop3A_562 = arith.addi %parallel_loop3A_308, %parallel_loop3A_561 : i32
          %parallel_loop3A_563 = arith.index_cast %parallel_loop3A_562 : i32 to index
          %parallel_loop3A_564 = arith.constant 0 : index
          %parallel_loop3A_565 = tpu.vector_load %arg19[%parallel_loop3A_563, %parallel_loop3A_564] {strides = array<i32>} : memref<512x16xf32, #tpu.memory_space<vmem>>, vector<1x16xf32>,
          %parallel_loop3A_566 = vector.shape_cast %parallel_loop3A_565 : vector<1x16xf32> to vector<16xf32>
          %parallel_loop3A_567 = arith.constant 14 : i32
          %parallel_loop3A_568 = vector.broadcast %parallel_loop3A_567 : i32 to vector<16x1xi32>
          %parallel_loop3A_569 = vector.shape_cast %parallel_loop3A_568 : vector<16x1xi32> to vector<16xi32>
          %parallel_loop3A_570 = tpu.dynamic_gather %parallel_loop3A_306[%parallel_loop3A_569] in [0] : vector<16xf32>, vector<16xi32> -> vector<16xf32>
          %parallel_loop3A_571 = arith.mulf %parallel_loop3A_566, %parallel_loop3A_570 : vector<16xf32>
          %parallel_loop3A_572 = arith.constant 14 : i32
          %parallel_loop3A_573 = arith.addi %parallel_loop3A_308, %parallel_loop3A_572 : i32
          %parallel_loop3A_574 = arith.index_cast %parallel_loop3A_573 : i32 to index
          %parallel_loop3A_575 = arith.constant 0 : index
          %parallel_loop3A_576 = tpu.vector_load %arg19[%parallel_loop3A_574, %parallel_loop3A_575] {strides = array<i32>} : memref<512x16xf32, #tpu.memory_space<vmem>>, vector<1x16xf32>,
          %parallel_loop3A_577 = vector.shape_cast %parallel_loop3A_576 : vector<1x16xf32> to vector<16xf32>
          %parallel_loop3A_578 = vector.shape_cast %parallel_loop3A_571 : vector<16xf32> to vector<1x16xf32>
          tpu.vector_store %arg19[%parallel_loop3A_574, %parallel_loop3A_575], %parallel_loop3A_578 {strides = array<i32>} : memref<512x16xf32, #tpu.memory_space<vmem>>, vector<1x16xf32>,
          %parallel_loop3A_579 = arith.constant 15 : i32
          %parallel_loop3A_580 = arith.addi %parallel_loop3A_308, %parallel_loop3A_579 : i32
          %parallel_loop3A_581 = arith.index_cast %parallel_loop3A_580 : i32 to index
          %parallel_loop3A_582 = arith.constant 0 : index
          %parallel_loop3A_583 = tpu.vector_load %arg19[%parallel_loop3A_581, %parallel_loop3A_582] {strides = array<i32>} : memref<512x16xf32, #tpu.memory_space<vmem>>, vector<1x16xf32>,
          %parallel_loop3A_584 = vector.shape_cast %parallel_loop3A_583 : vector<1x16xf32> to vector<16xf32>
          %parallel_loop3A_585 = arith.constant 15 : i32
          %parallel_loop3A_586 = vector.broadcast %parallel_loop3A_585 : i32 to vector<16x1xi32>
          %parallel_loop3A_587 = vector.shape_cast %parallel_loop3A_586 : vector<16x1xi32> to vector<16xi32>
          %parallel_loop3A_588 = tpu.dynamic_gather %parallel_loop3A_306[%parallel_loop3A_587] in [0] : vector<16xf32>, vector<16xi32> -> vector<16xf32>
          %parallel_loop3A_589 = arith.mulf %parallel_loop3A_584, %parallel_loop3A_588 : vector<16xf32>
          %parallel_loop3A_590 = arith.constant 15 : i32
          %parallel_loop3A_591 = arith.addi %parallel_loop3A_308, %parallel_loop3A_590 : i32
          %parallel_loop3A_592 = arith.index_cast %parallel_loop3A_591 : i32 to index
          %parallel_loop3A_593 = arith.constant 0 : index
          %parallel_loop3A_594 = tpu.vector_load %arg19[%parallel_loop3A_592, %parallel_loop3A_593] {strides = array<i32>} : memref<512x16xf32, #tpu.memory_space<vmem>>, vector<1x16xf32>,
          %parallel_loop3A_595 = vector.shape_cast %parallel_loop3A_594 : vector<1x16xf32> to vector<16xf32>
          %parallel_loop3A_596 = vector.shape_cast %parallel_loop3A_589 : vector<16xf32> to vector<1x16xf32>
          tpu.vector_store %arg19[%parallel_loop3A_592, %parallel_loop3A_593], %parallel_loop3A_596 {strides = array<i32>} : memref<512x16xf32, #tpu.memory_space<vmem>>, vector<1x16xf32>,
        } {sc.loop_unroll_factor = 2 : i64, sc.parallel_access}
        %dma_start3A_254 = arith.constant 1 : i32
        %dma_start3A_255 = arith.constant 0 : i32
        %dma_start3A_256 = tpu.memref_slice %arg9[%dma_start3A_254, %dma_start3A_255] : memref<2x512xi32, #tpu.memory_space<vmem>> -> memref<1x512xi32, #tpu.memory_space<vmem>>
        %dma_start3A_257 = tpu.memref_squeeze %dma_start3A_256 : memref<1x512xi32, #tpu.memory_space<vmem>> -> memref<512xi32, #tpu.memory_space<vmem>>
        %dma_start3A_258 = arith.constant 0 : i32
        %dma_start3A_259 = arith.constant 0 : i32
        %dma_start3A_260 = tpu.memref_slice %arg28[%dma_start3A_258, %dma_start3A_259] : memref<16384x16xf32, #tpu.memory_space<vmem_shared>> -> memref<16384x16xf32, #tpu.memory_space<vmem_shared>>
        tpu.enqueue_indirect_dma source(%arg19 : memref<512x16xf32, #tpu.memory_space<vmem>>) target(%dma_start3A_260 : memref<16384x16xf32, #tpu.memory_space<vmem_shared>>) offsets(%dma_start3A_257 : memref<512xi32, #tpu.memory_space<vmem>>) semaphore(%arg31 : memref<!tpu.dma_semaphore, #tpu.memory_space<semaphore_mem>>) {add = true}
        %mul3A_261 = arith.constant 5 : i32
        %mul3A_262 = arith.muli %mul3A_261, %scan3A_105 : i32
        %add3A_263 = arith.constant 4 : i32
        %add3A_264 = arith.addi %mul3A_262, %add3A_263 : i32
        %ge3A_265 = arith.constant 2 : i32
        %ge3A_266 = arith.cmpi sge, %add3A_264, %ge3A_265 : i32
        %convert_element_type3A_267 = arith.extui %ge3A_266 : i1 to i32
        %cond3A_268 = arith.constant 0 : i32
        %cond3A_269 = arith.cmpi ne, %convert_element_type3A_267, %cond3A_268 : i32
        scf.if %cond3A_269 {
          %dma_wait3A_301 = arith.constant 1 : i32
          %dma_wait3A_302 = arith.constant 0 : i32
          %dma_wait3A_303 = tpu.memref_slice %arg8[%dma_wait3A_301, %dma_wait3A_302] : memref<2x512xi32, #tpu.memory_space<vmem>> -> memref<1x512xi32, #tpu.memory_space<vmem>>
          %dma_wait3A_304 = tpu.memref_squeeze %dma_wait3A_303 : memref<1x512xi32, #tpu.memory_space<vmem>> -> memref<512xi32, #tpu.memory_space<vmem>>
          %dma_wait3A_305 = arith.constant 0 : i32
          %dma_wait3A_306 = arith.constant 0 : i32
          %dma_wait3A_307 = tpu.memref_slice %arg28[%dma_wait3A_305, %dma_wait3A_306] : memref<16384x16xf32, #tpu.memory_space<vmem_shared>> -> memref<16384x16xf32, #tpu.memory_space<vmem_shared>>
          tpu.wait_indirect_dma semaphore(%arg31 : memref<!tpu.dma_semaphore, #tpu.memory_space<semaphore_mem>>) src(%arg18 : memref<512x16xf32, #tpu.memory_space<vmem>>) dst(%dma_wait3A_307 : memref<16384x16xf32, #tpu.memory_space<vmem_shared>>)
        } else {
        }
        %add3A_270 = arith.constant 2 : i32
        %add3A_271 = arith.addi %add3A_264, %add3A_270 : i32
        %lt3A_272 = arith.constant 85 : i32
        %lt3A_273 = arith.cmpi slt, %add3A_271, %lt3A_272 : i32
        %convert_element_type3A_274 = arith.extui %lt3A_273 : i1 to i32
        %cond3A_275 = arith.constant 0 : i32
        %cond3A_276 = arith.cmpi ne, %convert_element_type3A_274, %cond3A_275 : i32
        scf.if %cond3A_276 {
          %add3A_301 = arith.constant 2 : i32
          %add3A_302 = arith.addi %add3A_264, %add3A_301 : i32
          %mul3A_303 = arith.constant 85 : i32
          %mul3A_304 = arith.muli %arg1, %mul3A_303 : i32
          %add3A_305 = arith.addi %mul3A_304, %add3A_302 : i32
          %dma_start3A_306 = arith.constant 0 : i32
          %dma_start3A_307 = arith.constant 0 : i32
          %dma_start3A_308 = tpu.memref_slice %arg3[%add3A_305, %dma_start3A_306, %dma_start3A_307] : memref<1360x2x512xi32, #tpu.memory_space<hbm>> -> memref<1x2x512xi32, #tpu.memory_space<hbm>>
          %dma_start3A_309 = tpu.memref_squeeze %dma_start3A_308 : memref<1x2x512xi32, #tpu.memory_space<hbm>> -> memref<2x512xi32, #tpu.memory_space<hbm>>
          %dma_start3A_310 = arith.constant 0 : i32
          %dma_start3A_311 = arith.constant 0 : i32
          %dma_start3A_312 = tpu.memref_slice %arg3[%add3A_305, %dma_start3A_310, %dma_start3A_311] : memref<1360x2x512xi32, #tpu.memory_space<hbm>> -> memref<1x2x512xi32, #tpu.memory_space<hbm>>
          %dma_start3A_313 = tpu.memref_squeeze %dma_start3A_312 : memref<1x2x512xi32, #tpu.memory_space<hbm>> -> memref<2x512xi32, #tpu.memory_space<hbm>>
          tpu.enqueue_dma source(%dma_start3A_313 : memref<2x512xi32, #tpu.memory_space<hbm>>) target(%arg7 : memref<2x512xi32, #tpu.memory_space<vmem>>) target_semaphore(%arg29 : memref<!tpu.dma_semaphore, #tpu.memory_space<semaphore_mem>>)
          %mul3A_314 = arith.constant 43520 : i32
          %mul3A_315 = arith.muli %arg1, %mul3A_314 : i32
          %mul3A_316 = arith.constant 512 : i32
          %mul3A_317 = arith.muli %add3A_302, %mul3A_316 : i32
          %add3A_318 = arith.addi %mul3A_315, %mul3A_317 : i32
          %dma_start3A_319 = tpu.memref_slice %arg4[%add3A_318] : memref<696320xf32, #tpu.memory_space<hbm>> -> memref<512xf32, #tpu.memory_space<hbm>>
          %dma_start3A_320 = tpu.memref_slice %arg4[%add3A_318] : memref<696320xf32, #tpu.memory_space<hbm>> -> memref<512xf32, #tpu.memory_space<hbm>>
          tpu.enqueue_dma source(%dma_start3A_320 : memref<512xf32, #tpu.memory_space<hbm>>) target(%arg12 : memref<512xf32, #tpu.memory_space<vmem>>) target_semaphore(%arg29 : memref<!tpu.dma_semaphore, #tpu.memory_space<semaphore_mem>>)
        } else {
        }
        %add3A_277 = arith.constant 1 : i32
        %add3A_278 = arith.addi %add3A_264, %add3A_277 : i32
        %lt3A_279 = arith.constant 85 : i32
        %lt3A_280 = arith.cmpi slt, %add3A_278, %lt3A_279 : i32
        %convert_element_type3A_281 = arith.extui %lt3A_280 : i1 to i32
        %cond3A_282 = arith.constant 0 : i32
        %cond3A_283 = arith.cmpi ne, %convert_element_type3A_281, %cond3A_282 : i32
        scf.if %cond3A_283 {
          %dma_wait3A_301 = arith.constant 0 : i32
          %dma_wait3A_302 = arith.constant 0 : i32
          %dma_wait3A_303 = arith.constant 0 : i32
          %dma_wait3A_304 = tpu.memref_slice %arg3[%dma_wait3A_301, %dma_wait3A_302, %dma_wait3A_303] : memref<1360x2x512xi32, #tpu.memory_space<hbm>> -> memref<1x2x512xi32, #tpu.memory_space<hbm>>
          %dma_wait3A_305 = tpu.memref_squeeze %dma_wait3A_304 : memref<1x2x512xi32, #tpu.memory_space<hbm>> -> memref<2x512xi32, #tpu.memory_space<hbm>>
          %dma_wait3A_306 = arith.constant 0 : i32
          %dma_wait3A_307 = arith.constant 0 : i32
          %dma_wait3A_308 = tpu.memref_slice %arg3[%dma_wait3A_301, %dma_wait3A_306, %dma_wait3A_307] : memref<1360x2x512xi32, #tpu.memory_space<hbm>> -> memref<1x2x512xi32, #tpu.memory_space<hbm>>
          %dma_wait3A_309 = tpu.memref_squeeze %dma_wait3A_308 : memref<1x2x512xi32, #tpu.memory_space<hbm>> -> memref<2x512xi32, #tpu.memory_space<hbm>>
          tpu.wait_dma2 semaphore(%arg29 : memref<!tpu.dma_semaphore, #tpu.memory_space<semaphore_mem>>) src(%dma_wait3A_309 : memref<2x512xi32, #tpu.memory_space<hbm>>) dst(%arg6 : memref<2x512xi32, #tpu.memory_space<vmem>>)
          %dma_wait3A_310 = arith.constant 0 : i32
          %dma_wait3A_311 = tpu.memref_slice %arg4[%dma_wait3A_310] : memref<696320xf32, #tpu.memory_space<hbm>> -> memref<512xf32, #tpu.memory_space<hbm>>
          %dma_wait3A_312 = arith.constant 0 : i32
          %dma_wait3A_313 = tpu.memref_slice %arg4[%dma_wait3A_312] : memref<696320xf32, #tpu.memory_space<hbm>> -> memref<512xf32, #tpu.memory_space<hbm>>
          tpu.wait_dma2 semaphore(%arg29 : memref<!tpu.dma_semaphore, #tpu.memory_space<semaphore_mem>>) src(%dma_wait3A_313 : memref<512xf32, #tpu.memory_space<hbm>>) dst(%arg11 : memref<512xf32, #tpu.memory_space<vmem>>)
          %dma_start3A_314 = arith.constant 0 : i32
          %dma_start3A_315 = arith.constant 0 : i32
          %dma_start3A_316 = tpu.memref_slice %arg6[%dma_start3A_314, %dma_start3A_315] : memref<2x512xi32, #tpu.memory_space<vmem>> -> memref<1x512xi32, #tpu.memory_space<vmem>>
          %dma_start3A_317 = tpu.memref_squeeze %dma_start3A_316 : memref<1x512xi32, #tpu.memory_space<vmem>> -> memref<512xi32, #tpu.memory_space<vmem>>
          %dma_start3A_318 = arith.constant 0 : i32
          %dma_start3A_319 = arith.constant 0 : i32
          %dma_start3A_320 = tpu.memref_slice %arg27[%dma_start3A_318, %dma_start3A_319] : memref<4096x16xf32, #tpu.memory_space<vmem_shared>> -> memref<4096x16xf32, #tpu.memory_space<vmem_shared>>
          tpu.enqueue_indirect_dma source(%dma_start3A_320 : memref<4096x16xf32, #tpu.memory_space<vmem_shared>>) target(%arg16 : memref<512x16xf32, #tpu.memory_space<vmem>>) offsets(%dma_start3A_317 : memref<512xi32, #tpu.memory_space<vmem>>) semaphore(%arg30 : memref<!tpu.dma_semaphore, #tpu.memory_space<semaphore_mem>>)
        } else {
        }
        %dma_wait3A_284 = arith.constant 0 : i32
        %dma_wait3A_285 = arith.constant 0 : i32
        %dma_wait3A_286 = tpu.memref_slice %arg10[%dma_wait3A_284, %dma_wait3A_285] : memref<2x512xi32, #tpu.memory_space<vmem>> -> memref<1x512xi32, #tpu.memory_space<vmem>>
        %dma_wait3A_287 = tpu.memref_squeeze %dma_wait3A_286 : memref<1x512xi32, #tpu.memory_space<vmem>> -> memref<512xi32, #tpu.memory_space<vmem>>
        %dma_wait3A_288 = arith.constant 0 : i32
        %dma_wait3A_289 = arith.constant 0 : i32
        %dma_wait3A_290 = tpu.memref_slice %arg27[%dma_wait3A_288, %dma_wait3A_289] : memref<4096x16xf32, #tpu.memory_space<vmem_shared>> -> memref<4096x16xf32, #tpu.memory_space<vmem_shared>>
        tpu.wait_indirect_dma semaphore(%arg30 : memref<!tpu.dma_semaphore, #tpu.memory_space<semaphore_mem>>) src(%dma_wait3A_290 : memref<4096x16xf32, #tpu.memory_space<vmem_shared>>) dst(%arg20 : memref<512x16xf32, #tpu.memory_space<vmem>>)
        %parallel_loop3A_291 = arith.constant 0 : i32
        %parallel_loop3A_292 = arith.constant 32 : i32
        %parallel_loop3A_293 = arith.constant 1 : i32
        scf.for %parallel_loop3A_301 = %parallel_loop3A_291 to %parallel_loop3A_292 step %parallel_loop3A_293  : i32 {
          %parallel_loop3A_302 = arith.constant 16 : i32
          %parallel_loop3A_303 = arith.muli %parallel_loop3A_301, %parallel_loop3A_302 : i32
          %parallel_loop3A_304 = arith.index_cast %parallel_loop3A_303 : i32 to index
          %parallel_loop3A_305 = tpu.vector_load %arg15[%parallel_loop3A_304] {strides = array<i32>} : memref<512xf32, #tpu.memory_space<vmem>>, vector<16xf32>,
          %parallel_loop3A_306 = vector.shape_cast %parallel_loop3A_305 : vector<16xf32> to vector<16xf32>
          %parallel_loop3A_307 = arith.constant 16 : i32
          %parallel_loop3A_308 = arith.muli %parallel_loop3A_301, %parallel_loop3A_307 : i32
          %parallel_loop3A_309 = arith.constant 0 : i32
          %parallel_loop3A_310 = arith.addi %parallel_loop3A_308, %parallel_loop3A_309 : i32
          %parallel_loop3A_311 = arith.index_cast %parallel_loop3A_310 : i32 to index
          %parallel_loop3A_312 = arith.constant 0 : index
          %parallel_loop3A_313 = tpu.vector_load %arg20[%parallel_loop3A_311, %parallel_loop3A_312] {strides = array<i32>} : memref<512x16xf32, #tpu.memory_space<vmem>>, vector<1x16xf32>,
          %parallel_loop3A_314 = vector.shape_cast %parallel_loop3A_313 : vector<1x16xf32> to vector<16xf32>
          %parallel_loop3A_315 = arith.constant 0 : i32
          %parallel_loop3A_316 = vector.broadcast %parallel_loop3A_315 : i32 to vector<16x1xi32>
          %parallel_loop3A_317 = vector.shape_cast %parallel_loop3A_316 : vector<16x1xi32> to vector<16xi32>
          %parallel_loop3A_318 = tpu.dynamic_gather %parallel_loop3A_306[%parallel_loop3A_317] in [0] : vector<16xf32>, vector<16xi32> -> vector<16xf32>
          %parallel_loop3A_319 = arith.mulf %parallel_loop3A_314, %parallel_loop3A_318 : vector<16xf32>
          %parallel_loop3A_320 = arith.constant 0 : i32
          %parallel_loop3A_321 = arith.addi %parallel_loop3A_308, %parallel_loop3A_320 : i32
          %parallel_loop3A_322 = arith.index_cast %parallel_loop3A_321 : i32 to index
          %parallel_loop3A_323 = arith.constant 0 : index
          %parallel_loop3A_324 = tpu.vector_load %arg20[%parallel_loop3A_322, %parallel_loop3A_323] {strides = array<i32>} : memref<512x16xf32, #tpu.memory_space<vmem>>, vector<1x16xf32>,
          %parallel_loop3A_325 = vector.shape_cast %parallel_loop3A_324 : vector<1x16xf32> to vector<16xf32>
          %parallel_loop3A_326 = vector.shape_cast %parallel_loop3A_319 : vector<16xf32> to vector<1x16xf32>
          tpu.vector_store %arg20[%parallel_loop3A_322, %parallel_loop3A_323], %parallel_loop3A_326 {strides = array<i32>} : memref<512x16xf32, #tpu.memory_space<vmem>>, vector<1x16xf32>,
          %parallel_loop3A_327 = arith.constant 1 : i32
          %parallel_loop3A_328 = arith.addi %parallel_loop3A_308, %parallel_loop3A_327 : i32
          %parallel_loop3A_329 = arith.index_cast %parallel_loop3A_328 : i32 to index
          %parallel_loop3A_330 = arith.constant 0 : index
          %parallel_loop3A_331 = tpu.vector_load %arg20[%parallel_loop3A_329, %parallel_loop3A_330] {strides = array<i32>} : memref<512x16xf32, #tpu.memory_space<vmem>>, vector<1x16xf32>,
          %parallel_loop3A_332 = vector.shape_cast %parallel_loop3A_331 : vector<1x16xf32> to vector<16xf32>
          %parallel_loop3A_333 = arith.constant 1 : i32
          %parallel_loop3A_334 = vector.broadcast %parallel_loop3A_333 : i32 to vector<16x1xi32>
          %parallel_loop3A_335 = vector.shape_cast %parallel_loop3A_334 : vector<16x1xi32> to vector<16xi32>
          %parallel_loop3A_336 = tpu.dynamic_gather %parallel_loop3A_306[%parallel_loop3A_335] in [0] : vector<16xf32>, vector<16xi32> -> vector<16xf32>
          %parallel_loop3A_337 = arith.mulf %parallel_loop3A_332, %parallel_loop3A_336 : vector<16xf32>
          %parallel_loop3A_338 = arith.constant 1 : i32
          %parallel_loop3A_339 = arith.addi %parallel_loop3A_308, %parallel_loop3A_338 : i32
          %parallel_loop3A_340 = arith.index_cast %parallel_loop3A_339 : i32 to index
          %parallel_loop3A_341 = arith.constant 0 : index
          %parallel_loop3A_342 = tpu.vector_load %arg20[%parallel_loop3A_340, %parallel_loop3A_341] {strides = array<i32>} : memref<512x16xf32, #tpu.memory_space<vmem>>, vector<1x16xf32>,
          %parallel_loop3A_343 = vector.shape_cast %parallel_loop3A_342 : vector<1x16xf32> to vector<16xf32>
          %parallel_loop3A_344 = vector.shape_cast %parallel_loop3A_337 : vector<16xf32> to vector<1x16xf32>
          tpu.vector_store %arg20[%parallel_loop3A_340, %parallel_loop3A_341], %parallel_loop3A_344 {strides = array<i32>} : memref<512x16xf32, #tpu.memory_space<vmem>>, vector<1x16xf32>,
          %parallel_loop3A_345 = arith.constant 2 : i32
          %parallel_loop3A_346 = arith.addi %parallel_loop3A_308, %parallel_loop3A_345 : i32
          %parallel_loop3A_347 = arith.index_cast %parallel_loop3A_346 : i32 to index
          %parallel_loop3A_348 = arith.constant 0 : index
          %parallel_loop3A_349 = tpu.vector_load %arg20[%parallel_loop3A_347, %parallel_loop3A_348] {strides = array<i32>} : memref<512x16xf32, #tpu.memory_space<vmem>>, vector<1x16xf32>,
          %parallel_loop3A_350 = vector.shape_cast %parallel_loop3A_349 : vector<1x16xf32> to vector<16xf32>
          %parallel_loop3A_351 = arith.constant 2 : i32
          %parallel_loop3A_352 = vector.broadcast %parallel_loop3A_351 : i32 to vector<16x1xi32>
          %parallel_loop3A_353 = vector.shape_cast %parallel_loop3A_352 : vector<16x1xi32> to vector<16xi32>
          %parallel_loop3A_354 = tpu.dynamic_gather %parallel_loop3A_306[%parallel_loop3A_353] in [0] : vector<16xf32>, vector<16xi32> -> vector<16xf32>
          %parallel_loop3A_355 = arith.mulf %parallel_loop3A_350, %parallel_loop3A_354 : vector<16xf32>
          %parallel_loop3A_356 = arith.constant 2 : i32
          %parallel_loop3A_357 = arith.addi %parallel_loop3A_308, %parallel_loop3A_356 : i32
          %parallel_loop3A_358 = arith.index_cast %parallel_loop3A_357 : i32 to index
          %parallel_loop3A_359 = arith.constant 0 : index
          %parallel_loop3A_360 = tpu.vector_load %arg20[%parallel_loop3A_358, %parallel_loop3A_359] {strides = array<i32>} : memref<512x16xf32, #tpu.memory_space<vmem>>, vector<1x16xf32>,
          %parallel_loop3A_361 = vector.shape_cast %parallel_loop3A_360 : vector<1x16xf32> to vector<16xf32>
          %parallel_loop3A_362 = vector.shape_cast %parallel_loop3A_355 : vector<16xf32> to vector<1x16xf32>
          tpu.vector_store %arg20[%parallel_loop3A_358, %parallel_loop3A_359], %parallel_loop3A_362 {strides = array<i32>} : memref<512x16xf32, #tpu.memory_space<vmem>>, vector<1x16xf32>,
          %parallel_loop3A_363 = arith.constant 3 : i32
          %parallel_loop3A_364 = arith.addi %parallel_loop3A_308, %parallel_loop3A_363 : i32
          %parallel_loop3A_365 = arith.index_cast %parallel_loop3A_364 : i32 to index
          %parallel_loop3A_366 = arith.constant 0 : index
          %parallel_loop3A_367 = tpu.vector_load %arg20[%parallel_loop3A_365, %parallel_loop3A_366] {strides = array<i32>} : memref<512x16xf32, #tpu.memory_space<vmem>>, vector<1x16xf32>,
          %parallel_loop3A_368 = vector.shape_cast %parallel_loop3A_367 : vector<1x16xf32> to vector<16xf32>
          %parallel_loop3A_369 = arith.constant 3 : i32
          %parallel_loop3A_370 = vector.broadcast %parallel_loop3A_369 : i32 to vector<16x1xi32>
          %parallel_loop3A_371 = vector.shape_cast %parallel_loop3A_370 : vector<16x1xi32> to vector<16xi32>
          %parallel_loop3A_372 = tpu.dynamic_gather %parallel_loop3A_306[%parallel_loop3A_371] in [0] : vector<16xf32>, vector<16xi32> -> vector<16xf32>
          %parallel_loop3A_373 = arith.mulf %parallel_loop3A_368, %parallel_loop3A_372 : vector<16xf32>
          %parallel_loop3A_374 = arith.constant 3 : i32
          %parallel_loop3A_375 = arith.addi %parallel_loop3A_308, %parallel_loop3A_374 : i32
          %parallel_loop3A_376 = arith.index_cast %parallel_loop3A_375 : i32 to index
          %parallel_loop3A_377 = arith.constant 0 : index
          %parallel_loop3A_378 = tpu.vector_load %arg20[%parallel_loop3A_376, %parallel_loop3A_377] {strides = array<i32>} : memref<512x16xf32, #tpu.memory_space<vmem>>, vector<1x16xf32>,
          %parallel_loop3A_379 = vector.shape_cast %parallel_loop3A_378 : vector<1x16xf32> to vector<16xf32>
          %parallel_loop3A_380 = vector.shape_cast %parallel_loop3A_373 : vector<16xf32> to vector<1x16xf32>
          tpu.vector_store %arg20[%parallel_loop3A_376, %parallel_loop3A_377], %parallel_loop3A_380 {strides = array<i32>} : memref<512x16xf32, #tpu.memory_space<vmem>>, vector<1x16xf32>,
          %parallel_loop3A_381 = arith.constant 4 : i32
          %parallel_loop3A_382 = arith.addi %parallel_loop3A_308, %parallel_loop3A_381 : i32
          %parallel_loop3A_383 = arith.index_cast %parallel_loop3A_382 : i32 to index
          %parallel_loop3A_384 = arith.constant 0 : index
          %parallel_loop3A_385 = tpu.vector_load %arg20[%parallel_loop3A_383, %parallel_loop3A_384] {strides = array<i32>} : memref<512x16xf32, #tpu.memory_space<vmem>>, vector<1x16xf32>,
          %parallel_loop3A_386 = vector.shape_cast %parallel_loop3A_385 : vector<1x16xf32> to vector<16xf32>
          %parallel_loop3A_387 = arith.constant 4 : i32
          %parallel_loop3A_388 = vector.broadcast %parallel_loop3A_387 : i32 to vector<16x1xi32>
          %parallel_loop3A_389 = vector.shape_cast %parallel_loop3A_388 : vector<16x1xi32> to vector<16xi32>
          %parallel_loop3A_390 = tpu.dynamic_gather %parallel_loop3A_306[%parallel_loop3A_389] in [0] : vector<16xf32>, vector<16xi32> -> vector<16xf32>
          %parallel_loop3A_391 = arith.mulf %parallel_loop3A_386, %parallel_loop3A_390 : vector<16xf32>
          %parallel_loop3A_392 = arith.constant 4 : i32
          %parallel_loop3A_393 = arith.addi %parallel_loop3A_308, %parallel_loop3A_392 : i32
          %parallel_loop3A_394 = arith.index_cast %parallel_loop3A_393 : i32 to index
          %parallel_loop3A_395 = arith.constant 0 : index
          %parallel_loop3A_396 = tpu.vector_load %arg20[%parallel_loop3A_394, %parallel_loop3A_395] {strides = array<i32>} : memref<512x16xf32, #tpu.memory_space<vmem>>, vector<1x16xf32>,
          %parallel_loop3A_397 = vector.shape_cast %parallel_loop3A_396 : vector<1x16xf32> to vector<16xf32>
          %parallel_loop3A_398 = vector.shape_cast %parallel_loop3A_391 : vector<16xf32> to vector<1x16xf32>
          tpu.vector_store %arg20[%parallel_loop3A_394, %parallel_loop3A_395], %parallel_loop3A_398 {strides = array<i32>} : memref<512x16xf32, #tpu.memory_space<vmem>>, vector<1x16xf32>,
          %parallel_loop3A_399 = arith.constant 5 : i32
          %parallel_loop3A_400 = arith.addi %parallel_loop3A_308, %parallel_loop3A_399 : i32
          %parallel_loop3A_401 = arith.index_cast %parallel_loop3A_400 : i32 to index
          %parallel_loop3A_402 = arith.constant 0 : index
          %parallel_loop3A_403 = tpu.vector_load %arg20[%parallel_loop3A_401, %parallel_loop3A_402] {strides = array<i32>} : memref<512x16xf32, #tpu.memory_space<vmem>>, vector<1x16xf32>,
          %parallel_loop3A_404 = vector.shape_cast %parallel_loop3A_403 : vector<1x16xf32> to vector<16xf32>
          %parallel_loop3A_405 = arith.constant 5 : i32
          %parallel_loop3A_406 = vector.broadcast %parallel_loop3A_405 : i32 to vector<16x1xi32>
          %parallel_loop3A_407 = vector.shape_cast %parallel_loop3A_406 : vector<16x1xi32> to vector<16xi32>
          %parallel_loop3A_408 = tpu.dynamic_gather %parallel_loop3A_306[%parallel_loop3A_407] in [0] : vector<16xf32>, vector<16xi32> -> vector<16xf32>
          %parallel_loop3A_409 = arith.mulf %parallel_loop3A_404, %parallel_loop3A_408 : vector<16xf32>
          %parallel_loop3A_410 = arith.constant 5 : i32
          %parallel_loop3A_411 = arith.addi %parallel_loop3A_308, %parallel_loop3A_410 : i32
          %parallel_loop3A_412 = arith.index_cast %parallel_loop3A_411 : i32 to index
          %parallel_loop3A_413 = arith.constant 0 : index
          %parallel_loop3A_414 = tpu.vector_load %arg20[%parallel_loop3A_412, %parallel_loop3A_413] {strides = array<i32>} : memref<512x16xf32, #tpu.memory_space<vmem>>, vector<1x16xf32>,
          %parallel_loop3A_415 = vector.shape_cast %parallel_loop3A_414 : vector<1x16xf32> to vector<16xf32>
          %parallel_loop3A_416 = vector.shape_cast %parallel_loop3A_409 : vector<16xf32> to vector<1x16xf32>
          tpu.vector_store %arg20[%parallel_loop3A_412, %parallel_loop3A_413], %parallel_loop3A_416 {strides = array<i32>} : memref<512x16xf32, #tpu.memory_space<vmem>>, vector<1x16xf32>,
          %parallel_loop3A_417 = arith.constant 6 : i32
          %parallel_loop3A_418 = arith.addi %parallel_loop3A_308, %parallel_loop3A_417 : i32
          %parallel_loop3A_419 = arith.index_cast %parallel_loop3A_418 : i32 to index
          %parallel_loop3A_420 = arith.constant 0 : index
          %parallel_loop3A_421 = tpu.vector_load %arg20[%parallel_loop3A_419, %parallel_loop3A_420] {strides = array<i32>} : memref<512x16xf32, #tpu.memory_space<vmem>>, vector<1x16xf32>,
          %parallel_loop3A_422 = vector.shape_cast %parallel_loop3A_421 : vector<1x16xf32> to vector<16xf32>
          %parallel_loop3A_423 = arith.constant 6 : i32
          %parallel_loop3A_424 = vector.broadcast %parallel_loop3A_423 : i32 to vector<16x1xi32>
          %parallel_loop3A_425 = vector.shape_cast %parallel_loop3A_424 : vector<16x1xi32> to vector<16xi32>
          %parallel_loop3A_426 = tpu.dynamic_gather %parallel_loop3A_306[%parallel_loop3A_425] in [0] : vector<16xf32>, vector<16xi32> -> vector<16xf32>
          %parallel_loop3A_427 = arith.mulf %parallel_loop3A_422, %parallel_loop3A_426 : vector<16xf32>
          %parallel_loop3A_428 = arith.constant 6 : i32
          %parallel_loop3A_429 = arith.addi %parallel_loop3A_308, %parallel_loop3A_428 : i32
          %parallel_loop3A_430 = arith.index_cast %parallel_loop3A_429 : i32 to index
          %parallel_loop3A_431 = arith.constant 0 : index
          %parallel_loop3A_432 = tpu.vector_load %arg20[%parallel_loop3A_430, %parallel_loop3A_431] {strides = array<i32>} : memref<512x16xf32, #tpu.memory_space<vmem>>, vector<1x16xf32>,
          %parallel_loop3A_433 = vector.shape_cast %parallel_loop3A_432 : vector<1x16xf32> to vector<16xf32>
          %parallel_loop3A_434 = vector.shape_cast %parallel_loop3A_427 : vector<16xf32> to vector<1x16xf32>
          tpu.vector_store %arg20[%parallel_loop3A_430, %parallel_loop3A_431], %parallel_loop3A_434 {strides = array<i32>} : memref<512x16xf32, #tpu.memory_space<vmem>>, vector<1x16xf32>,
          %parallel_loop3A_435 = arith.constant 7 : i32
          %parallel_loop3A_436 = arith.addi %parallel_loop3A_308, %parallel_loop3A_435 : i32
          %parallel_loop3A_437 = arith.index_cast %parallel_loop3A_436 : i32 to index
          %parallel_loop3A_438 = arith.constant 0 : index
          %parallel_loop3A_439 = tpu.vector_load %arg20[%parallel_loop3A_437, %parallel_loop3A_438] {strides = array<i32>} : memref<512x16xf32, #tpu.memory_space<vmem>>, vector<1x16xf32>,
          %parallel_loop3A_440 = vector.shape_cast %parallel_loop3A_439 : vector<1x16xf32> to vector<16xf32>
          %parallel_loop3A_441 = arith.constant 7 : i32
          %parallel_loop3A_442 = vector.broadcast %parallel_loop3A_441 : i32 to vector<16x1xi32>
          %parallel_loop3A_443 = vector.shape_cast %parallel_loop3A_442 : vector<16x1xi32> to vector<16xi32>
          %parallel_loop3A_444 = tpu.dynamic_gather %parallel_loop3A_306[%parallel_loop3A_443] in [0] : vector<16xf32>, vector<16xi32> -> vector<16xf32>
          %parallel_loop3A_445 = arith.mulf %parallel_loop3A_440, %parallel_loop3A_444 : vector<16xf32>
          %parallel_loop3A_446 = arith.constant 7 : i32
          %parallel_loop3A_447 = arith.addi %parallel_loop3A_308, %parallel_loop3A_446 : i32
          %parallel_loop3A_448 = arith.index_cast %parallel_loop3A_447 : i32 to index
          %parallel_loop3A_449 = arith.constant 0 : index
          %parallel_loop3A_450 = tpu.vector_load %arg20[%parallel_loop3A_448, %parallel_loop3A_449] {strides = array<i32>} : memref<512x16xf32, #tpu.memory_space<vmem>>, vector<1x16xf32>,
          %parallel_loop3A_451 = vector.shape_cast %parallel_loop3A_450 : vector<1x16xf32> to vector<16xf32>
          %parallel_loop3A_452 = vector.shape_cast %parallel_loop3A_445 : vector<16xf32> to vector<1x16xf32>
          tpu.vector_store %arg20[%parallel_loop3A_448, %parallel_loop3A_449], %parallel_loop3A_452 {strides = array<i32>} : memref<512x16xf32, #tpu.memory_space<vmem>>, vector<1x16xf32>,
          %parallel_loop3A_453 = arith.constant 8 : i32
          %parallel_loop3A_454 = arith.addi %parallel_loop3A_308, %parallel_loop3A_453 : i32
          %parallel_loop3A_455 = arith.index_cast %parallel_loop3A_454 : i32 to index
          %parallel_loop3A_456 = arith.constant 0 : index
          %parallel_loop3A_457 = tpu.vector_load %arg20[%parallel_loop3A_455, %parallel_loop3A_456] {strides = array<i32>} : memref<512x16xf32, #tpu.memory_space<vmem>>, vector<1x16xf32>,
          %parallel_loop3A_458 = vector.shape_cast %parallel_loop3A_457 : vector<1x16xf32> to vector<16xf32>
          %parallel_loop3A_459 = arith.constant 8 : i32
          %parallel_loop3A_460 = vector.broadcast %parallel_loop3A_459 : i32 to vector<16x1xi32>
          %parallel_loop3A_461 = vector.shape_cast %parallel_loop3A_460 : vector<16x1xi32> to vector<16xi32>
          %parallel_loop3A_462 = tpu.dynamic_gather %parallel_loop3A_306[%parallel_loop3A_461] in [0] : vector<16xf32>, vector<16xi32> -> vector<16xf32>
          %parallel_loop3A_463 = arith.mulf %parallel_loop3A_458, %parallel_loop3A_462 : vector<16xf32>
          %parallel_loop3A_464 = arith.constant 8 : i32
          %parallel_loop3A_465 = arith.addi %parallel_loop3A_308, %parallel_loop3A_464 : i32
          %parallel_loop3A_466 = arith.index_cast %parallel_loop3A_465 : i32 to index
          %parallel_loop3A_467 = arith.constant 0 : index
          %parallel_loop3A_468 = tpu.vector_load %arg20[%parallel_loop3A_466, %parallel_loop3A_467] {strides = array<i32>} : memref<512x16xf32, #tpu.memory_space<vmem>>, vector<1x16xf32>,
          %parallel_loop3A_469 = vector.shape_cast %parallel_loop3A_468 : vector<1x16xf32> to vector<16xf32>
          %parallel_loop3A_470 = vector.shape_cast %parallel_loop3A_463 : vector<16xf32> to vector<1x16xf32>
          tpu.vector_store %arg20[%parallel_loop3A_466, %parallel_loop3A_467], %parallel_loop3A_470 {strides = array<i32>} : memref<512x16xf32, #tpu.memory_space<vmem>>, vector<1x16xf32>,
          %parallel_loop3A_471 = arith.constant 9 : i32
          %parallel_loop3A_472 = arith.addi %parallel_loop3A_308, %parallel_loop3A_471 : i32
          %parallel_loop3A_473 = arith.index_cast %parallel_loop3A_472 : i32 to index
          %parallel_loop3A_474 = arith.constant 0 : index
          %parallel_loop3A_475 = tpu.vector_load %arg20[%parallel_loop3A_473, %parallel_loop3A_474] {strides = array<i32>} : memref<512x16xf32, #tpu.memory_space<vmem>>, vector<1x16xf32>,
          %parallel_loop3A_476 = vector.shape_cast %parallel_loop3A_475 : vector<1x16xf32> to vector<16xf32>
          %parallel_loop3A_477 = arith.constant 9 : i32
          %parallel_loop3A_478 = vector.broadcast %parallel_loop3A_477 : i32 to vector<16x1xi32>
          %parallel_loop3A_479 = vector.shape_cast %parallel_loop3A_478 : vector<16x1xi32> to vector<16xi32>
          %parallel_loop3A_480 = tpu.dynamic_gather %parallel_loop3A_306[%parallel_loop3A_479] in [0] : vector<16xf32>, vector<16xi32> -> vector<16xf32>
          %parallel_loop3A_481 = arith.mulf %parallel_loop3A_476, %parallel_loop3A_480 : vector<16xf32>
          %parallel_loop3A_482 = arith.constant 9 : i32
          %parallel_loop3A_483 = arith.addi %parallel_loop3A_308, %parallel_loop3A_482 : i32
          %parallel_loop3A_484 = arith.index_cast %parallel_loop3A_483 : i32 to index
          %parallel_loop3A_485 = arith.constant 0 : index
          %parallel_loop3A_486 = tpu.vector_load %arg20[%parallel_loop3A_484, %parallel_loop3A_485] {strides = array<i32>} : memref<512x16xf32, #tpu.memory_space<vmem>>, vector<1x16xf32>,
          %parallel_loop3A_487 = vector.shape_cast %parallel_loop3A_486 : vector<1x16xf32> to vector<16xf32>
          %parallel_loop3A_488 = vector.shape_cast %parallel_loop3A_481 : vector<16xf32> to vector<1x16xf32>
          tpu.vector_store %arg20[%parallel_loop3A_484, %parallel_loop3A_485], %parallel_loop3A_488 {strides = array<i32>} : memref<512x16xf32, #tpu.memory_space<vmem>>, vector<1x16xf32>,
          %parallel_loop3A_489 = arith.constant 10 : i32
          %parallel_loop3A_490 = arith.addi %parallel_loop3A_308, %parallel_loop3A_489 : i32
          %parallel_loop3A_491 = arith.index_cast %parallel_loop3A_490 : i32 to index
          %parallel_loop3A_492 = arith.constant 0 : index
          %parallel_loop3A_493 = tpu.vector_load %arg20[%parallel_loop3A_491, %parallel_loop3A_492] {strides = array<i32>} : memref<512x16xf32, #tpu.memory_space<vmem>>, vector<1x16xf32>,
          %parallel_loop3A_494 = vector.shape_cast %parallel_loop3A_493 : vector<1x16xf32> to vector<16xf32>
          %parallel_loop3A_495 = arith.constant 10 : i32
          %parallel_loop3A_496 = vector.broadcast %parallel_loop3A_495 : i32 to vector<16x1xi32>
          %parallel_loop3A_497 = vector.shape_cast %parallel_loop3A_496 : vector<16x1xi32> to vector<16xi32>
          %parallel_loop3A_498 = tpu.dynamic_gather %parallel_loop3A_306[%parallel_loop3A_497] in [0] : vector<16xf32>, vector<16xi32> -> vector<16xf32>
          %parallel_loop3A_499 = arith.mulf %parallel_loop3A_494, %parallel_loop3A_498 : vector<16xf32>
          %parallel_loop3A_500 = arith.constant 10 : i32
          %parallel_loop3A_501 = arith.addi %parallel_loop3A_308, %parallel_loop3A_500 : i32
          %parallel_loop3A_502 = arith.index_cast %parallel_loop3A_501 : i32 to index
          %parallel_loop3A_503 = arith.constant 0 : index
          %parallel_loop3A_504 = tpu.vector_load %arg20[%parallel_loop3A_502, %parallel_loop3A_503] {strides = array<i32>} : memref<512x16xf32, #tpu.memory_space<vmem>>, vector<1x16xf32>,
          %parallel_loop3A_505 = vector.shape_cast %parallel_loop3A_504 : vector<1x16xf32> to vector<16xf32>
          %parallel_loop3A_506 = vector.shape_cast %parallel_loop3A_499 : vector<16xf32> to vector<1x16xf32>
          tpu.vector_store %arg20[%parallel_loop3A_502, %parallel_loop3A_503], %parallel_loop3A_506 {strides = array<i32>} : memref<512x16xf32, #tpu.memory_space<vmem>>, vector<1x16xf32>,
          %parallel_loop3A_507 = arith.constant 11 : i32
          %parallel_loop3A_508 = arith.addi %parallel_loop3A_308, %parallel_loop3A_507 : i32
          %parallel_loop3A_509 = arith.index_cast %parallel_loop3A_508 : i32 to index
          %parallel_loop3A_510 = arith.constant 0 : index
          %parallel_loop3A_511 = tpu.vector_load %arg20[%parallel_loop3A_509, %parallel_loop3A_510] {strides = array<i32>} : memref<512x16xf32, #tpu.memory_space<vmem>>, vector<1x16xf32>,
          %parallel_loop3A_512 = vector.shape_cast %parallel_loop3A_511 : vector<1x16xf32> to vector<16xf32>
          %parallel_loop3A_513 = arith.constant 11 : i32
          %parallel_loop3A_514 = vector.broadcast %parallel_loop3A_513 : i32 to vector<16x1xi32>
          %parallel_loop3A_515 = vector.shape_cast %parallel_loop3A_514 : vector<16x1xi32> to vector<16xi32>
          %parallel_loop3A_516 = tpu.dynamic_gather %parallel_loop3A_306[%parallel_loop3A_515] in [0] : vector<16xf32>, vector<16xi32> -> vector<16xf32>
          %parallel_loop3A_517 = arith.mulf %parallel_loop3A_512, %parallel_loop3A_516 : vector<16xf32>
          %parallel_loop3A_518 = arith.constant 11 : i32
          %parallel_loop3A_519 = arith.addi %parallel_loop3A_308, %parallel_loop3A_518 : i32
          %parallel_loop3A_520 = arith.index_cast %parallel_loop3A_519 : i32 to index
          %parallel_loop3A_521 = arith.constant 0 : index
          %parallel_loop3A_522 = tpu.vector_load %arg20[%parallel_loop3A_520, %parallel_loop3A_521] {strides = array<i32>} : memref<512x16xf32, #tpu.memory_space<vmem>>, vector<1x16xf32>,
          %parallel_loop3A_523 = vector.shape_cast %parallel_loop3A_522 : vector<1x16xf32> to vector<16xf32>
          %parallel_loop3A_524 = vector.shape_cast %parallel_loop3A_517 : vector<16xf32> to vector<1x16xf32>
          tpu.vector_store %arg20[%parallel_loop3A_520, %parallel_loop3A_521], %parallel_loop3A_524 {strides = array<i32>} : memref<512x16xf32, #tpu.memory_space<vmem>>, vector<1x16xf32>,
          %parallel_loop3A_525 = arith.constant 12 : i32
          %parallel_loop3A_526 = arith.addi %parallel_loop3A_308, %parallel_loop3A_525 : i32
          %parallel_loop3A_527 = arith.index_cast %parallel_loop3A_526 : i32 to index
          %parallel_loop3A_528 = arith.constant 0 : index
          %parallel_loop3A_529 = tpu.vector_load %arg20[%parallel_loop3A_527, %parallel_loop3A_528] {strides = array<i32>} : memref<512x16xf32, #tpu.memory_space<vmem>>, vector<1x16xf32>,
          %parallel_loop3A_530 = vector.shape_cast %parallel_loop3A_529 : vector<1x16xf32> to vector<16xf32>
          %parallel_loop3A_531 = arith.constant 12 : i32
          %parallel_loop3A_532 = vector.broadcast %parallel_loop3A_531 : i32 to vector<16x1xi32>
          %parallel_loop3A_533 = vector.shape_cast %parallel_loop3A_532 : vector<16x1xi32> to vector<16xi32>
          %parallel_loop3A_534 = tpu.dynamic_gather %parallel_loop3A_306[%parallel_loop3A_533] in [0] : vector<16xf32>, vector<16xi32> -> vector<16xf32>
          %parallel_loop3A_535 = arith.mulf %parallel_loop3A_530, %parallel_loop3A_534 : vector<16xf32>
          %parallel_loop3A_536 = arith.constant 12 : i32
          %parallel_loop3A_537 = arith.addi %parallel_loop3A_308, %parallel_loop3A_536 : i32
          %parallel_loop3A_538 = arith.index_cast %parallel_loop3A_537 : i32 to index
          %parallel_loop3A_539 = arith.constant 0 : index
          %parallel_loop3A_540 = tpu.vector_load %arg20[%parallel_loop3A_538, %parallel_loop3A_539] {strides = array<i32>} : memref<512x16xf32, #tpu.memory_space<vmem>>, vector<1x16xf32>,
          %parallel_loop3A_541 = vector.shape_cast %parallel_loop3A_540 : vector<1x16xf32> to vector<16xf32>
          %parallel_loop3A_542 = vector.shape_cast %parallel_loop3A_535 : vector<16xf32> to vector<1x16xf32>
          tpu.vector_store %arg20[%parallel_loop3A_538, %parallel_loop3A_539], %parallel_loop3A_542 {strides = array<i32>} : memref<512x16xf32, #tpu.memory_space<vmem>>, vector<1x16xf32>,
          %parallel_loop3A_543 = arith.constant 13 : i32
          %parallel_loop3A_544 = arith.addi %parallel_loop3A_308, %parallel_loop3A_543 : i32
          %parallel_loop3A_545 = arith.index_cast %parallel_loop3A_544 : i32 to index
          %parallel_loop3A_546 = arith.constant 0 : index
          %parallel_loop3A_547 = tpu.vector_load %arg20[%parallel_loop3A_545, %parallel_loop3A_546] {strides = array<i32>} : memref<512x16xf32, #tpu.memory_space<vmem>>, vector<1x16xf32>,
          %parallel_loop3A_548 = vector.shape_cast %parallel_loop3A_547 : vector<1x16xf32> to vector<16xf32>
          %parallel_loop3A_549 = arith.constant 13 : i32
          %parallel_loop3A_550 = vector.broadcast %parallel_loop3A_549 : i32 to vector<16x1xi32>
          %parallel_loop3A_551 = vector.shape_cast %parallel_loop3A_550 : vector<16x1xi32> to vector<16xi32>
          %parallel_loop3A_552 = tpu.dynamic_gather %parallel_loop3A_306[%parallel_loop3A_551] in [0] : vector<16xf32>, vector<16xi32> -> vector<16xf32>
          %parallel_loop3A_553 = arith.mulf %parallel_loop3A_548, %parallel_loop3A_552 : vector<16xf32>
          %parallel_loop3A_554 = arith.constant 13 : i32
          %parallel_loop3A_555 = arith.addi %parallel_loop3A_308, %parallel_loop3A_554 : i32
          %parallel_loop3A_556 = arith.index_cast %parallel_loop3A_555 : i32 to index
          %parallel_loop3A_557 = arith.constant 0 : index
          %parallel_loop3A_558 = tpu.vector_load %arg20[%parallel_loop3A_556, %parallel_loop3A_557] {strides = array<i32>} : memref<512x16xf32, #tpu.memory_space<vmem>>, vector<1x16xf32>,
          %parallel_loop3A_559 = vector.shape_cast %parallel_loop3A_558 : vector<1x16xf32> to vector<16xf32>
          %parallel_loop3A_560 = vector.shape_cast %parallel_loop3A_553 : vector<16xf32> to vector<1x16xf32>
          tpu.vector_store %arg20[%parallel_loop3A_556, %parallel_loop3A_557], %parallel_loop3A_560 {strides = array<i32>} : memref<512x16xf32, #tpu.memory_space<vmem>>, vector<1x16xf32>,
          %parallel_loop3A_561 = arith.constant 14 : i32
          %parallel_loop3A_562 = arith.addi %parallel_loop3A_308, %parallel_loop3A_561 : i32
          %parallel_loop3A_563 = arith.index_cast %parallel_loop3A_562 : i32 to index
          %parallel_loop3A_564 = arith.constant 0 : index
          %parallel_loop3A_565 = tpu.vector_load %arg20[%parallel_loop3A_563, %parallel_loop3A_564] {strides = array<i32>} : memref<512x16xf32, #tpu.memory_space<vmem>>, vector<1x16xf32>,
          %parallel_loop3A_566 = vector.shape_cast %parallel_loop3A_565 : vector<1x16xf32> to vector<16xf32>
          %parallel_loop3A_567 = arith.constant 14 : i32
          %parallel_loop3A_568 = vector.broadcast %parallel_loop3A_567 : i32 to vector<16x1xi32>
          %parallel_loop3A_569 = vector.shape_cast %parallel_loop3A_568 : vector<16x1xi32> to vector<16xi32>
          %parallel_loop3A_570 = tpu.dynamic_gather %parallel_loop3A_306[%parallel_loop3A_569] in [0] : vector<16xf32>, vector<16xi32> -> vector<16xf32>
          %parallel_loop3A_571 = arith.mulf %parallel_loop3A_566, %parallel_loop3A_570 : vector<16xf32>
          %parallel_loop3A_572 = arith.constant 14 : i32
          %parallel_loop3A_573 = arith.addi %parallel_loop3A_308, %parallel_loop3A_572 : i32
          %parallel_loop3A_574 = arith.index_cast %parallel_loop3A_573 : i32 to index
          %parallel_loop3A_575 = arith.constant 0 : index
          %parallel_loop3A_576 = tpu.vector_load %arg20[%parallel_loop3A_574, %parallel_loop3A_575] {strides = array<i32>} : memref<512x16xf32, #tpu.memory_space<vmem>>, vector<1x16xf32>,
          %parallel_loop3A_577 = vector.shape_cast %parallel_loop3A_576 : vector<1x16xf32> to vector<16xf32>
          %parallel_loop3A_578 = vector.shape_cast %parallel_loop3A_571 : vector<16xf32> to vector<1x16xf32>
          tpu.vector_store %arg20[%parallel_loop3A_574, %parallel_loop3A_575], %parallel_loop3A_578 {strides = array<i32>} : memref<512x16xf32, #tpu.memory_space<vmem>>, vector<1x16xf32>,
          %parallel_loop3A_579 = arith.constant 15 : i32
          %parallel_loop3A_580 = arith.addi %parallel_loop3A_308, %parallel_loop3A_579 : i32
          %parallel_loop3A_581 = arith.index_cast %parallel_loop3A_580 : i32 to index
          %parallel_loop3A_582 = arith.constant 0 : index
          %parallel_loop3A_583 = tpu.vector_load %arg20[%parallel_loop3A_581, %parallel_loop3A_582] {strides = array<i32>} : memref<512x16xf32, #tpu.memory_space<vmem>>, vector<1x16xf32>,
          %parallel_loop3A_584 = vector.shape_cast %parallel_loop3A_583 : vector<1x16xf32> to vector<16xf32>
          %parallel_loop3A_585 = arith.constant 15 : i32
          %parallel_loop3A_586 = vector.broadcast %parallel_loop3A_585 : i32 to vector<16x1xi32>
          %parallel_loop3A_587 = vector.shape_cast %parallel_loop3A_586 : vector<16x1xi32> to vector<16xi32>
          %parallel_loop3A_588 = tpu.dynamic_gather %parallel_loop3A_306[%parallel_loop3A_587] in [0] : vector<16xf32>, vector<16xi32> -> vector<16xf32>
          %parallel_loop3A_589 = arith.mulf %parallel_loop3A_584, %parallel_loop3A_588 : vector<16xf32>
          %parallel_loop3A_590 = arith.constant 15 : i32
          %parallel_loop3A_591 = arith.addi %parallel_loop3A_308, %parallel_loop3A_590 : i32
          %parallel_loop3A_592 = arith.index_cast %parallel_loop3A_591 : i32 to index
          %parallel_loop3A_593 = arith.constant 0 : index
          %parallel_loop3A_594 = tpu.vector_load %arg20[%parallel_loop3A_592, %parallel_loop3A_593] {strides = array<i32>} : memref<512x16xf32, #tpu.memory_space<vmem>>, vector<1x16xf32>,
          %parallel_loop3A_595 = vector.shape_cast %parallel_loop3A_594 : vector<1x16xf32> to vector<16xf32>
          %parallel_loop3A_596 = vector.shape_cast %parallel_loop3A_589 : vector<16xf32> to vector<1x16xf32>
          tpu.vector_store %arg20[%parallel_loop3A_592, %parallel_loop3A_593], %parallel_loop3A_596 {strides = array<i32>} : memref<512x16xf32, #tpu.memory_space<vmem>>, vector<1x16xf32>,
        } {sc.loop_unroll_factor = 2 : i64, sc.parallel_access}
        %dma_start3A_294 = arith.constant 1 : i32
        %dma_start3A_295 = arith.constant 0 : i32
        %dma_start3A_296 = tpu.memref_slice %arg10[%dma_start3A_294, %dma_start3A_295] : memref<2x512xi32, #tpu.memory_space<vmem>> -> memref<1x512xi32, #tpu.memory_space<vmem>>
        %dma_start3A_297 = tpu.memref_squeeze %dma_start3A_296 : memref<1x512xi32, #tpu.memory_space<vmem>> -> memref<512xi32, #tpu.memory_space<vmem>>
        %dma_start3A_298 = arith.constant 0 : i32
        %dma_start3A_299 = arith.constant 0 : i32
        %dma_start3A_300 = tpu.memref_slice %arg28[%dma_start3A_298, %dma_start3A_299] : memref<16384x16xf32, #tpu.memory_space<vmem_shared>> -> memref<16384x16xf32, #tpu.memory_space<vmem_shared>>
        tpu.enqueue_indirect_dma source(%arg20 : memref<512x16xf32, #tpu.memory_space<vmem>>) target(%dma_start3A_300 : memref<16384x16xf32, #tpu.memory_space<vmem_shared>>) offsets(%dma_start3A_297 : memref<512xi32, #tpu.memory_space<vmem>>) semaphore(%arg31 : memref<!tpu.dma_semaphore, #tpu.memory_space<semaphore_mem>>) {add = true}
      }
      %scan3A_76 = arith.constant 17 : i32
      %dma_wait3A_77 = arith.constant 1 : i32
      %dma_wait3A_78 = arith.constant 0 : i32
      %dma_wait3A_79 = tpu.memref_slice %arg9[%dma_wait3A_77, %dma_wait3A_78] : memref<2x512xi32, #tpu.memory_space<vmem>> -> memref<1x512xi32, #tpu.memory_space<vmem>>
      %dma_wait3A_80 = tpu.memref_squeeze %dma_wait3A_79 : memref<1x512xi32, #tpu.memory_space<vmem>> -> memref<512xi32, #tpu.memory_space<vmem>>
      %dma_wait3A_81 = arith.constant 0 : i32
      %dma_wait3A_82 = arith.constant 0 : i32
      %dma_wait3A_83 = tpu.memref_slice %arg28[%dma_wait3A_81, %dma_wait3A_82] : memref<16384x16xf32, #tpu.memory_space<vmem_shared>> -> memref<16384x16xf32, #tpu.memory_space<vmem_shared>>
      tpu.wait_indirect_dma semaphore(%arg31 : memref<!tpu.dma_semaphore, #tpu.memory_space<semaphore_mem>>) src(%arg19 : memref<512x16xf32, #tpu.memory_space<vmem>>) dst(%dma_wait3A_83 : memref<16384x16xf32, #tpu.memory_space<vmem_shared>>)
      %dma_wait3A_84 = arith.constant 1 : i32
      %dma_wait3A_85 = arith.constant 0 : i32
      %dma_wait3A_86 = tpu.memref_slice %arg10[%dma_wait3A_84, %dma_wait3A_85] : memref<2x512xi32, #tpu.memory_space<vmem>> -> memref<1x512xi32, #tpu.memory_space<vmem>>
      %dma_wait3A_87 = tpu.memref_squeeze %dma_wait3A_86 : memref<1x512xi32, #tpu.memory_space<vmem>> -> memref<512xi32, #tpu.memory_space<vmem>>
      %dma_wait3A_88 = arith.constant 0 : i32
      %dma_wait3A_89 = arith.constant 0 : i32
      %dma_wait3A_90 = tpu.memref_slice %arg28[%dma_wait3A_88, %dma_wait3A_89] : memref<16384x16xf32, #tpu.memory_space<vmem_shared>> -> memref<16384x16xf32, #tpu.memory_space<vmem_shared>>
      tpu.wait_indirect_dma semaphore(%arg31 : memref<!tpu.dma_semaphore, #tpu.memory_space<semaphore_mem>>) src(%arg20 : memref<512x16xf32, #tpu.memory_space<vmem>>) dst(%dma_wait3A_90 : memref<16384x16xf32, #tpu.memory_space<vmem_shared>>)
      %barrier3A_91 = arith.constant 0 : index
      tpu.barrier barrier_id(%barrier3A_91)
      "tpu.region"() ({
        %run_scoped3A = tpu.sem_alloc : memref<!tpu.dma_semaphore, #tpu.memory_space<semaphore_mem>>
        %dma_start3A_105 = arith.constant 0 : i32
        %dma_start3A_106 = tpu.memref_slice %arg28[%mul3A_0, %dma_start3A_105] : memref<16384x16xf32, #tpu.memory_space<vmem_shared>> -> memref<256x16xf32, #tpu.memory_space<vmem_shared>>
        %dma_start3A_107 = arith.constant 0 : i32
        %dma_start3A_108 = tpu.memref_slice %arg28[%mul3A_0, %dma_start3A_107] : memref<16384x16xf32, #tpu.memory_space<vmem_shared>> -> memref<256x16xf32, #tpu.memory_space<vmem_shared>>
        tpu.enqueue_dma source(%dma_start3A_108 : memref<256x16xf32, #tpu.memory_space<vmem_shared>>) target(%arg21 : memref<256x16xf32, #tpu.memory_space<vmem>>) target_semaphore(%run_scoped3A : memref<!tpu.dma_semaphore, #tpu.memory_space<semaphore_mem>>)
        %dma_wait3A_109 = arith.constant 0 : i32
        %dma_wait3A_110 = tpu.memref_slice %arg28[%mul3A_0, %dma_wait3A_109] : memref<16384x16xf32, #tpu.memory_space<vmem_shared>> -> memref<256x16xf32, #tpu.memory_space<vmem_shared>>
        %dma_wait3A_111 = arith.constant 0 : i32
        %dma_wait3A_112 = tpu.memref_slice %arg28[%mul3A_0, %dma_wait3A_111] : memref<16384x16xf32, #tpu.memory_space<vmem_shared>> -> memref<256x16xf32, #tpu.memory_space<vmem_shared>>
        tpu.wait_dma2 semaphore(%run_scoped3A : memref<!tpu.dma_semaphore, #tpu.memory_space<semaphore_mem>>) src(%dma_wait3A_112 : memref<256x16xf32, #tpu.memory_space<vmem_shared>>) dst(%arg21 : memref<256x16xf32, #tpu.memory_space<vmem>>)
        tpu.yield
      }) : () -> ()
      %add3A_92 = arith.constant 4096 : i32
      %add3A_93 = arith.addi %add3A_92, %mul3A_0 : i32
      "tpu.region"() ({
        %run_scoped3A = tpu.sem_alloc : memref<!tpu.dma_semaphore, #tpu.memory_space<semaphore_mem>>
        %dma_start3A_105 = arith.constant 0 : i32
        %dma_start3A_106 = tpu.memref_slice %arg28[%add3A_93, %dma_start3A_105] : memref<16384x16xf32, #tpu.memory_space<vmem_shared>> -> memref<256x16xf32, #tpu.memory_space<vmem_shared>>
        %dma_start3A_107 = arith.constant 0 : i32
        %dma_start3A_108 = tpu.memref_slice %arg28[%add3A_93, %dma_start3A_107] : memref<16384x16xf32, #tpu.memory_space<vmem_shared>> -> memref<256x16xf32, #tpu.memory_space<vmem_shared>>
        tpu.enqueue_dma source(%dma_start3A_108 : memref<256x16xf32, #tpu.memory_space<vmem_shared>>) target(%arg22 : memref<256x16xf32, #tpu.memory_space<vmem>>) target_semaphore(%run_scoped3A : memref<!tpu.dma_semaphore, #tpu.memory_space<semaphore_mem>>)
        %dma_wait3A_109 = arith.constant 0 : i32
        %dma_wait3A_110 = tpu.memref_slice %arg28[%add3A_93, %dma_wait3A_109] : memref<16384x16xf32, #tpu.memory_space<vmem_shared>> -> memref<256x16xf32, #tpu.memory_space<vmem_shared>>
        %dma_wait3A_111 = arith.constant 0 : i32
        %dma_wait3A_112 = tpu.memref_slice %arg28[%add3A_93, %dma_wait3A_111] : memref<16384x16xf32, #tpu.memory_space<vmem_shared>> -> memref<256x16xf32, #tpu.memory_space<vmem_shared>>
        tpu.wait_dma2 semaphore(%run_scoped3A : memref<!tpu.dma_semaphore, #tpu.memory_space<semaphore_mem>>) src(%dma_wait3A_112 : memref<256x16xf32, #tpu.memory_space<vmem_shared>>) dst(%arg22 : memref<256x16xf32, #tpu.memory_space<vmem>>)
        tpu.yield
      }) : () -> ()
      %add3A_94 = arith.constant 8192 : i32
      %add3A_95 = arith.addi %add3A_94, %mul3A_0 : i32
      "tpu.region"() ({
        %run_scoped3A = tpu.sem_alloc : memref<!tpu.dma_semaphore, #tpu.memory_space<semaphore_mem>>
        %dma_start3A_105 = arith.constant 0 : i32
        %dma_start3A_106 = tpu.memref_slice %arg28[%add3A_95, %dma_start3A_105] : memref<16384x16xf32, #tpu.memory_space<vmem_shared>> -> memref<256x16xf32, #tpu.memory_space<vmem_shared>>
        %dma_start3A_107 = arith.constant 0 : i32
        %dma_start3A_108 = tpu.memref_slice %arg28[%add3A_95, %dma_start3A_107] : memref<16384x16xf32, #tpu.memory_space<vmem_shared>> -> memref<256x16xf32, #tpu.memory_space<vmem_shared>>
        tpu.enqueue_dma source(%dma_start3A_108 : memref<256x16xf32, #tpu.memory_space<vmem_shared>>) target(%arg23 : memref<256x16xf32, #tpu.memory_space<vmem>>) target_semaphore(%run_scoped3A : memref<!tpu.dma_semaphore, #tpu.memory_space<semaphore_mem>>)
        %dma_wait3A_109 = arith.constant 0 : i32
        %dma_wait3A_110 = tpu.memref_slice %arg28[%add3A_95, %dma_wait3A_109] : memref<16384x16xf32, #tpu.memory_space<vmem_shared>> -> memref<256x16xf32, #tpu.memory_space<vmem_shared>>
        %dma_wait3A_111 = arith.constant 0 : i32
        %dma_wait3A_112 = tpu.memref_slice %arg28[%add3A_95, %dma_wait3A_111] : memref<16384x16xf32, #tpu.memory_space<vmem_shared>> -> memref<256x16xf32, #tpu.memory_space<vmem_shared>>
        tpu.wait_dma2 semaphore(%run_scoped3A : memref<!tpu.dma_semaphore, #tpu.memory_space<semaphore_mem>>) src(%dma_wait3A_112 : memref<256x16xf32, #tpu.memory_space<vmem_shared>>) dst(%arg23 : memref<256x16xf32, #tpu.memory_space<vmem>>)
        tpu.yield
      }) : () -> ()
      %add3A_96 = arith.constant 12288 : i32
      %add3A_97 = arith.addi %add3A_96, %mul3A_0 : i32
      "tpu.region"() ({
        %run_scoped3A = tpu.sem_alloc : memref<!tpu.dma_semaphore, #tpu.memory_space<semaphore_mem>>
        %dma_start3A_105 = arith.constant 0 : i32
        %dma_start3A_106 = tpu.memref_slice %arg28[%add3A_97, %dma_start3A_105] : memref<16384x16xf32, #tpu.memory_space<vmem_shared>> -> memref<256x16xf32, #tpu.memory_space<vmem_shared>>
        %dma_start3A_107 = arith.constant 0 : i32
        %dma_start3A_108 = tpu.memref_slice %arg28[%add3A_97, %dma_start3A_107] : memref<16384x16xf32, #tpu.memory_space<vmem_shared>> -> memref<256x16xf32, #tpu.memory_space<vmem_shared>>
        tpu.enqueue_dma source(%dma_start3A_108 : memref<256x16xf32, #tpu.memory_space<vmem_shared>>) target(%arg24 : memref<256x16xf32, #tpu.memory_space<vmem>>) target_semaphore(%run_scoped3A : memref<!tpu.dma_semaphore, #tpu.memory_space<semaphore_mem>>)
        %dma_wait3A_109 = arith.constant 0 : i32
        %dma_wait3A_110 = tpu.memref_slice %arg28[%add3A_97, %dma_wait3A_109] : memref<16384x16xf32, #tpu.memory_space<vmem_shared>> -> memref<256x16xf32, #tpu.memory_space<vmem_shared>>
        %dma_wait3A_111 = arith.constant 0 : i32
        %dma_wait3A_112 = tpu.memref_slice %arg28[%add3A_97, %dma_wait3A_111] : memref<16384x16xf32, #tpu.memory_space<vmem_shared>> -> memref<256x16xf32, #tpu.memory_space<vmem_shared>>
        tpu.wait_dma2 semaphore(%run_scoped3A : memref<!tpu.dma_semaphore, #tpu.memory_space<semaphore_mem>>) src(%dma_wait3A_112 : memref<256x16xf32, #tpu.memory_space<vmem_shared>>) dst(%arg24 : memref<256x16xf32, #tpu.memory_space<vmem>>)
        tpu.yield
      }) : () -> ()
      %scan3A_98 = arith.constant 0 : i32
      %scan3A_99 = arith.constant 0 : i32
      %scan3A_100 = arith.constant 256 : i32
      %scan3A_101 = arith.addi %scan3A_99, %scan3A_100 : i32
      %scan3A_102 = arith.constant 1 : i32
      scf.for %scan3A_105 = %scan3A_99 to %scan3A_101 step %scan3A_102  : i32 {
        %get3A = arith.index_cast %scan3A_105 : i32 to index
        %get3A_106 = arith.constant 0 : index
        %get3A_107 = tpu.vector_load %arg22[%get3A, %get3A_106] {strides = array<i32>} : memref<256x16xf32, #tpu.memory_space<vmem>>, vector<1x16xf32>,
        %get3A_108 = vector.shape_cast %get3A_107 : vector<1x16xf32> to vector<16xf32>
        %neg3A = arith.constant 0.000000e+00 : f32
        %neg3A_109 = vector.broadcast %neg3A : f32 to vector<16xf32>
        %neg3A_110 = arith.subf %neg3A_109, %get3A_108 : vector<16xf32>
        %exp3A = math.exp %neg3A_110 : vector<16xf32>
        %add3A_111 = arith.constant 1.000000e+00 : f32
        %add3A_112 = vector.broadcast %add3A_111 : f32 to vector<16xf32>
        %add3A_113 = arith.addf %add3A_112, %exp3A : vector<16xf32>
        %div3A = arith.constant 1.000000e+00 : f32
        %div3A_114 = vector.broadcast %div3A : f32 to vector<16xf32>
        %div3A_115 = arith.divf %div3A_114, %add3A_113 : vector<16xf32>
        %get3A_116 = arith.index_cast %scan3A_105 : i32 to index
        %get3A_117 = arith.constant 0 : index
        %get3A_118 = tpu.vector_load %arg25[%get3A_116, %get3A_117] {strides = array<i32>} : memref<256x16xf32, #tpu.memory_space<vmem>>, vector<1x16xf32>,
        %get3A_119 = vector.shape_cast %get3A_118 : vector<1x16xf32> to vector<16xf32>
        %mul3A_120 = arith.mulf %div3A_115, %get3A_119 : vector<16xf32>
        %get3A_121 = arith.index_cast %scan3A_105 : i32 to index
        %get3A_122 = arith.constant 0 : index
        %get3A_123 = tpu.vector_load %arg21[%get3A_121, %get3A_122] {strides = array<i32>} : memref<256x16xf32, #tpu.memory_space<vmem>>, vector<1x16xf32>,
        %get3A_124 = vector.shape_cast %get3A_123 : vector<1x16xf32> to vector<16xf32>
        %neg3A_125 = arith.constant 0.000000e+00 : f32
        %neg3A_126 = vector.broadcast %neg3A_125 : f32 to vector<16xf32>
        %neg3A_127 = arith.subf %neg3A_126, %get3A_124 : vector<16xf32>
        %exp3A_128 = math.exp %neg3A_127 : vector<16xf32>
        %add3A_129 = arith.constant 1.000000e+00 : f32
        %add3A_130 = vector.broadcast %add3A_129 : f32 to vector<16xf32>
        %add3A_131 = arith.addf %add3A_130, %exp3A_128 : vector<16xf32>
        %div3A_132 = arith.constant 1.000000e+00 : f32
        %div3A_133 = vector.broadcast %div3A_132 : f32 to vector<16xf32>
        %div3A_134 = arith.divf %div3A_133, %add3A_131 : vector<16xf32>
        %get3A_135 = arith.index_cast %scan3A_105 : i32 to index
        %get3A_136 = arith.constant 0 : index
        %get3A_137 = tpu.vector_load %arg23[%get3A_135, %get3A_136] {strides = array<i32>} : memref<256x16xf32, #tpu.memory_space<vmem>>, vector<1x16xf32>,
        %get3A_138 = vector.shape_cast %get3A_137 : vector<1x16xf32> to vector<16xf32>
        %mul3A_139 = arith.constant -2.000000e+00 : f32
        %mul3A_140 = vector.broadcast %mul3A_139 : f32 to vector<16xf32>
        %mul3A_141 = arith.mulf %mul3A_140, %get3A_138 : vector<16xf32>
        %exp3A_142 = math.exp %mul3A_141 : vector<16xf32>
        %add3A_143 = arith.constant 1.000000e+00 : f32
        %add3A_144 = vector.broadcast %add3A_143 : f32 to vector<16xf32>
        %add3A_145 = arith.addf %add3A_144, %exp3A_142 : vector<16xf32>
        %div3A_146 = arith.constant 2.000000e+00 : f32
        %div3A_147 = vector.broadcast %div3A_146 : f32 to vector<16xf32>
        %div3A_148 = arith.divf %div3A_147, %add3A_145 : vector<16xf32>
        %sub3A = arith.constant 1.000000e+00 : f32
        %sub3A_149 = vector.broadcast %sub3A : f32 to vector<16xf32>
        %sub3A_150 = arith.subf %div3A_148, %sub3A_149 : vector<16xf32>
        %mul3A_151 = arith.mulf %div3A_134, %sub3A_150 : vector<16xf32>
        %add3A_152 = arith.addf %mul3A_120, %mul3A_151 : vector<16xf32>
        %swap3A = arith.index_cast %scan3A_105 : i32 to index
        %swap3A_153 = arith.constant 0 : index
        %swap3A_154 = tpu.vector_load %arg25[%swap3A, %swap3A_153] {strides = array<i32>} : memref<256x16xf32, #tpu.memory_space<vmem>>, vector<1x16xf32>,
        %swap3A_155 = vector.shape_cast %swap3A_154 : vector<1x16xf32> to vector<16xf32>
        %swap3A_156 = vector.shape_cast %add3A_152 : vector<16xf32> to vector<1x16xf32>
        tpu.vector_store %arg25[%swap3A, %swap3A_153], %swap3A_156 {strides = array<i32>} : memref<256x16xf32, #tpu.memory_space<vmem>>, vector<1x16xf32>,
        %get3A_157 = arith.index_cast %scan3A_105 : i32 to index
        %get3A_158 = arith.constant 0 : index
        %get3A_159 = tpu.vector_load %arg24[%get3A_157, %get3A_158] {strides = array<i32>} : memref<256x16xf32, #tpu.memory_space<vmem>>, vector<1x16xf32>,
        %get3A_160 = vector.shape_cast %get3A_159 : vector<1x16xf32> to vector<16xf32>
        %neg3A_161 = arith.constant 0.000000e+00 : f32
        %neg3A_162 = vector.broadcast %neg3A_161 : f32 to vector<16xf32>
        %neg3A_163 = arith.subf %neg3A_162, %get3A_160 : vector<16xf32>
        %exp3A_164 = math.exp %neg3A_163 : vector<16xf32>
        %add3A_165 = arith.constant 1.000000e+00 : f32
        %add3A_166 = vector.broadcast %add3A_165 : f32 to vector<16xf32>
        %add3A_167 = arith.addf %add3A_166, %exp3A_164 : vector<16xf32>
        %div3A_168 = arith.constant 1.000000e+00 : f32
        %div3A_169 = vector.broadcast %div3A_168 : f32 to vector<16xf32>
        %div3A_170 = arith.divf %div3A_169, %add3A_167 : vector<16xf32>
        %mul3A_171 = arith.constant -2.000000e+00 : f32
        %mul3A_172 = vector.broadcast %mul3A_171 : f32 to vector<16xf32>
        %mul3A_173 = arith.mulf %mul3A_172, %add3A_152 : vector<16xf32>
        %exp3A_174 = math.exp %mul3A_173 : vector<16xf32>
        %add3A_175 = arith.constant 1.000000e+00 : f32
        %add3A_176 = vector.broadcast %add3A_175 : f32 to vector<16xf32>
        %add3A_177 = arith.addf %add3A_176, %exp3A_174 : vector<16xf32>
        %div3A_178 = arith.constant 2.000000e+00 : f32
        %div3A_179 = vector.broadcast %div3A_178 : f32 to vector<16xf32>
        %div3A_180 = arith.divf %div3A_179, %add3A_177 : vector<16xf32>
        %sub3A_181 = arith.constant 1.000000e+00 : f32
        %sub3A_182 = vector.broadcast %sub3A_181 : f32 to vector<16xf32>
        %sub3A_183 = arith.subf %div3A_180, %sub3A_182 : vector<16xf32>
        %mul3A_184 = arith.mulf %div3A_170, %sub3A_183 : vector<16xf32>
        %swap3A_185 = arith.index_cast %scan3A_105 : i32 to index
        %swap3A_186 = arith.constant 0 : index
        %swap3A_187 = tpu.vector_load %arg26[%swap3A_185, %swap3A_186] {strides = array<i32>} : memref<256x16xf32, #tpu.memory_space<vmem>>, vector<1x16xf32>,
        %swap3A_188 = vector.shape_cast %swap3A_187 : vector<1x16xf32> to vector<16xf32>
        %swap3A_189 = vector.shape_cast %mul3A_184 : vector<16xf32> to vector<1x16xf32>
        tpu.vector_store %arg26[%swap3A_185, %swap3A_186], %swap3A_189 {strides = array<i32>} : memref<256x16xf32, #tpu.memory_space<vmem>>, vector<1x16xf32>,
      }
      %scan3A_103 = arith.constant 256 : i32
      "tpu.region"() ({
        %run_scoped3A = tpu.sem_alloc : memref<!tpu.dma_semaphore, #tpu.memory_space<semaphore_mem>>
        %dma_start3A_105 = arith.constant 0 : i32
        %dma_start3A_106 = tpu.memref_slice %arg27[%mul3A_0, %dma_start3A_105] : memref<4096x16xf32, #tpu.memory_space<vmem_shared>> -> memref<256x16xf32, #tpu.memory_space<vmem_shared>>
        %dma_start3A_107 = arith.constant 0 : i32
        %dma_start3A_108 = tpu.memref_slice %arg27[%mul3A_0, %dma_start3A_107] : memref<4096x16xf32, #tpu.memory_space<vmem_shared>> -> memref<256x16xf32, #tpu.memory_space<vmem_shared>>
        tpu.enqueue_dma source(%arg26 : memref<256x16xf32, #tpu.memory_space<vmem>>) target(%dma_start3A_108 : memref<256x16xf32, #tpu.memory_space<vmem_shared>>) target_semaphore(%run_scoped3A : memref<!tpu.dma_semaphore, #tpu.memory_space<semaphore_mem>>)
        %dma_wait3A_109 = arith.constant 0 : i32
        %dma_wait3A_110 = tpu.memref_slice %arg27[%mul3A_0, %dma_wait3A_109] : memref<4096x16xf32, #tpu.memory_space<vmem_shared>> -> memref<256x16xf32, #tpu.memory_space<vmem_shared>>
        %dma_wait3A_111 = arith.constant 0 : i32
        %dma_wait3A_112 = tpu.memref_slice %arg27[%mul3A_0, %dma_wait3A_111] : memref<4096x16xf32, #tpu.memory_space<vmem_shared>> -> memref<256x16xf32, #tpu.memory_space<vmem_shared>>
        tpu.wait_dma2 semaphore(%run_scoped3A : memref<!tpu.dma_semaphore, #tpu.memory_space<semaphore_mem>>) src(%arg26 : memref<256x16xf32, #tpu.memory_space<vmem>>) dst(%dma_wait3A_112 : memref<256x16xf32, #tpu.memory_space<vmem_shared>>)
        tpu.yield
      }) : () -> ()
      "tpu.region"() ({
        %run_scoped3A = tpu.sem_alloc : memref<!tpu.dma_semaphore, #tpu.memory_space<semaphore_mem>>
        %dma_start3A_105 = arith.constant 0 : i32
        %dma_start3A_106 = tpu.memref_slice %arg5[%arg0, %scan3A_16, %mul3A_0, %dma_start3A_105] : memref<2x16x4096x16xf32, #tpu.memory_space<hbm>> -> memref<1x1x256x16xf32, #tpu.memory_space<hbm>>
        %dma_start3A_107 = tpu.memref_squeeze %dma_start3A_106 : memref<1x1x256x16xf32, #tpu.memory_space<hbm>> -> memref<256x16xf32, #tpu.memory_space<hbm>>
        %dma_start3A_108 = arith.constant 0 : i32
        %dma_start3A_109 = tpu.memref_slice %arg5[%arg0, %scan3A_16, %mul3A_0, %dma_start3A_108] : memref<2x16x4096x16xf32, #tpu.memory_space<hbm>> -> memref<1x1x256x16xf32, #tpu.memory_space<hbm>>
        %dma_start3A_110 = tpu.memref_squeeze %dma_start3A_109 : memref<1x1x256x16xf32, #tpu.memory_space<hbm>> -> memref<256x16xf32, #tpu.memory_space<hbm>>
        tpu.enqueue_dma source(%arg26 : memref<256x16xf32, #tpu.memory_space<vmem>>) target(%dma_start3A_110 : memref<256x16xf32, #tpu.memory_space<hbm>>) target_semaphore(%run_scoped3A : memref<!tpu.dma_semaphore, #tpu.memory_space<semaphore_mem>>)
        %dma_wait3A_111 = arith.constant 0 : i32
        %dma_wait3A_112 = tpu.memref_slice %arg5[%arg0, %scan3A_16, %mul3A_0, %dma_wait3A_111] : memref<2x16x4096x16xf32, #tpu.memory_space<hbm>> -> memref<1x1x256x16xf32, #tpu.memory_space<hbm>>
        %dma_wait3A_113 = tpu.memref_squeeze %dma_wait3A_112 : memref<1x1x256x16xf32, #tpu.memory_space<hbm>> -> memref<256x16xf32, #tpu.memory_space<hbm>>
        %dma_wait3A_114 = arith.constant 0 : i32
        %dma_wait3A_115 = tpu.memref_slice %arg5[%arg0, %scan3A_16, %mul3A_0, %dma_wait3A_114] : memref<2x16x4096x16xf32, #tpu.memory_space<hbm>> -> memref<1x1x256x16xf32, #tpu.memory_space<hbm>>
        %dma_wait3A_116 = tpu.memref_squeeze %dma_wait3A_115 : memref<1x1x256x16xf32, #tpu.memory_space<hbm>> -> memref<256x16xf32, #tpu.memory_space<hbm>>
        tpu.wait_dma2 semaphore(%run_scoped3A : memref<!tpu.dma_semaphore, #tpu.memory_space<semaphore_mem>>) src(%arg26 : memref<256x16xf32, #tpu.memory_space<vmem>>) dst(%dma_wait3A_116 : memref<256x16xf32, #tpu.memory_space<hbm>>)
        tpu.yield
      }) : () -> ()
      %barrier3A_104 = arith.constant 0 : index
      tpu.barrier barrier_id(%barrier3A_104)
    }
    %scan3A_15 = arith.constant 16 : i32
    return
  }
}

module attributes {stable_mosaic.version = 14 : i64} {
  func.func @_xproj_body(%arg0: i32, %arg1: memref<512x256xf32, #tpu.memory_space<vmem>>, %arg2: memref<256x512xf32, #tpu.memory_space<vmem>>, %arg3: memref<512xf32, #tpu.memory_space<vmem>>, %arg4: memref<512x512xf32, #tpu.memory_space<vmem>>) attributes {dimension_semantics = [#tpu.dimension_semantics<arbitrary>], iteration_bounds = array<i64: 32>, scalar_prefetch = 0 : i64, scratch_operands = 0 : i64, tpu.core_type = #tpu.core_type<tc>, window_params = [{pipeline_mode = #tpu.pipeline_mode<synchronous>, transform_indices = @transform_0, window_bounds = array<i64: 512, 256>}, {transform_indices = @transform_1, window_bounds = array<i64: 256, 512>}, {transform_indices = @transform_2, window_bounds = array<i64: 512>}, {transform_indices = @transform_3, window_bounds = array<i64: 512, 512>}]} {
    %get3A = arith.constant 0 : index
    %get3A_0 = arith.constant 0 : index
    %get3A_1 = vector.load %arg1[%get3A, %get3A_0] : memref<512x256xf32, #tpu.memory_space<vmem>>, vector<512x256xf32>
    %get3A_2 = arith.constant 0 : index
    %get3A_3 = arith.constant 0 : index
    %get3A_4 = vector.load %arg2[%get3A_2, %get3A_3] : memref<256x512xf32, #tpu.memory_space<vmem>>, vector<256x512xf32>
    %dot_general3A = arith.constant dense<0.000000e+00> : vector<512x512xf32>
    %dot_general3A_5 = tpu.matmul %get3A_1, %get3A_4, %dot_general3A {dimension_numbers = #tpu.dot_dimension_numbers<[1], [0], [0], [1], [0, 0, 1, 1], [], []>, transpose_lhs_hint = false} : vector<512x256xf32>, vector<256x512xf32>, vector<512x512xf32> -> vector<512x512xf32>
    %get3A_6 = arith.constant 0 : index
    %get3A_7 = vector.load %arg3[%get3A_6] : memref<512xf32, #tpu.memory_space<vmem>>, vector<512xf32>
    %broadcast_in_dim3A = vector.shape_cast %get3A_7 : vector<512xf32> to vector<1x512xf32>
    %add3A = vector.broadcast %broadcast_in_dim3A : vector<1x512xf32> to vector<512x512xf32>
    %add3A_8 = arith.addf %dot_general3A_5, %add3A : vector<512x512xf32>
    %swap3A = arith.constant 0 : index
    %swap3A_9 = arith.constant 0 : index
    %swap3A_10 = vector.load %arg4[%swap3A, %swap3A_9] : memref<512x512xf32, #tpu.memory_space<vmem>>, vector<512x512xf32>
    tpu.vector_store %arg4[%swap3A, %swap3A_9], %add3A_8 {strides = array<i32>} : memref<512x512xf32, #tpu.memory_space<vmem>>, vector<512x512xf32>,
    return
  }
  func.func @transform_0(%arg0: i32) -> (i32, i32) {
    %c0_i32 = arith.constant 0 : i32
    %c0_i32_0 = arith.constant 0 : i32
    %c0_i32_1 = arith.constant 0 : i32
    return %c0_i32, %c0_i32_0 : i32, i32
  }
  func.func @transform_1(%arg0: i32) -> (i32, i32) {
    %c0_i32 = arith.constant 0 : i32
    %c0_i32_0 = arith.constant 0 : i32
    return %c0_i32, %arg0 : i32, i32
  }
  func.func @transform_2(%arg0: i32) -> i32 {
    %c0_i32 = arith.constant 0 : i32
    return %arg0 : i32
  }
  func.func @transform_3(%arg0: i32) -> (i32, i32) {
    %c0_i32 = arith.constant 0 : i32
    %c0_i32_0 = arith.constant 0 : i32
    return %c0_i32, %arg0 : i32, i32
  }
}

</mosaic_0001>

<sc_bundles>
// kernel: kernel.4.cloned.1.call-start
scs
__scs_entry_jumppad:
0x0: {  	(pc) =	sbr.rel $0x88, $3  }
0x1: {  	(tag) =	ssettag $0x0;
	lr =	simm.s32 $0x1  }
0x2: {  	[smem:$0x3F9B] =	sst lr;
	_ =	strace $0xD0000000  }
0x3: {  	_ = 	snop  }
0x4: {  	_ = 	snop  }
0x5: {  	_ = 	snop  }
0x6: {  	_ = 	snop  }
0x7: {  	_ = 	snop  }
__scs_overlays_trampoline_lowered:
0x8: {  	[smem:$0x3FAA] =	sst s0  }
0x9: {  	[smem:$0x3FAB] =	sst s1  }
0xa: {  	[smem:$0x3FAC] =	sst s2  }
0xb: {  	[smem:$0x3FAD] =	sst s3  }
0xc: {  	[smem:$0x3FAE] =	sst s4  }
0xd: {  	[smem:$0x3FAF] =	sst s5  }
0xe: {  	[smem:$0x3FB0] =	sst s6  }
0xf: {  	[smem:$0x3FB1] =	sst s7  }
0x10: {  	[smem:$0x3FB2] =	sst s8  }
0x11: {  	[smem:$0x3FB3] =	sst s9;
	s0 =	simm.s32 @!p0 $0x0  }
0x12: {  	s1 =	sld [smem:$0x3F99];
	s0 =	simm.s32 @p0 $0x1  }
0x13: {  	[smem:$0x3FB4] =	sst s0;
	s0 =	simm.s32 @!p1 $0x0  }
0x14: {  	s2 =	sld [smem:$0x3F98];
	s0 =	simm.s32 @p1 $0x1  }
0x15: {  	[smem:$0x3FB5] =	sst s0;
	s0 =	simm.s32 @!p2 $0x0  }
0x16: {  	s3 =	sld [smem:$0x3FDB];
	s0 =	simm.s32 @p2 $0x1  }
0x17: {  	s4 =	simm.s32 $0x1BF5;
	[smem:$0x3FB7] =	sst s0  }
0x18: {  	s0 =	sld [smem:$0x3F9A];
	_ =	swait.ge [sflag:s4], $0x0  }
0x19: {  	s7 =	sld [smem:$0x3F9B]  }
0x1a: {  	s8 =	sadd.s32 $0xFFFFE003, lr  }
0x1b: {  	s9 =	sadd.s32 $0xFFFFFEF7, lr;
	s5 =	simm.s32 $0xFFFFFFFF;
	p2 =	slt.u32 s8, $0xFFFFF086  }
0x1c: {  	p1 =	slt.u32 s9, $0xF7A;
	s5 =	simm.s32 @!p2 $0x0  }
0x1d: {  	s5 =	simm.s32 @p1 $0x1;
	p0 =	seq.s32 s7, s2  }
0x1e: {  	s7 =	smul.u32 @!p0 $0xF7A, s2;
	p2 =	seq.s32 @!p0 s5, $0x0  }
0x1f: {  	s9 =	smul.u32 $0xF7A, s1;
	s8 =	simm.s32 @!p0 $0x1BF5;
	p2 =	por !p2, p0  }
0x20: {  	[sflag:s8] =	ssyncset.s32 @!p0 $0xFFFFF086;
	s6 =	sadd.s32 @!p0 s3, s7;
	s7 =	simm.s32 @!p0 $0x108  }
0x21: {  	s3 =	sadd.s32 s3, s9;
	s6 =	sadd.s32 @!p0 $0x88, s6;
	s7 =	simm.s32 @p2 $0x1082  }
0x22: {  	[simem:s7], [sflag:s8] =	dma.local @!p0 [hbm:s6], $0xF7A  }
0x23: {  	s9 =	sor.u32 $0xD0000000, s2;
	s6 =	simm.s32 $0x108;
	_ =	swait.ge @!p0 [sflag:s8], $0x0  }
0x24: {  	s3 =	sadd.s32 $0x88, s3;
	s6 =	simm.s32 @!p1 $0x1082;
	[sflag:s4] =	ssyncset.s32 $0xFFFFF086  }
0x25: {  	[simem:s6], [sflag:s4] =	dma.local [hbm:s3], $0xF7A  }
0x26: {  	[smem:$0x3F9B] =	sst s1;
	(tag) =	ssettag s2;
	_ =	strace s9  }
0x27: {  	s1 =	sld [smem:$0x3FAB]  }
0x28: {  	s2 =	sld [smem:$0x3FAC]  }
0x29: {  	s4 =	sld [smem:$0x3FAE]  }
0x2a: {  	p0 =	seq.s32 s5, $0x0;
	s5 =	sld [smem:$0x3FAF]  }
0x2b: {  	s6 =	sld [smem:$0x3FB0]  }
0x2c: {  	s7 =	sld [smem:$0x3FB1]  }
0x2d: {  	s3 =	simm.s32 $0x108;
	s8 =	sld [smem:$0x3FB2]  }
0x2e: {  	s3 =	simm.s32 @!p0 $0x1082;
	s9 =	sld [smem:$0x3FB3]  }
0x2f: {  	lr =	sadd.s32 s0, s3;
	s0 =	sld [smem:$0x3FAA]  }
0x30: {  	s3 =	sld [smem:$0x3FAD]  }
0x31: {  	[smem:$0x3FB6] =	sst s10  }
0x32: {  	s10 =	sld [smem:$0x3FB4];
	_ =	sdelay $0x3  }
0x33: {  	p0 =	seq.s32 s10, $0x1;
	s10 =	sld [smem:$0x3FB6];
	_ =	sdelay $0x3  }
0x34: {  	[smem:$0x3FB6] =	sst s10  }
0x35: {  	s10 =	sld [smem:$0x3FB5];
	_ =	sdelay $0x3  }
0x36: {  	p1 =	seq.s32 s10, $0x1;
	s10 =	sld [smem:$0x3FB6];
	_ =	sdelay $0x3  }
0x37: {  	[smem:$0x3FB6] =	sst s10  }
0x38: {  	s10 =	sld [smem:$0x3FB7]  }
0x39: {  	_ = 	snop;
	(pc) =	sbr.ind lr, $3  }
0x3a: {  	_ = 	snop  }
0x3b: {  	_ = 	snop  }
0x3c: {  	p2 =	seq.s32 s10, $0x1;
	s10 =	sld [smem:$0x3FB6]  }
0x3d: {  	_ =	shalt  }
0x3e: {  	_ =	shalt  }
0x3f: {  	_ =	shalt  }
0x40: {  	_ =	shalt  }
0x41: {  	_ =	shalt  }
0x42: {  	_ =	shalt  }
0x43: {  	_ =	shalt  }
0x44: {  	_ =	shalt  }
0x45: {  	_ =	shalt  }
0x46: {  	_ =	shalt  }
0x47: {  	_ =	shalt  }
0x48: {  	_ =	shalt  }
0x49: {  	_ =	shalt  }
0x4a: {  	_ =	shalt  }
0x4b: {  	_ =	shalt  }
0x4c: {  	_ =	shalt  }
0x4d: {  	_ =	shalt  }
0x4e: {  	_ =	shalt  }
0x4f: {  	_ =	shalt  }
0x50: {  	_ =	shalt  }
0x51: {  	_ =	shalt  }
0x52: {  	_ =	shalt  }
0x53: {  	_ =	shalt  }
0x54: {  	_ =	shalt  }
0x55: {  	_ =	shalt  }
0x56: {  	_ =	shalt  }
0x57: {  	_ =	shalt  }
0x58: {  	_ =	shalt  }
0x59: {  	_ =	shalt  }
0x5a: {  	_ =	shalt  }
0x5b: {  	_ =	shalt  }
0x5c: {  	_ =	shalt  }
0x5d: {  	_ =	shalt  }
0x5e: {  	_ =	shalt  }
0x5f: {  	_ =	shalt  }
0x60: {  	_ =	shalt  }
0x61: {  	_ =	shalt  }
0x62: {  	_ =	shalt  }
0x63: {  	_ =	shalt  }
0x64: {  	_ =	shalt  }
0x65: {  	_ =	shalt  }
0x66: {  	_ =	shalt  }
0x67: {  	_ =	shalt  }
0x68: {  	_ =	shalt  }
0x69: {  	_ =	shalt  }
0x6a: {  	_ =	shalt  }
0x6b: {  	_ =	shalt  }
0x6c: {  	_ =	shalt  }
0x6d: {  	_ =	shalt  }
0x6e: {  	_ =	shalt  }
0x6f: {  	_ =	shalt  }
0x70: {  	_ =	shalt  }
0x71: {  	_ =	shalt  }
0x72: {  	_ =	shalt  }
0x73: {  	_ =	shalt  }
0x74: {  	_ =	shalt  }
0x75: {  	_ =	shalt  }
0x76: {  	_ =	shalt  }
0x77: {  	_ =	shalt  }
0x78: {  	_ =	shalt  }
0x79: {  	_ =	shalt  }
0x7a: {  	_ =	shalt  }
0x7b: {  	_ =	shalt  }
0x7c: {  	_ =	shalt  }
0x7d: {  	_ =	shalt  }
0x7e: {  	_ =	shalt  }
0x7f: {  	_ =	shalt  }
0x80: {  	_ =	shalt  }
0x81: {  	_ =	shalt  }
0x82: {  	_ =	shalt  }
0x83: {  	_ =	shalt  }
0x84: {  	_ =	shalt  }
0x85: {  	_ =	shalt  }
0x86: {  	_ =	shalt  }
0x87: {  	_ =	shalt  }
.Lfunc_end0:
.L_simem_size_0:
called_computation.1_lowered:
.L_overlay_start_0:
0x88: {  	s2 =	sld [smem:$0x3FD9]  }
0x89: {  	s3 =	sld [smem:$0x3FFE];
	_ =	sdelay $0x1  }
0x8a: {  	s1 =	srdreg.scid  }
0x8b: {  	s0 =	sand.u32 $0x1, s1  }
0x8c: {  	s17 =	sshll.u32 s0, $0xA;
	s2 =	sadd.s32 s3, s2  }
0x8d: {  	s2 =	sadd.s32 s2, s17  }
0x8e: {  	[smem:$0x3FC2] =	sst s2  }
0x8f: {  	_ = 	snop  }
0x90: {  	s2 =	sld [smem:$0x3FD0];
	(tm) =	ssettm $0x1  }
0x91: {  	s18 =	sld [smem:$0x3FFB];
	_ =	sdelay $0x3  }
0x92: {  	_ =	strace s18  }
0x93: {  	s3 =	sld [smem:$0x3FFC];
	_ =	sdelay $0x3  }
0x94: {  	_ =	strace s3  }
0x95: {  	s3 =	sld [smem:$0x3FFD];
	_ =	sdelay $0x3  }
0x96: {  	_ =	strace s3  }
0x97: {  	_ =	strace $0x8FFFFFFF  }
0x98: {  	s19 =	sld [smem:$0x3FDB];
	_ =	sdelay $0x1  }
0x99: {  	s4 =	simm.s32 $_scs_section_size  }
0x9a: {  	s5 =	simm.s32 $_size__tile_overlayer_lowered;
	s6 =	simm.s32 $_tile_overlayer_lowered  }
0x9b: {  	s22 =	simm.s32 $0x1BFF;
	s21 =	sshll.u32 s6, $0x1;
	s3 =	sadd.s32 s4, s19  }
0x9c: {  	s7 =	simm.s32 $0x0;
	s20 =	sshll.u32 s5, $0x1;
	s5 =	sadd.s32 s21, s3  }
0x9d: {  	[timem:s7], [sflag:s22] =	dma.local [hbm:s5], s20  }
0x9e: {  	_ =	swait.ge [sflag:s22], s20  }
0x9f: {  	s4 =	ssub.s32 $0x0, s20;
	[sflag:s22] =	ssyncset.done $0x0  }
0xa0: {  	[sflag:s22] =	ssyncadd.s32 s4;
	_ =	sdelay $0x1  }
0xa1: {  	s23 =	simm.s32 $0x1B8B  }
0xa2: {  	_ =	swait.ge [sflag:s23], $0x1  }
0xa3: {  	[sflag:s23] =	ssyncset.done $0x0  }
0xa4: {  	s25 =	simm.s32 $0x1B8E;
	s24 =	sld [smem:$0x3FFE];
	[sflag:s23] =	ssyncadd.s32 $0xFFFFFFFF  }
0xa5: {  	s26 =	simm.s32 $execute0_lowered;
	[smem:$0x3FD2] =	sst s25  }
0xa6: {  	s5 =	sshll.u32 s26, $0x1;
	_ =	strace $0x80000049;
	[dreg:$0x1] =	wrdreg $0xFFFFFFFF  }
0xa7: {  	s28 =	simm.s32 $_size_execute0_lowered;
	s3 =	sadd.s32 s3, s5;
	[dreg:$0x0] =	wrdreg $0x0  }
0xa8: {  	s5 =	sshll.u32 s28, $0x1;
	[dreg:$0x2] =	wrdreg s3  }
0xa9: {  	[dreg:$0x3] =	wrdreg s5  }
0xaa: {  	[dreg:$0x4] =	wrdreg $0xC0  }
0xab: {  	_ =	task [dreg:s7], $0x5FFFF  }
0xac: {  	[dreg:$0x1] =	wrdreg $0xFFFFFFFF  }
0xad: {  	[dreg:$0x0] =	wrdreg $0x60  }
0xae: {  	[dreg:$0x2] =	wrdreg s24  }
0xaf: {  	[dreg:$0x3] =	wrdreg s2  }
0xb0: {  	[dreg:$0x4] =	wrdreg $0x11E000  }
0xb1: {  	[dreg:$0x5] =	wrdreg $0x12E000  }
0xb2: {  	[dreg:$0x6] =	wrdreg $0x9  }
0xb3: {  	_ =	task.clear_ibuf [dreg:s7], $0x7FFFF;
	_ =	strace $0x90000049  }
0xb4: {  	s29 =	simm.s32 $0x9;
	_ =	strace $0x8000004B  }
0xb5: {  	_ =	swait.ge [sflag:s29], $0x1  }
0xb6: {  	[sflag:s29] =	ssyncadd.s32 $0xFFFFFFFF  }
0xb7: {  	_ =	strace $0x9000004B  }
0xb8: {  	_ =	sfence  }
0xb9: {  	s30 =	sld [smem:$0x0];
	_ =	sdelay $0x2  }
0xba: {  	s31 =	sshll.u32 s1, $0xD;
	s1 =	sshrl.u32 s1, $0x2  }
0xbb: {  	s3 =	sand.u32 $0x4000, s31;
	s1 =	sadd.s32 s1, s30  }
0xbc: {  	s0 =	sor.u32 s3, s0;
	s1 =	sshll.u32 s1, $0x11  }
0xbd: {  	s0 =	sor.u32 s1, s0  }
0xbe: {  	s0 =	sadd.s32 $0x8F2B, s0  }
0xbf: {  	[sflag:s0] =	ssyncadd.remote.s32 $0x1  }
0xc0: {  	_ =	sfence.sel $0xFFFF  }
0xc1: {  	[dreg:$0x0] =	wrdreg $0xFFFFFFFF;
	(pc) =	sbr.abs _section_cstart, $3  }
0xc2: {  	[dreg:$0x1] =	wrdreg $0xFFFFFFFF  }
0xc3: {  	_ =	task.clear_ibuf [dreg:s7], $0x2FFFF;
	_ =	strace $0x9FFFFFFF  }
0xc4: {  	(tm) =	ssettm $0x7FFFFFFF  }
0xc5: {  	_ =	shalt  }
tec
execute0_lowered:
.L_overlay_start_1:
0x0: {  	(tag) =	ssettag $0x1  }
0x1: {  	s0 =	rddreg [dreg:$0x0]  }
0x2: {  	s2 =	rddreg [dreg:$0x2]  }
0x3: {  	s3 =	rddreg [dreg:$0x3];
	s4 =	simm.s32 $0x0  }
0x4: {  	s1 =	srdreg.scid;
	s12 =	stileid.u32;
	s18 =	simm.s32 $0x4  }
0x5: {  	s30 =	simm.s32 $0x1;
	s31 =	simm.s32 $0x200;
	s29 =	simm.s32 $0xC00  }
0x6: {  	s28 =	simm.s32 $0x1C00;
	[smem:$0x7FF] =	sst s4;
	s1 =	sand.u32 $0x1, s1  }
0x7: {  	s5 =	sadd.s32 $0x1400, s0;
	s7 =	sadd.s32 $0x901400, s0;
	s8 =	sadd.s32 $0x92BC00, s0  }
0x8: {  	s16 =	sshll.u32 s12, $0xC;
	s6 =	smul.u32 $0x2A80, s12;
	s10 =	sshll.u32 s12, $0xE  }
0x9: {  	s13 =	smul.u32 $0x15400, s12;
	_ =	strace $0x8000004A;
	[dreg:$0x5] =	wrdreg s5  }
0xa: {  	s14 =	ssub.s32 $0x2, s1;
	s9 =	sshll.u32 s1, $0x16;
	s11 =	sadd.s32 s16, s2  }
0xb: {  	s17 =	sadd.s32 s10, s3;
	s21 =	sshrl.u32 s10, $0x2;
	s23 =	sadd.s32 s16, s3  }
0xc: {  	s1 =	sshll.u32 s1, $0x14;
	s5 =	simm.s32 $0x3E00;
	s15 =	sshrl.u32 s14, $0x1  }
0xd: {  	[dreg:$0x6] =	wrdreg s11;
	s9 =	sor.u32 s10, s9;
	s11 =	smul.u32 $0xAA00, s12  }
0xe: {  	s12 =	smul.u32 $0x55, s12;
	s13 =	sshrl.u32 s13, $0x3;
	s6 =	sadd.s32 s7, s6  }
0xf: {  	[dreg:$0xc] =	wrdreg s23;
	s1 =	sor.u32 s16, s1;
	s26 =	sshrl.u32 s17, $0x3  }
0x10: {  	s23 =	simm.s32 $0x1A00;
	s10 =	simm.s32 $0x5E00;
	[dreg:$0x7] =	wrdreg s9  }
0x11: {  	s17 =	simm.s32 $0x7E00;
	s0 =	ssub.s32 s14, s15;
	[dreg:$0x8] =	wrdreg s6  }
0x12: {  	s13 =	sadd.s32 s7, s13;
	s6 =	sadd.s32 s21, s3;
	[dreg:$0x10] =	wrdreg s1  }
0x13: {  	[dreg:$0x12] =	wrdreg s26;
	s21 =	simm.s32 $0x1800;
	s20 =	sadd.s32 $0x80, s13  }
0x14: {  	s26 =	simm.s32 $0x2;
	s24 =	sadd.s32 $0x10000, s6;
	[dreg:$0xa] =	wrdreg s20  }
0x15: {  	s15 =	simm.s32 $0x3;
	s25 =	sadd.s32 $0x20000, s6;
	[dreg:$0xd] =	wrdreg s24  }
0x16: {  	v0 =	vimm.f32 $0.0e+00;
	s19 =	sshrl.u32 s11, $0x3;
	s6 =	sadd.s32 $0x30000, s6;
	[dreg:$0xe] =	wrdreg s25  }
0x17: {  	v6 =	vimm.s32 $0x1;
	v7 =	vimm.s32 $0x2;
	v8 =	vimm.s32 $0x3;
	s0 =	smax.u32 s0, $0x1;
	s13 =	simm.s32 $0x10E00;
	[dreg:$0xf] =	wrdreg s6  }
0x18: {  	v9 =	vimm.s32 $0x4;
	v10 =	vimm.s32 $0x5;
	v54 =	vimm.s32 $0x6;
	s14 =	sadd.s32 s8, s19;
	[dreg:$0x11] =	wrdreg s0;
	s20 =	simm.s32 $0x400  }
0x19: {  	v55 =	vimm.s32 $0x7;
	v11 =	vimm.s32 $0x8;
	v14 =	vimm.s32 $0x9;
	s0 =	simm.s32 $0x1E00;
	s24 =	simm.s32 $0x600;
	s19 =	simm.s32 $0x9E00  }
0x1a: {  	v13 =	vimm.s32 $0xA;
	v3 =	vimm.s32 $0xB;
	v43 =	vimm.s32 $0xC;
	s6 =	simm.s32 $0x0;
	[dreg:$0x9] =	wrdreg s14;
	s22 =	sadd.s32 $0x40, s14  }
0x1b: {  	v44 =	vimm.s32 $0xD;
	v45 =	vimm.s32 $0xE;
	v53 =	vimm.s32 $0xF;
	s14 =	simm.s32 $0x1000;
	[dreg:$0xb] =	wrdreg s22;
	s22 =	simm.s32 $0x800  }
.LBB2_1:
0x1c: {  	[dreg:$0x13] =	wrdreg s6;
	s1 =	simm.s32 $0x40;
	s6 =	simm.s32 $0x0  }
.LBB2_2:
0x1d: {  	p0 =	sne.s32 s1, $0x3FC0;
	[tilespmem:s6+$0x10E00] =	vst v0;
	s9 =	smov.u32 s1;
	s1 =	sadd.s32 $0x40, s1  }
.Ltmp0:
0x1e: {  	[tilespmem:s6+$0xFE00] =	vst v0;
	(pc) =	sbr.rel @p0 .LBB2_2-.Ltmp0, $2  }
0x1f: {  	_ =	sdelay $0x2  }
0x20: {  	s6 =	sshra.s32 s9, $0x2  }
0x21: {  	[tilespmem:s6+$0x10E00] =	vst v0  }
0x22: {  	[tilespmem:s6+$0xFE00] =	vst v0;
	s1 =	rddreg [dreg:$0x6]  }
0x23: {  	[spmem:s1] =	stream.linear.scatter [tilespmem:s13], [sflag:$0x4], $0x1000, $0x38;
	[tilespmem:$0x16E00] =	vst v63  }
0x24: {  	_ =	swait.ge [sflag:s18], $0x1000  }
0x25: {  	[sflag:s18] =	ssyncset.done $0x0  }
0x26: {  	[sflag:s18] =	ssyncadd.s32 $0xFFFFF000  }
0x27: {  	s16 =	simm.s32 $0x0;
	[bflag:$0x0] =	sbarrier.arrive $0xFFFF  }
.LBB2_4:
0x28: {  	s1 =	sshll.u32 s16, $0x12;
	s6 =	rddreg [dreg:$0x7]  }
0x29: {  	[dreg:$0x14] =	wrdreg s16;
	s16 =	stileid.u32;
	s1 =	sadd.s32 s6, s1  }
0x2a: {  	s9 =	rddreg [dreg:$0x5];
	s6 =	sshll.u32 s16, $0x6;
	s1 =	sshrl.u32 s1, $0x3  }
0x2b: {  	s25 =	rddreg [dreg:$0x12];
	s6 =	sor.u32 $0x1C04, s6;
	s1 =	sadd.s32 s9, s1  }
0x2c: {  	[spmem:s25], [sflag:s6] =	dma.local [hbm:s1], $0x800  }
0x2d: {  	_ =	swait.ge [sflag:s18], $0x800  }
0x2e: {  	[sflag:s18] =	ssyncset.done $0x0  }
0x2f: {  	[sflag:s18] =	ssyncadd.s32 $0xFFFFF800  }
0x30: {  	[bflag:$0x0] =	sbarrier.arrive $0xFFFF  }
0x31: {  	s9 =	simm.s32 $0x0;
	s13 =	rddreg [dreg:$0x8]  }
0x32: {  	[tilespmem:s9], [sflag:$0x1] =	stream.linear.gather [hbm4b:s13+s9], $0x400, $0x38;
	[tilespmem:$0x16E00] =	vst v63  }
0x33: {  	s25 =	simm.s32 $0x1400;
	s16 =	rddreg [dreg:$0x9]  }
0x34: {  	[tilespmem:s25], [sflag:$0x1] =	stream.linear.gather [hbm4b:s16+s9], $0x200, $0x38;
	[tilespmem:$0x16E00] =	vst v63  }
0x35: {  	s13 =	rddreg [dreg:$0xa]  }
0x36: {  	[tilespmem:s20], [sflag:$0x1] =	stream.linear.gather [hbm4b:s13+s9], $0x400, $0x38;
	[tilespmem:$0x16E00] =	vst v63  }
0x37: {  	s16 =	rddreg [dreg:$0xb];
	s25 =	simm.s32 $0x1600  }
0x38: {  	[tilespmem:s25], [sflag:$0x1] =	stream.linear.gather [hbm4b:s16+s9], $0x200, $0x38;
	[tilespmem:$0x16E00] =	vst v63  }
0x39: {  	_ =	swait.ge [sflag:s30], $0x400  }
0x3a: {  	[sflag:s30] =	ssyncset.done $0x0  }
0x3b: {  	[sflag:s30] =	ssyncadd.s32 $0xFFFFFC00  }
0x3c: {  	_ =	swait.ge [sflag:s30], $0x200  }
0x3d: {  	[sflag:s30] =	ssyncset.done $0x0  }
0x3e: {  	[sflag:s30] =	ssyncadd.s32 $0xFFFFFE00  }
0x3f: {  	[tilespmem:s0], [sflag:$0x2] =	stream.indirect.gather [spmem:s2], $0x10, s9, s31, $0xb8;
	[tilespmem:$0x16E00] =	vst v63  }
0x40: {  	s9 =	simm.s32 $0x0  }
.LBB2_5:
0x41: {  	s25 =	smul.u32 $0x5, s9  }
0x42: {  	p0 =	seq.s32 s9, $0x0  }
0x43: {  	s1 =	simm.s32 @!p0 $0x3;
	s6 =	sadd.s32 $0x2, s25  }
0x44: {  	_ =	swait.ge @!p0 [sflag:s1], $0x2000;
	s13 =	sadd.s32 s12, s6  }
0x45: {  	[sflag:s1] =	ssyncset.done @!p0 $0x0;
	s13 =	sshll.u32 s13, $0x7  }
0x46: {  	[sflag:s1] =	ssyncadd.s32 @!p0 $0xFFFFE000;
	s16 =	sadd.s32 s7, s13;
	s13 =	sshll.u32 s6, $0x9  }
0x47: {  	[tilespmem:s22], [sflag:$0x1] =	stream.linear.gather [hbm4b:s16+s4], $0x400, $0x38;
	[tilespmem:$0x16E00] =	vst v63  }
0x48: {  	s1 =	sadd.s32 s11, s13  }
0x49: {  	s1 =	sshrl.u32 s1, $0x3  }
0x4a: {  	s1 =	sadd.s32 s8, s1  }
0x4b: {  	[tilespmem:s21], [sflag:$0x1] =	stream.linear.gather [hbm4b:s1+s4], $0x200, $0x38;
	[tilespmem:$0x16E00] =	vst v63  }
0x4c: {  	_ =	swait.ge [sflag:s30], $0x400  }
0x4d: {  	[sflag:s30] =	ssyncset.done $0x0  }
0x4e: {  	[sflag:s30] =	ssyncadd.s32 $0xFFFFFC00  }
0x4f: {  	_ =	swait.ge [sflag:s30], $0x200  }
0x50: {  	[sflag:s30] =	ssyncset.done $0x0  }
0x51: {  	[sflag:s30] =	ssyncadd.s32 $0xFFFFFE00  }
0x52: {  	[tilespmem:s5], [sflag:$0x2] =	stream.indirect.gather [spmem:s2], $0x10, s20, s31, $0xb8;
	[tilespmem:$0x16E00] =	vst v63  }
0x53: {  	_ =	swait.ge [sflag:s26], $0x2000  }
0x54: {  	[sflag:s26] =	ssyncset.done $0x0  }
0x55: {  	s16 =	simm.s32 $0x1410;
	[sflag:s26] =	ssyncadd.s32 $0xFFFFE000  }
0x56: {  	v22 =	vld [tilespmem:s16+$0x0]  }
0x57: {  	s1 =	simm.s32 $0x1F00;
	v17 =	vld [tilespmem:s16+$0xFFFFFFF0]  }
0x58: {  	v18 =	vld [tilespmem:s1+$0xF0]  }
0x59: {  	v19 =	vld [tilespmem:s1+$0xFFFFFF00]  }
0x5a: {  	v5 =	vimm.s32 $0x0;
	v20 =	vld [tilespmem:s1+$0xFFFFFF10]  }
0x5b: {  	v21 =	vld [tilespmem:s1+$0xFFFFFF20];
	v23 =	vperm.xlane v22, v5;
	v24 =	vperm.xlane v22, v53  }
0x5c: {  	v27 =	vld [tilespmem:s1+$0xFFFFFF30];
	v25 =	vperm.xlane v17, v5;
	v26 =	vperm.xlane v17, v6  }
0x5d: {  	v29 =	vld [tilespmem:s1+$0xFFFFFF40];
	v28 =	vperm.xlane v17, v7;
	v30 =	vperm.xlane v17, v9  }
0x5e: {  	v31 =	vld [tilespmem:s1+$0xFFFFFF50];
	v32 =	vperm.xlane v17, v10;
	v34 =	vperm.xlane v17, v54  }
0x5f: {  	v33 =	vld [tilespmem:s1+$0xFFFFFF60];
	v36 =	vperm.xlane v17, v55;
	v37 =	vperm.xlane v17, v11  }
0x60: {  	v35 =	vld [tilespmem:s1+$0xFFFFFF70];
	v39 =	vperm.xlane v17, v14;
	v40 =	vperm.xlane v17, v13  }
0x61: {  	v38 =	vld [tilespmem:s1+$0xFFFFFF80];
	v42 =	vperm.xlane v17, v3;
	v43 =	vperm.xlane v17, v43  }
0x62: {  	v41 =	vld [tilespmem:s1+$0xFFFFFF90];
	v44 =	vperm.xlane v17, v44;
	v56 =	vperm.xlane v22, v7  }
0x63: {  	v50 =	vld [tilespmem:s1+$0xFFFFFFE0];
	v59 =	vperm.xlane v22, v8;
	v63 =	vperm.xlane v22, v54  }
0x64: {  	v51 =	vld [tilespmem:s1+$0xFFFFFFF0];
	v49 =	vperm.xlane v22, v55;
	v18 =	vmul.f32 v24, v18  }
0x65: {  	v58 =	vld [tilespmem:s1+$0x20];
	v24 =	vperm.xlane v17, v8;
	v19 =	vmul.f32 v25, v19  }
0x66: {  	v60 =	vld [tilespmem:s1+$0x30];
	v20 =	vmul.f32 v26, v20;
	v21 =	vmul.f32 v28, v21  }
0x67: {  	v52 =	vld [tilespmem:s1+$0x0];
	v29 =	vmul.f32 v30, v29;
	v28 =	vperm.xlane v17, v45  }
0x68: {  	v57 =	vld [tilespmem:s1+$0x10];
	v30 =	vmul.f32 v32, v31;
	v17 =	vperm.xlane v17, v53  }
0x69: {  	v61 =	vld [tilespmem:s1+$0x40];
	v45 =	vmul.f32 v34, v33;
	v46 =	vmul.f32 v36, v35  }
0x6a: {  	v62 =	vld [tilespmem:s1+$0x50];
	v47 =	vmul.f32 v37, v38;
	v41 =	vmul.f32 v39, v41  }
0x6b: {  	v26 =	vld [tilespmem:s1+$0xFFFFFFB0];
	v32 =	vmul.f32 v56, v58;
	v36 =	vmul.f32 v59, v60  }
0x6c: {  	v24 =	vmul.f32 v24, v27;
	v27 =	vld [tilespmem:s1+$0xFFFFFFC0];
	[tilespmem:s1+$0xF0] =	vst v18;
	v18 =	vperm.xlane v22, v6  }
0x6d: {  	v31 =	vld [tilespmem:s1+$0xFFFFFFD0];
	[tilespmem:s1+$0xFFFFFF00] =	vst v19;
	v19 =	vperm.xlane v22, v9;
	v28 =	vmul.f32 v28, v50  }
0x6e: {  	v48 =	vld [tilespmem:s1+$0x60];
	[tilespmem:s1+$0xFFFFFF10] =	vst v20;
	v20 =	vperm.xlane v22, v10;
	v33 =	vmul.f32 v17, v51  }
0x6f: {  	v25 =	vld [tilespmem:s1+$0xFFFFFFA0];
	[tilespmem:s1+$0xFFFFFF20] =	vst v21;
	v51 =	vperm.xlane v22, v11;
	v17 =	vperm.xlane v22, v14  }
0x70: {  	v37 =	vld [tilespmem:s1+$0x90];
	[tilespmem:s1+$0xFFFFFF40] =	vst v29;
	v21 =	vperm.xlane v22, v13;
	v34 =	vmul.f32 v18, v57  }
0x71: {  	v0 =	vimm.s32 $0xC;
	v50 =	vld [tilespmem:s1+$0x70];
	[tilespmem:s1+$0xFFFFFF50] =	vst v30;
	v35 =	vmul.f32 v42, v26;
	v26 =	vmul.f32 v43, v27  }
0x72: {  	v1 =	vimm.s32 $0xD;
	[tilespmem:s1+$0xFFFFFF60] =	vst v45;
	v27 =	vmul.f32 v44, v31;
	v31 =	vmul.f32 v23, v52;
	v52 =	vld [tilespmem:s1+$0x80]  }
0x73: {  	v2 =	vimm.s32 $0xE;
	v38 =	vld [tilespmem:s1+$0xA0];
	[tilespmem:s1+$0xFFFFFF70] =	vst v46;
	v18 =	vperm.xlane v22, v3;
	v29 =	vmul.f32 v20, v62  }
0x74: {  	v12 =	vimm.s32 $0x8;
	v39 =	vld [tilespmem:s1+$0xB0];
	[tilespmem:s1+$0xFFFFFF30] =	vst v24;
	v20 =	vperm.xlane v22, v0;
	v24 =	vmul.f32 v63, v48  }
0x75: {  	v15 =	vimm.s32 $0xB;
	[tilespmem:s1+$0xFFFFFF90] =	vst v41;
	v41 =	vld [tilespmem:s1+$0xD0];
	v25 =	vmul.f32 v40, v25;
	v23 =	vmul.f32 v19, v61  }
0x76: {  	[tilespmem:s1+$0xFFFFFF80] =	vst v47;
	v11 =	vimm.s32 $0xA;
	v40 =	vld [tilespmem:s1+$0xC0];
	v19 =	vperm.xlane v22, v1;
	v30 =	vmul.f32 v49, v50  }
0x77: {  	s6 =	simm.s32 $0x1F00;
	s13 =	simm.s32 $0x0;
	s16 =	simm.s32 $0x1430;
	v13 =	vimm.s32 $0x9;
	v42 =	vld [tilespmem:s1+$0xE0];
	[tilespmem:s1+$0xFFFFFFA0] =	vst v25;
	v22 =	vperm.xlane v22, v2;
	v25 =	vmul.f32 v51, v52  }
.LBB2_6:
0x78: {  	v43 =	vld [tilespmem:s16+$0x0]  }
0x79: {  	s13 =	sadd.s32 $0x2, s13;
	[tilespmem:s1+$0xFFFFFFB0] =	vst v35;
	v17 =	vmul.f32 v17, v37;
	v21 =	vmul.f32 v21, v38  }
0x7a: {  	s1 =	sadd.s32 $0x200, s1;
	v35 =	vld [tilespmem:s16+$0xFFFFFFF0];
	p1 =	slt.u32 s13, $0x1E;
	[tilespmem:s6+$0xFFFFFFC0] =	vst v26;
	v18 =	vmul.f32 v18, v39  }
0x7b: {  	v26 =	vld [tilespmem:s1+$0xF0];
	[tilespmem:s6+$0xFFFFFFD0] =	vst v27;
	v20 =	vmul.f32 v20, v40  }
0x7c: {  	v27 =	vld [tilespmem:s1+$0xFFFFFF00];
	[tilespmem:s6+$0xFFFFFFE0] =	vst v28;
	v19 =	vmul.f32 v19, v41  }
0x7d: {  	v28 =	vld [tilespmem:s1+$0xFFFFFF10];
	[tilespmem:s6+$0xFFFFFFF0] =	vst v33;
	v22 =	vmul.f32 v22, v42;
	v38 =	vperm.xlane v43, v5  }
0x7e: {  	v33 =	vld [tilespmem:s1+$0xFFFFFF20];
	v37 =	vperm.xlane v43, v53;
	[tilespmem:s6+$0x0] =	vst v31;
	v56 =	vperm.xlane v43, v7  }
0x7f: {  	v31 =	vperm.xlane v35, v5;
	v39 =	vperm.xlane v35, v6;
	v40 =	vld [tilespmem:s1+$0xFFFFFF30];
	[tilespmem:s6+$0x10] =	vst v34  }
0x80: {  	v34 =	vperm.xlane v35, v7;
	v41 =	vld [tilespmem:s1+$0xFFFFFF40];
	v26 =	vmul.f32 v37, v26;
	[tilespmem:s6+$0x20] =	vst v32  }
0x81: {  	v32 =	vperm.xlane v35, v8;
	v37 =	vperm.xlane v35, v9;
	v42 =	vld [tilespmem:s1+$0xFFFFFF50];
	[tilespmem:s6+$0x30] =	vst v36  }
0x82: {  	v45 =	vperm.xlane v35, v54;
	v36 =	vperm.xlane v35, v10;
	v44 =	vld [tilespmem:s1+$0xFFFFFF60];
	[tilespmem:s1+$0xF0] =	vst v26  }
0x83: {  	v4 =	vimm.s32 $0xC;
	v46 =	vperm.xlane v35, v55;
	v47 =	vperm.xlane v35, v12;
	v26 =	vld [tilespmem:s1+$0xFFFFFF70];
	[tilespmem:s6+$0x40] =	vst v23  }
0x84: {  	v16 =	vimm.s32 $0xD;
	v48 =	vperm.xlane v35, v13;
	v49 =	vperm.xlane v35, v11;
	v23 =	vld [tilespmem:s1+$0xFFFFFF80];
	[tilespmem:s6+$0x50] =	vst v29  }
0x85: {  	v14 =	vimm.s32 $0xE;
	v50 =	vperm.xlane v35, v15;
	v51 =	vperm.xlane v35, v4;
	v29 =	vld [tilespmem:s1+$0xFFFFFF90];
	[tilespmem:s6+$0x60] =	vst v24  }
0x86: {  	v0 =	vimm.s32 $0xF;
	v52 =	vperm.xlane v35, v16;
	v53 =	vperm.xlane v35, v14;
	v24 =	vld [tilespmem:s1+$0xFFFFFFA0];
	[tilespmem:s6+$0x70] =	vst v30  }
0x87: {  	v54 =	vperm.xlane v35, v0;
	v55 =	vperm.xlane v43, v6;
	v30 =	vld [tilespmem:s1+$0xFFFFFFB0];
	[tilespmem:s6+$0x80] =	vst v25  }
0x88: {  	v57 =	vperm.xlane v43, v8;
	v59 =	vperm.xlane v43, v9;
	v0 =	vimm.s32 $0x6;
	v25 =	vld [tilespmem:s1+$0xFFFFFFC0];
	[tilespmem:s6+$0x90] =	vst v17  }
0x89: {  	v60 =	vperm.xlane v43, v10;
	v62 =	vperm.xlane v43, v0;
	v0 =	vimm.s32 $0x7;
	v58 =	vld [tilespmem:s1+$0xFFFFFFD0];
	[tilespmem:s6+$0xA0] =	vst v21  }
0x8a: {  	v63 =	vperm.xlane v43, v0;
	v61 =	vld [tilespmem:s1+$0xFFFFFFE0];
	[tilespmem:s6+$0xB0] =	vst v18  }
0x8b: {  	v1 =	vperm.xlane v43, v12;
	v17 =	vperm.xlane v43, v13;
	v0 =	vld [tilespmem:s1+$0xFFFFFFF0];
	[tilespmem:s6+$0xC0] =	vst v20  }
0x8c: {  	v21 =	vperm.xlane v43, v11;
	v18 =	vperm.xlane v43, v15;
	v2 =	vld [tilespmem:s1+$0x0];
	[tilespmem:s6+$0xD0] =	vst v19  }
0x8d: {  	v20 =	vperm.xlane v43, v4;
	v19 =	vperm.xlane v43, v16;
	v3 =	vld [tilespmem:s1+$0x10];
	[tilespmem:s6+$0xE0] =	vst v22;
	s6 =	smov.u32 s1  }
0x8e: {  	v27 =	vmul.f32 v31, v27;
	v22 =	vperm.xlane v43, v14;
	v4 =	vld [tilespmem:s1+$0x20]  }
0x8f: {  	v28 =	vmul.f32 v39, v28;
	v31 =	vmul.f32 v34, v33;
	v43 =	vld [tilespmem:s1+$0x30]  }
0x90: {  	[tilespmem:s1+$0xFFFFFF00] =	vst v27;
	v27 =	vmul.f32 v32, v40;
	v32 =	vmul.f32 v37, v41;
	v40 =	vld [tilespmem:s1+$0x40]  }
0x91: {  	v33 =	vmul.f32 v45, v44;
	[tilespmem:s1+$0xFFFFFF10] =	vst v28;
	v28 =	vmul.f32 v36, v42;
	v41 =	vld [tilespmem:s1+$0x50]  }
0x92: {  	v34 =	vmul.f32 v46, v26;
	v23 =	vmul.f32 v47, v23;
	[tilespmem:s1+$0xFFFFFF20] =	vst v31;
	v42 =	vld [tilespmem:s1+$0x60]  }
0x93: {  	v29 =	vmul.f32 v48, v29;
	v44 =	vmul.f32 v49, v24;
	[tilespmem:s1+$0xFFFFFF30] =	vst v27;
	v45 =	vld [tilespmem:s1+$0x70]  }
0x94: {  	v35 =	vmul.f32 v50, v30;
	v26 =	vmul.f32 v51, v25;
	[tilespmem:s1+$0xFFFFFF40] =	vst v32;
	v25 =	vld [tilespmem:s1+$0x80]  }
0x95: {  	v27 =	vmul.f32 v52, v58;
	[tilespmem:s1+$0xFFFFFF50] =	vst v28;
	v28 =	vmul.f32 v53, v61;
	v37 =	vld [tilespmem:s1+$0x90]  }
.Ltmp1:
0x96: {  	v31 =	vmul.f32 v38, v2;
	v53 =	vimm.s32 $0xF;
	[tilespmem:s1+$0xFFFFFF60] =	vst v33;
	v33 =	vmul.f32 v54, v0;
	v38 =	vld [tilespmem:s1+$0xA0];
	(pc) =	sbr.rel @p1 .LBB2_6-.Ltmp1, $4  }
0x97: {  	v32 =	vmul.f32 v56, v4;
	[tilespmem:s1+$0xFFFFFF70] =	vst v34;
	v34 =	vmul.f32 v55, v3;
	v39 =	vld [tilespmem:s1+$0xB0]  }
0x98: {  	v36 =	vmul.f32 v57, v43;
	[tilespmem:s1+$0xFFFFFF80] =	vst v23;
	v23 =	vmul.f32 v59, v40;
	v40 =	vld [tilespmem:s1+$0xC0]  }
0x99: {  	v54 =	vimm.s32 $0x6;
	v24 =	vmul.f32 v62, v42;
	[tilespmem:s1+$0xFFFFFF90] =	vst v29;
	v29 =	vmul.f32 v60, v41;
	v41 =	vld [tilespmem:s1+$0xD0]  }
0x9a: {  	s16 =	sadd.s32 $0x20, s16;
	v55 =	vimm.s32 $0x7;
	v30 =	vmul.f32 v63, v45;
	v25 =	vmul.f32 v1, v25;
	[tilespmem:s1+$0xFFFFFFA0] =	vst v44;
	v42 =	vld [tilespmem:s1+$0xE0]  }
0x9b: {  	[tilespmem:s1+$0xFFFFFFB0] =	vst v35  }
0x9c: {  	[tilespmem:s6+$0x0] =	vst v31  }
0x9d: {  	[tilespmem:s6+$0x10] =	vst v34  }
0x9e: {  	[tilespmem:s6+$0x20] =	vst v32  }
0x9f: {  	[tilespmem:s6+$0x30] =	vst v36  }
0xa0: {  	[tilespmem:s6+$0x40] =	vst v23  }
0xa1: {  	[tilespmem:s6+$0x50] =	vst v29  }
0xa2: {  	[tilespmem:s6+$0x60] =	vst v24  }
0xa3: {  	[tilespmem:s6+$0xFFFFFFC0] =	vst v26  }
0xa4: {  	[tilespmem:s6+$0xFFFFFFD0] =	vst v27  }
0xa5: {  	[tilespmem:s6+$0xFFFFFFE0] =	vst v28  }
0xa6: {  	[tilespmem:s6+$0xFFFFFFF0] =	vst v33  }
0xa7: {  	v0 =	vmul.f32 v17, v37;
	[tilespmem:s6+$0x70] =	vst v30  }
0xa8: {  	v1 =	vmul.f32 v21, v38;
	[tilespmem:s6+$0x80] =	vst v25  }
0xa9: {  	v2 =	vmul.f32 v18, v39;
	[tilespmem:s6+$0x90] =	vst v0  }
0xaa: {  	v39 =	vmul.f32 v20, v40;
	[tilespmem:s6+$0xA0] =	vst v1  }
0xab: {  	v40 =	vmul.f32 v19, v41;
	[tilespmem:s6+$0xB0] =	vst v2  }
0xac: {  	v41 =	vmul.f32 v22, v42;
	[tilespmem:s6+$0xC0] =	vst v39  }
0xad: {  	[tilespmem:s6+$0xD0] =	vst v40  }
0xae: {  	[tilespmem:s6+$0xE0] =	vst v41;
	s6 =	sadd.s32 $0x3, s25  }
0xaf: {  	[spmem:s3] =	stream.indirect.scatter.add.f32 [tilespmem:s0], [sflag:$0x3], $0x10, s31, s31, $0xb8;
	[tilespmem:$0x16E00] =	vst v63  }
0xb0: {  	s1 =	simm.s32 @!p0 $0x3;
	s13 =	sadd.s32 s12, s6  }
0xb1: {  	_ =	swait.ge @!p0 [sflag:s1], $0x2000;
	s13 =	sshll.u32 s13, $0x7  }
0xb2: {  	[sflag:s1] =	ssyncset.done @!p0 $0x0;
	s16 =	sadd.s32 s7, s13;
	s13 =	sshll.u32 s6, $0x9  }
0xb3: {  	[sflag:s1] =	ssyncadd.s32 @!p0 $0xFFFFE000;
	s1 =	sadd.s32 s11, s13  }
0xb4: {  	[tilespmem:s29], [sflag:$0x1] =	stream.linear.gather [hbm4b:s16+s4], $0x400, $0x38;
	[tilespmem:$0x16E00] =	vst v63  }
0xb5: {  	s1 =	sshrl.u32 s1, $0x3  }
0xb6: {  	s1 =	sadd.s32 s8, s1  }
0xb7: {  	[tilespmem:s23], [sflag:$0x1] =	stream.linear.gather [hbm4b:s1+s4], $0x200, $0x38;
	[tilespmem:$0x16E00] =	vst v63  }
0xb8: {  	_ =	swait.ge [sflag:s30], $0x400  }
0xb9: {  	[sflag:s30] =	ssyncset.done $0x0  }
0xba: {  	[sflag:s30] =	ssyncadd.s32 $0xFFFFFC00  }
0xbb: {  	_ =	swait.ge [sflag:s30], $0x200  }
0xbc: {  	[sflag:s30] =	ssyncset.done $0x0  }
0xbd: {  	[sflag:s30] =	ssyncadd.s32 $0xFFFFFE00  }
0xbe: {  	[tilespmem:s10], [sflag:$0x2] =	stream.indirect.gather [spmem:s2], $0x10, s22, s31, $0xb8;
	[tilespmem:$0x16E00] =	vst v63  }
0xbf: {  	_ =	swait.ge [sflag:s26], $0x2000  }
0xc0: {  	[sflag:s26] =	ssyncset.done $0x0  }
0xc1: {  	s16 =	simm.s32 $0x1610;
	[sflag:s26] =	ssyncadd.s32 $0xFFFFE000  }
0xc2: {  	v0 =	vld [tilespmem:s16+$0x0]  }
0xc3: {  	v42 =	vld [tilespmem:s16+$0xFFFFFFF0]  }
0xc4: {  	s1 =	simm.s32 $0x3F00  }
0xc5: {  	v43 =	vld [tilespmem:s1+$0xF0]  }
0xc6: {  	v3 =	vld [tilespmem:s1+$0xFFFFFF00]  }
0xc7: {  	v4 =	vld [tilespmem:s1+$0xFFFFFF10];
	v18 =	vperm.xlane v0, v5  }
0xc8: {  	v17 =	vld [tilespmem:s1+$0xFFFFFF20];
	v19 =	vperm.xlane v0, v53;
	v20 =	vperm.xlane v42, v5  }
0xc9: {  	v22 =	vld [tilespmem:s1+$0xFFFFFF30];
	v21 =	vperm.xlane v42, v6;
	v23 =	vperm.xlane v42, v7  }
0xca: {  	v24 =	vld [tilespmem:s1+$0xFFFFFF40];
	v25 =	vperm.xlane v42, v9;
	v27 =	vperm.xlane v42, v10  }
0xcb: {  	v26 =	vld [tilespmem:s1+$0xFFFFFF50];
	v29 =	vperm.xlane v42, v54;
	v31 =	vperm.xlane v42, v55  }
0xcc: {  	v28 =	vld [tilespmem:s1+$0xFFFFFF60];
	v44 =	vperm.xlane v42, v12;
	v46 =	vperm.xlane v42, v13  }
0xcd: {  	v30 =	vld [tilespmem:s1+$0xFFFFFF70];
	v47 =	vperm.xlane v42, v11;
	v49 =	vperm.xlane v42, v15  }
0xce: {  	v45 =	vld [tilespmem:s1+$0xFFFFFF80];
	v1 =	vperm.xlane v42, v53;
	v52 =	vperm.xlane v0, v6  }
0xcf: {  	v48 =	vld [tilespmem:s1+$0xFFFFFF90];
	v5 =	vimm.s32 $0xC;
	v59 =	vperm.xlane v0, v7;
	v61 =	vperm.xlane v0, v9  }
0xd0: {  	v57 =	vld [tilespmem:s1+$0x0];
	v50 =	vperm.xlane v42, v5;
	v2 =	vmul.f32 v19, v43  }
0xd1: {  	v16 =	vimm.s32 $0xD;
	v62 =	vld [tilespmem:s1+$0x50];
	v19 =	vperm.xlane v42, v8;
	v3 =	vmul.f32 v20, v3  }
0xd2: {  	v63 =	vld [tilespmem:s1+$0x70];
	v4 =	vmul.f32 v21, v4;
	v21 =	vperm.xlane v42, v16  }
0xd3: {  	v14 =	vimm.s32 $0xE;
	v20 =	vld [tilespmem:s1+$0xFFFFFFA0];
	v17 =	vmul.f32 v23, v17;
	v24 =	vmul.f32 v25, v24  }
0xd4: {  	v23 =	vld [tilespmem:s1+$0xFFFFFFB0];
	v25 =	vperm.xlane v42, v14;
	v51 =	vmul.f32 v27, v26  }
0xd5: {  	v27 =	vld [tilespmem:s1+$0xFFFFFFD0];
	v29 =	vmul.f32 v29, v28;
	v30 =	vmul.f32 v31, v30  }
0xd6: {  	v28 =	vld [tilespmem:s1+$0xFFFFFFE0];
	v56 =	vmul.f32 v44, v45;
	v58 =	vmul.f32 v46, v48  }
0xd7: {  	v31 =	vld [tilespmem:s1+$0xFFFFFFF0];
	v43 =	vperm.xlane v0, v54;
	v45 =	vperm.xlane v0, v55  }
0xd8: {  	v44 =	vld [tilespmem:s1+$0x60];
	v46 =	vperm.xlane v0, v12;
	v19 =	vmul.f32 v19, v22;
	[tilespmem:s1+$0xFFFFFF10] =	vst v4  }
0xd9: {  	v22 =	vld [tilespmem:s1+$0xFFFFFFC0];
	v4 =	vperm.xlane v0, v10;
	[tilespmem:s1+$0xFFFFFF20] =	vst v17;
	v17 =	vperm.xlane v0, v13  }
0xda: {  	[tilespmem:s1+$0xFFFFFF70] =	vst v30;
	v30 =	vmul.f32 v45, v63;
	v60 =	vmul.f32 v47, v20;
	v20 =	vld [tilespmem:s1+$0x10]  }
0xdb: {  	v9 =	vimm.s32 $0x3;
	[tilespmem:s1+$0xFFFFFF60] =	vst v29;
	v29 =	vmul.f32 v4, v62;
	v35 =	vmul.f32 v49, v23;
	v23 =	vld [tilespmem:s1+$0x20]  }
0xdc: {  	v7 =	vimm.s32 $0x1;
	[tilespmem:s1+$0xFFFFFF30] =	vst v19;
	v19 =	vperm.xlane v0, v16;
	v27 =	vmul.f32 v21, v27;
	v21 =	vld [tilespmem:s1+$0x30]  }
0xdd: {  	v6 =	vimm.s32 $0x0;
	v28 =	vmul.f32 v25, v28;
	v25 =	vld [tilespmem:s1+$0x40];
	v33 =	vmul.f32 v1, v31  }
0xde: {  	v37 =	vld [tilespmem:s1+$0x90];
	v12 =	vimm.s32 $0x6;
	[tilespmem:s1+$0xF0] =	vst v2;
	v31 =	vmul.f32 v18, v57;
	v18 =	vperm.xlane v0, v15  }
0xdf: {  	[tilespmem:s1+$0xFFFFFF00] =	vst v3;
	v13 =	vimm.s32 $0x7;
	v47 =	vld [tilespmem:s1+$0x80];
	v26 =	vmul.f32 v50, v22;
	v22 =	vperm.xlane v0, v8  }
0xe0: {  	v38 =	vld [tilespmem:s1+$0xA0];
	[tilespmem:s1+$0xFFFFFF40] =	vst v24;
	v10 =	vimm.s32 $0x4;
	v24 =	vmul.f32 v43, v44;
	v34 =	vmul.f32 v52, v20  }
0xe1: {  	v39 =	vld [tilespmem:s1+$0xB0];
	[tilespmem:s1+$0xFFFFFF50] =	vst v51;
	v16 =	vimm.s32 $0xA;
	v32 =	vmul.f32 v59, v23;
	v36 =	vmul.f32 v22, v21  }
0xe2: {  	v40 =	vld [tilespmem:s1+$0xC0];
	[tilespmem:s1+$0xFFFFFF80] =	vst v56;
	v15 =	vimm.s32 $0x9;
	v21 =	vperm.xlane v0, v11;
	v23 =	vmul.f32 v61, v25  }
0xe3: {  	v41 =	vld [tilespmem:s1+$0xD0];
	[tilespmem:s1+$0xFFFFFF90] =	vst v58;
	v8 =	vimm.s32 $0x2;
	v20 =	vperm.xlane v0, v5;
	v22 =	vperm.xlane v0, v14  }
0xe4: {  	s6 =	simm.s32 $0x3F00;
	s13 =	simm.s32 $0x0;
	s16 =	simm.s32 $0x1630;
	v42 =	vld [tilespmem:s1+$0xE0];
	[tilespmem:s1+$0xFFFFFFA0] =	vst v60;
	v25 =	vmul.f32 v46, v47;
	v14 =	vimm.s32 $0x8;
	v11 =	vimm.s32 $0x5  }
.LBB2_8:
0xe5: {  	v0 =	vld [tilespmem:s16+$0x0];
	s13 =	sadd.s32 $0x2, s13;
	[tilespmem:s1+$0xFFFFFFB0] =	vst v35;
	v1 =	vmul.f32 v17, v37;
	v2 =	vmul.f32 v21, v38  }
0xe6: {  	s1 =	sadd.s32 $0x200, s1;
	v3 =	vld [tilespmem:s16+$0xFFFFFFF0];
	p0 =	slt.u32 s13, $0x1E;
	[tilespmem:s6+$0xFFFFFFC0] =	vst v26;
	v4 =	vmul.f32 v18, v39  }
0xe7: {  	v17 =	vld [tilespmem:s1+$0xF0];
	[tilespmem:s6+$0xFFFFFFD0] =	vst v27;
	v18 =	vmul.f32 v20, v40  }
0xe8: {  	v26 =	vld [tilespmem:s1+$0xFFFFFF00];
	[tilespmem:s6+$0xFFFFFFE0] =	vst v28;
	v19 =	vmul.f32 v19, v41  }
0xe9: {  	v27 =	vld [tilespmem:s1+$0xFFFFFF10];
	[tilespmem:s6+$0xFFFFFFF0] =	vst v33;
	v22 =	vmul.f32 v22, v42  }
0xea: {  	v28 =	vld [tilespmem:s1+$0xFFFFFF20];
	v38 =	vperm.xlane v0, v6;
	v20 =	vperm.xlane v0, v53;
	[tilespmem:s6+$0x0] =	vst v31  }
0xeb: {  	v31 =	vperm.xlane v3, v6;
	v33 =	vperm.xlane v3, v7;
	v35 =	vld [tilespmem:s1+$0xFFFFFF30];
	[tilespmem:s6+$0x10] =	vst v34  }
0xec: {  	v34 =	vperm.xlane v3, v8;
	v37 =	vld [tilespmem:s1+$0xFFFFFF40];
	v17 =	vmul.f32 v20, v17;
	[tilespmem:s6+$0x20] =	vst v32  }
0xed: {  	v39 =	vperm.xlane v3, v10;
	v32 =	vperm.xlane v3, v9;
	v40 =	vld [tilespmem:s1+$0xFFFFFF50];
	[tilespmem:s6+$0x30] =	vst v36  }
0xee: {  	v5 =	vimm.s32 $0xC;
	v42 =	vperm.xlane v3, v12;
	v36 =	vperm.xlane v3, v11;
	v41 =	vld [tilespmem:s1+$0xFFFFFF60];
	[tilespmem:s1+$0xF0] =	vst v17  }
0xef: {  	v62 =	vimm.s32 $0xD;
	v44 =	vperm.xlane v3, v13;
	v45 =	vperm.xlane v3, v14;
	v43 =	vld [tilespmem:s1+$0xFFFFFF70];
	[tilespmem:s6+$0x40] =	vst v23  }
0xf0: {  	v46 =	vperm.xlane v3, v15;
	v47 =	vperm.xlane v3, v16;
	v20 =	vimm.s32 $0xB;
	v23 =	vld [tilespmem:s1+$0xFFFFFF80];
	[tilespmem:s6+$0x50] =	vst v29  }
0xf1: {  	v63 =	vimm.s32 $0xE;
	v49 =	vperm.xlane v3, v5;
	v48 =	vperm.xlane v3, v20;
	v29 =	vld [tilespmem:s1+$0xFFFFFF90];
	[tilespmem:s6+$0x60] =	vst v24  }
0xf2: {  	v50 =	vperm.xlane v3, v62;
	v51 =	vperm.xlane v3, v63;
	v24 =	vld [tilespmem:s1+$0xFFFFFFA0];
	[tilespmem:s6+$0x70] =	vst v30  }
0xf3: {  	v52 =	vperm.xlane v0, v7;
	v3 =	vperm.xlane v3, v53;
	v30 =	vld [tilespmem:s1+$0xFFFFFFB0];
	[tilespmem:s6+$0x80] =	vst v25  }
0xf4: {  	v54 =	vperm.xlane v0, v9;
	v53 =	vperm.xlane v0, v8;
	v25 =	vld [tilespmem:s1+$0xFFFFFFC0];
	[tilespmem:s6+$0x90] =	vst v1  }
0xf5: {  	v55 =	vperm.xlane v0, v10;
	v56 =	vperm.xlane v0, v11;
	v1 =	vld [tilespmem:s1+$0xFFFFFFD0];
	[tilespmem:s6+$0xA0] =	vst v2  }
0xf6: {  	v57 =	vperm.xlane v0, v12;
	v58 =	vperm.xlane v0, v13;
	v2 =	vld [tilespmem:s1+$0xFFFFFFE0];
	[tilespmem:s6+$0xB0] =	vst v4  }
0xf7: {  	v59 =	vperm.xlane v0, v14;
	v17 =	vperm.xlane v0, v15;
	v4 =	vld [tilespmem:s1+$0xFFFFFFF0];
	[tilespmem:s6+$0xC0] =	vst v18  }
0xf8: {  	v21 =	vperm.xlane v0, v16;
	v18 =	vperm.xlane v0, v20;
	v60 =	vld [tilespmem:s1+$0x0];
	[tilespmem:s6+$0xD0] =	vst v19  }
0xf9: {  	v20 =	vperm.xlane v0, v5;
	v19 =	vperm.xlane v0, v62;
	v61 =	vld [tilespmem:s1+$0x10];
	[tilespmem:s6+$0xE0] =	vst v22;
	s6 =	smov.u32 s1  }
0xfa: {  	v26 =	vmul.f32 v31, v26;
	v22 =	vperm.xlane v0, v63;
	v62 =	vld [tilespmem:s1+$0x20]  }
0xfb: {  	v0 =	vmul.f32 v33, v27;
	v27 =	vmul.f32 v34, v28;
	v63 =	vld [tilespmem:s1+$0x30]  }
0xfc: {  	v28 =	vmul.f32 v39, v37;
	[tilespmem:s1+$0xFFFFFF00] =	vst v26;
	v26 =	vmul.f32 v32, v35;
	v5 =	vld [tilespmem:s1+$0x40]  }
0xfd: {  	v31 =	vmul.f32 v42, v41;
	[tilespmem:s1+$0xFFFFFF10] =	vst v0;
	v0 =	vmul.f32 v36, v40;
	v41 =	vld [tilespmem:s1+$0x50]  }
0xfe: {  	v23 =	vmul.f32 v45, v23;
	v32 =	vmul.f32 v44, v43;
	[tilespmem:s1+$0xFFFFFF20] =	vst v27;
	v42 =	vld [tilespmem:s1+$0x60]  }
0xff: {  	v29 =	vmul.f32 v46, v29;
	v43 =	vmul.f32 v47, v24;
	[tilespmem:s1+$0xFFFFFF30] =	vst v26;
	v44 =	vld [tilespmem:s1+$0x70]  }
0x100: {  	v35 =	vmul.f32 v48, v30;
	v26 =	vmul.f32 v49, v25;
	[tilespmem:s1+$0xFFFFFF40] =	vst v28;
	v25 =	vld [tilespmem:s1+$0x80]  }
0x101: {  	v27 =	vmul.f32 v50, v1;
	v28 =	vmul.f32 v51, v2;
	[tilespmem:s1+$0xFFFFFF50] =	vst v0;
	v37 =	vld [tilespmem:s1+$0x90]  }
.Ltmp2:
0x102: {  	v33 =	vmul.f32 v3, v4;
	[tilespmem:s1+$0xFFFFFF60] =	vst v31;
	v31 =	vmul.f32 v38, v60;
	v38 =	vld [tilespmem:s1+$0xA0];
	(pc) =	sbr.rel @p0 .LBB2_8-.Ltmp2, $4  }
0x103: {  	v34 =	vmul.f32 v52, v61;
	[tilespmem:s1+$0xFFFFFF70] =	vst v32;
	v32 =	vmul.f32 v53, v62;
	v39 =	vld [tilespmem:s1+$0xB0]  }
0x104: {  	v36 =	vmul.f32 v54, v63;
	v53 =	vimm.s32 $0xF;
	[tilespmem:s1+$0xFFFFFF80] =	vst v23;
	v23 =	vmul.f32 v55, v5;
	v40 =	vld [tilespmem:s1+$0xC0]  }
0x105: {  	v24 =	vmul.f32 v57, v42;
	[tilespmem:s1+$0xFFFFFF90] =	vst v29;
	v29 =	vmul.f32 v56, v41;
	v41 =	vld [tilespmem:s1+$0xD0]  }
0x106: {  	s16 =	sadd.s32 $0x20, s16;
	v30 =	vmul.f32 v58, v44;
	v25 =	vmul.f32 v59, v25;
	[tilespmem:s1+$0xFFFFFFA0] =	vst v43;
	v42 =	vld [tilespmem:s1+$0xE0]  }
0x107: {  	[tilespmem:s1+$0xFFFFFFB0] =	vst v35  }
0x108: {  	[tilespmem:s6+$0x0] =	vst v31  }
0x109: {  	[tilespmem:s6+$0x10] =	vst v34  }
0x10a: {  	[tilespmem:s6+$0x20] =	vst v32  }
0x10b: {  	[tilespmem:s6+$0x30] =	vst v36  }
0x10c: {  	[tilespmem:s6+$0x40] =	vst v23  }
0x10d: {  	[tilespmem:s6+$0x50] =	vst v29  }
0x10e: {  	[tilespmem:s6+$0x60] =	vst v24  }
0x10f: {  	[tilespmem:s6+$0xFFFFFFC0] =	vst v26  }
0x110: {  	[tilespmem:s6+$0xFFFFFFD0] =	vst v27  }
0x111: {  	[tilespmem:s6+$0xFFFFFFE0] =	vst v28  }
0x112: {  	[tilespmem:s6+$0xFFFFFFF0] =	vst v33  }
0x113: {  	v0 =	vmul.f32 v17, v37;
	[tilespmem:s6+$0x70] =	vst v30  }
0x114: {  	v1 =	vmul.f32 v21, v38;
	[tilespmem:s6+$0x80] =	vst v25  }
0x115: {  	v2 =	vmul.f32 v18, v39;
	[tilespmem:s6+$0x90] =	vst v0  }
0x116: {  	v54 =	vmul.f32 v20, v40;
	[tilespmem:s6+$0xA0] =	vst v1  }
0x117: {  	v55 =	vmul.f32 v19, v41;
	[tilespmem:s6+$0xB0] =	vst v2  }
0x118: {  	v56 =	vmul.f32 v22, v42;
	[tilespmem:s6+$0xC0] =	vst v54  }
0x119: {  	[tilespmem:s6+$0xD0] =	vst v55  }
0x11a: {  	s16 =	sadd.s32 $0x4, s25;
	[tilespmem:s6+$0xE0] =	vst v56  }
0x11b: {  	[spmem:s3] =	stream.indirect.scatter.add.f32 [tilespmem:s5], [sflag:$0x3], $0x10, s24, s31, $0xb8;
	[tilespmem:$0x16E00] =	vst v63  }
0x11c: {  	s13 =	sadd.s32 s12, s16;
	s1 =	sshll.u32 s16, $0x9;
	_ =	swait.ge [sflag:s15], $0x2000  }
0x11d: {  	s1 =	sadd.s32 s11, s1;
	s6 =	sshll.u32 s13, $0x7;
	[sflag:s15] =	ssyncset.done $0x0  }
0x11e: {  	s1 =	sshrl.u32 s1, $0x3;
	s6 =	sadd.s32 s7, s6;
	[sflag:s15] =	ssyncadd.s32 $0xFFFFE000  }
0x11f: {  	[tilespmem:s14], [sflag:$0x1] =	stream.linear.gather [hbm4b:s6+s4], $0x400, $0x38;
	[tilespmem:$0x16E00] =	vst v63  }
0x120: {  	s1 =	sadd.s32 s8, s1  }
0x121: {  	[tilespmem:s28], [sflag:$0x1] =	stream.linear.gather [hbm4b:s1+s4], $0x200, $0x38;
	[tilespmem:$0x16E00] =	vst v63  }
0x122: {  	_ =	swait.ge [sflag:s30], $0x400  }
0x123: {  	[sflag:s30] =	ssyncset.done $0x0  }
0x124: {  	[sflag:s30] =	ssyncadd.s32 $0xFFFFFC00  }
0x125: {  	_ =	swait.ge [sflag:s30], $0x200  }
0x126: {  	[sflag:s30] =	ssyncset.done $0x0  }
0x127: {  	[sflag:s30] =	ssyncadd.s32 $0xFFFFFE00  }
0x128: {  	[tilespmem:s17], [sflag:$0x2] =	stream.indirect.gather [spmem:s2], $0x10, s29, s31, $0xb8;
	[tilespmem:$0x16E00] =	vst v63  }
0x129: {  	_ =	swait.ge [sflag:s26], $0x2000  }
0x12a: {  	[sflag:s26] =	ssyncset.done $0x0  }
0x12b: {  	s16 =	simm.s32 $0x1810;
	[sflag:s26] =	ssyncadd.s32 $0xFFFFE000  }
0x12c: {  	v0 =	vld [tilespmem:s16+$0x0]  }
0x12d: {  	s1 =	simm.s32 $0x5F00;
	v57 =	vld [tilespmem:s16+$0xFFFFFFF0]  }
0x12e: {  	v58 =	vld [tilespmem:s1+$0xF0]  }
0x12f: {  	v3 =	vld [tilespmem:s1+$0xFFFFFF00]  }
0x130: {  	v4 =	vld [tilespmem:s1+$0xFFFFFF10]  }
0x131: {  	v5 =	vld [tilespmem:s1+$0xFFFFFF20];
	v17 =	vperm.xlane v0, v6;
	v18 =	vperm.xlane v0, v53  }
0x132: {  	v21 =	vld [tilespmem:s1+$0xFFFFFF30];
	v19 =	vperm.xlane v57, v6;
	v20 =	vperm.xlane v57, v7  }
0x133: {  	v23 =	vld [tilespmem:s1+$0xFFFFFF40];
	v22 =	vperm.xlane v57, v8;
	v24 =	vperm.xlane v57, v10  }
0x134: {  	v25 =	vld [tilespmem:s1+$0xFFFFFF50];
	v26 =	vperm.xlane v57, v11;
	v28 =	vperm.xlane v57, v12  }
0x135: {  	v49 =	vimm.s32 $0xB;
	v27 =	vld [tilespmem:s1+$0xFFFFFF60];
	v30 =	vperm.xlane v57, v13;
	v31 =	vperm.xlane v57, v14  }
0x136: {  	v46 =	vimm.s32 $0xC;
	v29 =	vld [tilespmem:s1+$0xFFFFFF70];
	v60 =	vperm.xlane v57, v15;
	v61 =	vperm.xlane v57, v16  }
0x137: {  	v59 =	vld [tilespmem:s1+$0xFFFFFF80];
	v63 =	vperm.xlane v57, v49;
	v52 =	vperm.xlane v57, v46  }
0x138: {  	v62 =	vld [tilespmem:s1+$0xFFFFFF90];
	v1 =	vperm.xlane v57, v53;
	v56 =	vperm.xlane v0, v7  }
0x139: {  	v54 =	vld [tilespmem:s1+$0xFFFFFFD0];
	v43 =	vperm.xlane v0, v13;
	v44 =	vperm.xlane v0, v14  }
0x13a: {  	v45 =	vld [tilespmem:s1+$0x80];
	v2 =	vmul.f32 v18, v58;
	v18 =	vperm.xlane v57, v9  }
0x13b: {  	v47 =	vimm.s32 $0xD;
	v37 =	vld [tilespmem:s1+$0x90];
	v3 =	vmul.f32 v19, v3;
	v4 =	vmul.f32 v20, v4  }
0x13c: {  	v48 =	vimm.s32 $0xE;
	v19 =	vld [tilespmem:s1+$0xFFFFFFA0];
	v20 =	vperm.xlane v57, v47;
	v5 =	vmul.f32 v22, v5  }
0x13d: {  	v22 =	vld [tilespmem:s1+$0xFFFFFFB0];
	v23 =	vmul.f32 v24, v23;
	v24 =	vperm.xlane v57, v48  }
0x13e: {  	v25 =	vmul.f32 v26, v25;
	v55 =	vmul.f32 v28, v27;
	v28 =	vld [tilespmem:s1+$0xFFFFFFE0]  }
0x13f: {  	v29 =	vmul.f32 v30, v29;
	v30 =	vld [tilespmem:s1+$0xFFFFFFF0];
	v57 =	vmul.f32 v31, v59  }
0x140: {  	v31 =	vld [tilespmem:s1+$0x0];
	v58 =	vmul.f32 v60, v62;
	v59 =	vperm.xlane v0, v8;
	[tilespmem:s1+$0xFFFFFF10] =	vst v4  }
0x141: {  	v62 =	vld [tilespmem:s1+$0x50];
	v18 =	vmul.f32 v18, v21;
	v27 =	vmul.f32 v20, v54;
	[tilespmem:s1+$0xFFFFFF20] =	vst v5  }
0x142: {  	v21 =	vld [tilespmem:s1+$0xFFFFFFC0];
	v4 =	vperm.xlane v0, v11;
	v5 =	vperm.xlane v0, v12;
	[tilespmem:s1+$0xFFFFFF50] =	vst v25  }
0x143: {  	v20 =	vld [tilespmem:s1+$0x30];
	v25 =	vmul.f32 v44, v45;
	[tilespmem:s1+$0xFFFFFF30] =	vst v18;
	v18 =	vperm.xlane v0, v49  }
0x144: {  	v60 =	vmul.f32 v61, v19;
	v19 =	vld [tilespmem:s1+$0x10];
	v35 =	vmul.f32 v63, v22  }
0x145: {  	v22 =	vld [tilespmem:s1+$0x20];
	v61 =	vperm.xlane v0, v10;
	v28 =	vmul.f32 v24, v28  }
0x146: {  	[tilespmem:s1+$0xF0] =	vst v2;
	v24 =	vld [tilespmem:s1+$0x40];
	v33 =	vmul.f32 v1, v30;
	v31 =	vmul.f32 v17, v31  }
0x147: {  	[tilespmem:s1+$0xFFFFFF00] =	vst v3;
	v30 =	vld [tilespmem:s1+$0x60];
	v26 =	vmul.f32 v52, v21;
	v21 =	vperm.xlane v0, v9  }
0x148: {  	[tilespmem:s1+$0xFFFFFF70] =	vst v29;
	v63 =	vld [tilespmem:s1+$0x70];
	v17 =	vperm.xlane v0, v15;
	v29 =	vmul.f32 v4, v62  }
0x149: {  	v38 =	vld [tilespmem:s1+$0xA0];
	[tilespmem:s1+$0xFFFFFF40] =	vst v23;
	v36 =	vmul.f32 v21, v20;
	v21 =	vperm.xlane v0, v16  }
0x14a: {  	v39 =	vld [tilespmem:s1+$0xB0];
	[tilespmem:s1+$0xFFFFFF60] =	vst v55;
	v20 =	vperm.xlane v0, v46;
	v34 =	vmul.f32 v56, v19  }
0x14b: {  	v40 =	vld [tilespmem:s1+$0xC0];
	[tilespmem:s1+$0xFFFFFF80] =	vst v57;
	v32 =	vmul.f32 v59, v22;
	v23 =	vmul.f32 v61, v24  }
0x14c: {  	v41 =	vld [tilespmem:s1+$0xD0];
	[tilespmem:s1+$0xFFFFFF90] =	vst v58;
	v24 =	vmul.f32 v5, v30;
	v19 =	vperm.xlane v0, v47  }
0x14d: {  	s13 =	simm.s32 $0x0;
	s6 =	simm.s32 $0x5F00;
	v42 =	vld [tilespmem:s1+$0xE0];
	s16 =	simm.s32 $0x1830;
	[tilespmem:s1+$0xFFFFFFA0] =	vst v60;
	v30 =	vmul.f32 v43, v63;
	v22 =	vperm.xlane v0, v48  }
.LBB2_10:
0x14e: {  	v0 =	vld [tilespmem:s16+$0x0];
	s13 =	sadd.s32 $0x2, s13;
	[tilespmem:s1+$0xFFFFFFB0] =	vst v35;
	v1 =	vmul.f32 v17, v37;
	v2 =	vmul.f32 v21, v38  }
0x14f: {  	s1 =	sadd.s32 $0x200, s1;
	v3 =	vld [tilespmem:s16+$0xFFFFFFF0];
	p0 =	slt.u32 s13, $0x1E;
	[tilespmem:s6+$0xFFFFFFC0] =	vst v26;
	v4 =	vmul.f32 v18, v39  }
0x150: {  	v5 =	vld [tilespmem:s1+$0xF0];
	[tilespmem:s6+$0xFFFFFFD0] =	vst v27;
	v18 =	vmul.f32 v20, v40  }
0x151: {  	v26 =	vld [tilespmem:s1+$0xFFFFFF00];
	[tilespmem:s6+$0xFFFFFFE0] =	vst v28;
	v19 =	vmul.f32 v19, v41  }
0x152: {  	v27 =	vld [tilespmem:s1+$0xFFFFFF10];
	[tilespmem:s6+$0xFFFFFFF0] =	vst v33;
	v22 =	vmul.f32 v22, v42  }
0x153: {  	v28 =	vld [tilespmem:s1+$0xFFFFFF20];
	v38 =	vperm.xlane v0, v6;
	v17 =	vperm.xlane v0, v53;
	[tilespmem:s6+$0x0] =	vst v31  }
0x154: {  	v31 =	vperm.xlane v3, v6;
	v33 =	vperm.xlane v3, v7;
	v35 =	vld [tilespmem:s1+$0xFFFFFF30];
	[tilespmem:s6+$0x10] =	vst v34  }
0x155: {  	v34 =	vperm.xlane v3, v8;
	v37 =	vld [tilespmem:s1+$0xFFFFFF40];
	v5 =	vmul.f32 v17, v5;
	[tilespmem:s6+$0x20] =	vst v32  }
0x156: {  	v39 =	vperm.xlane v3, v10;
	v32 =	vperm.xlane v3, v9;
	v40 =	vld [tilespmem:s1+$0xFFFFFF50];
	[tilespmem:s6+$0x30] =	vst v36  }
0x157: {  	v60 =	vimm.s32 $0xB;
	v42 =	vperm.xlane v3, v12;
	v36 =	vperm.xlane v3, v11;
	v41 =	vld [tilespmem:s1+$0xFFFFFF60];
	[tilespmem:s1+$0xF0] =	vst v5  }
0x158: {  	v61 =	vimm.s32 $0xD;
	v43 =	vperm.xlane v3, v13;
	v44 =	vperm.xlane v3, v14;
	v5 =	vld [tilespmem:s1+$0xFFFFFF70];
	[tilespmem:s6+$0x40] =	vst v23  }
0x159: {  	v20 =	vimm.s32 $0xC;
	v45 =	vperm.xlane v3, v15;
	v46 =	vperm.xlane v3, v16;
	v23 =	vld [tilespmem:s1+$0xFFFFFF80];
	[tilespmem:s6+$0x50] =	vst v29  }
0x15a: {  	v62 =	vimm.s32 $0xE;
	v47 =	vperm.xlane v3, v60;
	v48 =	vperm.xlane v3, v20;
	v29 =	vld [tilespmem:s1+$0xFFFFFF90];
	[tilespmem:s6+$0x60] =	vst v24  }
0x15b: {  	v49 =	vperm.xlane v3, v61;
	v50 =	vperm.xlane v3, v62;
	v24 =	vld [tilespmem:s1+$0xFFFFFFA0];
	[tilespmem:s6+$0x70] =	vst v30  }
0x15c: {  	v51 =	vperm.xlane v0, v7;
	v3 =	vperm.xlane v3, v53;
	v30 =	vld [tilespmem:s1+$0xFFFFFFB0];
	[tilespmem:s6+$0x80] =	vst v25  }
0x15d: {  	v52 =	vperm.xlane v0, v8;
	v53 =	vperm.xlane v0, v9;
	v25 =	vld [tilespmem:s1+$0xFFFFFFC0];
	[tilespmem:s6+$0x90] =	vst v1  }
0x15e: {  	v54 =	vperm.xlane v0, v10;
	v55 =	vperm.xlane v0, v11;
	v1 =	vld [tilespmem:s1+$0xFFFFFFD0];
	[tilespmem:s6+$0xA0] =	vst v2  }
0x15f: {  	v56 =	vperm.xlane v0, v12;
	v57 =	vperm.xlane v0, v13;
	v2 =	vld [tilespmem:s1+$0xFFFFFFE0];
	[tilespmem:s6+$0xB0] =	vst v4  }
0x160: {  	v58 =	vperm.xlane v0, v14;
	v17 =	vperm.xlane v0, v15;
	v4 =	vld [tilespmem:s1+$0xFFFFFFF0];
	[tilespmem:s6+$0xC0] =	vst v18  }
0x161: {  	v21 =	vperm.xlane v0, v16;
	v18 =	vperm.xlane v0, v60;
	v59 =	vld [tilespmem:s1+$0x0];
	[tilespmem:s6+$0xD0] =	vst v19  }
0x162: {  	v20 =	vperm.xlane v0, v20;
	v19 =	vperm.xlane v0, v61;
	v60 =	vld [tilespmem:s1+$0x10];
	[tilespmem:s6+$0xE0] =	vst v22;
	s6 =	smov.u32 s1  }
0x163: {  	v26 =	vmul.f32 v31, v26;
	v22 =	vperm.xlane v0, v62;
	v61 =	vld [tilespmem:s1+$0x20]  }
0x164: {  	v0 =	vmul.f32 v33, v27;
	v27 =	vmul.f32 v34, v28;
	v62 =	vld [tilespmem:s1+$0x30]  }
0x165: {  	v28 =	vmul.f32 v39, v37;
	[tilespmem:s1+$0xFFFFFF00] =	vst v26;
	v26 =	vmul.f32 v32, v35;
	v63 =	vld [tilespmem:s1+$0x40]  }
0x166: {  	v31 =	vmul.f32 v42, v41;
	[tilespmem:s1+$0xFFFFFF10] =	vst v0;
	v0 =	vmul.f32 v36, v40;
	v41 =	vld [tilespmem:s1+$0x50]  }
0x167: {  	v5 =	vmul.f32 v43, v5;
	v23 =	vmul.f32 v44, v23;
	[tilespmem:s1+$0xFFFFFF20] =	vst v27;
	v42 =	vld [tilespmem:s1+$0x60]  }
0x168: {  	v29 =	vmul.f32 v45, v29;
	v43 =	vmul.f32 v46, v24;
	[tilespmem:s1+$0xFFFFFF30] =	vst v26;
	v44 =	vld [tilespmem:s1+$0x70]  }
0x169: {  	v35 =	vmul.f32 v47, v30;
	v26 =	vmul.f32 v48, v25;
	[tilespmem:s1+$0xFFFFFF40] =	vst v28;
	v25 =	vld [tilespmem:s1+$0x80]  }
0x16a: {  	v27 =	vmul.f32 v49, v1;
	v28 =	vmul.f32 v50, v2;
	[tilespmem:s1+$0xFFFFFF50] =	vst v0;
	v37 =	vld [tilespmem:s1+$0x90]  }
.Ltmp3:
0x16b: {  	v33 =	vmul.f32 v3, v4;
	[tilespmem:s1+$0xFFFFFF60] =	vst v31;
	v31 =	vmul.f32 v38, v59;
	v38 =	vld [tilespmem:s1+$0xA0];
	(pc) =	sbr.rel @p0 .LBB2_10-.Ltmp3, $4  }
0x16c: {  	v34 =	vmul.f32 v51, v60;
	v32 =	vmul.f32 v52, v61;
	[tilespmem:s1+$0xFFFFFF70] =	vst v5;
	v39 =	vld [tilespmem:s1+$0xB0]  }
0x16d: {  	v36 =	vmul.f32 v53, v62;
	v53 =	vimm.s32 $0xF;
	[tilespmem:s1+$0xFFFFFF80] =	vst v23;
	v23 =	vmul.f32 v54, v63;
	v40 =	vld [tilespmem:s1+$0xC0]  }
0x16e: {  	v24 =	vmul.f32 v56, v42;
	[tilespmem:s1+$0xFFFFFF90] =	vst v29;
	v29 =	vmul.f32 v55, v41;
	v41 =	vld [tilespmem:s1+$0xD0]  }
0x16f: {  	s16 =	sadd.s32 $0x20, s16;
	v30 =	vmul.f32 v57, v44;
	v25 =	vmul.f32 v58, v25;
	[tilespmem:s1+$0xFFFFFFA0] =	vst v43;
	v42 =	vld [tilespmem:s1+$0xE0]  }
0x170: {  	[tilespmem:s1+$0xFFFFFFB0] =	vst v35  }
0x171: {  	[tilespmem:s6+$0x0] =	vst v31  }
0x172: {  	[tilespmem:s6+$0x10] =	vst v34  }
0x173: {  	[tilespmem:s6+$0x20] =	vst v32  }
0x174: {  	[tilespmem:s6+$0x30] =	vst v36  }
0x175: {  	[tilespmem:s6+$0x40] =	vst v23  }
0x176: {  	[tilespmem:s6+$0x50] =	vst v29  }
0x177: {  	[tilespmem:s6+$0x60] =	vst v24  }
0x178: {  	[tilespmem:s6+$0xFFFFFFC0] =	vst v26  }
0x179: {  	[tilespmem:s6+$0xFFFFFFD0] =	vst v27  }
0x17a: {  	[tilespmem:s6+$0xFFFFFFE0] =	vst v28  }
0x17b: {  	[tilespmem:s6+$0xFFFFFFF0] =	vst v33  }
0x17c: {  	v0 =	vmul.f32 v17, v37;
	[tilespmem:s6+$0x70] =	vst v30  }
0x17d: {  	v1 =	vmul.f32 v21, v38;
	[tilespmem:s6+$0x80] =	vst v25  }
0x17e: {  	v2 =	vmul.f32 v18, v39;
	[tilespmem:s6+$0x90] =	vst v0  }
0x17f: {  	v54 =	vmul.f32 v20, v40;
	[tilespmem:s6+$0xA0] =	vst v1  }
0x180: {  	v55 =	vmul.f32 v19, v41;
	[tilespmem:s6+$0xB0] =	vst v2  }
0x181: {  	p0 =	seq.s32 s9, $0x10;
	v56 =	vmul.f32 v22, v42;
	[tilespmem:s6+$0xC0] =	vst v54  }
0x182: {  	s1 =	sadd.s32 @!p0 $0x5, s25;
	[tilespmem:s6+$0xD0] =	vst v55  }
0x183: {  	s13 =	simm.s32 $0xA00;
	[tilespmem:s6+$0xE0] =	vst v56;
	s6 =	sadd.s32 @!p0 s12, s1  }
0x184: {  	[spmem:s3] =	stream.indirect.scatter.add.f32 [tilespmem:s10], [sflag:$0x3], $0x10, s13, s31, $0xb8;
	[tilespmem:$0x16E00] =	vst v63  }
0x185: {  	s1 =	sshll.u32 @!p0 s1, $0x9;
	s6 =	sshll.u32 @!p0 s6, $0x7;
	_ =	swait.ge [sflag:s15], $0x2000  }
0x186: {  	s13 =	simm.s32 @!p0 $0x0;
	s1 =	sadd.s32 @!p0 s11, s1;
	[sflag:s15] =	ssyncset.done $0x0  }
0x187: {  	s6 =	sadd.s32 @!p0 s7, s6;
	s1 =	sshrl.u32 @!p0 s1, $0x3;
	[sflag:s15] =	ssyncadd.s32 $0xFFFFE000  }
0x188: {  	[tilespmem:s13], [sflag:$0x1] =	stream.linear.gather @!p0 [hbm4b:s6+s13], $0x400, $0x38;
	[tilespmem:$0x16E00] =	vst v63  }
0x189: {  	s1 =	sadd.s32 @!p0 s8, s1;
	s6 =	simm.s32 @!p0 $0x1400  }
0x18a: {  	[tilespmem:s6], [sflag:$0x1] =	stream.linear.gather @!p0 [hbm4b:s1+s13], $0x200, $0x38;
	[tilespmem:$0x16E00] =	vst v63  }
0x18b: {  	_ =	swait.ge [sflag:s30], $0x400  }
0x18c: {  	[sflag:s30] =	ssyncset.done $0x0  }
0x18d: {  	[sflag:s30] =	ssyncadd.s32 $0xFFFFFC00  }
0x18e: {  	_ =	swait.ge [sflag:s30], $0x200  }
0x18f: {  	[sflag:s30] =	ssyncset.done $0x0  }
0x190: {  	[sflag:s30] =	ssyncadd.s32 $0xFFFFFE00  }
0x191: {  	[tilespmem:s19], [sflag:$0x2] =	stream.indirect.gather [spmem:s2], $0x10, s14, s31, $0xb8;
	[tilespmem:$0x16E00] =	vst v63  }
0x192: {  	_ =	swait.ge [sflag:s26], $0x2000  }
0x193: {  	[sflag:s26] =	ssyncset.done $0x0  }
0x194: {  	s16 =	simm.s32 $0x1A10;
	[sflag:s26] =	ssyncadd.s32 $0xFFFFE000  }
0x195: {  	v0 =	vld [tilespmem:s16+$0x0]  }
0x196: {  	s1 =	simm.s32 $0x7F00;
	v57 =	vld [tilespmem:s16+$0xFFFFFFF0]  }
0x197: {  	v58 =	vld [tilespmem:s1+$0xF0]  }
0x198: {  	v3 =	vld [tilespmem:s1+$0xFFFFFF00]  }
0x199: {  	v4 =	vld [tilespmem:s1+$0xFFFFFF10]  }
0x19a: {  	v5 =	vld [tilespmem:s1+$0xFFFFFF20];
	v17 =	vperm.xlane v0, v6;
	v18 =	vperm.xlane v0, v53  }
0x19b: {  	v21 =	vld [tilespmem:s1+$0xFFFFFF30];
	v19 =	vperm.xlane v57, v6;
	v20 =	vperm.xlane v57, v7  }
0x19c: {  	v23 =	vld [tilespmem:s1+$0xFFFFFF40];
	v22 =	vperm.xlane v57, v8;
	v24 =	vperm.xlane v57, v10  }
0x19d: {  	v25 =	vld [tilespmem:s1+$0xFFFFFF50];
	v26 =	vperm.xlane v57, v11;
	v28 =	vperm.xlane v57, v12  }
0x19e: {  	v49 =	vimm.s32 $0xB;
	v27 =	vld [tilespmem:s1+$0xFFFFFF60];
	v30 =	vperm.xlane v57, v13;
	v31 =	vperm.xlane v57, v14  }
0x19f: {  	v46 =	vimm.s32 $0xC;
	v29 =	vld [tilespmem:s1+$0xFFFFFF70];
	v60 =	vperm.xlane v57, v15;
	v61 =	vperm.xlane v57, v16  }
0x1a0: {  	v59 =	vld [tilespmem:s1+$0xFFFFFF80];
	v63 =	vperm.xlane v57, v49;
	v52 =	vperm.xlane v57, v46  }
0x1a1: {  	v62 =	vld [tilespmem:s1+$0xFFFFFF90];
	v1 =	vperm.xlane v57, v53;
	v56 =	vperm.xlane v0, v7  }
0x1a2: {  	v54 =	vld [tilespmem:s1+$0xFFFFFFD0];
	v43 =	vperm.xlane v0, v13;
	v44 =	vperm.xlane v0, v14  }
0x1a3: {  	v45 =	vld [tilespmem:s1+$0x80];
	v2 =	vmul.f32 v18, v58;
	v18 =	vperm.xlane v57, v9  }
0x1a4: {  	v47 =	vimm.s32 $0xD;
	v37 =	vld [tilespmem:s1+$0x90];
	v3 =	vmul.f32 v19, v3;
	v4 =	vmul.f32 v20, v4  }
0x1a5: {  	v48 =	vimm.s32 $0xE;
	v19 =	vld [tilespmem:s1+$0xFFFFFFA0];
	v20 =	vperm.xlane v57, v47;
	v5 =	vmul.f32 v22, v5  }
0x1a6: {  	v22 =	vld [tilespmem:s1+$0xFFFFFFB0];
	v23 =	vmul.f32 v24, v23;
	v24 =	vperm.xlane v57, v48  }
0x1a7: {  	v25 =	vmul.f32 v26, v25;
	v55 =	vmul.f32 v28, v27;
	v28 =	vld [tilespmem:s1+$0xFFFFFFE0]  }
0x1a8: {  	v29 =	vmul.f32 v30, v29;
	v30 =	vld [tilespmem:s1+$0xFFFFFFF0];
	v57 =	vmul.f32 v31, v59  }
0x1a9: {  	v31 =	vld [tilespmem:s1+$0x0];
	v58 =	vmul.f32 v60, v62;
	v59 =	vperm.xlane v0, v8;
	[tilespmem:s1+$0xFFFFFF10] =	vst v4  }
0x1aa: {  	v62 =	vld [tilespmem:s1+$0x50];
	v18 =	vmul.f32 v18, v21;
	v27 =	vmul.f32 v20, v54;
	[tilespmem:s1+$0xFFFFFF20] =	vst v5  }
0x1ab: {  	v21 =	vld [tilespmem:s1+$0xFFFFFFC0];
	v4 =	vperm.xlane v0, v11;
	v5 =	vperm.xlane v0, v12;
	[tilespmem:s1+$0xFFFFFF50] =	vst v25  }
0x1ac: {  	v20 =	vld [tilespmem:s1+$0x30];
	v25 =	vmul.f32 v44, v45;
	[tilespmem:s1+$0xFFFFFF30] =	vst v18;
	v18 =	vperm.xlane v0, v49  }
0x1ad: {  	v60 =	vmul.f32 v61, v19;
	v19 =	vld [tilespmem:s1+$0x10];
	v35 =	vmul.f32 v63, v22  }
0x1ae: {  	v22 =	vld [tilespmem:s1+$0x20];
	v61 =	vperm.xlane v0, v10;
	v28 =	vmul.f32 v24, v28  }
0x1af: {  	[tilespmem:s1+$0xF0] =	vst v2;
	v24 =	vld [tilespmem:s1+$0x40];
	v33 =	vmul.f32 v1, v30;
	v31 =	vmul.f32 v17, v31  }
0x1b0: {  	[tilespmem:s1+$0xFFFFFF00] =	vst v3;
	v30 =	vld [tilespmem:s1+$0x60];
	v26 =	vmul.f32 v52, v21;
	v21 =	vperm.xlane v0, v9  }
0x1b1: {  	[tilespmem:s1+$0xFFFFFF70] =	vst v29;
	v63 =	vld [tilespmem:s1+$0x70];
	v17 =	vperm.xlane v0, v15;
	v29 =	vmul.f32 v4, v62  }
0x1b2: {  	v38 =	vld [tilespmem:s1+$0xA0];
	[tilespmem:s1+$0xFFFFFF40] =	vst v23;
	v36 =	vmul.f32 v21, v20;
	v21 =	vperm.xlane v0, v16  }
0x1b3: {  	v39 =	vld [tilespmem:s1+$0xB0];
	[tilespmem:s1+$0xFFFFFF60] =	vst v55;
	v20 =	vperm.xlane v0, v46;
	v34 =	vmul.f32 v56, v19  }
0x1b4: {  	v40 =	vld [tilespmem:s1+$0xC0];
	[tilespmem:s1+$0xFFFFFF80] =	vst v57;
	v32 =	vmul.f32 v59, v22;
	v23 =	vmul.f32 v61, v24  }
0x1b5: {  	v41 =	vld [tilespmem:s1+$0xD0];
	[tilespmem:s1+$0xFFFFFF90] =	vst v58;
	v24 =	vmul.f32 v5, v30;
	v19 =	vperm.xlane v0, v47  }
0x1b6: {  	s13 =	simm.s32 $0x0;
	s6 =	simm.s32 $0x7F00;
	v42 =	vld [tilespmem:s1+$0xE0];
	s16 =	simm.s32 $0x1A30;
	[tilespmem:s1+$0xFFFFFFA0] =	vst v60;
	v30 =	vmul.f32 v43, v63;
	v22 =	vperm.xlane v0, v48  }
.LBB2_12:
0x1b7: {  	v0 =	vld [tilespmem:s16+$0x0];
	s13 =	sadd.s32 $0x2, s13;
	[tilespmem:s1+$0xFFFFFFB0] =	vst v35;
	v1 =	vmul.f32 v17, v37;
	v2 =	vmul.f32 v21, v38  }
0x1b8: {  	s1 =	sadd.s32 $0x200, s1;
	v3 =	vld [tilespmem:s16+$0xFFFFFFF0];
	p1 =	slt.u32 s13, $0x1E;
	[tilespmem:s6+$0xFFFFFFC0] =	vst v26;
	v4 =	vmul.f32 v18, v39  }
0x1b9: {  	v5 =	vld [tilespmem:s1+$0xF0];
	[tilespmem:s6+$0xFFFFFFD0] =	vst v27;
	v18 =	vmul.f32 v20, v40  }
0x1ba: {  	v26 =	vld [tilespmem:s1+$0xFFFFFF00];
	[tilespmem:s6+$0xFFFFFFE0] =	vst v28;
	v19 =	vmul.f32 v19, v41  }
0x1bb: {  	v27 =	vld [tilespmem:s1+$0xFFFFFF10];
	[tilespmem:s6+$0xFFFFFFF0] =	vst v33;
	v22 =	vmul.f32 v22, v42  }
0x1bc: {  	v28 =	vld [tilespmem:s1+$0xFFFFFF20];
	v38 =	vperm.xlane v0, v6;
	v17 =	vperm.xlane v0, v53;
	[tilespmem:s6+$0x0] =	vst v31  }
0x1bd: {  	v31 =	vperm.xlane v3, v6;
	v33 =	vperm.xlane v3, v7;
	v35 =	vld [tilespmem:s1+$0xFFFFFF30];
	[tilespmem:s6+$0x10] =	vst v34  }
0x1be: {  	v34 =	vperm.xlane v3, v8;
	v37 =	vld [tilespmem:s1+$0xFFFFFF40];
	v5 =	vmul.f32 v17, v5;
	[tilespmem:s6+$0x20] =	vst v32  }
0x1bf: {  	v39 =	vperm.xlane v3, v10;
	v32 =	vperm.xlane v3, v9;
	v40 =	vld [tilespmem:s1+$0xFFFFFF50];
	[tilespmem:s6+$0x30] =	vst v36  }
0x1c0: {  	v60 =	vimm.s32 $0xB;
	v42 =	vperm.xlane v3, v12;
	v36 =	vperm.xlane v3, v11;
	v41 =	vld [tilespmem:s1+$0xFFFFFF60];
	[tilespmem:s1+$0xF0] =	vst v5  }
0x1c1: {  	v61 =	vimm.s32 $0xD;
	v43 =	vperm.xlane v3, v13;
	v44 =	vperm.xlane v3, v14;
	v5 =	vld [tilespmem:s1+$0xFFFFFF70];
	[tilespmem:s6+$0x40] =	vst v23  }
0x1c2: {  	v20 =	vimm.s32 $0xC;
	v45 =	vperm.xlane v3, v15;
	v46 =	vperm.xlane v3, v16;
	v23 =	vld [tilespmem:s1+$0xFFFFFF80];
	[tilespmem:s6+$0x50] =	vst v29  }
0x1c3: {  	v62 =	vimm.s32 $0xE;
	v47 =	vperm.xlane v3, v60;
	v48 =	vperm.xlane v3, v20;
	v29 =	vld [tilespmem:s1+$0xFFFFFF90];
	[tilespmem:s6+$0x60] =	vst v24  }
0x1c4: {  	v49 =	vperm.xlane v3, v61;
	v50 =	vperm.xlane v3, v62;
	v24 =	vld [tilespmem:s1+$0xFFFFFFA0];
	[tilespmem:s6+$0x70] =	vst v30  }
0x1c5: {  	v51 =	vperm.xlane v0, v7;
	v3 =	vperm.xlane v3, v53;
	v30 =	vld [tilespmem:s1+$0xFFFFFFB0];
	[tilespmem:s6+$0x80] =	vst v25  }
0x1c6: {  	v52 =	vperm.xlane v0, v8;
	v53 =	vperm.xlane v0, v9;
	v25 =	vld [tilespmem:s1+$0xFFFFFFC0];
	[tilespmem:s6+$0x90] =	vst v1  }
0x1c7: {  	v54 =	vperm.xlane v0, v10;
	v55 =	vperm.xlane v0, v11;
	v1 =	vld [tilespmem:s1+$0xFFFFFFD0];
	[tilespmem:s6+$0xA0] =	vst v2  }
0x1c8: {  	v56 =	vperm.xlane v0, v12;
	v57 =	vperm.xlane v0, v13;
	v2 =	vld [tilespmem:s1+$0xFFFFFFE0];
	[tilespmem:s6+$0xB0] =	vst v4  }
0x1c9: {  	v58 =	vperm.xlane v0, v14;
	v17 =	vperm.xlane v0, v15;
	v4 =	vld [tilespmem:s1+$0xFFFFFFF0];
	[tilespmem:s6+$0xC0] =	vst v18  }
0x1ca: {  	v21 =	vperm.xlane v0, v16;
	v18 =	vperm.xlane v0, v60;
	v59 =	vld [tilespmem:s1+$0x0];
	[tilespmem:s6+$0xD0] =	vst v19  }
0x1cb: {  	v20 =	vperm.xlane v0, v20;
	v19 =	vperm.xlane v0, v61;
	v60 =	vld [tilespmem:s1+$0x10];
	[tilespmem:s6+$0xE0] =	vst v22;
	s6 =	smov.u32 s1  }
0x1cc: {  	v26 =	vmul.f32 v31, v26;
	v22 =	vperm.xlane v0, v62;
	v61 =	vld [tilespmem:s1+$0x20]  }
0x1cd: {  	v0 =	vmul.f32 v33, v27;
	v27 =	vmul.f32 v34, v28;
	v62 =	vld [tilespmem:s1+$0x30]  }
0x1ce: {  	v28 =	vmul.f32 v39, v37;
	[tilespmem:s1+$0xFFFFFF00] =	vst v26;
	v26 =	vmul.f32 v32, v35;
	v63 =	vld [tilespmem:s1+$0x40]  }
0x1cf: {  	v31 =	vmul.f32 v42, v41;
	[tilespmem:s1+$0xFFFFFF10] =	vst v0;
	v0 =	vmul.f32 v36, v40;
	v41 =	vld [tilespmem:s1+$0x50]  }
0x1d0: {  	v5 =	vmul.f32 v43, v5;
	v23 =	vmul.f32 v44, v23;
	[tilespmem:s1+$0xFFFFFF20] =	vst v27;
	v42 =	vld [tilespmem:s1+$0x60]  }
0x1d1: {  	v29 =	vmul.f32 v45, v29;
	v43 =	vmul.f32 v46, v24;
	[tilespmem:s1+$0xFFFFFF30] =	vst v26;
	v44 =	vld [tilespmem:s1+$0x70]  }
0x1d2: {  	v35 =	vmul.f32 v47, v30;
	v26 =	vmul.f32 v48, v25;
	[tilespmem:s1+$0xFFFFFF40] =	vst v28;
	v25 =	vld [tilespmem:s1+$0x80]  }
0x1d3: {  	v27 =	vmul.f32 v49, v1;
	v28 =	vmul.f32 v50, v2;
	[tilespmem:s1+$0xFFFFFF50] =	vst v0;
	v37 =	vld [tilespmem:s1+$0x90]  }
.Ltmp4:
0x1d4: {  	v33 =	vmul.f32 v3, v4;
	[tilespmem:s1+$0xFFFFFF60] =	vst v31;
	v31 =	vmul.f32 v38, v59;
	v38 =	vld [tilespmem:s1+$0xA0];
	(pc) =	sbr.rel @p1 .LBB2_12-.Ltmp4, $4  }
0x1d5: {  	v34 =	vmul.f32 v51, v60;
	v32 =	vmul.f32 v52, v61;
	[tilespmem:s1+$0xFFFFFF70] =	vst v5;
	v39 =	vld [tilespmem:s1+$0xB0]  }
0x1d6: {  	v36 =	vmul.f32 v53, v62;
	v53 =	vimm.s32 $0xF;
	[tilespmem:s1+$0xFFFFFF80] =	vst v23;
	v23 =	vmul.f32 v54, v63;
	v40 =	vld [tilespmem:s1+$0xC0]  }
0x1d7: {  	v24 =	vmul.f32 v56, v42;
	[tilespmem:s1+$0xFFFFFF90] =	vst v29;
	v29 =	vmul.f32 v55, v41;
	v41 =	vld [tilespmem:s1+$0xD0]  }
0x1d8: {  	s16 =	sadd.s32 $0x20, s16;
	v30 =	vmul.f32 v57, v44;
	v25 =	vmul.f32 v58, v25;
	[tilespmem:s1+$0xFFFFFFA0] =	vst v43;
	v42 =	vld [tilespmem:s1+$0xE0]  }
0x1d9: {  	[tilespmem:s1+$0xFFFFFFB0] =	vst v35  }
0x1da: {  	[tilespmem:s6+$0x0] =	vst v31  }
0x1db: {  	[tilespmem:s6+$0x10] =	vst v34  }
0x1dc: {  	[tilespmem:s6+$0x20] =	vst v32  }
0x1dd: {  	[tilespmem:s6+$0x30] =	vst v36  }
0x1de: {  	[tilespmem:s6+$0x40] =	vst v23  }
0x1df: {  	[tilespmem:s6+$0x50] =	vst v29  }
0x1e0: {  	[tilespmem:s6+$0x60] =	vst v24  }
0x1e1: {  	[tilespmem:s6+$0xFFFFFFC0] =	vst v26  }
0x1e2: {  	[tilespmem:s6+$0xFFFFFFD0] =	vst v27  }
0x1e3: {  	[tilespmem:s6+$0xFFFFFFE0] =	vst v28  }
0x1e4: {  	[tilespmem:s6+$0xFFFFFFF0] =	vst v33  }
0x1e5: {  	v0 =	vmul.f32 v17, v37;
	[tilespmem:s6+$0x70] =	vst v30  }
0x1e6: {  	v1 =	vmul.f32 v21, v38;
	[tilespmem:s6+$0x80] =	vst v25  }
0x1e7: {  	v2 =	vmul.f32 v18, v39;
	[tilespmem:s6+$0x90] =	vst v0  }
0x1e8: {  	v54 =	vmul.f32 v20, v40;
	[tilespmem:s6+$0xA0] =	vst v1  }
0x1e9: {  	v55 =	vmul.f32 v19, v41;
	[tilespmem:s6+$0xB0] =	vst v2  }
0x1ea: {  	v56 =	vmul.f32 v22, v42;
	[tilespmem:s6+$0xC0] =	vst v54  }
0x1eb: {  	s1 =	sadd.s32 @!p0 $0x6, s25;
	[tilespmem:s6+$0xD0] =	vst v55  }
0x1ec: {  	s16 =	simm.s32 $0xE00;
	s13 =	simm.s32 @!p0 $0x0;
	[tilespmem:s6+$0xE0] =	vst v56;
	s6 =	sadd.s32 @!p0 s12, s1  }
0x1ed: {  	[spmem:s3] =	stream.indirect.scatter.add.f32 [tilespmem:s17], [sflag:$0x3], $0x10, s16, s31, $0xb8;
	[tilespmem:$0x16E00] =	vst v63  }
0x1ee: {  	s1 =	sshll.u32 @!p0 s1, $0x9;
	s6 =	sshll.u32 @!p0 s6, $0x7;
	_ =	swait.ge [sflag:s15], $0x2000  }
0x1ef: {  	s16 =	simm.s32 @!p0 $0x400;
	s1 =	sadd.s32 @!p0 s11, s1;
	[sflag:s15] =	ssyncset.done $0x0  }
0x1f0: {  	s6 =	sadd.s32 @!p0 s7, s6;
	s1 =	sshrl.u32 @!p0 s1, $0x3;
	[sflag:s15] =	ssyncadd.s32 $0xFFFFE000  }
0x1f1: {  	[tilespmem:s16], [sflag:$0x1] =	stream.linear.gather @!p0 [hbm4b:s6+s13], $0x400, $0x38;
	[tilespmem:$0x16E00] =	vst v63  }
0x1f2: {  	s1 =	sadd.s32 @!p0 s8, s1;
	s6 =	simm.s32 @!p0 $0x1600  }
0x1f3: {  	[tilespmem:s6], [sflag:$0x1] =	stream.linear.gather @!p0 [hbm4b:s1+s13], $0x200, $0x38;
	[tilespmem:$0x16E00] =	vst v63  }
0x1f4: {  	s1 =	simm.s32 @!p0 $0x1  }
0x1f5: {  	_ =	swait.ge @!p0 [sflag:s1], $0x400  }
0x1f6: {  	[sflag:s1] =	ssyncset.done @!p0 $0x0  }
0x1f7: {  	[sflag:s1] =	ssyncadd.s32 @!p0 $0xFFFFFC00  }
0x1f8: {  	_ =	swait.ge @!p0 [sflag:s1], $0x200  }
0x1f9: {  	[sflag:s1] =	ssyncset.done @!p0 $0x0  }
0x1fa: {  	s6 =	simm.s32 @!p0 $0x1E00;
	[sflag:s1] =	ssyncadd.s32 @!p0 $0xFFFFFE00;
	s1 =	simm.s32 @!p0 $0x200  }
0x1fb: {  	[tilespmem:s6], [sflag:$0x2] =	stream.indirect.gather @!p0 [spmem:s2], $0x10, s13, s1, $0xb8;
	[tilespmem:$0x16E00] =	vst v63  }
0x1fc: {  	_ =	swait.ge [sflag:s26], $0x2000  }
0x1fd: {  	[sflag:s26] =	ssyncset.done $0x0  }
0x1fe: {  	s25 =	simm.s32 $0x1C10;
	[sflag:s26] =	ssyncadd.s32 $0xFFFFE000  }
0x1ff: {  	v0 =	vld [tilespmem:s25+$0x0]  }
0x200: {  	s1 =	simm.s32 $0x9F00;
	v57 =	vld [tilespmem:s25+$0xFFFFFFF0]  }
0x201: {  	v58 =	vld [tilespmem:s1+$0xF0]  }
0x202: {  	v3 =	vld [tilespmem:s1+$0xFFFFFF00]  }
0x203: {  	v4 =	vld [tilespmem:s1+$0xFFFFFF10]  }
0x204: {  	v5 =	vld [tilespmem:s1+$0xFFFFFF20];
	v17 =	vperm.xlane v0, v6;
	v18 =	vperm.xlane v0, v53  }
0x205: {  	v21 =	vld [tilespmem:s1+$0xFFFFFF30];
	v19 =	vperm.xlane v57, v6;
	v20 =	vperm.xlane v57, v7  }
0x206: {  	v23 =	vld [tilespmem:s1+$0xFFFFFF40];
	v22 =	vperm.xlane v57, v8;
	v24 =	vperm.xlane v57, v10  }
0x207: {  	v25 =	vld [tilespmem:s1+$0xFFFFFF50];
	v26 =	vperm.xlane v57, v11;
	v28 =	vperm.xlane v57, v12  }
0x208: {  	v49 =	vimm.s32 $0xB;
	v27 =	vld [tilespmem:s1+$0xFFFFFF60];
	v30 =	vperm.xlane v57, v13;
	v31 =	vperm.xlane v57, v14  }
0x209: {  	v46 =	vimm.s32 $0xC;
	v29 =	vld [tilespmem:s1+$0xFFFFFF70];
	v60 =	vperm.xlane v57, v15;
	v61 =	vperm.xlane v57, v16  }
0x20a: {  	v59 =	vld [tilespmem:s1+$0xFFFFFF80];
	v63 =	vperm.xlane v57, v49;
	v52 =	vperm.xlane v57, v46  }
0x20b: {  	v62 =	vld [tilespmem:s1+$0xFFFFFF90];
	v1 =	vperm.xlane v57, v53;
	v56 =	vperm.xlane v0, v7  }
0x20c: {  	v54 =	vld [tilespmem:s1+$0xFFFFFFD0];
	v43 =	vperm.xlane v0, v13;
	v44 =	vperm.xlane v0, v14  }
0x20d: {  	v45 =	vld [tilespmem:s1+$0x80];
	v2 =	vmul.f32 v18, v58;
	v18 =	vperm.xlane v57, v9  }
0x20e: {  	v47 =	vimm.s32 $0xD;
	v37 =	vld [tilespmem:s1+$0x90];
	v3 =	vmul.f32 v19, v3;
	v4 =	vmul.f32 v20, v4  }
0x20f: {  	v48 =	vimm.s32 $0xE;
	v19 =	vld [tilespmem:s1+$0xFFFFFFA0];
	v20 =	vperm.xlane v57, v47;
	v5 =	vmul.f32 v22, v5  }
0x210: {  	v22 =	vld [tilespmem:s1+$0xFFFFFFB0];
	v23 =	vmul.f32 v24, v23;
	v24 =	vperm.xlane v57, v48  }
0x211: {  	v25 =	vmul.f32 v26, v25;
	v55 =	vmul.f32 v28, v27;
	v28 =	vld [tilespmem:s1+$0xFFFFFFE0]  }
0x212: {  	v29 =	vmul.f32 v30, v29;
	v30 =	vld [tilespmem:s1+$0xFFFFFFF0];
	v57 =	vmul.f32 v31, v59  }
0x213: {  	v31 =	vld [tilespmem:s1+$0x0];
	v58 =	vmul.f32 v60, v62;
	v59 =	vperm.xlane v0, v8;
	[tilespmem:s1+$0xFFFFFF10] =	vst v4  }
0x214: {  	v62 =	vld [tilespmem:s1+$0x50];
	v18 =	vmul.f32 v18, v21;
	v27 =	vmul.f32 v20, v54;
	[tilespmem:s1+$0xFFFFFF20] =	vst v5  }
0x215: {  	v21 =	vld [tilespmem:s1+$0xFFFFFFC0];
	v4 =	vperm.xlane v0, v11;
	v5 =	vperm.xlane v0, v12;
	[tilespmem:s1+$0xFFFFFF50] =	vst v25  }
0x216: {  	v20 =	vld [tilespmem:s1+$0x30];
	v25 =	vmul.f32 v44, v45;
	[tilespmem:s1+$0xFFFFFF30] =	vst v18;
	v18 =	vperm.xlane v0, v49  }
0x217: {  	v60 =	vmul.f32 v61, v19;
	v19 =	vld [tilespmem:s1+$0x10];
	v35 =	vmul.f32 v63, v22  }
0x218: {  	v22 =	vld [tilespmem:s1+$0x20];
	v61 =	vperm.xlane v0, v10;
	v28 =	vmul.f32 v24, v28  }
0x219: {  	[tilespmem:s1+$0xF0] =	vst v2;
	v24 =	vld [tilespmem:s1+$0x40];
	v33 =	vmul.f32 v1, v30;
	v31 =	vmul.f32 v17, v31  }
0x21a: {  	[tilespmem:s1+$0xFFFFFF00] =	vst v3;
	v30 =	vld [tilespmem:s1+$0x60];
	v26 =	vmul.f32 v52, v21;
	v21 =	vperm.xlane v0, v9  }
0x21b: {  	[tilespmem:s1+$0xFFFFFF70] =	vst v29;
	v63 =	vld [tilespmem:s1+$0x70];
	v17 =	vperm.xlane v0, v15;
	v29 =	vmul.f32 v4, v62  }
0x21c: {  	v38 =	vld [tilespmem:s1+$0xA0];
	[tilespmem:s1+$0xFFFFFF40] =	vst v23;
	v36 =	vmul.f32 v21, v20;
	v21 =	vperm.xlane v0, v16  }
0x21d: {  	v39 =	vld [tilespmem:s1+$0xB0];
	[tilespmem:s1+$0xFFFFFF60] =	vst v55;
	v20 =	vperm.xlane v0, v46;
	v34 =	vmul.f32 v56, v19  }
0x21e: {  	v40 =	vld [tilespmem:s1+$0xC0];
	[tilespmem:s1+$0xFFFFFF80] =	vst v57;
	v32 =	vmul.f32 v59, v22;
	v23 =	vmul.f32 v61, v24  }
0x21f: {  	v41 =	vld [tilespmem:s1+$0xD0];
	[tilespmem:s1+$0xFFFFFF90] =	vst v58;
	v24 =	vmul.f32 v5, v30;
	v19 =	vperm.xlane v0, v47  }
0x220: {  	s16 =	simm.s32 $0x1C30;
	s13 =	simm.s32 $0x0;
	s6 =	simm.s32 $0x9F00;
	v42 =	vld [tilespmem:s1+$0xE0];
	[tilespmem:s1+$0xFFFFFFA0] =	vst v60;
	v30 =	vmul.f32 v43, v63;
	v22 =	vperm.xlane v0, v48  }
.LBB2_14:
0x221: {  	v0 =	vld [tilespmem:s16+$0x0];
	s13 =	sadd.s32 $0x2, s13;
	[tilespmem:s1+$0xFFFFFFB0] =	vst v35;
	v1 =	vmul.f32 v17, v37;
	v2 =	vmul.f32 v21, v38  }
0x222: {  	s1 =	sadd.s32 $0x200, s1;
	v3 =	vld [tilespmem:s16+$0xFFFFFFF0];
	p0 =	slt.u32 s13, $0x1E;
	[tilespmem:s6+$0xFFFFFFC0] =	vst v26;
	v4 =	vmul.f32 v18, v39  }
0x223: {  	v5 =	vld [tilespmem:s1+$0xF0];
	[tilespmem:s6+$0xFFFFFFD0] =	vst v27;
	v18 =	vmul.f32 v20, v40  }
0x224: {  	v26 =	vld [tilespmem:s1+$0xFFFFFF00];
	[tilespmem:s6+$0xFFFFFFE0] =	vst v28;
	v19 =	vmul.f32 v19, v41  }
0x225: {  	v27 =	vld [tilespmem:s1+$0xFFFFFF10];
	[tilespmem:s6+$0xFFFFFFF0] =	vst v33;
	v22 =	vmul.f32 v22, v42  }
0x226: {  	v28 =	vld [tilespmem:s1+$0xFFFFFF20];
	v38 =	vperm.xlane v0, v6;
	v17 =	vperm.xlane v0, v53;
	[tilespmem:s6+$0x0] =	vst v31  }
0x227: {  	v31 =	vperm.xlane v3, v6;
	v33 =	vperm.xlane v3, v7;
	v35 =	vld [tilespmem:s1+$0xFFFFFF30];
	[tilespmem:s6+$0x10] =	vst v34  }
0x228: {  	v34 =	vperm.xlane v3, v8;
	v37 =	vld [tilespmem:s1+$0xFFFFFF40];
	v5 =	vmul.f32 v17, v5;
	[tilespmem:s6+$0x20] =	vst v32  }
0x229: {  	v39 =	vperm.xlane v3, v10;
	v32 =	vperm.xlane v3, v9;
	v40 =	vld [tilespmem:s1+$0xFFFFFF50];
	[tilespmem:s6+$0x30] =	vst v36  }
0x22a: {  	v60 =	vimm.s32 $0xB;
	v42 =	vperm.xlane v3, v12;
	v36 =	vperm.xlane v3, v11;
	v41 =	vld [tilespmem:s1+$0xFFFFFF60];
	[tilespmem:s1+$0xF0] =	vst v5  }
0x22b: {  	v61 =	vimm.s32 $0xD;
	v43 =	vperm.xlane v3, v13;
	v44 =	vperm.xlane v3, v14;
	v5 =	vld [tilespmem:s1+$0xFFFFFF70];
	[tilespmem:s6+$0x40] =	vst v23  }
0x22c: {  	v20 =	vimm.s32 $0xC;
	v45 =	vperm.xlane v3, v15;
	v46 =	vperm.xlane v3, v16;
	v23 =	vld [tilespmem:s1+$0xFFFFFF80];
	[tilespmem:s6+$0x50] =	vst v29  }
0x22d: {  	v62 =	vimm.s32 $0xE;
	v47 =	vperm.xlane v3, v60;
	v48 =	vperm.xlane v3, v20;
	v29 =	vld [tilespmem:s1+$0xFFFFFF90];
	[tilespmem:s6+$0x60] =	vst v24  }
0x22e: {  	v49 =	vperm.xlane v3, v61;
	v50 =	vperm.xlane v3, v62;
	v24 =	vld [tilespmem:s1+$0xFFFFFFA0];
	[tilespmem:s6+$0x70] =	vst v30  }
0x22f: {  	v51 =	vperm.xlane v0, v7;
	v3 =	vperm.xlane v3, v53;
	v30 =	vld [tilespmem:s1+$0xFFFFFFB0];
	[tilespmem:s6+$0x80] =	vst v25  }
0x230: {  	v52 =	vperm.xlane v0, v8;
	v53 =	vperm.xlane v0, v9;
	v25 =	vld [tilespmem:s1+$0xFFFFFFC0];
	[tilespmem:s6+$0x90] =	vst v1  }
0x231: {  	v54 =	vperm.xlane v0, v10;
	v55 =	vperm.xlane v0, v11;
	v1 =	vld [tilespmem:s1+$0xFFFFFFD0];
	[tilespmem:s6+$0xA0] =	vst v2  }
0x232: {  	v56 =	vperm.xlane v0, v12;
	v57 =	vperm.xlane v0, v13;
	v2 =	vld [tilespmem:s1+$0xFFFFFFE0];
	[tilespmem:s6+$0xB0] =	vst v4  }
0x233: {  	v58 =	vperm.xlane v0, v14;
	v17 =	vperm.xlane v0, v15;
	v4 =	vld [tilespmem:s1+$0xFFFFFFF0];
	[tilespmem:s6+$0xC0] =	vst v18  }
0x234: {  	v21 =	vperm.xlane v0, v16;
	v18 =	vperm.xlane v0, v60;
	v59 =	vld [tilespmem:s1+$0x0];
	[tilespmem:s6+$0xD0] =	vst v19  }
0x235: {  	v20 =	vperm.xlane v0, v20;
	v19 =	vperm.xlane v0, v61;
	v60 =	vld [tilespmem:s1+$0x10];
	[tilespmem:s6+$0xE0] =	vst v22;
	s6 =	smov.u32 s1  }
0x236: {  	v26 =	vmul.f32 v31, v26;
	v22 =	vperm.xlane v0, v62;
	v61 =	vld [tilespmem:s1+$0x20]  }
0x237: {  	v0 =	vmul.f32 v33, v27;
	v27 =	vmul.f32 v34, v28;
	v62 =	vld [tilespmem:s1+$0x30]  }
0x238: {  	v28 =	vmul.f32 v39, v37;
	[tilespmem:s1+$0xFFFFFF00] =	vst v26;
	v26 =	vmul.f32 v32, v35;
	v63 =	vld [tilespmem:s1+$0x40]  }
0x239: {  	v31 =	vmul.f32 v42, v41;
	[tilespmem:s1+$0xFFFFFF10] =	vst v0;
	v0 =	vmul.f32 v36, v40;
	v41 =	vld [tilespmem:s1+$0x50]  }
0x23a: {  	v5 =	vmul.f32 v43, v5;
	v23 =	vmul.f32 v44, v23;
	[tilespmem:s1+$0xFFFFFF20] =	vst v27;
	v42 =	vld [tilespmem:s1+$0x60]  }
0x23b: {  	v29 =	vmul.f32 v45, v29;
	v43 =	vmul.f32 v46, v24;
	[tilespmem:s1+$0xFFFFFF30] =	vst v26;
	v44 =	vld [tilespmem:s1+$0x70]  }
0x23c: {  	v35 =	vmul.f32 v47, v30;
	v26 =	vmul.f32 v48, v25;
	[tilespmem:s1+$0xFFFFFF40] =	vst v28;
	v25 =	vld [tilespmem:s1+$0x80]  }
0x23d: {  	v27 =	vmul.f32 v49, v1;
	v28 =	vmul.f32 v50, v2;
	[tilespmem:s1+$0xFFFFFF50] =	vst v0;
	v37 =	vld [tilespmem:s1+$0x90]  }
.Ltmp5:
0x23e: {  	v33 =	vmul.f32 v3, v4;
	[tilespmem:s1+$0xFFFFFF60] =	vst v31;
	v31 =	vmul.f32 v38, v59;
	v38 =	vld [tilespmem:s1+$0xA0];
	(pc) =	sbr.rel @p0 .LBB2_14-.Ltmp5, $4  }
0x23f: {  	v34 =	vmul.f32 v51, v60;
	v32 =	vmul.f32 v52, v61;
	[tilespmem:s1+$0xFFFFFF70] =	vst v5;
	v39 =	vld [tilespmem:s1+$0xB0]  }
0x240: {  	v36 =	vmul.f32 v53, v62;
	v53 =	vimm.s32 $0xF;
	[tilespmem:s1+$0xFFFFFF80] =	vst v23;
	v23 =	vmul.f32 v54, v63;
	v40 =	vld [tilespmem:s1+$0xC0]  }
0x241: {  	v24 =	vmul.f32 v56, v42;
	[tilespmem:s1+$0xFFFFFF90] =	vst v29;
	v29 =	vmul.f32 v55, v41;
	v41 =	vld [tilespmem:s1+$0xD0]  }
0x242: {  	s16 =	sadd.s32 $0x20, s16;
	v30 =	vmul.f32 v57, v44;
	v25 =	vmul.f32 v58, v25;
	[tilespmem:s1+$0xFFFFFFA0] =	vst v43;
	v42 =	vld [tilespmem:s1+$0xE0]  }
0x243: {  	[tilespmem:s1+$0xFFFFFFB0] =	vst v35  }
0x244: {  	[tilespmem:s6+$0x0] =	vst v31  }
0x245: {  	[tilespmem:s6+$0x10] =	vst v34  }
0x246: {  	[tilespmem:s6+$0x20] =	vst v32  }
0x247: {  	[tilespmem:s6+$0x30] =	vst v36  }
0x248: {  	[tilespmem:s6+$0x40] =	vst v23  }
0x249: {  	[tilespmem:s6+$0x50] =	vst v29  }
0x24a: {  	[tilespmem:s6+$0x60] =	vst v24  }
0x24b: {  	[tilespmem:s6+$0xFFFFFFC0] =	vst v26  }
0x24c: {  	[tilespmem:s6+$0xFFFFFFD0] =	vst v27  }
0x24d: {  	[tilespmem:s6+$0xFFFFFFE0] =	vst v28  }
0x24e: {  	[tilespmem:s6+$0xFFFFFFF0] =	vst v33  }
0x24f: {  	v0 =	vmul.f32 v17, v37;
	[tilespmem:s6+$0x70] =	vst v30  }
0x250: {  	v1 =	vmul.f32 v21, v38;
	[tilespmem:s6+$0x80] =	vst v25  }
0x251: {  	s9 =	sadd.s32 $0x1, s9;
	v2 =	vmul.f32 v18, v39;
	[tilespmem:s6+$0x90] =	vst v0  }
0x252: {  	v6 =	vimm.s32 $0x1;
	p0 =	sne.s32 s9, $0x11;
	v0 =	vmul.f32 v20, v40;
	[tilespmem:s6+$0xA0] =	vst v1  }
.Ltmp6:
0x253: {  	v7 =	vimm.s32 $0x2;
	v8 =	vimm.s32 $0x3;
	v1 =	vmul.f32 v19, v41;
	[tilespmem:s6+$0xB0] =	vst v2;
	(pc) =	sbr.rel @p0 .LBB2_5-.Ltmp6, $4  }
0x254: {  	v9 =	vimm.s32 $0x4;
	v10 =	vimm.s32 $0x5;
	v2 =	vmul.f32 v22, v42;
	[tilespmem:s6+$0xC0] =	vst v0  }
0x255: {  	v54 =	vimm.s32 $0x6;
	v55 =	vimm.s32 $0x7;
	v11 =	vimm.s32 $0x8;
	[tilespmem:s6+$0xD0] =	vst v1  }
0x256: {  	s25 =	simm.s32 $0x1200;
	v14 =	vimm.s32 $0x9;
	v13 =	vimm.s32 $0xA;
	v3 =	vimm.s32 $0xB;
	[tilespmem:s6+$0xE0] =	vst v2  }
0x257: {  	v43 =	vimm.s32 $0xC;
	v44 =	vimm.s32 $0xD;
	v45 =	vimm.s32 $0xE;
	[spmem:s3] =	stream.indirect.scatter.add.f32 [tilespmem:s19], [sflag:$0x3], $0x10, s25, s31, $0xb8;
	[tilespmem:$0x16E00] =	vst v63  }
0x258: {  	_ =	swait.ge [sflag:s15], $0x2000  }
0x259: {  	[sflag:s15] =	ssyncset.done $0x0  }
0x25a: {  	[sflag:s15] =	ssyncadd.s32 $0xFFFFE000  }
0x25b: {  	_ =	swait.ge [sflag:s15], $0x2000  }
0x25c: {  	[sflag:s15] =	ssyncset.done $0x0  }
0x25d: {  	[sflag:s15] =	ssyncadd.s32 $0xFFFFE000  }
0x25e: {  	[bflag:$0x0] =	sbarrier.arrive $0xFFFF  }
0x25f: {  	s6 =	simm.s32 $0xBE00;
	s1 =	rddreg [dreg:$0xc]  }
0x260: {  	[tilespmem:s6], [sflag:$0x4] =	stream.linear.gather [spmem:s1], $0x1000, $0x38;
	[tilespmem:$0x16E00] =	vst v63  }
0x261: {  	_ =	swait.ge [sflag:s18], $0x1000  }
0x262: {  	[sflag:s18] =	ssyncset.done $0x0  }
0x263: {  	s21 =	simm.s32 $0xCE00;
	s20 =	rddreg [dreg:$0xd];
	[sflag:s18] =	ssyncadd.s32 $0xFFFFF000  }
0x264: {  	[tilespmem:s21], [sflag:$0x4] =	stream.linear.gather [spmem:s20], $0x1000, $0x38;
	[tilespmem:$0x16E00] =	vst v63  }
0x265: {  	_ =	swait.ge [sflag:s18], $0x1000  }
0x266: {  	[sflag:s18] =	ssyncset.done $0x0  }
0x267: {  	s24 =	simm.s32 $0xDE00;
	s23 =	rddreg [dreg:$0xe];
	[sflag:s18] =	ssyncadd.s32 $0xFFFFF000  }
0x268: {  	[tilespmem:s24], [sflag:$0x4] =	stream.linear.gather [spmem:s23], $0x1000, $0x38;
	[tilespmem:$0x16E00] =	vst v63  }
0x269: {  	_ =	swait.ge [sflag:s18], $0x1000  }
0x26a: {  	[sflag:s18] =	ssyncset.done $0x0  }
0x26b: {  	s28 =	simm.s32 $0xEE00;
	s25 =	rddreg [dreg:$0xf];
	[sflag:s18] =	ssyncadd.s32 $0xFFFFF000  }
0x26c: {  	[tilespmem:s28], [sflag:$0x4] =	stream.linear.gather [spmem:s25], $0x1000, $0x38;
	[tilespmem:$0x16E00] =	vst v63  }
0x26d: {  	_ =	swait.ge [sflag:s18], $0x1000  }
0x26e: {  	[sflag:s18] =	ssyncset.done $0x0  }
0x26f: {  	s13 =	simm.s32 $0x0;
	[sflag:s18] =	ssyncadd.s32 $0xFFFFF000  }
0x270: {  	v0 =	vld [tilespmem:s13+$0xCE00]  }
0x271: {  	v1 =	vld [tilespmem:s13+$0xDE00];
	_ =	sdelay $0x3  }
0x272: {  	v2 =	vld [tilespmem:s13+$0xBE00];
	v0 =	vsub.f32 $0.0e+00, v0  }
0x273: {  	v1 =	vmul.f32 $-2.000000000e+00, v1  }
0x274: {  	v3 =	vld [tilespmem:s13+$0xEE00];
	v0 =	vmul.f32 $1.442695020e+00, v0  }
0x275: {  	v1 =	vmul.f32 $1.442695020e+00, v1  }
0x276: {  	s6 =	simm.s32 $0x10;
	(erf) = vpow2.f32 v0  }
0x277: {  	v46 =	vld [tilespmem:s6+$0xCE00];
	v42 =	vsub.f32 $0.0e+00, v2;
	(erf) = vpow2.f32 v1  }
0x278: {  	v47 =	vld [tilespmem:s6+$0xDE00]  }
0x279: {  	v3 =	vsub.f32 $0.0e+00, v3;
	v0 =	vmul.f32 $1.442695020e+00, v42;
	_ =	sdelay $0x1  }
0x27a: {  	v3 =	vmul.f32 $1.442695020e+00, v3;
	(erf) = vpow2.f32 v0  }
0x27b: {  	v48 =	vld [tilespmem:s6+$0xBE00];
	v1 =	vsub.f32 $0.0e+00, v46  }
0x27c: {  	v2 =	vmul.f32 $-2.000000000e+00, v47;
	(erf) = vpow2.f32 v3  }
0x27d: {  	v1 =	vmul.f32 $1.442695020e+00, v1  }
0x27e: {  	v4 =	vld [tilespmem:s6+$0xEE00];
	v2 =	vmul.f32 $1.442695020e+00, v2;
	v49 =	vpop (erf)  }
0x27f: {  	s24 =	simm.s32 $0x20;
	(erf) = vpow2.f32 v1;
	v5 =	vpop (erf)  }
0x280: {  	v51 =	vld [tilespmem:s24+$0xCE00];
	v0 =	vsub.f32 $0.0e+00, v48;
	(erf) = vpow2.f32 v2;
	v50 =	vadd.f32 $1.000000000e+00, v5  }
0x281: {  	v5 =	vld [tilespmem:s24+$0xDE00]  }
0x282: {  	v0 =	vmul.f32 $1.442695020e+00, v0;
	(erf) = vrcp.f32 v50  }
0x283: {  	v52 =	vsub.f32 $0.0e+00, v4;
	v3 =	vadd.f32 $1.000000000e+00, v49;
	v4 =	vpop (erf)  }
0x284: {  	v56 =	vadd.f32 $1.000000000e+00, v4;
	(erf) = vpow2.f32 v0  }
0x285: {  	v57 =	vld [tilespmem:s24+$0xBE00];
	v1 =	vsub.f32 $0.0e+00, v51;
	v2 =	vmul.f32 $1.442695020e+00, v52;
	v4 =	vpop (erf);
	(erf) = vrcp.f32 v3  }
0x286: {  	v58 =	vld [tilespmem:s24+$0xEE00];
	v59 =	vadd.f32 $1.000000000e+00, v4;
	(erf) = vrcp.f32 v56;
	v4 =	vmul.f32 $-2.000000000e+00, v5  }
0x287: {  	v1 =	vmul.f32 $1.442695020e+00, v1;
	(erf) = vpow2.f32 v2  }
0x288: {  	v5 =	vpop (erf);
	v4 =	vmul.f32 $1.442695020e+00, v4;
	(erf) = vrcp.f32 v59  }
0x289: {  	s9 =	simm.s32 $0x30;
	v18 =	vld [tilespmem:s13+$0xFE00];
	v17 =	vpop (erf);
	(erf) = vpow2.f32 v1  }
0x28a: {  	v60 =	vsub.f32 $0.0e+00, v57;
	v62 =	vadd.f32 $1.000000000e+00, v17;
	(erf) = vpow2.f32 v4;
	v4 =	vld [tilespmem:s9+$0xCE00]  }
0x28b: {  	v0 =	vsub.f32 $0.0e+00, v58;
	v61 =	vpop (erf)  }
0x28c: {  	v63 =	vld [tilespmem:s9+$0xDE00];
	v2 =	vmul.f32 $1.442695020e+00, v60;
	(erf) = vrcp.f32 v62;
	v3 =	vadd.f32 v61, v61  }
0x28d: {  	v0 =	vmul.f32 $1.442695020e+00, v0;
	v5 =	vadd.f32 $1.000000000e+00, v5;
	v17 =	vpop (erf)  }
0x28e: {  	(erf) = vpow2.f32 v2;
	v19 =	vpop (erf);
	v17 =	vadd.f32 $1.000000000e+00, v17;
	v3 =	vadd.f32 $-1.000000000e+00, v3  }
0x28f: {  	v32 =	vpop (erf);
	v18 =	vmul.f32 v19, v18;
	(erf) = vrcp.f32 v5;
	v5 =	vld [tilespmem:s9+$0xBE00];
	v4 =	vsub.f32 $0.0e+00, v4  }
0x290: {  	v33 =	vpop (erf);
	(erf) = vrcp.f32 v17;
	v2 =	vmul.f32 v3, v32  }
0x291: {  	v34 =	vmul.f32 $-2.000000000e+00, v63;
	v17 =	vld [tilespmem:s9+$0xEE00];
	v3 =	vadd.f32 $1.000000000e+00, v33  }
0x292: {  	(erf) = vpow2.f32 v0;
	v20 =	vpop (erf);
	v35 =	vmul.f32 $1.442695020e+00, v4;
	v2 =	vadd.f32 v2, v18  }
0x293: {  	v0 =	vmul.f32 $1.442695020e+00, v34;
	v4 =	vpop (erf);
	(erf) = vrcp.f32 v3  }
0x294: {  	v36 =	vpop (erf);
	(erf) = vpow2.f32 v35;
	v37 =	vsub.f32 $0.0e+00, v5;
	[tilespmem:s13+$0xFE00] =	vst v2  }
0x295: {  	s23 =	simm.s32 $0x40;
	v5 =	vpop (erf);
	v3 =	vadd.f32 $1.000000000e+00, v36;
	(erf) = vpow2.f32 v0;
	v18 =	vld [tilespmem:s6+$0xFE00]  }
0x296: {  	v38 =	vsub.f32 $0.0e+00, v17;
	v5 =	vadd.f32 v5, v5;
	v17 =	vld [tilespmem:s23+$0xCE00];
	v1 =	vmul.f32 $1.442695020e+00, v37  }
0x297: {  	v4 =	vadd.f32 $1.000000000e+00, v4;
	v19 =	vpop (erf);
	(erf) = vrcp.f32 v3  }
0x298: {  	v39 =	vld [tilespmem:s23+$0xDE00];
	v5 =	vadd.f32 $-1.000000000e+00, v5;
	v21 =	vpop (erf);
	(erf) = vpow2.f32 v1  }
0x299: {  	v2 =	vmul.f32 $-2.000000000e+00, v2;
	v19 =	vadd.f32 $1.000000000e+00, v19;
	v40 =	vpop (erf);
	(erf) = vrcp.f32 v4  }
0x29a: {  	v1 =	vmul.f32 v5, v40;
	v5 =	vld [tilespmem:s23+$0xBE00];
	v18 =	vmul.f32 v21, v18  }
0x29b: {  	v2 =	vmul.f32 $1.442695020e+00, v2;
	v17 =	vsub.f32 $0.0e+00, v17  }
0x29c: {  	v0 =	vmul.f32 $1.442695020e+00, v38;
	v4 =	vpop (erf);
	(erf) = vrcp.f32 v19;
	v21 =	vld [tilespmem:s23+$0xEE00];
	v1 =	vadd.f32 v1, v18  }
0x29d: {  	v4 =	vadd.f32 $1.000000000e+00, v4;
	(erf) = vpow2.f32 v2;
	v41 =	vmul.f32 $-2.000000000e+00, v39;
	v19 =	vpop (erf)  }
0x29e: {  	(erf) = vpow2.f32 v0;
	v42 =	vpop (erf);
	v46 =	vmul.f32 $1.442695020e+00, v17;
	[tilespmem:s6+$0xFE00] =	vst v1  }
0x29f: {  	v2 =	vmul.f32 $1.442695020e+00, v41;
	(erf) = vrcp.f32 v4;
	v17 =	vpop (erf);
	v4 =	vsub.f32 $0.0e+00, v5;
	v5 =	vld [tilespmem:s24+$0xFE00]  }
0x2a0: {  	(erf) = vpow2.f32 v46;
	v47 =	vadd.f32 $1.000000000e+00, v17  }
0x2a1: {  	s25 =	simm.s32 $0x50;
	v17 =	vsub.f32 $0.0e+00, v21;
	v18 =	vpop (erf);
	(erf) = vpow2.f32 v2;
	v4 =	vmul.f32 $1.442695020e+00, v4  }
0x2a2: {  	v1 =	vmul.f32 $-2.000000000e+00, v1;
	v48 =	vadd.f32 v18, v18;
	v49 =	vpop (erf);
	v18 =	vld [tilespmem:s25+$0xCE00];
	(erf) = vrcp.f32 v47  }
0x2a3: {  	v0 =	vadd.f32 $1.000000000e+00, v42;
	v17 =	vmul.f32 $1.442695020e+00, v17;
	v21 =	vpop (erf);
	(erf) = vpow2.f32 v4;
	v4 =	vld [tilespmem:s25+$0xDE00]  }
0x2a4: {  	v3 =	vadd.f32 $1.000000000e+00, v49;
	v2 =	vadd.f32 $-1.000000000e+00, v48;
	v5 =	vmul.f32 v21, v5;
	v21 =	vld [tilespmem:s25+$0xBE00]  }
0x2a5: {  	v1 =	vmul.f32 $1.442695020e+00, v1;
	v22 =	vpop (erf);
	(erf) = vrcp.f32 v0  }
0x2a6: {  	v51 =	vpop (erf);
	v50 =	vmul.f32 v2, v22;
	(erf) = vrcp.f32 v3  }
0x2a7: {  	v52 =	vpop (erf);
	v2 =	vadd.f32 $1.000000000e+00, v51;
	(erf) = vpow2.f32 v1;
	v56 =	vsub.f32 $0.0e+00, v18  }
0x2a8: {  	v0 =	vadd.f32 v50, v5;
	(erf) = vpow2.f32 v17;
	v17 =	vpop (erf);
	v4 =	vmul.f32 $-2.000000000e+00, v4  }
0x2a9: {  	v3 =	vadd.f32 $1.000000000e+00, v52;
	v5 =	vld [tilespmem:s25+$0xEE00];
	v18 =	vpop (erf);
	(erf) = vrcp.f32 v2;
	v21 =	vsub.f32 $0.0e+00, v21  }
0x2aa: {  	v1 =	vmul.f32 $1.442695020e+00, v56;
	[tilespmem:s24+$0xFE00] =	vst v0;
	v57 =	vpop (erf);
	v4 =	vmul.f32 $1.442695020e+00, v4  }
0x2ab: {  	v22 =	vld [tilespmem:s9+$0xFE00];
	v23 =	vpop (erf);
	(erf) = vrcp.f32 v3;
	v21 =	vmul.f32 $1.442695020e+00, v21  }
0x2ac: {  	v58 =	vadd.f32 $1.000000000e+00, v57;
	(erf) = vpow2.f32 v1;
	v59 =	vadd.f32 v23, v23  }
0x2ad: {  	s1 =	simm.s32 $0x60;
	v0 =	vmul.f32 $-2.000000000e+00, v0;
	v18 =	vadd.f32 $1.000000000e+00, v18;
	v60 =	vpop (erf);
	(erf) = vpow2.f32 v4  }
0x2ae: {  	v4 =	vsub.f32 $0.0e+00, v5;
	v62 =	vpop (erf);
	v5 =	vld [tilespmem:s1+$0xCE00];
	(erf) = vrcp.f32 v58;
	v61 =	vadd.f32 $-1.000000000e+00, v59  }
0x2af: {  	v0 =	vmul.f32 $1.442695020e+00, v0;
	(erf) = vpow2.f32 v21;
	v21 =	vpop (erf)  }
0x2b0: {  	v3 =	vadd.f32 $1.000000000e+00, v60;
	v2 =	vmul.f32 v62, v22;
	v22 =	vld [tilespmem:s1+$0xDE00];
	v1 =	vmul.f32 v61, v21;
	v23 =	vpop (erf)  }
0x2b1: {  	v4 =	vmul.f32 $1.442695020e+00, v4;
	(erf) = vrcp.f32 v18;
	v21 =	vld [tilespmem:s1+$0xEE00];
	v18 =	vpop (erf)  }
0x2b2: {  	v25 =	vld [tilespmem:s1+$0xBE00];
	(erf) = vrcp.f32 v3;
	v24 =	vadd.f32 $1.000000000e+00, v23;
	v1 =	vadd.f32 v1, v2;
	v63 =	vpop (erf)  }
0x2b3: {  	s16 =	simm.s32 $0x1C0;
	(erf) = vpow2.f32 v0;
	v28 =	vsub.f32 $0.0e+00, v5;
	v26 =	vadd.f32 v63, v63  }
0x2b4: {  	s20 =	simm.s32 $0x200;
	s21 =	simm.s32 $0x280;
	s18 =	simm.s32 $0x240;
	v23 =	vadd.f32 $1.000000000e+00, v18;
	(erf) = vpow2.f32 v4;
	v18 =	vpop (erf);
	[tilespmem:s9+$0xFE00] =	vst v1;
	v27 =	vmul.f32 $-2.000000000e+00, v1  }
.LBB2_17:
0x2b5: {  	p0 =	sne.s32 s21, $0x3FC0;
	v0 =	vmul.f32 $-2.000000000e+00, v22;
	v1 =	vpop (erf);
	(erf) = vrcp.f32 v24;
	v2 =	vadd.f32 $-1.000000000e+00, v26  }
0x2b6: {  	v3 =	vmul.f32 $1.442695020e+00, v28;
	v4 =	vsub.f32 $0.0e+00, v21;
	v5 =	vpop (erf);
	v26 =	vmul.f32 $1.442695020e+00, v27  }
0x2b7: {  	v21 =	vsub.f32 $0.0e+00, v25;
	v0 =	vmul.f32 $1.442695020e+00, v0;
	v24 =	vld [tilespmem:s23+$0xFE00];
	v22 =	vpop (erf);
	(erf) = vrcp.f32 v23  }
0x2b8: {  	(erf) = vpow2.f32 v3;
	v3 =	vadd.f32 $1.000000000e+00, v5;
	v5 =	vpop (erf);
	v22 =	vadd.f32 v22, v22  }
0x2b9: {  	v12 =	vmul.f32 $1.442695020e+00, v21;
	(erf) = vpow2.f32 v0  }
0x2ba: {  	s28 =	sshra.s32 s16, $0x2;
	s16 =	smov.u32 s20;
	s20 =	smov.u32 s18;
	v0 =	vmul.f32 $1.442695020e+00, v4;
	(erf) = vrcp.f32 v3;
	v3 =	vadd.f32 $-1.000000000e+00, v22;
	v4 =	vpop (erf)  }
0x2bb: {  	s18 =	smov.u32 s21;
	v15 =	vmul.f32 v2, v20;
	v27 =	vld [tilespmem:s28+$0xCE00];
	(erf) = vpow2.f32 v12;
	v12 =	vadd.f32 $1.000000000e+00, v1;
	v21 =	vpop (erf)  }
.Ltmp7:
0x2bc: {  	v5 =	vadd.f32 $1.000000000e+00, v5;
	v22 =	vld [tilespmem:s28+$0xDE00];
	v4 =	vmul.f32 v4, v24;
	v3 =	vmul.f32 v3, v21;
	v20 =	vpop (erf);
	(pc) =	sbr.rel @p0 .LBB2_17-.Ltmp7, $4  }
0x2bd: {  	v21 =	vld [tilespmem:s28+$0xEE00];
	(erf) = vrcp.f32 v12;
	v1 =	vpop (erf);
	v24 =	vadd.f32 $1.000000000e+00, v20;
	[tilespmem:s13+$0x10E00] =	vst v15;
	v20 =	vmov v19;
	s13 =	smov.u32 s6;
	s6 =	smov.u32 s24;
	s24 =	smov.u32 s9  }
0x2be: {  	s9 =	smov.u32 s23;
	s23 =	smov.u32 s25;
	s25 =	smov.u32 s1;
	v25 =	vld [tilespmem:s28+$0xBE00];
	v23 =	vadd.f32 $1.000000000e+00, v1;
	(erf) = vrcp.f32 v5;
	v1 =	vadd.f32 v3, v4;
	v2 =	vpop (erf)  }
0x2bf: {  	v19 =	vmovc v17;
	v17 =	vmov v18;
	s1 =	smov.u32 s28;
	(erf) = vpow2.f32 v26;
	v26 =	vadd.f32 v2, v2  }
0x2c0: {  	s21 =	sadd.s32 $0x40, s21;
	v28 =	vsub.f32 $0.0e+00, v27;
	(erf) = vpow2.f32 v0;
	[tilespmem:s9+$0xFE00] =	vst v1;
	v27 =	vmul.f32 $-2.000000000e+00, v1;
	v18 =	vpop (erf)  }
0x2c1: {  	v1 =	vpop (erf)  }
0x2c2: {  	(erf) = vrcp.f32 v24;
	v2 =	vmul.f32 $1.442695020e+00, v28;
	v3 =	vpop (erf)  }
0x2c3: {  	v0 =	vmul.f32 $-2.000000000e+00, v22;
	(erf) = vrcp.f32 v23;
	v4 =	vsub.f32 $0.0e+00, v25;
	v35 =	vpop (erf)  }
0x2c4: {  	(erf) = vpow2.f32 v2;
	v2 =	vadd.f32 $1.000000000e+00, v3;
	v3 =	vadd.f32 v35, v35  }
0x2c5: {  	v5 =	vld [tilespmem:s23+$0xFE00];
	v0 =	vmul.f32 $1.442695020e+00, v0;
	v4 =	vmul.f32 $1.442695020e+00, v4;
	_ =	sdelay $0x1  }
0x2c6: {  	v34 =	vadd.f32 $-1.000000000e+00, v26;
	v37 =	vpop (erf);
	(erf) = vpow2.f32 v0  }
0x2c7: {  	s16 =	sshra.s32 s16, $0x2;
	v1 =	vadd.f32 $1.000000000e+00, v1;
	(erf) = vrcp.f32 v2;
	v2 =	vadd.f32 $-1.000000000e+00, v3;
	v3 =	vpop (erf)  }
0x2c8: {  	v38 =	vld [tilespmem:s16+$0xCE00];
	v20 =	vmul.f32 v34, v20;
	(erf) = vpow2.f32 v4;
	v4 =	vpop (erf)  }
0x2c9: {  	v39 =	vld [tilespmem:s16+$0xDE00];
	v3 =	vmul.f32 v3, v5;
	v2 =	vmul.f32 v2, v4  }
0x2ca: {  	v0 =	vsub.f32 $0.0e+00, v21;
	v23 =	vadd.f32 $1.000000000e+00, v37;
	v4 =	vld [tilespmem:s16+$0xEE00];
	[tilespmem:s13+$0x10E00] =	vst v20  }
0x2cb: {  	v36 =	vmul.f32 $1.442695020e+00, v27;
	(erf) = vrcp.f32 v1;
	v1 =	vpop (erf);
	v40 =	vld [tilespmem:s16+$0xBE00];
	v2 =	vadd.f32 v2, v3  }
0x2cc: {  	v0 =	vmul.f32 $1.442695020e+00, v0;
	(erf) = vrcp.f32 v23;
	v5 =	vpop (erf)  }
0x2cd: {  	v1 =	vadd.f32 $1.000000000e+00, v1;
	(erf) = vpow2.f32 v36;
	v3 =	vadd.f32 $1.000000000e+00, v5;
	v5 =	vpop (erf)  }
0x2ce: {  	v41 =	vsub.f32 $0.0e+00, v38;
	v22 =	vmul.f32 $-2.000000000e+00, v39;
	(erf) = vpow2.f32 v0;
	v20 =	vpop (erf)  }
0x2cf: {  	v0 =	vadd.f32 v5, v5;
	v5 =	vmul.f32 $-2.000000000e+00, v2;
	[tilespmem:s23+$0xFE00] =	vst v2;
	v2 =	vpop (erf);
	(erf) = vrcp.f32 v1  }
0x2d0: {  	v1 =	vmul.f32 $1.442695020e+00, v41;
	(erf) = vrcp.f32 v3;
	v3 =	vsub.f32 $0.0e+00, v40  }
0x2d1: {  	v22 =	vmul.f32 $1.442695020e+00, v22;
	v42 =	vpop (erf)  }
0x2d2: {  	v47 =	vpop (erf);
	(erf) = vpow2.f32 v1;
	v1 =	vadd.f32 $1.000000000e+00, v42;
	v3 =	vmul.f32 $1.442695020e+00, v3  }
0x2d3: {  	v0 =	vadd.f32 $-1.000000000e+00, v0;
	v46 =	vld [tilespmem:s25+$0xFE00];
	v2 =	vadd.f32 $1.000000000e+00, v2;
	(erf) = vpow2.f32 v22  }
0x2d4: {  	s20 =	sshra.s32 s20, $0x2;
	v4 =	vsub.f32 $0.0e+00, v4;
	v49 =	vpop (erf);
	(erf) = vrcp.f32 v1  }
0x2d5: {  	v5 =	vmul.f32 $1.442695020e+00, v5;
	v0 =	vmul.f32 v0, v19;
	v48 =	vadd.f32 v47, v47;
	v1 =	vld [tilespmem:s20+$0xCE00];
	v50 =	vpop (erf)  }
0x2d6: {  	v51 =	vld [tilespmem:s20+$0xDE00];
	v52 =	vadd.f32 $1.000000000e+00, v49;
	(erf) = vpow2.f32 v3;
	v3 =	vpop (erf)  }
0x2d7: {  	v57 =	vld [tilespmem:s20+$0xEE00];
	[tilespmem:s6+$0x10E00] =	vst v0;
	v0 =	vmul.f32 $1.442695020e+00, v4;
	v21 =	vadd.f32 $-1.000000000e+00, v48;
	(erf) = vrcp.f32 v2;
	v2 =	vpop (erf)  }
0x2d8: {  	v56 =	vmul.f32 v50, v46;
	v4 =	vld [tilespmem:s20+$0xBE00];
	(erf) = vrcp.f32 v52;
	v58 =	vpop (erf);
	v2 =	vadd.f32 $1.000000000e+00, v2  }
0x2d9: {  	v3 =	vmul.f32 v21, v3;
	(erf) = vpow2.f32 v5;
	v5 =	vpop (erf)  }
0x2da: {  	v1 =	vsub.f32 $0.0e+00, v1;
	v19 =	vpop (erf)  }
0x2db: {  	v3 =	vadd.f32 v3, v56;
	(erf) = vpow2.f32 v0;
	v0 =	vadd.f32 $1.000000000e+00, v58;
	v61 =	vpop (erf)  }
0x2dc: {  	v1 =	vmul.f32 $1.442695020e+00, v1;
	(erf) = vrcp.f32 v2;
	v2 =	vpop (erf)  }
0x2dd: {  	v60 =	vmul.f32 $-2.000000000e+00, v51;
	v4 =	vsub.f32 $0.0e+00, v4;
	[tilespmem:s25+$0xFE00] =	vst v3;
	(erf) = vrcp.f32 v0;
	v28 =	vpop (erf)  }
0x2de: {  	v63 =	vld [tilespmem:s1+$0xFE00];
	(erf) = vpow2.f32 v1;
	v1 =	vadd.f32 $1.000000000e+00, v2;
	v2 =	vadd.f32 v28, v28  }
0x2df: {  	v62 =	vmul.f32 $1.442695020e+00, v60;
	v4 =	vmul.f32 $1.442695020e+00, v4  }
0x2e0: {  	v5 =	vadd.f32 v5, v5  }
0x2e1: {  	v59 =	vmul.f32 $-2.000000000e+00, v3;
	v0 =	vsub.f32 $0.0e+00, v57;
	v29 =	vpop (erf);
	(erf) = vpow2.f32 v62  }
0x2e2: {  	s21 =	sshra.s32 s18, $0x2;
	v5 =	vadd.f32 $-1.000000000e+00, v5;
	(erf) = vrcp.f32 v1;
	v1 =	vadd.f32 $-1.000000000e+00, v2;
	v2 =	vpop (erf)  }
0x2e3: {  	v30 =	vld [tilespmem:s21+$0xCE00];
	v24 =	vadd.f32 $1.000000000e+00, v61;
	(erf) = vpow2.f32 v4;
	v4 =	vpop (erf);
	v2 =	vmul.f32 v2, v63  }
0x2e4: {  	v31 =	vld [tilespmem:s21+$0xDE00];
	v3 =	vmul.f32 $1.442695020e+00, v59;
	v5 =	vmul.f32 v5, v17;
	v32 =	vadd.f32 $1.000000000e+00, v29;
	v33 =	vpop (erf)  }
0x2e5: {  	(erf) = vrcp.f32 v24;
	v1 =	vmul.f32 v1, v4;
	v4 =	vpop (erf)  }
0x2e6: {  	v34 =	vld [tilespmem:s21+$0xEE00];
	v0 =	vmul.f32 $1.442695020e+00, v0;
	[tilespmem:s24+$0x10E00] =	vst v5;
	(erf) = vrcp.f32 v32;
	v4 =	vadd.f32 $1.000000000e+00, v4  }
0x2e7: {  	v5 =	vld [tilespmem:s21+$0xBE00];
	v22 =	vadd.f32 $1.000000000e+00, v33;
	(erf) = vpow2.f32 v3;
	v1 =	vadd.f32 v1, v2;
	v2 =	vpop (erf)  }
0x2e8: {  	v3 =	vsub.f32 $0.0e+00, v30;
	(erf) = vpow2.f32 v0;
	v35 =	vpop (erf)  }
0x2e9: {  	v0 =	vmul.f32 $-2.000000000e+00, v31;
	(erf) = vrcp.f32 v22;
	v36 =	vpop (erf)  }
0x2ea: {  	v3 =	vmul.f32 $1.442695020e+00, v3;
	(erf) = vrcp.f32 v4;
	v4 =	vpop (erf)  }
0x2eb: {  	v4 =	vadd.f32 $1.000000000e+00, v4  }
0x2ec: {  	[tilespmem:s1+$0xFE00] =	vst v1;
	v0 =	vmul.f32 $1.442695020e+00, v0;
	(erf) = vpow2.f32 v3;
	v3 =	vsub.f32 $0.0e+00, v5;
	v5 =	vpop (erf)  }
0x2ed: {  	v37 =	vld [tilespmem:s16+$0xFE00];
	v5 =	vadd.f32 v5, v5  }
0x2ee: {  	(erf) = vpow2.f32 v0;
	v0 =	vmul.f32 $-2.000000000e+00, v1;
	v1 =	vpop (erf)  }
0x2ef: {  	(erf) = vrcp.f32 v4;
	v5 =	vadd.f32 $-1.000000000e+00, v5;
	v4 =	vpop (erf)  }
0x2f0: {  	v2 =	vadd.f32 v2, v2;
	v3 =	vmul.f32 $1.442695020e+00, v3;
	v1 =	vadd.f32 $1.000000000e+00, v1;
	v38 =	vpop (erf)  }
0x2f1: {  	v21 =	vadd.f32 $1.000000000e+00, v36;
	v0 =	vmul.f32 $1.442695020e+00, v0;
	v5 =	vmul.f32 v5, v38  }
0x2f2: {  	v2 =	vadd.f32 $-1.000000000e+00, v2;
	(erf) = vpow2.f32 v3;
	v3 =	vmul.f32 v4, v37;
	v4 =	vpop (erf)  }
0x2f3: {  	v39 =	vsub.f32 $0.0e+00, v34;
	(erf) = vrcp.f32 v21;
	v40 =	vpop (erf)  }
0x2f4: {  	v2 =	vmul.f32 v2, v18;
	(erf) = vrcp.f32 v1;
	v1 =	vpop (erf)  }
0x2f5: {  	v41 =	vmul.f32 $1.442695020e+00, v39;
	v3 =	vadd.f32 v5, v3;
	v5 =	vpop (erf)  }
0x2f6: {  	[tilespmem:s9+$0x10E00] =	vst v2;
	v4 =	vadd.f32 $1.000000000e+00, v4;
	(erf) = vpow2.f32 v0;
	v0 =	vpop (erf)  }
0x2f7: {  	v2 =	vadd.f32 $1.000000000e+00, v40;
	(erf) = vpow2.f32 v41;
	[tilespmem:s16+$0xFE00] =	vst v3;
	v42 =	vpop (erf)  }
0x2f8: {  	v1 =	vadd.f32 v1, v1;
	(erf) = vrcp.f32 v4;
	v4 =	vld [tilespmem:s20+$0xFE00];
	v18 =	vadd.f32 $1.000000000e+00, v42  }
0x2f9: {  	v46 =	vpop (erf);
	(erf) = vrcp.f32 v2  }
0x2fa: {  	v1 =	vadd.f32 $-1.000000000e+00, v1;
	v2 =	vadd.f32 v46, v46;
	(erf) = vrcp.f32 v18  }
0x2fb: {  	v0 =	vadd.f32 $1.000000000e+00, v0;
	v47 =	vpop (erf)  }
0x2fc: {  	v1 =	vmul.f32 v1, v20;
	v48 =	vpop (erf);
	v18 =	vadd.f32 $1.000000000e+00, v47;
	v2 =	vadd.f32 $-1.000000000e+00, v2  }
0x2fd: {  	v49 =	vpop (erf);
	v4 =	vmul.f32 v48, v4;
	(erf) = vrcp.f32 v0  }
0x2fe: {  	(erf) = vrcp.f32 v18;
	v0 =	vmul.f32 v2, v49  }
0x2ff: {  	v2 =	vmul.f32 $-2.000000000e+00, v3;
	v3 =	vpop (erf)  }
0x300: {  	v50 =	vpop (erf);
	v0 =	vadd.f32 v0, v4  }
0x301: {  	[tilespmem:s23+$0x10E00] =	vst v1;
	v2 =	vmul.f32 $1.442695020e+00, v2;
	v1 =	vpop (erf)  }
0x302: {  	[tilespmem:s20+$0xFE00] =	vst v0;
	v4 =	vpop (erf)  }
0x303: {  	(erf) = vpow2.f32 v2;
	v2 =	vld [tilespmem:s21+$0xFE00];
	v51 =	vpop (erf)  }
0x304: {  	v20 =	vadd.f32 v51, v51;
	_ =	sdelay $0x1  }
0x305: {  	v52 =	vpop (erf);
	v20 =	vadd.f32 $-1.000000000e+00, v20  }
0x306: {  	v56 =	vpop (erf)  }
0x307: {  	v3 =	vadd.f32 $1.000000000e+00, v3;
	v2 =	vmul.f32 v52, v2;
	v20 =	vmul.f32 v20, v56;
	_ =	sdelay $0x1  }
0x308: {  	v0 =	vmul.f32 $-2.000000000e+00, v0;
	v2 =	vadd.f32 v20, v2  }
0x309: {  	v18 =	vadd.f32 $1.000000000e+00, v50;
	(erf) = vrcp.f32 v3  }
0x30a: {  	v0 =	vmul.f32 $1.442695020e+00, v0;
	v3 =	vpop (erf);
	v20 =	vmul.f32 $-2.000000000e+00, v2  }
0x30b: {  	(erf) = vrcp.f32 v18;
	v3 =	vadd.f32 $1.000000000e+00, v3  }
0x30c: {  	(erf) = vpow2.f32 v0;
	v0 =	vmul.f32 $1.442695020e+00, v20  }
0x30d: {  	(erf) = vrcp.f32 v3  }
0x30e: {  	(erf) = vpow2.f32 v0;
	_ =	sdelay $0x4  }
0x30f: {  	v0 =	vpop (erf)  }
0x310: {  	v3 =	vpop (erf)  }
0x311: {  	v57 =	vpop (erf)  }
0x312: {  	v58 =	vpop (erf)  }
0x313: {  	v18 =	vadd.f32 $1.000000000e+00, v57;
	v59 =	vpop (erf)  }
0x314: {  	v21 =	vadd.f32 $1.000000000e+00, v59  }
0x315: {  	(erf) = vrcp.f32 v18  }
0x316: {  	(erf) = vrcp.f32 v21;
	_ =	sdelay $0x4  }
0x317: {  	v1 =	vadd.f32 v1, v1;
	_ =	sdelay $0x1  }
0x318: {  	v1 =	vadd.f32 $-1.000000000e+00, v1;
	v0 =	vadd.f32 v0, v0  }
0x319: {  	v60 =	vadd.f32 v58, v58;
	v61 =	vpop (erf)  }
0x31a: {  	v1 =	vmul.f32 v1, v19;
	v0 =	vadd.f32 $-1.000000000e+00, v0;
	v62 =	vadd.f32 v61, v61;
	v63 =	vpop (erf)  }
0x31b: {  	v18 =	vadd.f32 $-1.000000000e+00, v60;
	v20 =	vadd.f32 v63, v63  }
0x31c: {  	[tilespmem:s25+$0x10E00] =	vst v1;
	v0 =	vmul.f32 v0, v35;
	v1 =	vadd.f32 $-1.000000000e+00, v62  }
0x31d: {  	[tilespmem:s21+$0xFE00] =	vst v2;
	v2 =	vmul.f32 v18, v5;
	v5 =	vadd.f32 $-1.000000000e+00, v20  }
0x31e: {  	[tilespmem:s1+$0x10E00] =	vst v0;
	v0 =	vmul.f32 v1, v4  }
0x31f: {  	[tilespmem:s16+$0x10E00] =	vst v2;
	v1 =	vmul.f32 v5, v3  }
0x320: {  	[tilespmem:s20+$0x10E00] =	vst v0  }
0x321: {  	s18 =	rddreg [dreg:$0x6];
	s20 =	simm.s32 $0x10E00;
	[tilespmem:s21+$0x10E00] =	vst v1  }
0x322: {  	[spmem:s18] =	stream.linear.scatter [tilespmem:s20], [sflag:$0x4], $0x1000, $0x38;
	[tilespmem:$0x16E00] =	vst v63  }
0x323: {  	s18 =	simm.s32 $0x4  }
0x324: {  	s21 =	rddreg [dreg:$0x14];
	_ =	swait.ge [sflag:s18], $0x1000  }
0x325: {  	s23 =	sshll.u32 s21, $0x10;
	s24 =	rddreg [dreg:$0x10];
	[sflag:s18] =	ssyncset.done $0x0  }
0x326: {  	s1 =	sadd.s32 s24, s23;
	[sflag:s18] =	ssyncadd.s32 $0xFFFFF000  }
0x327: {  	s16 =	sadd.s32 $0x1, s21;
	s1 =	sshrl.u32 s1, $0x3;
	s25 =	rddreg [dreg:$0x1]  }
0x328: {  	p0 =	sne.s32 s16, $0x10;
	s1 =	sadd.s32 s25, s1  }
0x329: {  	[hbm4b:s1+s4] =	stream.linear.scatter [tilespmem:s20], [sflag:$0x4], $0x1000, $0x38;
	[tilespmem:$0x16E00] =	vst v63  }
.Ltmp8:
0x32a: {  	_ =	swait.ge [sflag:s18], $0x1000;
	(pc) =	sbr.rel @p0 .LBB2_4-.Ltmp8, $4  }
0x32b: {  	[sflag:s18] =	ssyncset.done $0x0  }
0x32c: {  	s28 =	simm.s32 $0x1C00;
	[sflag:s18] =	ssyncadd.s32 $0xFFFFF000  }
0x32d: {  	s13 =	simm.s32 $0x10E00;
	s21 =	simm.s32 $0x1800;
	[bflag:$0x0] =	sbarrier.arrive $0xFFFF  }
0x32e: {  	v3 =	vimm.s32 $0xB;
	s23 =	simm.s32 $0x1A00;
	s24 =	simm.s32 $0x600;
	s20 =	simm.s32 $0x400  }
0x32f: {  	s6 =	rddreg [dreg:$0x13]  }
0x330: {  	s1 =	rddreg [dreg:$0x11];
	s6 =	sadd.s32 $0x1, s6  }
0x331: {  	p0 =	sne.s32 s6, s1  }
.Ltmp9:
0x332: {  	_ = 	snop;
	(pc) =	sbr.rel @p0 .LBB2_1-.Ltmp9, $2  }
0x333: {  	_ =	sdelay $0x2  }
0x334: {  	v0 =	vimm.f32 $0.0e+00  }
0x335: {  	_ =	sfence.sel $0x180000  }
0x336: {  	[bflag:$0x0] =	sbarrier.arrive $0xFFFF  }
0x337: {  	_ =	strace $0x9000004A  }
0x338: {  	s0 =	stileid.u32;
	[bflag:$0x2] =	sbarrier.arrive $0xFFFF  }
0x339: {  	p0 =	sne.s32 s0, $0x0;
	s0 =	rddreg [dreg:$0x4]  }
0x33a: {  	s0 =	sadd.s32 @!p0 $0x100000, s0  }
0x33b: {  	[sflag:s0] =	ssyncadd.tile.s32 @!p0 $0x1;
	_ =	shalt  }
.Lfunc_end2:
_tile_overlayer_lowered:
.L_overlay_start_2:
0x33c: {  	(tag) =	ssettag $0x2  }
0x33d: {  	s0 =	rddreg [dreg:$0x0];
	s2 =	stileid.u32  }
0x33e: {  	s1 =	rddreg [dreg:$0x1];
	p0 =	sne.s32 s2, $0x0  }
0x33f: {  	s3 =	rddreg [dreg:$0x2];
	[bflag:$0x3] =	sbarrier.arrive $0xFFFF;
	s2 =	simm.s32 @!p0 $0x1C04  }
0x340: {  	[timem:s3], [sflag:s2] =	dma.local @!p0 [hbm:s0], s1  }
0x341: {  	s0 =	simm.s32 @!p0 $0x4  }
0x342: {  	_ =	swait.ge @!p0 [sflag:s0], s1  }
0x343: {  	s1 =	ssub.s32 @!p0 $0x0, s1;
	[sflag:s0] =	ssyncset.done @!p0 $0x0  }
0x344: {  	[sflag:s0] =	ssyncadd.s32 @!p0 s1  }
0x345: {  	[bflag:$0x3] =	sbarrier.arrive $0xFFFF  }
0x346: {  	_ =	shalt  }

// kernel: sparse-core-data-format-call.cloned.1.call-start
scs
called_computation_lowered:
.L_overlay_start_0:
0x0: {  	s1 =	sld [smem:$0x3FD9]  }
0x1: {  	s2 =	sld [smem:$0x3FFE];
	_ =	sdelay $0x1  }
0x2: {  	s3 =	srdreg.scid  }
0x3: {  	s0 =	sand.u32 $0x1, s3  }
0x4: {  	s17 =	sshll.u32 s0, $0xA;
	s1 =	sadd.s32 s2, s1  }
0x5: {  	s1 =	sadd.s32 s1, s17  }
0x6: {  	[smem:$0x3FC2] =	sst s1  }
0x7: {  	_ = 	snop  }
0x8: {  	(tm) =	ssettm $0x1  }
0x9: {  	s18 =	sld [smem:$0x3FFB];
	_ =	sdelay $0x3  }
0xa: {  	_ =	strace s18  }
0xb: {  	s1 =	sld [smem:$0x3FFC];
	_ =	sdelay $0x3  }
0xc: {  	_ =	strace s1  }
0xd: {  	s1 =	sld [smem:$0x3FFD];
	_ =	sdelay $0x3  }
0xe: {  	_ =	strace s1  }
0xf: {  	_ =	strace $0x8FFFFFFF  }
0x10: {  	s19 =	sld [smem:$0x3FDB];
	_ =	sdelay $0x1  }
0x11: {  	s20 =	simm.s32 $_scs_section_size  }
0x12: {  	s4 =	simm.s32 $_size__tile_overlayer_lowered;
	s5 =	simm.s32 $_tile_overlayer_lowered  }
0x13: {  	s23 =	simm.s32 $0x1BFF;
	s22 =	sshll.u32 s5, $0x1;
	s1 =	sadd.s32 s20, s19  }
0x14: {  	s6 =	simm.s32 $0x0;
	s21 =	sshll.u32 s4, $0x1;
	s4 =	sadd.s32 s22, s1  }
0x15: {  	[timem:s6], [sflag:s23] =	dma.local [hbm:s4], s21  }
0x16: {  	_ =	swait.ge [sflag:s23], s21  }
0x17: {  	s2 =	ssub.s32 $0x0, s21;
	[sflag:s23] =	ssyncset.done $0x0  }
0x18: {  	[sflag:s23] =	ssyncadd.s32 s2;
	_ =	sdelay $0x1  }
0x19: {  	s24 =	simm.s32 $0x1B8B  }
0x1a: {  	_ =	swait.ge [sflag:s24], $0x1  }
0x1b: {  	[sflag:s24] =	ssyncset.done $0x0  }
0x1c: {  	s26 =	simm.s32 $0x1B8E;
	s25 =	sld [smem:$0x3FFE];
	[sflag:s24] =	ssyncadd.s32 $0xFFFFFFFF  }
0x1d: {  	s27 =	simm.s32 $execute0_lowered;
	[smem:$0x3FD2] =	sst s26  }
0x1e: {  	s4 =	sshll.u32 s27, $0x1;
	_ =	strace $0x80000046;
	[dreg:$0x1] =	wrdreg $0xFFFFFFFF  }
0x1f: {  	s28 =	simm.s32 $_size_execute0_lowered;
	s1 =	sadd.s32 s1, s4;
	[dreg:$0x0] =	wrdreg $0x0  }
0x20: {  	s4 =	sshll.u32 s28, $0x1;
	[dreg:$0x2] =	wrdreg s1  }
0x21: {  	[dreg:$0x3] =	wrdreg s4  }
0x22: {  	[dreg:$0x4] =	wrdreg $0xC0  }
0x23: {  	_ =	task [dreg:s6], $0x5FFFF  }
0x24: {  	[dreg:$0x1] =	wrdreg $0xFFFFFFFF  }
0x25: {  	[dreg:$0x0] =	wrdreg $0x60  }
0x26: {  	[dreg:$0x2] =	wrdreg s25  }
0x27: {  	[dreg:$0x3] =	wrdreg $0x9  }
0x28: {  	_ =	task.clear_ibuf [dreg:s6], $0x4FFFF;
	_ =	strace $0x90000046  }
0x29: {  	s29 =	simm.s32 $0x9;
	_ =	strace $0x80000048  }
0x2a: {  	_ =	swait.ge [sflag:s29], $0x1  }
0x2b: {  	[sflag:s29] =	ssyncadd.s32 $0xFFFFFFFF  }
0x2c: {  	_ =	strace $0x90000048  }
0x2d: {  	_ =	sfence  }
0x2e: {  	s30 =	sld [smem:$0x0];
	_ =	sdelay $0x2  }
0x2f: {  	s31 =	sshll.u32 s3, $0xD;
	s3 =	sshrl.u32 s3, $0x2  }
0x30: {  	s2 =	sand.u32 $0x4000, s31;
	s1 =	sadd.s32 s3, s30  }
0x31: {  	s0 =	sor.u32 s2, s0;
	s1 =	sshll.u32 s1, $0x11  }
0x32: {  	s0 =	sor.u32 s1, s0  }
0x33: {  	s0 =	sadd.s32 $0x8F2B, s0  }
0x34: {  	[sflag:s0] =	ssyncadd.remote.s32 $0x1  }
0x35: {  	_ =	sfence.sel $0xFFFF  }
0x36: {  	[dreg:$0x0] =	wrdreg $0xFFFFFFFF;
	(pc) =	sbr.abs _section_cstart, $3  }
0x37: {  	[dreg:$0x1] =	wrdreg $0xFFFFFFFF  }
0x38: {  	_ =	task.clear_ibuf [dreg:s6], $0x2FFFF;
	_ =	strace $0x9FFFFFFF  }
0x39: {  	(tm) =	ssettm $0x7FFFFFFF  }
tec
execute0_lowered:
.L_overlay_start_1:
0x0: {  	(tag) =	ssettag $0x1  }
0x1: {  	s0 =	rddreg [dreg:$0x0]  }
0x2: {  	_ =	strace $0x80000047;
	s5 =	stileid.u32;
	s24 =	srdreg.scid  }
0x3: {  	s25 =	simm.s32 $0x2;
	s17 =	simm.s32 $0x80;
	s23 =	simm.s32 $0x0  }
0x4: {  	s20 =	simm.s32 $0x0;
	s22 =	simm.s32 $0x0;
	s2 =	sadd.s32 $0x1400, s0  }
0x5: {  	s1 =	sadd.s32 $0x101400, s0;
	s4 =	sand.u32 $0x1, s5;
	s3 =	sshll.u32 s5, $0x5  }
0x6: {  	s6 =	sshll.u32 s5, $0x2;
	s29 =	sadd.s32 $0x141400, s0;
	s31 =	sadd.s32 $0x181400, s0  }
0x7: {  	s5 =	simm.s32 $0x1;
	s12 =	sadd.s32 $0x201400, s0;
	s13 =	sadd.s32 $0x241400, s0  }
0x8: {  	s14 =	sadd.s32 $0x281400, s0;
	s15 =	sadd.s32 $0x2C1400, s0;
	[dreg:$0x2] =	wrdreg s1  }
0x9: {  	s1 =	sshll.u32 s24, $0x9;
	s6 =	sand.u32 $0x8, s6;
	[dreg:$0x3] =	wrdreg s29  }
0xa: {  	[sflag:s5] =	ssyncpa.u1 $0x0;
	s26 =	ssub.s32 $0x2, s4;
	[dreg:$0x4] =	wrdreg s31  }
0xb: {  	s1 =	sor.u32 s3, s1;
	s8 =	ssub.s32 $0x10, s6;
	s9 =	sshrl.u32 s26, $0x1  }
0xc: {  	s3 =	sand.u32 $0x1, s26;
	s7 =	sand.u32 $0x380, s1;
	s10 =	sshrl.u32 s8, $0x3  }
0xd: {  	s8 =	sshrl.u32 s8, $0x4;
	s10 =	sand.u32 $0x1, s10;
	s11 =	ssub.s32 $0x4000, s7  }
0xe: {  	s3 =	sadd.s32 s3, s9;
	s8 =	sadd.s32 s8, s10;
	s27 =	sand.u32 $0x380, s11  }
0xf: {  	s9 =	simm.s32 $0x1;
	p0 =	sne.s32 s27, $0x0;
	s3 =	smul.u32 s3, s8  }
.Ltmp0:
0x10: {  	s28 =	sshrl.u32 s11, $0xA;
	s9 =	simm.s32 @!p0 $0x0;
	(pc) =	sbr.rel .LBB1_1-.Ltmp0, $4  }
0x11: {  	s24 =	simm.s32 $0x0;
	s21 =	smov.u32 s4;
	s30 =	sadd.s32 s9, s28  }
0x12: {  	[sflag:s25] =	ssyncpa.u1 $0x0;
	s25 =	simm.s32 $0x0;
	s11 =	smul.u32 s30, s3  }
0x13: {  	s26 =	simm.s32 $0x0;
	s19 =	smov.u32 s6;
	s18 =	smov.u32 s7  }
0x14: {  	s10 =	sadd.s32 $0x1C1400, s0;
	p0 =	por $0x0, $0x0;
	s16 =	sadd.s32 $0x1, s11  }
.LBB1_7:
0x15: {  	s0 =	sadd.s32 $0x400, s18  }
0x16: {  	s1 =	sadd.s32 $0x10, s19;
	s3 =	smov.u32 s19;
	p2 =	sgt.s32 s0, $0x3FFF  }
0x17: {  	s3 =	smov.u32 @p2 s1  }
0x18: {  	s8 =	smov.u32 s20;
	s1 =	sadd.s32 $0x10, s20;
	p3 =	sgt.s32 s3, $0xF  }
0x19: {  	s8 =	smov.u32 @p3 s1  }
0x1a: {  	s9 =	smov.u32 s21;
	s1 =	sadd.s32 $0x2, s21;
	p4 =	sgt.s32 s8, $0xF  }
0x1b: {  	p1 =	slt.u32 s22, $0x2;
	s9 =	smov.u32 @p4 s1  }
0x1c: {  	s25 =	smov.u32 s18;
	s0 =	smov.u32 @p2 s7;
	p2 =	sgt.s32 s9, $0x1  }
0x1d: {  	s24 =	smov.u32 s19;
	s9 =	smov.u32 @p2 s4;
	p2 =	sne.s32 s22, s16  }
.Ltmp1:
0x1e: {  	s23 =	smov.u32 s20;
	s26 =	smov.u32 s21;
	(pc) =	sbr.rel @!p2 .LBB1_8-.Ltmp1, $4  }
0x1f: {  	p0 =	por !p0, !p0;
	s18 =	smov.u32 s0;
	s1 =	simm.s32 @!p1 $0x2  }
0x20: {  	s3 =	smov.u32 @p3 s6;
	s8 =	simm.s32 @p4 $0x0;
	_ =	swait.ge @!p1 [sflag:s1], $0x4000  }
0x21: {  	s19 =	smov.u32 s3;
	s20 =	smov.u32 s8;
	[sflag:s1] =	ssyncset.done @!p1 $0x0  }
0x22: {  	s22 =	sadd.s32 $0x1, s22;
	[sflag:s1] =	ssyncadd.s32 @!p1 $0xFFFFC000;
	s21 =	smov.u32 s9  }
.LBB1_1:
0x23: {  	p1 =	sge.u32 s22, s11  }
0x24: {  	s31 =	sadd.s32 $0xFFFFFFFF, s22;
	s0 =	sxor.u32 @!p1 $0xFFFFFFFF, s22;
	s1 =	sand.u32 @!p1 $0x78, s18  }
0x25: {  	s3 =	sshll.u32 @!p1 s19, $0x7;
	s8 =	sshll.u32 @!p1 s19, $0xE;
	s27 =	sshll.u32 @!p1 s18, $0x3  }
0x26: {  	s0 =	sshll.u32 @!p1 s0, $0xE;
	s3 =	sand.u32 @!p1 $0x380, s3;
	s8 =	sand.u32 @!p1 $0x20000, s8  }
0x27: {  	s0 =	sand.u32 @!p1 $0x4000, s0;
	s1 =	sor.u32 @!p1 s3, s1;
	s3 =	sand.u32 @!p1 $0x3C00, s27  }
0x28: {  	s8 =	sadd.s32 @!p1 s8, s27;
	s1 =	sor.u32 @!p1 s3, s1;
	s3 =	sshll.u32 @!p1 s21, $0x13  }
0x29: {  	s27 =	sshll.u32 @!p1 s20, $0xF;
	s8 =	sshrl.u32 @!p1 s8, $0x3;
	s3 =	sadd.s32 @!p1 s2, s3  }
0x2a: {  	s8 =	sand.u32 @!p1 $0x7800, s8;
	s3 =	sadd.s32 @!p1 s27, s3;
	s27 =	sand.u32 @!p1 $0x7, s18  }
0x2b: {  	s1 =	sshrl.u32 @!p1 s1, $0x3;
	s3 =	sadd.s32 @!p1 s8, s3;
	s8 =	sshll.u32 @!p1 s27, $0x12  }
0x2c: {  	s1 =	sadd.s32 @!p1 s1, s3;
	s3 =	sor.u32 @!p1 $0x400, s8;
	s8 =	simm.s32 @!p1 $0x40000  }
0x2d: {  	[tilespmem:s0], [sflag:$0x1] =	stream.strided.gather @!p1 [hbm4b:s1+s3], $0x4000, s8, s3, $0x38;
	[tilespmem:$0x10800] =	vst v63  }
0x2e: {  	p1 =	sge.u32 s31, s11  }
.Ltmp2:
0x2f: {  	_ = 	snop;
	(pc) =	sbr.rel @p1 .LBB1_7-.Ltmp2, $1  }
0x30: {  	_ =	sdelay $0x3  }
0x31: {  	s0 =	simm.s32 $0x1;
	s3 =	sand.u32 $0x1, s22  }
0x32: {  	s0 =	simm.s32 @!p0 $0x0;
	s3 =	smul.u32 $0x11000, s3  }
0x33: {  	_ =	swait.ge [sflag:s5], $0x4000;
	s1 =	smul.u32 $0x11000, s0  }
0x34: {  	s31 =	simm.s32 $0x0;
	[sflag:s5] =	ssyncset.done $0x0;
	s0 =	sshll.u32 s0, $0xE  }
0x35: {  	[sflag:s5] =	ssyncadd.s32 $0xFFFFC000;
	s27 =	sshrl.u32 s3, $0x2;
	s1 =	sshrl.u32 s1, $0x2  }
0x36: {  	s30 =	sor.u32 $0x40, s0;
	s28 =	sor.u32 $0x8000, s27;
	s29 =	sor.u32 $0x8000, s1  }
.LBB1_3:
0x37: {  	v0 =	vld [tilespmem:s30+$0x30]  }
0x38: {  	v1 =	vld [tilespmem:s30+$0xFFFFFFD0]  }
0x39: {  	v5 =	vld [tilespmem:s30+$0xFFFFFFE0]  }
0x3a: {  	v6 =	vld [tilespmem:s30+$0xFFFFFFF0]  }
0x3b: {  	s0 =	sadd.s32 $0x0, s29;
	v2 =	vld [tilespmem:s30+$0x0]  }
0x3c: {  	v3 =	vld [tilespmem:s30+$0x10];
	[tilespmem:s0+$0x770 ss:$0x11] =	vst.msk $0xffff, v0  }
0x3d: {  	v4 =	vld [tilespmem:s30+$0x20];
	[tilespmem:s0+$0x110 ss:$0x11] =	vst.msk $0xffff, v1  }
0x3e: {  	s1 =	sadd.s32 $0x80, s30;
	v0 =	vld [tilespmem:s30+$0xFFFFFFC0];
	[tilespmem:s0+$0x220 ss:$0x11] =	vst.msk $0xffff, v5  }
0x3f: {  	s3 =	simm.s32 $0x2200;
	s8 =	simm.s32 $0x4400;
	v1 =	vld [tilespmem:s1+$0x30];
	[tilespmem:s0+$0x330 ss:$0x11] =	vst.msk $0xffff, v6  }
.LBB1_4:
0x40: {  	p1 =	sne.s32 s8, $0xEE00;
	v5 =	vld [tilespmem:s1+$0xFFFFFFD0];
	[tilespmem:s0+$0x440 ss:$0x11] =	vst.msk $0xffff, v2  }
0x41: {  	v6 =	vld [tilespmem:s1+$0xFFFFFFE0];
	[tilespmem:s0+$0x550 ss:$0x11] =	vst.msk $0xffff, v3  }
0x42: {  	s9 =	sshra.s32 s3, $0x2;
	s3 =	smov.u32 s8;
	v7 =	vld [tilespmem:s1+$0xFFFFFFF0];
	[tilespmem:s0+$0x660 ss:$0x11] =	vst.msk $0xffff, v4  }
.Ltmp3:
0x43: {  	v2 =	vld [tilespmem:s1+$0x0];
	[tilespmem:s0+$0x0 ss:$0x11] =	vst.msk $0xffff, v0;
	s0 =	sadd.s32 s9, s29;
	(pc) =	sbr.rel @p1 .LBB1_4-.Ltmp3, $4  }
0x44: {  	v3 =	vld [tilespmem:s1+$0x10];
	[tilespmem:s0+$0x770 ss:$0x11] =	vst.msk $0xffff, v1  }
0x45: {  	[tilespmem:s0+$0x110 ss:$0x11] =	vst.msk $0xffff, v5;
	v4 =	vld [tilespmem:s1+$0x20]  }
0x46: {  	v0 =	vld [tilespmem:s1+$0xFFFFFFC0];
	[tilespmem:s0+$0x220 ss:$0x11] =	vst.msk $0xffff, v6;
	s1 =	sadd.s32 $0x80, s1  }
0x47: {  	s8 =	sadd.s32 $0x2200, s8;
	v1 =	vld [tilespmem:s1+$0x30];
	[tilespmem:s0+$0x330 ss:$0x11] =	vst.msk $0xffff, v7  }
0x48: {  	v5 =	vld [tilespmem:s1+$0xFFFFFFD0];
	[tilespmem:s0+$0x440 ss:$0x11] =	vst.msk $0xffff, v2  }
0x49: {  	v58 =	vld [tilespmem:s1+$0xFFFFFFE0];
	[tilespmem:s0+$0x550 ss:$0x11] =	vst.msk $0xffff, v3  }
0x4a: {  	s3 =	sshra.s32 s3, $0x2;
	v59 =	vld [tilespmem:s1+$0xFFFFFFF0];
	[tilespmem:s0+$0x660 ss:$0x11] =	vst.msk $0xffff, v4  }
0x4b: {  	v60 =	vld [tilespmem:s1+$0x0];
	s3 =	sadd.s32 s3, s29;
	[tilespmem:s0+$0x0 ss:$0x11] =	vst.msk $0xffff, v0  }
0x4c: {  	v61 =	vld [tilespmem:s1+$0x10];
	[tilespmem:s3+$0x770 ss:$0x11] =	vst.msk $0xffff, v1  }
0x4d: {  	v62 =	vld [tilespmem:s1+$0x20];
	s31 =	sadd.s32 $0x1, s31;
	[tilespmem:s3+$0x110 ss:$0x11] =	vst.msk $0xffff, v5  }
0x4e: {  	v63 =	vld [tilespmem:s1+$0xFFFFFFC0];
	p1 =	sne.s32 s31, $0x10;
	[tilespmem:s3+$0x220 ss:$0x11] =	vst.msk $0xffff, v58  }
.Ltmp4:
0x4f: {  	[tilespmem:s3+$0x330 ss:$0x11] =	vst.msk $0xffff, v59;
	(pc) =	sbr.rel @p1 .LBB1_3-.Ltmp4, $4  }
0x50: {  	[tilespmem:s3+$0x440 ss:$0x11] =	vst.msk $0xffff, v60  }
0x51: {  	[tilespmem:s3+$0x550 ss:$0x11] =	vst.msk $0xffff, v61  }
0x52: {  	[tilespmem:s3+$0x660 ss:$0x11] =	vst.msk $0xffff, v62  }
0x53: {  	s30 =	sadd.s32 $0x400, s30;
	s29 =	sadd.s32 $0x1, s29;
	[tilespmem:s3+$0x0 ss:$0x11] =	vst.msk $0xffff, v63  }
0x54: {  	s0 =	sshll.u32 s25, $0x7;
	s1 =	sshll.u32 s23, $0x3  }
0x55: {  	s3 =	sand.u32 $0x1FFC00, s0;
	s1 =	sand.u32 $0x1FFC00, s1  }
0x56: {  	s8 =	sshrl.u32 s23, $0x3;
	s0 =	sand.u32 $0x380, s0;
	s1 =	sadd.s32 s1, s3  }
0x57: {  	s3 =	sshll.u32 s24, $0x12;
	s0 =	sor.u32 s0, s1;
	s1 =	sshll.u32 s26, $0x16  }
0x58: {  	s31 =	rddreg [dreg:$0x2];
	s8 =	sand.u32 $0xF, s8;
	s9 =	sadd.s32 s1, s3  }
0x59: {  	s24 =	sand.u32 $0x7, s23;
	s0 =	sshrl.u32 s0, $0x3;
	s9 =	sadd.s32 s31, s9  }
0x5a: {  	s23 =	sshll.u32 s24, $0x12;
	s0 =	sand.u32 $0x3FFF0, s0;
	s9 =	sadd.s32 s8, s9  }
0x5b: {  	s25 =	rddreg [dreg:$0x3];
	s23 =	sor.u32 $0x10, s23;
	s9 =	sadd.s32 s0, s9  }
0x5c: {  	[hbm4b:s9+s23] =	stream.strided.scatter [tilespmem:s28], [sflag:$0x2], $0x800, s17, s23, $0x8;
	[tilespmem:$0x10800] =	vst v63  }
0x5d: {  	s9 =	sadd.s32 s1, s25  }
0x5e: {  	s9 =	sadd.s32 s3, s9  }
0x5f: {  	s9 =	sadd.s32 s8, s9  }
0x60: {  	s26 =	sadd.s32 $0x8880, s27;
	s28 =	rddreg [dreg:$0x4];
	s9 =	sadd.s32 s0, s9  }
0x61: {  	[hbm4b:s9+s23] =	stream.strided.scatter [tilespmem:s26], [sflag:$0x2], $0x800, s17, s23, $0x8;
	[tilespmem:$0x10800] =	vst v63  }
0x62: {  	s9 =	sadd.s32 s1, s28  }
0x63: {  	s9 =	sadd.s32 s3, s9  }
0x64: {  	s9 =	sadd.s32 s8, s9  }
0x65: {  	s29 =	sadd.s32 $0x9100, s27;
	s30 =	sadd.s32 s1, s10;
	s9 =	sadd.s32 s0, s9  }
0x66: {  	[hbm4b:s9+s23] =	stream.strided.scatter [tilespmem:s29], [sflag:$0x2], $0x800, s17, s23, $0x8;
	[tilespmem:$0x10800] =	vst v63  }
0x67: {  	s9 =	sadd.s32 s3, s30  }
0x68: {  	s9 =	sadd.s32 s8, s9  }
0x69: {  	s24 =	sadd.s32 s1, s12;
	s31 =	sadd.s32 $0x9980, s27;
	s9 =	sadd.s32 s0, s9  }
0x6a: {  	[hbm4b:s9+s23] =	stream.strided.scatter [tilespmem:s31], [sflag:$0x2], $0x800, s17, s23, $0x8;
	[tilespmem:$0x10800] =	vst v63  }
0x6b: {  	s9 =	sadd.s32 s3, s24  }
0x6c: {  	s9 =	sadd.s32 s8, s9  }
0x6d: {  	s25 =	sadd.s32 $0xA200, s27;
	s26 =	sadd.s32 s1, s13;
	s9 =	sadd.s32 s0, s9  }
0x6e: {  	[hbm4b:s9+s23] =	stream.strided.scatter [tilespmem:s25], [sflag:$0x2], $0x800, s17, s23, $0x8;
	[tilespmem:$0x10800] =	vst v63  }
0x6f: {  	s9 =	sadd.s32 s3, s26  }
0x70: {  	s9 =	sadd.s32 s8, s9  }
0x71: {  	s28 =	sadd.s32 $0xAA80, s27;
	s29 =	sadd.s32 s1, s14;
	s9 =	sadd.s32 s0, s9  }
0x72: {  	[hbm4b:s9+s23] =	stream.strided.scatter [tilespmem:s28], [sflag:$0x2], $0x800, s17, s23, $0x8;
	[tilespmem:$0x10800] =	vst v63  }
0x73: {  	s1 =	sadd.s32 s1, s15;
	s9 =	sadd.s32 s3, s29  }
.Ltmp5:
0x74: {  	s1 =	sadd.s32 s3, s1;
	s9 =	sadd.s32 s8, s9;
	(pc) =	sbr.rel .LBB1_7-.Ltmp5, $4  }
0x75: {  	s30 =	sadd.s32 $0xB300, s27;
	s1 =	sadd.s32 s8, s1;
	s9 =	sadd.s32 s0, s9  }
0x76: {  	[hbm4b:s9+s23] =	stream.strided.scatter [tilespmem:s30], [sflag:$0x2], $0x800, s17, s23, $0x8;
	[tilespmem:$0x10800] =	vst v63  }
0x77: {  	s31 =	sadd.s32 $0xBB80, s27;
	s0 =	sadd.s32 s0, s1  }
0x78: {  	[hbm4b:s0+s23] =	stream.strided.scatter [tilespmem:s31], [sflag:$0x2], $0x800, s17, s23, $0x8;
	[tilespmem:$0x10800] =	vst v63  }
.LBB1_8:
0x79: {  	_ =	sfence.sel $0x180000  }
0x7a: {  	s0 =	simm.s32 $0x1;
	[bflag:$0x0] =	sbarrier.arrive $0xFFFF  }
0x7b: {  	s30 =	simm.s32 $0x2;
	[sflag:s0] =	ssyncpa.u1 $0x1  }
0x7c: {  	[sflag:s30] =	ssyncpa.u1 $0x1  }
0x7d: {  	_ =	strace $0x90000047  }
0x7e: {  	s31 =	stileid.u32;
	[bflag:$0x2] =	sbarrier.arrive $0xFFFF  }
0x7f: {  	p0 =	sne.s32 s31, $0x0;
	s0 =	rddreg [dreg:$0x1]  }
0x80: {  	s0 =	sadd.s32 @!p0 $0x100000, s0  }
0x81: {  	[sflag:s0] =	ssyncadd.tile.s32 @!p0 $0x1;
	_ =	shalt  }
.Lfunc_end1:
_tile_overlayer_lowered:
.L_overlay_start_2:
0x82: {  	(tag) =	ssettag $0x2  }
0x83: {  	s0 =	rddreg [dreg:$0x0];
	s2 =	stileid.u32  }
0x84: {  	s1 =	rddreg [dreg:$0x1];
	p0 =	sne.s32 s2, $0x0  }
0x85: {  	s3 =	rddreg [dreg:$0x2];
	[bflag:$0x3] =	sbarrier.arrive $0xFFFF;
	s2 =	simm.s32 @!p0 $0x1C01  }
0x86: {  	[timem:s3], [sflag:s2] =	dma.local @!p0 [hbm:s0], s1  }
0x87: {  	s0 =	simm.s32 @!p0 $0x1  }
0x88: {  	_ =	swait.ge @!p0 [sflag:s0], s1  }
0x89: {  	s1 =	ssub.s32 @!p0 $0x0, s1;
	[sflag:s0] =	ssyncset.done @!p0 $0x0  }
0x8a: {  	[sflag:s0] =	ssyncadd.s32 @!p0 s1  }
0x8b: {  	[bflag:$0x3] =	sbarrier.arrive $0xFFFF  }
0x8c: {  	_ =	shalt  }

</sc_bundles>
